<compile_context>
chip_gen: v7x
topology: tpu7x:2x2x1
jax: 0.10.2.dev20260603
libtpu: 0.0.44.dev20260713+nightly
codegen_flags: <defaults>
</compile_context>

<pallas_src>
import functools

import jax
import jax.numpy as jnp
from jax import lax
from jax.experimental import pallas as pl
from jax.experimental.pallas import tpu as pltpu
from jax.experimental.pallas import tpu_sc as plsc

BATCH = 4096
HIST_LEN = 200
EMB = 32

_NC = 2
_NS = 16
_NW = _NC * _NS

_BPW = BATCH // _NW
_K = 4
_BLK_ROWS = _K * _BPW
_NBLK = HIST_LEN // _K
_NPAIR = _NBLK // 2
_TB = EMB * _BPW


def _gather_kernel(idx_hbm, table_hbm, out_hbm,
                   idx_v, rows_a, rows_b, tbuf_a, tbuf_b,
                   gsem_a, gsem_b, osem_a, osem_b):
    wid = lax.axis_index("s") * _NC + lax.axis_index("c")
    col = wid * _BPW
    pltpu.sync_copy(idx_hbm.at[:, pl.ds(col, _BPW)], idx_v)

    lanes = jnp.arange(16, dtype=jnp.int32)

    def fire(rows, gsem, blk):
        for k in range(_K):
            pltpu.async_copy(
                table_hbm.at[idx_v.at[blk * _K + k]],
                rows.at[pl.ds(k * _BPW, _BPW)],
                gsem,
            )

    def drain(rows, gsem):
        pltpu.make_async_copy(table_hbm.at[pl.ds(0, _BLK_ROWS)], rows, gsem
                              ).wait()

    def transpose(rows, tbuf):
        @plsc.parallel_loop(0, _BLK_ROWS // 16, unroll=2)
        def tstep(g):
            r0 = g * 16
            k = g // 8
            off = (g % 8) * 16
            row_idx = lanes + r0
            voff = lanes + (k * _TB + off)
            for e in range(EMB):
                col_idx = (lanes + e) & (EMB - 1)
                v = plsc.load_gather(rows, [row_idx, col_idx])
                plsc.store_scatter(tbuf, [(col_idx << 7) + voff], v)

    fire(rows_a, gsem_a, 0)
    fire(rows_b, gsem_b, 1)

    def fire_outs(tbuf, osem, blk):
        for k in range(_K):
            for eg in range(EMB // 8):
                pltpu.async_copy(
                    tbuf.at[pl.ds(k * _TB + eg * 1024, 1024)],
                    out_hbm.at[blk * _K + k, eg, wid],
                    osem,
                )

    def body(p, carry):
        blk_a = 2 * p
        blk_b = 2 * p + 1
        drain(rows_a, gsem_a)
        transpose(rows_a, tbuf_a)
        fire_outs(tbuf_a, osem_a, blk_a)
        fire(rows_a, gsem_a, lax.rem(blk_a + 2, _NBLK))
        drain(rows_b, gsem_b)
        transpose(rows_b, tbuf_b)
        fire_outs(tbuf_b, osem_b, blk_b)
        fire(rows_b, gsem_b, lax.rem(blk_b + 2, _NBLK))
        pltpu.make_async_copy(table_hbm.at[pl.ds(0, _BLK_ROWS)], tbuf_a,
                              osem_a).wait()
        pltpu.make_async_copy(table_hbm.at[pl.ds(0, _BLK_ROWS)], tbuf_b,
                              osem_b).wait()
        return carry

    lax.fori_loop(0, _NPAIR, body, 0)
    drain(rows_a, gsem_a)
    drain(rows_b, gsem_b)


@jax.jit
def _gather(idx_t, table):
    run = pl.kernel(
        _gather_kernel,
        out_type=jax.ShapeDtypeStruct(
            (HIST_LEN, EMB // 8, _NW, 8 * _BPW), jnp.float32),
        mesh=plsc.VectorSubcoreMesh(core_axis_name="c", subcore_axis_name="s"),
        scratch_types=[
            pltpu.VMEM((HIST_LEN, _BPW), jnp.int32),
            pltpu.VMEM((_BLK_ROWS, EMB), jnp.float32),
            pltpu.VMEM((_BLK_ROWS, EMB), jnp.float32),
            pltpu.VMEM((_K * _TB,), jnp.float32),
            pltpu.VMEM((_K * _TB,), jnp.float32),
            pltpu.SemaphoreType.DMA,
            pltpu.SemaphoreType.DMA,
            pltpu.SemaphoreType.DMA,
            pltpu.SemaphoreType.DMA,
        ],
        compiler_params=pltpu.CompilerParams(
            use_tc_tiling_on_sc=False, needs_layout_passes=False),
    )
    return run(idx_t, table)


def kernel(input, W):
    idx_t = jnp.transpose(input).astype(jnp.int32)
    out4 = _gather(idx_t, W)
    out5 = out4.reshape(HIST_LEN, EMB // 8, _NW, 8, _BPW)
    out = (jnp.transpose(out5, (2, 4, 0, 1, 3))
           .reshape(BATCH, HIST_LEN, EMB))
    return jnp.expand_dims(out, -1)

# --- scband reference (transcript-rebuilt; emitter-appended) ---
"""Pipeline reference for scband-discrimination-layer-44856638439767 (READ-ONLY COPY).

The authoritative reference and input builder live on the scoring server;
editing this copy changes nothing except your own understanding.
"""

import jax, jax.numpy as jnp
import numpy as np

VOCAB_SIZE = 1000000
EMBEDDED_SIZE = 32
BATCH = 4096
HIST_LEN = 200


def setup_inputs(seed: int = 0) -> dict:
    key = jax.random.key(seed)
    k_idx, k_w = jax.random.split(key)
    indices = jax.random.randint(k_idx, (BATCH, HIST_LEN), 0, VOCAB_SIZE, dtype=jnp.int64 if jax.config.jax_enable_x64 else jnp.int32)
    # Original module draws W ~ Uniform(-1, 1) each call; we materialize it once as a parameter.
    W = jax.random.uniform(k_w, (VOCAB_SIZE, EMBEDDED_SIZE), minval=-1.0, maxval=1.0, dtype=jnp.float32)
    return {"input": indices, "W": W}


def reference(input, W):
    # embedding_lookup -> gather along axis 0
    embedded_chars = jnp.take(W, input, axis=0)  # [B, L, E]
    embedded_chars_expanded = jnp.expand_dims(embedded_chars, -1)  # [B, L, E, 1]
    return embedded_chars_expanded

if __name__ == "__main__":
    import jax
    _d = setup_inputs()
    print(jax.jit(kernel)(*tuple(_d.values())))

</pallas_src>

<mosaic_0001>
#map = affine_map<(d0, d1) -> (0, 0)>
#map1 = affine_map<(d0, d1) -> (0, 0, 0, 0)>
module attributes {stable_mosaic.version = 14 : i64} {
  func.func @_gather_kernel(%arg0: i32, %arg1: i32, %arg2: memref<200x4096xi32, #tpu.memory_space<hbm>>, %arg3: memref<1000000x32xf32, #tpu.memory_space<hbm>>, %arg4: memref<200x4x32x1024xf32, #tpu.memory_space<hbm>>, %arg5: memref<200x128xi32, #tpu.memory_space<vmem>>, %arg6: memref<512x32xf32, #tpu.memory_space<vmem>>, %arg7: memref<512x32xf32, #tpu.memory_space<vmem>>, %arg8: memref<16384xf32, #tpu.memory_space<vmem>>, %arg9: memref<16384xf32, #tpu.memory_space<vmem>>, %arg10: memref<!tpu.dma_semaphore, #tpu.memory_space<semaphore_mem>>, %arg11: memref<!tpu.dma_semaphore, #tpu.memory_space<semaphore_mem>>, %arg12: memref<!tpu.dma_semaphore, #tpu.memory_space<semaphore_mem>>, %arg13: memref<!tpu.dma_semaphore, #tpu.memory_space<semaphore_mem>>) attributes {dimension_semantics = [#tpu.dimension_semantics<core_parallel>, #tpu.dimension_semantics<subcore_parallel>], iteration_bounds = array<i64: 2, 16>, scalar_prefetch = 0 : i64, scratch_operands = 9 : i64, tpu.core_type = #tpu.core_type<sc_vector_subcore>, window_params = [{transform_indices = #map}, {transform_indices = #map}, {transform_indices = #map1}]} {
    %mul3A = arith.constant 2 : i32
    %mul3A_0 = arith.muli %arg1, %mul3A : i32
    %add3A = arith.addi %mul3A_0, %arg0 : i32
    %mul3A_1 = arith.constant 128 : i32
    %mul3A_2 = arith.muli %add3A, %mul3A_1 : i32
    "tpu.region"() ({
      %run_scoped3A = tpu.sem_alloc : memref<!tpu.dma_semaphore, #tpu.memory_space<semaphore_mem>>
      %dma_start3A_98 = arith.constant 0 : i32
      %dma_start3A_99 = tpu.memref_slice %arg2[%dma_start3A_98, %mul3A_2] : memref<200x4096xi32, #tpu.memory_space<hbm>> -> memref<200x128xi32, #tpu.memory_space<hbm>>
      %dma_start3A_100 = arith.constant 0 : i32
      %dma_start3A_101 = tpu.memref_slice %arg2[%dma_start3A_100, %mul3A_2] : memref<200x4096xi32, #tpu.memory_space<hbm>> -> memref<200x128xi32, #tpu.memory_space<hbm>>
      tpu.enqueue_dma source(%dma_start3A_101 : memref<200x128xi32, #tpu.memory_space<hbm>>) target(%arg5 : memref<200x128xi32, #tpu.memory_space<vmem>>) target_semaphore(%run_scoped3A : memref<!tpu.dma_semaphore, #tpu.memory_space<semaphore_mem>>)
      %dma_wait3A_102 = arith.constant 0 : i32
      %dma_wait3A_103 = tpu.memref_slice %arg2[%dma_wait3A_102, %mul3A_2] : memref<200x4096xi32, #tpu.memory_space<hbm>> -> memref<200x128xi32, #tpu.memory_space<hbm>>
      %dma_wait3A_104 = arith.constant 0 : i32
      %dma_wait3A_105 = tpu.memref_slice %arg2[%dma_wait3A_104, %mul3A_2] : memref<200x4096xi32, #tpu.memory_space<hbm>> -> memref<200x128xi32, #tpu.memory_space<hbm>>
      tpu.wait_dma2 semaphore(%run_scoped3A : memref<!tpu.dma_semaphore, #tpu.memory_space<semaphore_mem>>) src(%dma_wait3A_105 : memref<200x128xi32, #tpu.memory_space<hbm>>) dst(%arg5 : memref<200x128xi32, #tpu.memory_space<vmem>>)
      tpu.yield
    }) : () -> ()
    %iota3A = tpu.iota {dimensions = array<i32: 0>} : vector<16xi32>
    %dma_start3A = arith.constant 0 : i32
    %dma_start3A_3 = arith.constant 0 : i32
    %dma_start3A_4 = arith.constant 0 : i32
    %dma_start3A_5 = tpu.memref_slice %arg6[%dma_start3A_3, %dma_start3A_4] : memref<512x32xf32, #tpu.memory_space<vmem>> -> memref<128x32xf32, #tpu.memory_space<vmem>>
    %dma_start3A_6 = arith.constant 0 : i32
    %dma_start3A_7 = tpu.memref_slice %arg5[%dma_start3A, %dma_start3A_6] : memref<200x128xi32, #tpu.memory_space<vmem>> -> memref<1x128xi32, #tpu.memory_space<vmem>>
    %dma_start3A_8 = tpu.memref_squeeze %dma_start3A_7 : memref<1x128xi32, #tpu.memory_space<vmem>> -> memref<128xi32, #tpu.memory_space<vmem>>
    %dma_start3A_9 = arith.constant 0 : i32
    %dma_start3A_10 = arith.constant 0 : i32
    %dma_start3A_11 = tpu.memref_slice %arg3[%dma_start3A_9, %dma_start3A_10] : memref<1000000x32xf32, #tpu.memory_space<hbm>> -> memref<1000000x32xf32, #tpu.memory_space<hbm>>
    tpu.enqueue_indirect_dma source(%dma_start3A_11 : memref<1000000x32xf32, #tpu.memory_space<hbm>>) target(%dma_start3A_5 : memref<128x32xf32, #tpu.memory_space<vmem>>) offsets(%dma_start3A_8 : memref<128xi32, #tpu.memory_space<vmem>>) semaphore(%arg10 : memref<!tpu.dma_semaphore, #tpu.memory_space<semaphore_mem>>)
    %dma_start3A_12 = arith.constant 1 : i32
    %dma_start3A_13 = arith.constant 128 : i32
    %dma_start3A_14 = arith.constant 0 : i32
    %dma_start3A_15 = tpu.memref_slice %arg6[%dma_start3A_13, %dma_start3A_14] : memref<512x32xf32, #tpu.memory_space<vmem>> -> memref<128x32xf32, #tpu.memory_space<vmem>>
    %dma_start3A_16 = arith.constant 0 : i32
    %dma_start3A_17 = tpu.memref_slice %arg5[%dma_start3A_12, %dma_start3A_16] : memref<200x128xi32, #tpu.memory_space<vmem>> -> memref<1x128xi32, #tpu.memory_space<vmem>>
    %dma_start3A_18 = tpu.memref_squeeze %dma_start3A_17 : memref<1x128xi32, #tpu.memory_space<vmem>> -> memref<128xi32, #tpu.memory_space<vmem>>
    %dma_start3A_19 = arith.constant 0 : i32
    %dma_start3A_20 = arith.constant 0 : i32
    %dma_start3A_21 = tpu.memref_slice %arg3[%dma_start3A_19, %dma_start3A_20] : memref<1000000x32xf32, #tpu.memory_space<hbm>> -> memref<1000000x32xf32, #tpu.memory_space<hbm>>
    tpu.enqueue_indirect_dma source(%dma_start3A_21 : memref<1000000x32xf32, #tpu.memory_space<hbm>>) target(%dma_start3A_15 : memref<128x32xf32, #tpu.memory_space<vmem>>) offsets(%dma_start3A_18 : memref<128xi32, #tpu.memory_space<vmem>>) semaphore(%arg10 : memref<!tpu.dma_semaphore, #tpu.memory_space<semaphore_mem>>)
    %dma_start3A_22 = arith.constant 2 : i32
    %dma_start3A_23 = arith.constant 256 : i32
    %dma_start3A_24 = arith.constant 0 : i32
    %dma_start3A_25 = tpu.memref_slice %arg6[%dma_start3A_23, %dma_start3A_24] : memref<512x32xf32, #tpu.memory_space<vmem>> -> memref<128x32xf32, #tpu.memory_space<vmem>>
    %dma_start3A_26 = arith.constant 0 : i32
    %dma_start3A_27 = tpu.memref_slice %arg5[%dma_start3A_22, %dma_start3A_26] : memref<200x128xi32, #tpu.memory_space<vmem>> -> memref<1x128xi32, #tpu.memory_space<vmem>>
    %dma_start3A_28 = tpu.memref_squeeze %dma_start3A_27 : memref<1x128xi32, #tpu.memory_space<vmem>> -> memref<128xi32, #tpu.memory_space<vmem>>
    %dma_start3A_29 = arith.constant 0 : i32
    %dma_start3A_30 = arith.constant 0 : i32
    %dma_start3A_31 = tpu.memref_slice %arg3[%dma_start3A_29, %dma_start3A_30] : memref<1000000x32xf32, #tpu.memory_space<hbm>> -> memref<1000000x32xf32, #tpu.memory_space<hbm>>
    tpu.enqueue_indirect_dma source(%dma_start3A_31 : memref<1000000x32xf32, #tpu.memory_space<hbm>>) target(%dma_start3A_25 : memref<128x32xf32, #tpu.memory_space<vmem>>) offsets(%dma_start3A_28 : memref<128xi32, #tpu.memory_space<vmem>>) semaphore(%arg10 : memref<!tpu.dma_semaphore, #tpu.memory_space<semaphore_mem>>)
    %dma_start3A_32 = arith.constant 3 : i32
    %dma_start3A_33 = arith.constant 384 : i32
    %dma_start3A_34 = arith.constant 0 : i32
    %dma_start3A_35 = tpu.memref_slice %arg6[%dma_start3A_33, %dma_start3A_34] : memref<512x32xf32, #tpu.memory_space<vmem>> -> memref<128x32xf32, #tpu.memory_space<vmem>>
    %dma_start3A_36 = arith.constant 0 : i32
    %dma_start3A_37 = tpu.memref_slice %arg5[%dma_start3A_32, %dma_start3A_36] : memref<200x128xi32, #tpu.memory_space<vmem>> -> memref<1x128xi32, #tpu.memory_space<vmem>>
    %dma_start3A_38 = tpu.memref_squeeze %dma_start3A_37 : memref<1x128xi32, #tpu.memory_space<vmem>> -> memref<128xi32, #tpu.memory_space<vmem>>
    %dma_start3A_39 = arith.constant 0 : i32
    %dma_start3A_40 = arith.constant 0 : i32
    %dma_start3A_41 = tpu.memref_slice %arg3[%dma_start3A_39, %dma_start3A_40] : memref<1000000x32xf32, #tpu.memory_space<hbm>> -> memref<1000000x32xf32, #tpu.memory_space<hbm>>
    tpu.enqueue_indirect_dma source(%dma_start3A_41 : memref<1000000x32xf32, #tpu.memory_space<hbm>>) target(%dma_start3A_35 : memref<128x32xf32, #tpu.memory_space<vmem>>) offsets(%dma_start3A_38 : memref<128xi32, #tpu.memory_space<vmem>>) semaphore(%arg10 : memref<!tpu.dma_semaphore, #tpu.memory_space<semaphore_mem>>)
    %dma_start3A_42 = arith.constant 4 : i32
    %dma_start3A_43 = arith.constant 0 : i32
    %dma_start3A_44 = arith.constant 0 : i32
    %dma_start3A_45 = tpu.memref_slice %arg7[%dma_start3A_43, %dma_start3A_44] : memref<512x32xf32, #tpu.memory_space<vmem>> -> memref<128x32xf32, #tpu.memory_space<vmem>>
    %dma_start3A_46 = arith.constant 0 : i32
    %dma_start3A_47 = tpu.memref_slice %arg5[%dma_start3A_42, %dma_start3A_46] : memref<200x128xi32, #tpu.memory_space<vmem>> -> memref<1x128xi32, #tpu.memory_space<vmem>>
    %dma_start3A_48 = tpu.memref_squeeze %dma_start3A_47 : memref<1x128xi32, #tpu.memory_space<vmem>> -> memref<128xi32, #tpu.memory_space<vmem>>
    %dma_start3A_49 = arith.constant 0 : i32
    %dma_start3A_50 = arith.constant 0 : i32
    %dma_start3A_51 = tpu.memref_slice %arg3[%dma_start3A_49, %dma_start3A_50] : memref<1000000x32xf32, #tpu.memory_space<hbm>> -> memref<1000000x32xf32, #tpu.memory_space<hbm>>
    tpu.enqueue_indirect_dma source(%dma_start3A_51 : memref<1000000x32xf32, #tpu.memory_space<hbm>>) target(%dma_start3A_45 : memref<128x32xf32, #tpu.memory_space<vmem>>) offsets(%dma_start3A_48 : memref<128xi32, #tpu.memory_space<vmem>>) semaphore(%arg11 : memref<!tpu.dma_semaphore, #tpu.memory_space<semaphore_mem>>)
    %dma_start3A_52 = arith.constant 5 : i32
    %dma_start3A_53 = arith.constant 128 : i32
    %dma_start3A_54 = arith.constant 0 : i32
    %dma_start3A_55 = tpu.memref_slice %arg7[%dma_start3A_53, %dma_start3A_54] : memref<512x32xf32, #tpu.memory_space<vmem>> -> memref<128x32xf32, #tpu.memory_space<vmem>>
    %dma_start3A_56 = arith.constant 0 : i32
    %dma_start3A_57 = tpu.memref_slice %arg5[%dma_start3A_52, %dma_start3A_56] : memref<200x128xi32, #tpu.memory_space<vmem>> -> memref<1x128xi32, #tpu.memory_space<vmem>>
    %dma_start3A_58 = tpu.memref_squeeze %dma_start3A_57 : memref<1x128xi32, #tpu.memory_space<vmem>> -> memref<128xi32, #tpu.memory_space<vmem>>
    %dma_start3A_59 = arith.constant 0 : i32
    %dma_start3A_60 = arith.constant 0 : i32
    %dma_start3A_61 = tpu.memref_slice %arg3[%dma_start3A_59, %dma_start3A_60] : memref<1000000x32xf32, #tpu.memory_space<hbm>> -> memref<1000000x32xf32, #tpu.memory_space<hbm>>
    tpu.enqueue_indirect_dma source(%dma_start3A_61 : memref<1000000x32xf32, #tpu.memory_space<hbm>>) target(%dma_start3A_55 : memref<128x32xf32, #tpu.memory_space<vmem>>) offsets(%dma_start3A_58 : memref<128xi32, #tpu.memory_space<vmem>>) semaphore(%arg11 : memref<!tpu.dma_semaphore, #tpu.memory_space<semaphore_mem>>)
    %dma_start3A_62 = arith.constant 6 : i32
    %dma_start3A_63 = arith.constant 256 : i32
    %dma_start3A_64 = arith.constant 0 : i32
    %dma_start3A_65 = tpu.memref_slice %arg7[%dma_start3A_63, %dma_start3A_64] : memref<512x32xf32, #tpu.memory_space<vmem>> -> memref<128x32xf32, #tpu.memory_space<vmem>>
    %dma_start3A_66 = arith.constant 0 : i32
    %dma_start3A_67 = tpu.memref_slice %arg5[%dma_start3A_62, %dma_start3A_66] : memref<200x128xi32, #tpu.memory_space<vmem>> -> memref<1x128xi32, #tpu.memory_space<vmem>>
    %dma_start3A_68 = tpu.memref_squeeze %dma_start3A_67 : memref<1x128xi32, #tpu.memory_space<vmem>> -> memref<128xi32, #tpu.memory_space<vmem>>
    %dma_start3A_69 = arith.constant 0 : i32
    %dma_start3A_70 = arith.constant 0 : i32
    %dma_start3A_71 = tpu.memref_slice %arg3[%dma_start3A_69, %dma_start3A_70] : memref<1000000x32xf32, #tpu.memory_space<hbm>> -> memref<1000000x32xf32, #tpu.memory_space<hbm>>
    tpu.enqueue_indirect_dma source(%dma_start3A_71 : memref<1000000x32xf32, #tpu.memory_space<hbm>>) target(%dma_start3A_65 : memref<128x32xf32, #tpu.memory_space<vmem>>) offsets(%dma_start3A_68 : memref<128xi32, #tpu.memory_space<vmem>>) semaphore(%arg11 : memref<!tpu.dma_semaphore, #tpu.memory_space<semaphore_mem>>)
    %dma_start3A_72 = arith.constant 7 : i32
    %dma_start3A_73 = arith.constant 384 : i32
    %dma_start3A_74 = arith.constant 0 : i32
    %dma_start3A_75 = tpu.memref_slice %arg7[%dma_start3A_73, %dma_start3A_74] : memref<512x32xf32, #tpu.memory_space<vmem>> -> memref<128x32xf32, #tpu.memory_space<vmem>>
    %dma_start3A_76 = arith.constant 0 : i32
    %dma_start3A_77 = tpu.memref_slice %arg5[%dma_start3A_72, %dma_start3A_76] : memref<200x128xi32, #tpu.memory_space<vmem>> -> memref<1x128xi32, #tpu.memory_space<vmem>>
    %dma_start3A_78 = tpu.memref_squeeze %dma_start3A_77 : memref<1x128xi32, #tpu.memory_space<vmem>> -> memref<128xi32, #tpu.memory_space<vmem>>
    %dma_start3A_79 = arith.constant 0 : i32
    %dma_start3A_80 = arith.constant 0 : i32
    %dma_start3A_81 = tpu.memref_slice %arg3[%dma_start3A_79, %dma_start3A_80] : memref<1000000x32xf32, #tpu.memory_space<hbm>> -> memref<1000000x32xf32, #tpu.memory_space<hbm>>
    tpu.enqueue_indirect_dma source(%dma_start3A_81 : memref<1000000x32xf32, #tpu.memory_space<hbm>>) target(%dma_start3A_75 : memref<128x32xf32, #tpu.memory_space<vmem>>) offsets(%dma_start3A_78 : memref<128xi32, #tpu.memory_space<vmem>>) semaphore(%arg11 : memref<!tpu.dma_semaphore, #tpu.memory_space<semaphore_mem>>)
    %scan3A = arith.constant 0 : i32
    %scan3A_82 = arith.constant 0 : i32
    %scan3A_83 = arith.constant 25 : i32
    %scan3A_84 = arith.addi %scan3A_82, %scan3A_83 : i32
    %scan3A_85 = arith.constant 1 : i32
    scf.for %scan3A_98 = %scan3A_82 to %scan3A_84 step %scan3A_85  : i32 {
      %mul3A_99 = arith.constant 2 : i32
      %mul3A_100 = arith.muli %mul3A_99, %scan3A_98 : i32
      %mul3A_101 = arith.constant 2 : i32
      %mul3A_102 = arith.muli %mul3A_101, %scan3A_98 : i32
      %add3A_103 = arith.constant 1 : i32
      %add3A_104 = arith.addi %mul3A_102, %add3A_103 : i32
      %dma_wait3A_105 = arith.constant 0 : i32
      %dma_wait3A_106 = arith.constant 0 : i32
      %dma_wait3A_107 = tpu.memref_slice %arg3[%dma_wait3A_105, %dma_wait3A_106] : memref<1000000x32xf32, #tpu.memory_space<hbm>> -> memref<512x32xf32, #tpu.memory_space<hbm>>
      %dma_wait3A_108 = arith.constant 0 : i32
      %dma_wait3A_109 = arith.constant 0 : i32
      %dma_wait3A_110 = tpu.memref_slice %arg3[%dma_wait3A_108, %dma_wait3A_109] : memref<1000000x32xf32, #tpu.memory_space<hbm>> -> memref<512x32xf32, #tpu.memory_space<hbm>>
      tpu.wait_dma2 semaphore(%arg10 : memref<!tpu.dma_semaphore, #tpu.memory_space<semaphore_mem>>) src(%dma_wait3A_110 : memref<512x32xf32, #tpu.memory_space<hbm>>) dst(%arg6 : memref<512x32xf32, #tpu.memory_space<vmem>>)
      %parallel_loop3A = arith.constant 0 : i32
      %parallel_loop3A_111 = arith.constant 32 : i32
      %parallel_loop3A_112 = arith.constant 1 : i32
      scf.for %parallel_loop3A_725 = %parallel_loop3A to %parallel_loop3A_111 step %parallel_loop3A_112  : i32 {
        %parallel_loop3A_726 = arith.constant 16 : i32
        %parallel_loop3A_727 = arith.muli %parallel_loop3A_725, %parallel_loop3A_726 : i32
        %parallel_loop3A_728 = arith.constant 8 : i32
        %parallel_loop3A_729 = arith.divsi %parallel_loop3A_725, %parallel_loop3A_728 : i32
        %parallel_loop3A_730 = arith.constant 0 : i32
        %parallel_loop3A_731 = arith.cmpi sgt, %parallel_loop3A_725, %parallel_loop3A_730 : i32
        %parallel_loop3A_732 = arith.extui %parallel_loop3A_731 : i1 to i32
        %parallel_loop3A_733 = arith.constant 0 : i32
        %parallel_loop3A_734 = arith.cmpi slt, %parallel_loop3A_725, %parallel_loop3A_733 : i32
        %parallel_loop3A_735 = arith.extui %parallel_loop3A_734 : i1 to i32
        %parallel_loop3A_736 = arith.subi %parallel_loop3A_732, %parallel_loop3A_735 : i32
        %parallel_loop3A_737 = arith.constant 0 : i32
        %parallel_loop3A_738 = arith.cmpi sgt, %parallel_loop3A_728, %parallel_loop3A_737 : i32
        %parallel_loop3A_739 = arith.extui %parallel_loop3A_738 : i1 to i32
        %parallel_loop3A_740 = arith.constant 0 : i32
        %parallel_loop3A_741 = arith.cmpi slt, %parallel_loop3A_728, %parallel_loop3A_740 : i32
        %parallel_loop3A_742 = arith.extui %parallel_loop3A_741 : i1 to i32
        %parallel_loop3A_743 = arith.subi %parallel_loop3A_739, %parallel_loop3A_742 : i32
        %parallel_loop3A_744 = arith.cmpi ne, %parallel_loop3A_736, %parallel_loop3A_743 : i32
        %parallel_loop3A_745 = arith.remsi %parallel_loop3A_725, %parallel_loop3A_728 : i32
        %parallel_loop3A_746 = arith.constant 0 : i32
        %parallel_loop3A_747 = arith.cmpi ne, %parallel_loop3A_745, %parallel_loop3A_746 : i32
        %parallel_loop3A_748 = arith.andi %parallel_loop3A_744, %parallel_loop3A_747 : i1
        %parallel_loop3A_749 = arith.constant 1 : i32
        %parallel_loop3A_750 = arith.subi %parallel_loop3A_729, %parallel_loop3A_749 : i32
        %parallel_loop3A_751 = arith.select %parallel_loop3A_748, %parallel_loop3A_750, %parallel_loop3A_729 : i32
        %parallel_loop3A_752 = arith.constant 8 : i32
        %parallel_loop3A_753 = arith.constant 0 : i32
        %parallel_loop3A_754 = arith.cmpi eq, %parallel_loop3A_752, %parallel_loop3A_753 : i32
        %parallel_loop3A_755 = arith.constant 1 : i32
        %parallel_loop3A_756 = arith.select %parallel_loop3A_754, %parallel_loop3A_755, %parallel_loop3A_752 : i32
        %parallel_loop3A_757 = arith.remsi %parallel_loop3A_725, %parallel_loop3A_756 : i32
        %parallel_loop3A_758 = arith.constant 0 : i32
        %parallel_loop3A_759 = arith.cmpi ne, %parallel_loop3A_757, %parallel_loop3A_758 : i32
        %parallel_loop3A_760 = arith.constant 0 : i32
        %parallel_loop3A_761 = arith.cmpi slt, %parallel_loop3A_757, %parallel_loop3A_760 : i32
        %parallel_loop3A_762 = arith.constant 0 : i32
        %parallel_loop3A_763 = arith.cmpi slt, %parallel_loop3A_756, %parallel_loop3A_762 : i32
        %parallel_loop3A_764 = arith.xori %parallel_loop3A_761, %parallel_loop3A_763 : i1
        %parallel_loop3A_765 = arith.andi %parallel_loop3A_764, %parallel_loop3A_759 : i1
        %parallel_loop3A_766 = arith.addi %parallel_loop3A_757, %parallel_loop3A_756 : i32
        %parallel_loop3A_767 = arith.select %parallel_loop3A_765, %parallel_loop3A_766, %parallel_loop3A_757 : i32
        %parallel_loop3A_768 = arith.constant 16 : i32
        %parallel_loop3A_769 = arith.muli %parallel_loop3A_767, %parallel_loop3A_768 : i32
        %parallel_loop3A_770 = vector.broadcast %parallel_loop3A_727 : i32 to vector<16xi32>
        %parallel_loop3A_771 = arith.addi %iota3A, %parallel_loop3A_770 : vector<16xi32>
        %parallel_loop3A_772 = arith.constant 4096 : i32
        %parallel_loop3A_773 = arith.muli %parallel_loop3A_751, %parallel_loop3A_772 : i32
        %parallel_loop3A_774 = arith.addi %parallel_loop3A_773, %parallel_loop3A_769 : i32
        %parallel_loop3A_775 = vector.broadcast %parallel_loop3A_774 : i32 to vector<16xi32>
        %parallel_loop3A_776 = arith.addi %iota3A, %parallel_loop3A_775 : vector<16xi32>
        %parallel_loop3A_777 = arith.constant 0 : i32
        %parallel_loop3A_778 = vector.broadcast %parallel_loop3A_777 : i32 to vector<16xi32>
        %parallel_loop3A_779 = arith.addi %iota3A, %parallel_loop3A_778 : vector<16xi32>
        %parallel_loop3A_780 = arith.constant 31 : i32
        %parallel_loop3A_781 = vector.broadcast %parallel_loop3A_780 : i32 to vector<16xi32>
        %parallel_loop3A_782 = arith.andi %parallel_loop3A_779, %parallel_loop3A_781 : vector<16xi32>
        %parallel_loop3A_783 = tpu.vector_load_idx %arg6[%parallel_loop3A_771, %parallel_loop3A_782] : memref<512x32xf32, #tpu.memory_space<vmem>>[vector<16xi32>, vector<16xi32>], vector<16xf32>,
        %parallel_loop3A_784 = arith.constant 7 : i32
        %parallel_loop3A_785 = vector.broadcast %parallel_loop3A_784 : i32 to vector<16xi32>
        %parallel_loop3A_786 = arith.shli %parallel_loop3A_782, %parallel_loop3A_785 : vector<16xi32>
        %parallel_loop3A_787 = arith.addi %parallel_loop3A_786, %parallel_loop3A_776 : vector<16xi32>
        tpu.vector_store_idx %arg8[%parallel_loop3A_787], %parallel_loop3A_783 : memref<16384xf32, #tpu.memory_space<vmem>>[vector<16xi32>], vector<16xf32>,
        %parallel_loop3A_788 = arith.constant 1 : i32
        %parallel_loop3A_789 = vector.broadcast %parallel_loop3A_788 : i32 to vector<16xi32>
        %parallel_loop3A_790 = arith.addi %iota3A, %parallel_loop3A_789 : vector<16xi32>
        %parallel_loop3A_791 = arith.constant 31 : i32
        %parallel_loop3A_792 = vector.broadcast %parallel_loop3A_791 : i32 to vector<16xi32>
        %parallel_loop3A_793 = arith.andi %parallel_loop3A_790, %parallel_loop3A_792 : vector<16xi32>
        %parallel_loop3A_794 = tpu.vector_load_idx %arg6[%parallel_loop3A_771, %parallel_loop3A_793] : memref<512x32xf32, #tpu.memory_space<vmem>>[vector<16xi32>, vector<16xi32>], vector<16xf32>,
        %parallel_loop3A_795 = arith.constant 7 : i32
        %parallel_loop3A_796 = vector.broadcast %parallel_loop3A_795 : i32 to vector<16xi32>
        %parallel_loop3A_797 = arith.shli %parallel_loop3A_793, %parallel_loop3A_796 : vector<16xi32>
        %parallel_loop3A_798 = arith.addi %parallel_loop3A_797, %parallel_loop3A_776 : vector<16xi32>
        tpu.vector_store_idx %arg8[%parallel_loop3A_798], %parallel_loop3A_794 : memref<16384xf32, #tpu.memory_space<vmem>>[vector<16xi32>], vector<16xf32>,
        %parallel_loop3A_799 = arith.constant 2 : i32
        %parallel_loop3A_800 = vector.broadcast %parallel_loop3A_799 : i32 to vector<16xi32>
        %parallel_loop3A_801 = arith.addi %iota3A, %parallel_loop3A_800 : vector<16xi32>
        %parallel_loop3A_802 = arith.constant 31 : i32
        %parallel_loop3A_803 = vector.broadcast %parallel_loop3A_802 : i32 to vector<16xi32>
        %parallel_loop3A_804 = arith.andi %parallel_loop3A_801, %parallel_loop3A_803 : vector<16xi32>
        %parallel_loop3A_805 = tpu.vector_load_idx %arg6[%parallel_loop3A_771, %parallel_loop3A_804] : memref<512x32xf32, #tpu.memory_space<vmem>>[vector<16xi32>, vector<16xi32>], vector<16xf32>,
        %parallel_loop3A_806 = arith.constant 7 : i32
        %parallel_loop3A_807 = vector.broadcast %parallel_loop3A_806 : i32 to vector<16xi32>
        %parallel_loop3A_808 = arith.shli %parallel_loop3A_804, %parallel_loop3A_807 : vector<16xi32>
        %parallel_loop3A_809 = arith.addi %parallel_loop3A_808, %parallel_loop3A_776 : vector<16xi32>
        tpu.vector_store_idx %arg8[%parallel_loop3A_809], %parallel_loop3A_805 : memref<16384xf32, #tpu.memory_space<vmem>>[vector<16xi32>], vector<16xf32>,
        %parallel_loop3A_810 = arith.constant 3 : i32
        %parallel_loop3A_811 = vector.broadcast %parallel_loop3A_810 : i32 to vector<16xi32>
        %parallel_loop3A_812 = arith.addi %iota3A, %parallel_loop3A_811 : vector<16xi32>
        %parallel_loop3A_813 = arith.constant 31 : i32
        %parallel_loop3A_814 = vector.broadcast %parallel_loop3A_813 : i32 to vector<16xi32>
        %parallel_loop3A_815 = arith.andi %parallel_loop3A_812, %parallel_loop3A_814 : vector<16xi32>
        %parallel_loop3A_816 = tpu.vector_load_idx %arg6[%parallel_loop3A_771, %parallel_loop3A_815] : memref<512x32xf32, #tpu.memory_space<vmem>>[vector<16xi32>, vector<16xi32>], vector<16xf32>,
        %parallel_loop3A_817 = arith.constant 7 : i32
        %parallel_loop3A_818 = vector.broadcast %parallel_loop3A_817 : i32 to vector<16xi32>
        %parallel_loop3A_819 = arith.shli %parallel_loop3A_815, %parallel_loop3A_818 : vector<16xi32>
        %parallel_loop3A_820 = arith.addi %parallel_loop3A_819, %parallel_loop3A_776 : vector<16xi32>
        tpu.vector_store_idx %arg8[%parallel_loop3A_820], %parallel_loop3A_816 : memref<16384xf32, #tpu.memory_space<vmem>>[vector<16xi32>], vector<16xf32>,
        %parallel_loop3A_821 = arith.constant 4 : i32
        %parallel_loop3A_822 = vector.broadcast %parallel_loop3A_821 : i32 to vector<16xi32>
        %parallel_loop3A_823 = arith.addi %iota3A, %parallel_loop3A_822 : vector<16xi32>
        %parallel_loop3A_824 = arith.constant 31 : i32
        %parallel_loop3A_825 = vector.broadcast %parallel_loop3A_824 : i32 to vector<16xi32>
        %parallel_loop3A_826 = arith.andi %parallel_loop3A_823, %parallel_loop3A_825 : vector<16xi32>
        %parallel_loop3A_827 = tpu.vector_load_idx %arg6[%parallel_loop3A_771, %parallel_loop3A_826] : memref<512x32xf32, #tpu.memory_space<vmem>>[vector<16xi32>, vector<16xi32>], vector<16xf32>,
        %parallel_loop3A_828 = arith.constant 7 : i32
        %parallel_loop3A_829 = vector.broadcast %parallel_loop3A_828 : i32 to vector<16xi32>
        %parallel_loop3A_830 = arith.shli %parallel_loop3A_826, %parallel_loop3A_829 : vector<16xi32>
        %parallel_loop3A_831 = arith.addi %parallel_loop3A_830, %parallel_loop3A_776 : vector<16xi32>
        tpu.vector_store_idx %arg8[%parallel_loop3A_831], %parallel_loop3A_827 : memref<16384xf32, #tpu.memory_space<vmem>>[vector<16xi32>], vector<16xf32>,
        %parallel_loop3A_832 = arith.constant 5 : i32
        %parallel_loop3A_833 = vector.broadcast %parallel_loop3A_832 : i32 to vector<16xi32>
        %parallel_loop3A_834 = arith.addi %iota3A, %parallel_loop3A_833 : vector<16xi32>
        %parallel_loop3A_835 = arith.constant 31 : i32
        %parallel_loop3A_836 = vector.broadcast %parallel_loop3A_835 : i32 to vector<16xi32>
        %parallel_loop3A_837 = arith.andi %parallel_loop3A_834, %parallel_loop3A_836 : vector<16xi32>
        %parallel_loop3A_838 = tpu.vector_load_idx %arg6[%parallel_loop3A_771, %parallel_loop3A_837] : memref<512x32xf32, #tpu.memory_space<vmem>>[vector<16xi32>, vector<16xi32>], vector<16xf32>,
        %parallel_loop3A_839 = arith.constant 7 : i32
        %parallel_loop3A_840 = vector.broadcast %parallel_loop3A_839 : i32 to vector<16xi32>
        %parallel_loop3A_841 = arith.shli %parallel_loop3A_837, %parallel_loop3A_840 : vector<16xi32>
        %parallel_loop3A_842 = arith.addi %parallel_loop3A_841, %parallel_loop3A_776 : vector<16xi32>
        tpu.vector_store_idx %arg8[%parallel_loop3A_842], %parallel_loop3A_838 : memref<16384xf32, #tpu.memory_space<vmem>>[vector<16xi32>], vector<16xf32>,
        %parallel_loop3A_843 = arith.constant 6 : i32
        %parallel_loop3A_844 = vector.broadcast %parallel_loop3A_843 : i32 to vector<16xi32>
        %parallel_loop3A_845 = arith.addi %iota3A, %parallel_loop3A_844 : vector<16xi32>
        %parallel_loop3A_846 = arith.constant 31 : i32
        %parallel_loop3A_847 = vector.broadcast %parallel_loop3A_846 : i32 to vector<16xi32>
        %parallel_loop3A_848 = arith.andi %parallel_loop3A_845, %parallel_loop3A_847 : vector<16xi32>
        %parallel_loop3A_849 = tpu.vector_load_idx %arg6[%parallel_loop3A_771, %parallel_loop3A_848] : memref<512x32xf32, #tpu.memory_space<vmem>>[vector<16xi32>, vector<16xi32>], vector<16xf32>,
        %parallel_loop3A_850 = arith.constant 7 : i32
        %parallel_loop3A_851 = vector.broadcast %parallel_loop3A_850 : i32 to vector<16xi32>
        %parallel_loop3A_852 = arith.shli %parallel_loop3A_848, %parallel_loop3A_851 : vector<16xi32>
        %parallel_loop3A_853 = arith.addi %parallel_loop3A_852, %parallel_loop3A_776 : vector<16xi32>
        tpu.vector_store_idx %arg8[%parallel_loop3A_853], %parallel_loop3A_849 : memref<16384xf32, #tpu.memory_space<vmem>>[vector<16xi32>], vector<16xf32>,
        %parallel_loop3A_854 = arith.constant 7 : i32
        %parallel_loop3A_855 = vector.broadcast %parallel_loop3A_854 : i32 to vector<16xi32>
        %parallel_loop3A_856 = arith.addi %iota3A, %parallel_loop3A_855 : vector<16xi32>
        %parallel_loop3A_857 = arith.constant 31 : i32
        %parallel_loop3A_858 = vector.broadcast %parallel_loop3A_857 : i32 to vector<16xi32>
        %parallel_loop3A_859 = arith.andi %parallel_loop3A_856, %parallel_loop3A_858 : vector<16xi32>
        %parallel_loop3A_860 = tpu.vector_load_idx %arg6[%parallel_loop3A_771, %parallel_loop3A_859] : memref<512x32xf32, #tpu.memory_space<vmem>>[vector<16xi32>, vector<16xi32>], vector<16xf32>,
        %parallel_loop3A_861 = arith.constant 7 : i32
        %parallel_loop3A_862 = vector.broadcast %parallel_loop3A_861 : i32 to vector<16xi32>
        %parallel_loop3A_863 = arith.shli %parallel_loop3A_859, %parallel_loop3A_862 : vector<16xi32>
        %parallel_loop3A_864 = arith.addi %parallel_loop3A_863, %parallel_loop3A_776 : vector<16xi32>
        tpu.vector_store_idx %arg8[%parallel_loop3A_864], %parallel_loop3A_860 : memref<16384xf32, #tpu.memory_space<vmem>>[vector<16xi32>], vector<16xf32>,
        %parallel_loop3A_865 = arith.constant 8 : i32
        %parallel_loop3A_866 = vector.broadcast %parallel_loop3A_865 : i32 to vector<16xi32>
        %parallel_loop3A_867 = arith.addi %iota3A, %parallel_loop3A_866 : vector<16xi32>
        %parallel_loop3A_868 = arith.constant 31 : i32
        %parallel_loop3A_869 = vector.broadcast %parallel_loop3A_868 : i32 to vector<16xi32>
        %parallel_loop3A_870 = arith.andi %parallel_loop3A_867, %parallel_loop3A_869 : vector<16xi32>
        %parallel_loop3A_871 = tpu.vector_load_idx %arg6[%parallel_loop3A_771, %parallel_loop3A_870] : memref<512x32xf32, #tpu.memory_space<vmem>>[vector<16xi32>, vector<16xi32>], vector<16xf32>,
        %parallel_loop3A_872 = arith.constant 7 : i32
        %parallel_loop3A_873 = vector.broadcast %parallel_loop3A_872 : i32 to vector<16xi32>
        %parallel_loop3A_874 = arith.shli %parallel_loop3A_870, %parallel_loop3A_873 : vector<16xi32>
        %parallel_loop3A_875 = arith.addi %parallel_loop3A_874, %parallel_loop3A_776 : vector<16xi32>
        tpu.vector_store_idx %arg8[%parallel_loop3A_875], %parallel_loop3A_871 : memref<16384xf32, #tpu.memory_space<vmem>>[vector<16xi32>], vector<16xf32>,
        %parallel_loop3A_876 = arith.constant 9 : i32
        %parallel_loop3A_877 = vector.broadcast %parallel_loop3A_876 : i32 to vector<16xi32>
        %parallel_loop3A_878 = arith.addi %iota3A, %parallel_loop3A_877 : vector<16xi32>
        %parallel_loop3A_879 = arith.constant 31 : i32
        %parallel_loop3A_880 = vector.broadcast %parallel_loop3A_879 : i32 to vector<16xi32>
        %parallel_loop3A_881 = arith.andi %parallel_loop3A_878, %parallel_loop3A_880 : vector<16xi32>
        %parallel_loop3A_882 = tpu.vector_load_idx %arg6[%parallel_loop3A_771, %parallel_loop3A_881] : memref<512x32xf32, #tpu.memory_space<vmem>>[vector<16xi32>, vector<16xi32>], vector<16xf32>,
        %parallel_loop3A_883 = arith.constant 7 : i32
        %parallel_loop3A_884 = vector.broadcast %parallel_loop3A_883 : i32 to vector<16xi32>
        %parallel_loop3A_885 = arith.shli %parallel_loop3A_881, %parallel_loop3A_884 : vector<16xi32>
        %parallel_loop3A_886 = arith.addi %parallel_loop3A_885, %parallel_loop3A_776 : vector<16xi32>
        tpu.vector_store_idx %arg8[%parallel_loop3A_886], %parallel_loop3A_882 : memref<16384xf32, #tpu.memory_space<vmem>>[vector<16xi32>], vector<16xf32>,
        %parallel_loop3A_887 = arith.constant 10 : i32
        %parallel_loop3A_888 = vector.broadcast %parallel_loop3A_887 : i32 to vector<16xi32>
        %parallel_loop3A_889 = arith.addi %iota3A, %parallel_loop3A_888 : vector<16xi32>
        %parallel_loop3A_890 = arith.constant 31 : i32
        %parallel_loop3A_891 = vector.broadcast %parallel_loop3A_890 : i32 to vector<16xi32>
        %parallel_loop3A_892 = arith.andi %parallel_loop3A_889, %parallel_loop3A_891 : vector<16xi32>
        %parallel_loop3A_893 = tpu.vector_load_idx %arg6[%parallel_loop3A_771, %parallel_loop3A_892] : memref<512x32xf32, #tpu.memory_space<vmem>>[vector<16xi32>, vector<16xi32>], vector<16xf32>,
        %parallel_loop3A_894 = arith.constant 7 : i32
        %parallel_loop3A_895 = vector.broadcast %parallel_loop3A_894 : i32 to vector<16xi32>
        %parallel_loop3A_896 = arith.shli %parallel_loop3A_892, %parallel_loop3A_895 : vector<16xi32>
        %parallel_loop3A_897 = arith.addi %parallel_loop3A_896, %parallel_loop3A_776 : vector<16xi32>
        tpu.vector_store_idx %arg8[%parallel_loop3A_897], %parallel_loop3A_893 : memref<16384xf32, #tpu.memory_space<vmem>>[vector<16xi32>], vector<16xf32>,
        %parallel_loop3A_898 = arith.constant 11 : i32
        %parallel_loop3A_899 = vector.broadcast %parallel_loop3A_898 : i32 to vector<16xi32>
        %parallel_loop3A_900 = arith.addi %iota3A, %parallel_loop3A_899 : vector<16xi32>
        %parallel_loop3A_901 = arith.constant 31 : i32
        %parallel_loop3A_902 = vector.broadcast %parallel_loop3A_901 : i32 to vector<16xi32>
        %parallel_loop3A_903 = arith.andi %parallel_loop3A_900, %parallel_loop3A_902 : vector<16xi32>
        %parallel_loop3A_904 = tpu.vector_load_idx %arg6[%parallel_loop3A_771, %parallel_loop3A_903] : memref<512x32xf32, #tpu.memory_space<vmem>>[vector<16xi32>, vector<16xi32>], vector<16xf32>,
        %parallel_loop3A_905 = arith.constant 7 : i32
        %parallel_loop3A_906 = vector.broadcast %parallel_loop3A_905 : i32 to vector<16xi32>
        %parallel_loop3A_907 = arith.shli %parallel_loop3A_903, %parallel_loop3A_906 : vector<16xi32>
        %parallel_loop3A_908 = arith.addi %parallel_loop3A_907, %parallel_loop3A_776 : vector<16xi32>
        tpu.vector_store_idx %arg8[%parallel_loop3A_908], %parallel_loop3A_904 : memref<16384xf32, #tpu.memory_space<vmem>>[vector<16xi32>], vector<16xf32>,
        %parallel_loop3A_909 = arith.constant 12 : i32
        %parallel_loop3A_910 = vector.broadcast %parallel_loop3A_909 : i32 to vector<16xi32>
        %parallel_loop3A_911 = arith.addi %iota3A, %parallel_loop3A_910 : vector<16xi32>
        %parallel_loop3A_912 = arith.constant 31 : i32
        %parallel_loop3A_913 = vector.broadcast %parallel_loop3A_912 : i32 to vector<16xi32>
        %parallel_loop3A_914 = arith.andi %parallel_loop3A_911, %parallel_loop3A_913 : vector<16xi32>
        %parallel_loop3A_915 = tpu.vector_load_idx %arg6[%parallel_loop3A_771, %parallel_loop3A_914] : memref<512x32xf32, #tpu.memory_space<vmem>>[vector<16xi32>, vector<16xi32>], vector<16xf32>,
        %parallel_loop3A_916 = arith.constant 7 : i32
        %parallel_loop3A_917 = vector.broadcast %parallel_loop3A_916 : i32 to vector<16xi32>
        %parallel_loop3A_918 = arith.shli %parallel_loop3A_914, %parallel_loop3A_917 : vector<16xi32>
        %parallel_loop3A_919 = arith.addi %parallel_loop3A_918, %parallel_loop3A_776 : vector<16xi32>
        tpu.vector_store_idx %arg8[%parallel_loop3A_919], %parallel_loop3A_915 : memref<16384xf32, #tpu.memory_space<vmem>>[vector<16xi32>], vector<16xf32>,
        %parallel_loop3A_920 = arith.constant 13 : i32
        %parallel_loop3A_921 = vector.broadcast %parallel_loop3A_920 : i32 to vector<16xi32>
        %parallel_loop3A_922 = arith.addi %iota3A, %parallel_loop3A_921 : vector<16xi32>
        %parallel_loop3A_923 = arith.constant 31 : i32
        %parallel_loop3A_924 = vector.broadcast %parallel_loop3A_923 : i32 to vector<16xi32>
        %parallel_loop3A_925 = arith.andi %parallel_loop3A_922, %parallel_loop3A_924 : vector<16xi32>
        %parallel_loop3A_926 = tpu.vector_load_idx %arg6[%parallel_loop3A_771, %parallel_loop3A_925] : memref<512x32xf32, #tpu.memory_space<vmem>>[vector<16xi32>, vector<16xi32>], vector<16xf32>,
        %parallel_loop3A_927 = arith.constant 7 : i32
        %parallel_loop3A_928 = vector.broadcast %parallel_loop3A_927 : i32 to vector<16xi32>
        %parallel_loop3A_929 = arith.shli %parallel_loop3A_925, %parallel_loop3A_928 : vector<16xi32>
        %parallel_loop3A_930 = arith.addi %parallel_loop3A_929, %parallel_loop3A_776 : vector<16xi32>
        tpu.vector_store_idx %arg8[%parallel_loop3A_930], %parallel_loop3A_926 : memref<16384xf32, #tpu.memory_space<vmem>>[vector<16xi32>], vector<16xf32>,
        %parallel_loop3A_931 = arith.constant 14 : i32
        %parallel_loop3A_932 = vector.broadcast %parallel_loop3A_931 : i32 to vector<16xi32>
        %parallel_loop3A_933 = arith.addi %iota3A, %parallel_loop3A_932 : vector<16xi32>
        %parallel_loop3A_934 = arith.constant 31 : i32
        %parallel_loop3A_935 = vector.broadcast %parallel_loop3A_934 : i32 to vector<16xi32>
        %parallel_loop3A_936 = arith.andi %parallel_loop3A_933, %parallel_loop3A_935 : vector<16xi32>
        %parallel_loop3A_937 = tpu.vector_load_idx %arg6[%parallel_loop3A_771, %parallel_loop3A_936] : memref<512x32xf32, #tpu.memory_space<vmem>>[vector<16xi32>, vector<16xi32>], vector<16xf32>,
        %parallel_loop3A_938 = arith.constant 7 : i32
        %parallel_loop3A_939 = vector.broadcast %parallel_loop3A_938 : i32 to vector<16xi32>
        %parallel_loop3A_940 = arith.shli %parallel_loop3A_936, %parallel_loop3A_939 : vector<16xi32>
        %parallel_loop3A_941 = arith.addi %parallel_loop3A_940, %parallel_loop3A_776 : vector<16xi32>
        tpu.vector_store_idx %arg8[%parallel_loop3A_941], %parallel_loop3A_937 : memref<16384xf32, #tpu.memory_space<vmem>>[vector<16xi32>], vector<16xf32>,
        %parallel_loop3A_942 = arith.constant 15 : i32
        %parallel_loop3A_943 = vector.broadcast %parallel_loop3A_942 : i32 to vector<16xi32>
        %parallel_loop3A_944 = arith.addi %iota3A, %parallel_loop3A_943 : vector<16xi32>
        %parallel_loop3A_945 = arith.constant 31 : i32
        %parallel_loop3A_946 = vector.broadcast %parallel_loop3A_945 : i32 to vector<16xi32>
        %parallel_loop3A_947 = arith.andi %parallel_loop3A_944, %parallel_loop3A_946 : vector<16xi32>
        %parallel_loop3A_948 = tpu.vector_load_idx %arg6[%parallel_loop3A_771, %parallel_loop3A_947] : memref<512x32xf32, #tpu.memory_space<vmem>>[vector<16xi32>, vector<16xi32>], vector<16xf32>,
        %parallel_loop3A_949 = arith.constant 7 : i32
        %parallel_loop3A_950 = vector.broadcast %parallel_loop3A_949 : i32 to vector<16xi32>
        %parallel_loop3A_951 = arith.shli %parallel_loop3A_947, %parallel_loop3A_950 : vector<16xi32>
        %parallel_loop3A_952 = arith.addi %parallel_loop3A_951, %parallel_loop3A_776 : vector<16xi32>
        tpu.vector_store_idx %arg8[%parallel_loop3A_952], %parallel_loop3A_948 : memref<16384xf32, #tpu.memory_space<vmem>>[vector<16xi32>], vector<16xf32>,
        %parallel_loop3A_953 = arith.constant 16 : i32
        %parallel_loop3A_954 = vector.broadcast %parallel_loop3A_953 : i32 to vector<16xi32>
        %parallel_loop3A_955 = arith.addi %iota3A, %parallel_loop3A_954 : vector<16xi32>
        %parallel_loop3A_956 = arith.constant 31 : i32
        %parallel_loop3A_957 = vector.broadcast %parallel_loop3A_956 : i32 to vector<16xi32>
        %parallel_loop3A_958 = arith.andi %parallel_loop3A_955, %parallel_loop3A_957 : vector<16xi32>
        %parallel_loop3A_959 = tpu.vector_load_idx %arg6[%parallel_loop3A_771, %parallel_loop3A_958] : memref<512x32xf32, #tpu.memory_space<vmem>>[vector<16xi32>, vector<16xi32>], vector<16xf32>,
        %parallel_loop3A_960 = arith.constant 7 : i32
        %parallel_loop3A_961 = vector.broadcast %parallel_loop3A_960 : i32 to vector<16xi32>
        %parallel_loop3A_962 = arith.shli %parallel_loop3A_958, %parallel_loop3A_961 : vector<16xi32>
        %parallel_loop3A_963 = arith.addi %parallel_loop3A_962, %parallel_loop3A_776 : vector<16xi32>
        tpu.vector_store_idx %arg8[%parallel_loop3A_963], %parallel_loop3A_959 : memref<16384xf32, #tpu.memory_space<vmem>>[vector<16xi32>], vector<16xf32>,
        %parallel_loop3A_964 = arith.constant 17 : i32
        %parallel_loop3A_965 = vector.broadcast %parallel_loop3A_964 : i32 to vector<16xi32>
        %parallel_loop3A_966 = arith.addi %iota3A, %parallel_loop3A_965 : vector<16xi32>
        %parallel_loop3A_967 = arith.constant 31 : i32
        %parallel_loop3A_968 = vector.broadcast %parallel_loop3A_967 : i32 to vector<16xi32>
        %parallel_loop3A_969 = arith.andi %parallel_loop3A_966, %parallel_loop3A_968 : vector<16xi32>
        %parallel_loop3A_970 = tpu.vector_load_idx %arg6[%parallel_loop3A_771, %parallel_loop3A_969] : memref<512x32xf32, #tpu.memory_space<vmem>>[vector<16xi32>, vector<16xi32>], vector<16xf32>,
        %parallel_loop3A_971 = arith.constant 7 : i32
        %parallel_loop3A_972 = vector.broadcast %parallel_loop3A_971 : i32 to vector<16xi32>
        %parallel_loop3A_973 = arith.shli %parallel_loop3A_969, %parallel_loop3A_972 : vector<16xi32>
        %parallel_loop3A_974 = arith.addi %parallel_loop3A_973, %parallel_loop3A_776 : vector<16xi32>
        tpu.vector_store_idx %arg8[%parallel_loop3A_974], %parallel_loop3A_970 : memref<16384xf32, #tpu.memory_space<vmem>>[vector<16xi32>], vector<16xf32>,
        %parallel_loop3A_975 = arith.constant 18 : i32
        %parallel_loop3A_976 = vector.broadcast %parallel_loop3A_975 : i32 to vector<16xi32>
        %parallel_loop3A_977 = arith.addi %iota3A, %parallel_loop3A_976 : vector<16xi32>
        %parallel_loop3A_978 = arith.constant 31 : i32
        %parallel_loop3A_979 = vector.broadcast %parallel_loop3A_978 : i32 to vector<16xi32>
        %parallel_loop3A_980 = arith.andi %parallel_loop3A_977, %parallel_loop3A_979 : vector<16xi32>
        %parallel_loop3A_981 = tpu.vector_load_idx %arg6[%parallel_loop3A_771, %parallel_loop3A_980] : memref<512x32xf32, #tpu.memory_space<vmem>>[vector<16xi32>, vector<16xi32>], vector<16xf32>,
        %parallel_loop3A_982 = arith.constant 7 : i32
        %parallel_loop3A_983 = vector.broadcast %parallel_loop3A_982 : i32 to vector<16xi32>
        %parallel_loop3A_984 = arith.shli %parallel_loop3A_980, %parallel_loop3A_983 : vector<16xi32>
        %parallel_loop3A_985 = arith.addi %parallel_loop3A_984, %parallel_loop3A_776 : vector<16xi32>
        tpu.vector_store_idx %arg8[%parallel_loop3A_985], %parallel_loop3A_981 : memref<16384xf32, #tpu.memory_space<vmem>>[vector<16xi32>], vector<16xf32>,
        %parallel_loop3A_986 = arith.constant 19 : i32
        %parallel_loop3A_987 = vector.broadcast %parallel_loop3A_986 : i32 to vector<16xi32>
        %parallel_loop3A_988 = arith.addi %iota3A, %parallel_loop3A_987 : vector<16xi32>
        %parallel_loop3A_989 = arith.constant 31 : i32
        %parallel_loop3A_990 = vector.broadcast %parallel_loop3A_989 : i32 to vector<16xi32>
        %parallel_loop3A_991 = arith.andi %parallel_loop3A_988, %parallel_loop3A_990 : vector<16xi32>
        %parallel_loop3A_992 = tpu.vector_load_idx %arg6[%parallel_loop3A_771, %parallel_loop3A_991] : memref<512x32xf32, #tpu.memory_space<vmem>>[vector<16xi32>, vector<16xi32>], vector<16xf32>,
        %parallel_loop3A_993 = arith.constant 7 : i32
        %parallel_loop3A_994 = vector.broadcast %parallel_loop3A_993 : i32 to vector<16xi32>
        %parallel_loop3A_995 = arith.shli %parallel_loop3A_991, %parallel_loop3A_994 : vector<16xi32>
        %parallel_loop3A_996 = arith.addi %parallel_loop3A_995, %parallel_loop3A_776 : vector<16xi32>
        tpu.vector_store_idx %arg8[%parallel_loop3A_996], %parallel_loop3A_992 : memref<16384xf32, #tpu.memory_space<vmem>>[vector<16xi32>], vector<16xf32>,
        %parallel_loop3A_997 = arith.constant 20 : i32
        %parallel_loop3A_998 = vector.broadcast %parallel_loop3A_997 : i32 to vector<16xi32>
        %parallel_loop3A_999 = arith.addi %iota3A, %parallel_loop3A_998 : vector<16xi32>
        %parallel_loop3A_1000 = arith.constant 31 : i32
        %parallel_loop3A_1001 = vector.broadcast %parallel_loop3A_1000 : i32 to vector<16xi32>
        %parallel_loop3A_1002 = arith.andi %parallel_loop3A_999, %parallel_loop3A_1001 : vector<16xi32>
        %parallel_loop3A_1003 = tpu.vector_load_idx %arg6[%parallel_loop3A_771, %parallel_loop3A_1002] : memref<512x32xf32, #tpu.memory_space<vmem>>[vector<16xi32>, vector<16xi32>], vector<16xf32>,
        %parallel_loop3A_1004 = arith.constant 7 : i32
        %parallel_loop3A_1005 = vector.broadcast %parallel_loop3A_1004 : i32 to vector<16xi32>
        %parallel_loop3A_1006 = arith.shli %parallel_loop3A_1002, %parallel_loop3A_1005 : vector<16xi32>
        %parallel_loop3A_1007 = arith.addi %parallel_loop3A_1006, %parallel_loop3A_776 : vector<16xi32>
        tpu.vector_store_idx %arg8[%parallel_loop3A_1007], %parallel_loop3A_1003 : memref<16384xf32, #tpu.memory_space<vmem>>[vector<16xi32>], vector<16xf32>,
        %parallel_loop3A_1008 = arith.constant 21 : i32
        %parallel_loop3A_1009 = vector.broadcast %parallel_loop3A_1008 : i32 to vector<16xi32>
        %parallel_loop3A_1010 = arith.addi %iota3A, %parallel_loop3A_1009 : vector<16xi32>
        %parallel_loop3A_1011 = arith.constant 31 : i32
        %parallel_loop3A_1012 = vector.broadcast %parallel_loop3A_1011 : i32 to vector<16xi32>
        %parallel_loop3A_1013 = arith.andi %parallel_loop3A_1010, %parallel_loop3A_1012 : vector<16xi32>
        %parallel_loop3A_1014 = tpu.vector_load_idx %arg6[%parallel_loop3A_771, %parallel_loop3A_1013] : memref<512x32xf32, #tpu.memory_space<vmem>>[vector<16xi32>, vector<16xi32>], vector<16xf32>,
        %parallel_loop3A_1015 = arith.constant 7 : i32
        %parallel_loop3A_1016 = vector.broadcast %parallel_loop3A_1015 : i32 to vector<16xi32>
        %parallel_loop3A_1017 = arith.shli %parallel_loop3A_1013, %parallel_loop3A_1016 : vector<16xi32>
        %parallel_loop3A_1018 = arith.addi %parallel_loop3A_1017, %parallel_loop3A_776 : vector<16xi32>
        tpu.vector_store_idx %arg8[%parallel_loop3A_1018], %parallel_loop3A_1014 : memref<16384xf32, #tpu.memory_space<vmem>>[vector<16xi32>], vector<16xf32>,
        %parallel_loop3A_1019 = arith.constant 22 : i32
        %parallel_loop3A_1020 = vector.broadcast %parallel_loop3A_1019 : i32 to vector<16xi32>
        %parallel_loop3A_1021 = arith.addi %iota3A, %parallel_loop3A_1020 : vector<16xi32>
        %parallel_loop3A_1022 = arith.constant 31 : i32
        %parallel_loop3A_1023 = vector.broadcast %parallel_loop3A_1022 : i32 to vector<16xi32>
        %parallel_loop3A_1024 = arith.andi %parallel_loop3A_1021, %parallel_loop3A_1023 : vector<16xi32>
        %parallel_loop3A_1025 = tpu.vector_load_idx %arg6[%parallel_loop3A_771, %parallel_loop3A_1024] : memref<512x32xf32, #tpu.memory_space<vmem>>[vector<16xi32>, vector<16xi32>], vector<16xf32>,
        %parallel_loop3A_1026 = arith.constant 7 : i32
        %parallel_loop3A_1027 = vector.broadcast %parallel_loop3A_1026 : i32 to vector<16xi32>
        %parallel_loop3A_1028 = arith.shli %parallel_loop3A_1024, %parallel_loop3A_1027 : vector<16xi32>
        %parallel_loop3A_1029 = arith.addi %parallel_loop3A_1028, %parallel_loop3A_776 : vector<16xi32>
        tpu.vector_store_idx %arg8[%parallel_loop3A_1029], %parallel_loop3A_1025 : memref<16384xf32, #tpu.memory_space<vmem>>[vector<16xi32>], vector<16xf32>,
        %parallel_loop3A_1030 = arith.constant 23 : i32
        %parallel_loop3A_1031 = vector.broadcast %parallel_loop3A_1030 : i32 to vector<16xi32>
        %parallel_loop3A_1032 = arith.addi %iota3A, %parallel_loop3A_1031 : vector<16xi32>
        %parallel_loop3A_1033 = arith.constant 31 : i32
        %parallel_loop3A_1034 = vector.broadcast %parallel_loop3A_1033 : i32 to vector<16xi32>
        %parallel_loop3A_1035 = arith.andi %parallel_loop3A_1032, %parallel_loop3A_1034 : vector<16xi32>
        %parallel_loop3A_1036 = tpu.vector_load_idx %arg6[%parallel_loop3A_771, %parallel_loop3A_1035] : memref<512x32xf32, #tpu.memory_space<vmem>>[vector<16xi32>, vector<16xi32>], vector<16xf32>,
        %parallel_loop3A_1037 = arith.constant 7 : i32
        %parallel_loop3A_1038 = vector.broadcast %parallel_loop3A_1037 : i32 to vector<16xi32>
        %parallel_loop3A_1039 = arith.shli %parallel_loop3A_1035, %parallel_loop3A_1038 : vector<16xi32>
        %parallel_loop3A_1040 = arith.addi %parallel_loop3A_1039, %parallel_loop3A_776 : vector<16xi32>
        tpu.vector_store_idx %arg8[%parallel_loop3A_1040], %parallel_loop3A_1036 : memref<16384xf32, #tpu.memory_space<vmem>>[vector<16xi32>], vector<16xf32>,
        %parallel_loop3A_1041 = arith.constant 24 : i32
        %parallel_loop3A_1042 = vector.broadcast %parallel_loop3A_1041 : i32 to vector<16xi32>
        %parallel_loop3A_1043 = arith.addi %iota3A, %parallel_loop3A_1042 : vector<16xi32>
        %parallel_loop3A_1044 = arith.constant 31 : i32
        %parallel_loop3A_1045 = vector.broadcast %parallel_loop3A_1044 : i32 to vector<16xi32>
        %parallel_loop3A_1046 = arith.andi %parallel_loop3A_1043, %parallel_loop3A_1045 : vector<16xi32>
        %parallel_loop3A_1047 = tpu.vector_load_idx %arg6[%parallel_loop3A_771, %parallel_loop3A_1046] : memref<512x32xf32, #tpu.memory_space<vmem>>[vector<16xi32>, vector<16xi32>], vector<16xf32>,
        %parallel_loop3A_1048 = arith.constant 7 : i32
        %parallel_loop3A_1049 = vector.broadcast %parallel_loop3A_1048 : i32 to vector<16xi32>
        %parallel_loop3A_1050 = arith.shli %parallel_loop3A_1046, %parallel_loop3A_1049 : vector<16xi32>
        %parallel_loop3A_1051 = arith.addi %parallel_loop3A_1050, %parallel_loop3A_776 : vector<16xi32>
        tpu.vector_store_idx %arg8[%parallel_loop3A_1051], %parallel_loop3A_1047 : memref<16384xf32, #tpu.memory_space<vmem>>[vector<16xi32>], vector<16xf32>,
        %parallel_loop3A_1052 = arith.constant 25 : i32
        %parallel_loop3A_1053 = vector.broadcast %parallel_loop3A_1052 : i32 to vector<16xi32>
        %parallel_loop3A_1054 = arith.addi %iota3A, %parallel_loop3A_1053 : vector<16xi32>
        %parallel_loop3A_1055 = arith.constant 31 : i32
        %parallel_loop3A_1056 = vector.broadcast %parallel_loop3A_1055 : i32 to vector<16xi32>
        %parallel_loop3A_1057 = arith.andi %parallel_loop3A_1054, %parallel_loop3A_1056 : vector<16xi32>
        %parallel_loop3A_1058 = tpu.vector_load_idx %arg6[%parallel_loop3A_771, %parallel_loop3A_1057] : memref<512x32xf32, #tpu.memory_space<vmem>>[vector<16xi32>, vector<16xi32>], vector<16xf32>,
        %parallel_loop3A_1059 = arith.constant 7 : i32
        %parallel_loop3A_1060 = vector.broadcast %parallel_loop3A_1059 : i32 to vector<16xi32>
        %parallel_loop3A_1061 = arith.shli %parallel_loop3A_1057, %parallel_loop3A_1060 : vector<16xi32>
        %parallel_loop3A_1062 = arith.addi %parallel_loop3A_1061, %parallel_loop3A_776 : vector<16xi32>
        tpu.vector_store_idx %arg8[%parallel_loop3A_1062], %parallel_loop3A_1058 : memref<16384xf32, #tpu.memory_space<vmem>>[vector<16xi32>], vector<16xf32>,
        %parallel_loop3A_1063 = arith.constant 26 : i32
        %parallel_loop3A_1064 = vector.broadcast %parallel_loop3A_1063 : i32 to vector<16xi32>
        %parallel_loop3A_1065 = arith.addi %iota3A, %parallel_loop3A_1064 : vector<16xi32>
        %parallel_loop3A_1066 = arith.constant 31 : i32
        %parallel_loop3A_1067 = vector.broadcast %parallel_loop3A_1066 : i32 to vector<16xi32>
        %parallel_loop3A_1068 = arith.andi %parallel_loop3A_1065, %parallel_loop3A_1067 : vector<16xi32>
        %parallel_loop3A_1069 = tpu.vector_load_idx %arg6[%parallel_loop3A_771, %parallel_loop3A_1068] : memref<512x32xf32, #tpu.memory_space<vmem>>[vector<16xi32>, vector<16xi32>], vector<16xf32>,
        %parallel_loop3A_1070 = arith.constant 7 : i32
        %parallel_loop3A_1071 = vector.broadcast %parallel_loop3A_1070 : i32 to vector<16xi32>
        %parallel_loop3A_1072 = arith.shli %parallel_loop3A_1068, %parallel_loop3A_1071 : vector<16xi32>
        %parallel_loop3A_1073 = arith.addi %parallel_loop3A_1072, %parallel_loop3A_776 : vector<16xi32>
        tpu.vector_store_idx %arg8[%parallel_loop3A_1073], %parallel_loop3A_1069 : memref<16384xf32, #tpu.memory_space<vmem>>[vector<16xi32>], vector<16xf32>,
        %parallel_loop3A_1074 = arith.constant 27 : i32
        %parallel_loop3A_1075 = vector.broadcast %parallel_loop3A_1074 : i32 to vector<16xi32>
        %parallel_loop3A_1076 = arith.addi %iota3A, %parallel_loop3A_1075 : vector<16xi32>
        %parallel_loop3A_1077 = arith.constant 31 : i32
        %parallel_loop3A_1078 = vector.broadcast %parallel_loop3A_1077 : i32 to vector<16xi32>
        %parallel_loop3A_1079 = arith.andi %parallel_loop3A_1076, %parallel_loop3A_1078 : vector<16xi32>
        %parallel_loop3A_1080 = tpu.vector_load_idx %arg6[%parallel_loop3A_771, %parallel_loop3A_1079] : memref<512x32xf32, #tpu.memory_space<vmem>>[vector<16xi32>, vector<16xi32>], vector<16xf32>,
        %parallel_loop3A_1081 = arith.constant 7 : i32
        %parallel_loop3A_1082 = vector.broadcast %parallel_loop3A_1081 : i32 to vector<16xi32>
        %parallel_loop3A_1083 = arith.shli %parallel_loop3A_1079, %parallel_loop3A_1082 : vector<16xi32>
        %parallel_loop3A_1084 = arith.addi %parallel_loop3A_1083, %parallel_loop3A_776 : vector<16xi32>
        tpu.vector_store_idx %arg8[%parallel_loop3A_1084], %parallel_loop3A_1080 : memref<16384xf32, #tpu.memory_space<vmem>>[vector<16xi32>], vector<16xf32>,
        %parallel_loop3A_1085 = arith.constant 28 : i32
        %parallel_loop3A_1086 = vector.broadcast %parallel_loop3A_1085 : i32 to vector<16xi32>
        %parallel_loop3A_1087 = arith.addi %iota3A, %parallel_loop3A_1086 : vector<16xi32>
        %parallel_loop3A_1088 = arith.constant 31 : i32
        %parallel_loop3A_1089 = vector.broadcast %parallel_loop3A_1088 : i32 to vector<16xi32>
        %parallel_loop3A_1090 = arith.andi %parallel_loop3A_1087, %parallel_loop3A_1089 : vector<16xi32>
        %parallel_loop3A_1091 = tpu.vector_load_idx %arg6[%parallel_loop3A_771, %parallel_loop3A_1090] : memref<512x32xf32, #tpu.memory_space<vmem>>[vector<16xi32>, vector<16xi32>], vector<16xf32>,
        %parallel_loop3A_1092 = arith.constant 7 : i32
        %parallel_loop3A_1093 = vector.broadcast %parallel_loop3A_1092 : i32 to vector<16xi32>
        %parallel_loop3A_1094 = arith.shli %parallel_loop3A_1090, %parallel_loop3A_1093 : vector<16xi32>
        %parallel_loop3A_1095 = arith.addi %parallel_loop3A_1094, %parallel_loop3A_776 : vector<16xi32>
        tpu.vector_store_idx %arg8[%parallel_loop3A_1095], %parallel_loop3A_1091 : memref<16384xf32, #tpu.memory_space<vmem>>[vector<16xi32>], vector<16xf32>,
        %parallel_loop3A_1096 = arith.constant 29 : i32
        %parallel_loop3A_1097 = vector.broadcast %parallel_loop3A_1096 : i32 to vector<16xi32>
        %parallel_loop3A_1098 = arith.addi %iota3A, %parallel_loop3A_1097 : vector<16xi32>
        %parallel_loop3A_1099 = arith.constant 31 : i32
        %parallel_loop3A_1100 = vector.broadcast %parallel_loop3A_1099 : i32 to vector<16xi32>
        %parallel_loop3A_1101 = arith.andi %parallel_loop3A_1098, %parallel_loop3A_1100 : vector<16xi32>
        %parallel_loop3A_1102 = tpu.vector_load_idx %arg6[%parallel_loop3A_771, %parallel_loop3A_1101] : memref<512x32xf32, #tpu.memory_space<vmem>>[vector<16xi32>, vector<16xi32>], vector<16xf32>,
        %parallel_loop3A_1103 = arith.constant 7 : i32
        %parallel_loop3A_1104 = vector.broadcast %parallel_loop3A_1103 : i32 to vector<16xi32>
        %parallel_loop3A_1105 = arith.shli %parallel_loop3A_1101, %parallel_loop3A_1104 : vector<16xi32>
        %parallel_loop3A_1106 = arith.addi %parallel_loop3A_1105, %parallel_loop3A_776 : vector<16xi32>
        tpu.vector_store_idx %arg8[%parallel_loop3A_1106], %parallel_loop3A_1102 : memref<16384xf32, #tpu.memory_space<vmem>>[vector<16xi32>], vector<16xf32>,
        %parallel_loop3A_1107 = arith.constant 30 : i32
        %parallel_loop3A_1108 = vector.broadcast %parallel_loop3A_1107 : i32 to vector<16xi32>
        %parallel_loop3A_1109 = arith.addi %iota3A, %parallel_loop3A_1108 : vector<16xi32>
        %parallel_loop3A_1110 = arith.constant 31 : i32
        %parallel_loop3A_1111 = vector.broadcast %parallel_loop3A_1110 : i32 to vector<16xi32>
        %parallel_loop3A_1112 = arith.andi %parallel_loop3A_1109, %parallel_loop3A_1111 : vector<16xi32>
        %parallel_loop3A_1113 = tpu.vector_load_idx %arg6[%parallel_loop3A_771, %parallel_loop3A_1112] : memref<512x32xf32, #tpu.memory_space<vmem>>[vector<16xi32>, vector<16xi32>], vector<16xf32>,
        %parallel_loop3A_1114 = arith.constant 7 : i32
        %parallel_loop3A_1115 = vector.broadcast %parallel_loop3A_1114 : i32 to vector<16xi32>
        %parallel_loop3A_1116 = arith.shli %parallel_loop3A_1112, %parallel_loop3A_1115 : vector<16xi32>
        %parallel_loop3A_1117 = arith.addi %parallel_loop3A_1116, %parallel_loop3A_776 : vector<16xi32>
        tpu.vector_store_idx %arg8[%parallel_loop3A_1117], %parallel_loop3A_1113 : memref<16384xf32, #tpu.memory_space<vmem>>[vector<16xi32>], vector<16xf32>,
        %parallel_loop3A_1118 = arith.constant 31 : i32
        %parallel_loop3A_1119 = vector.broadcast %parallel_loop3A_1118 : i32 to vector<16xi32>
        %parallel_loop3A_1120 = arith.addi %iota3A, %parallel_loop3A_1119 : vector<16xi32>
        %parallel_loop3A_1121 = arith.constant 31 : i32
        %parallel_loop3A_1122 = vector.broadcast %parallel_loop3A_1121 : i32 to vector<16xi32>
        %parallel_loop3A_1123 = arith.andi %parallel_loop3A_1120, %parallel_loop3A_1122 : vector<16xi32>
        %parallel_loop3A_1124 = tpu.vector_load_idx %arg6[%parallel_loop3A_771, %parallel_loop3A_1123] : memref<512x32xf32, #tpu.memory_space<vmem>>[vector<16xi32>, vector<16xi32>], vector<16xf32>,
        %parallel_loop3A_1125 = arith.constant 7 : i32
        %parallel_loop3A_1126 = vector.broadcast %parallel_loop3A_1125 : i32 to vector<16xi32>
        %parallel_loop3A_1127 = arith.shli %parallel_loop3A_1123, %parallel_loop3A_1126 : vector<16xi32>
        %parallel_loop3A_1128 = arith.addi %parallel_loop3A_1127, %parallel_loop3A_776 : vector<16xi32>
        tpu.vector_store_idx %arg8[%parallel_loop3A_1128], %parallel_loop3A_1124 : memref<16384xf32, #tpu.memory_space<vmem>>[vector<16xi32>], vector<16xf32>,
      } {sc.loop_unroll_factor = 2 : i64, sc.parallel_access}
      %mul3A_113 = arith.constant 4 : i32
      %mul3A_114 = arith.muli %mul3A_100, %mul3A_113 : i32
      %add3A_115 = arith.constant 0 : i32
      %add3A_116 = arith.addi %mul3A_114, %add3A_115 : i32
      %dma_start3A_117 = arith.constant 0 : i32
      %dma_start3A_118 = arith.constant 0 : i32
      %dma_start3A_119 = tpu.memref_slice %arg8[%dma_start3A_118] : memref<16384xf32, #tpu.memory_space<vmem>> -> memref<1024xf32, #tpu.memory_space<vmem>>
      %dma_start3A_120 = arith.constant 0 : i32
      %dma_start3A_121 = tpu.memref_slice %arg4[%add3A_116, %dma_start3A_117, %add3A, %dma_start3A_120] : memref<200x4x32x1024xf32, #tpu.memory_space<hbm>> -> memref<1x1x1x1024xf32, #tpu.memory_space<hbm>>
      %dma_start3A_122 = tpu.memref_squeeze %dma_start3A_121 : memref<1x1x1x1024xf32, #tpu.memory_space<hbm>> -> memref<1024xf32, #tpu.memory_space<hbm>>
      %dma_start3A_123 = arith.constant 0 : i32
      %dma_start3A_124 = tpu.memref_slice %arg4[%add3A_116, %dma_start3A_117, %add3A, %dma_start3A_123] : memref<200x4x32x1024xf32, #tpu.memory_space<hbm>> -> memref<1x1x1x1024xf32, #tpu.memory_space<hbm>>
      %dma_start3A_125 = tpu.memref_squeeze %dma_start3A_124 : memref<1x1x1x1024xf32, #tpu.memory_space<hbm>> -> memref<1024xf32, #tpu.memory_space<hbm>>
      %dma_start3A_126 = arith.constant 0 : i32
      %dma_start3A_127 = tpu.memref_slice %arg8[%dma_start3A_126] : memref<16384xf32, #tpu.memory_space<vmem>> -> memref<1024xf32, #tpu.memory_space<vmem>>
      tpu.enqueue_dma source(%dma_start3A_127 : memref<1024xf32, #tpu.memory_space<vmem>>) target(%dma_start3A_125 : memref<1024xf32, #tpu.memory_space<hbm>>) target_semaphore(%arg12 : memref<!tpu.dma_semaphore, #tpu.memory_space<semaphore_mem>>)
      %mul3A_128 = arith.constant 4 : i32
      %mul3A_129 = arith.muli %mul3A_100, %mul3A_128 : i32
      %add3A_130 = arith.constant 0 : i32
      %add3A_131 = arith.addi %mul3A_129, %add3A_130 : i32
      %dma_start3A_132 = arith.constant 1 : i32
      %dma_start3A_133 = arith.constant 1024 : i32
      %dma_start3A_134 = tpu.memref_slice %arg8[%dma_start3A_133] : memref<16384xf32, #tpu.memory_space<vmem>> -> memref<1024xf32, #tpu.memory_space<vmem>>
      %dma_start3A_135 = arith.constant 0 : i32
      %dma_start3A_136 = tpu.memref_slice %arg4[%add3A_131, %dma_start3A_132, %add3A, %dma_start3A_135] : memref<200x4x32x1024xf32, #tpu.memory_space<hbm>> -> memref<1x1x1x1024xf32, #tpu.memory_space<hbm>>
      %dma_start3A_137 = tpu.memref_squeeze %dma_start3A_136 : memref<1x1x1x1024xf32, #tpu.memory_space<hbm>> -> memref<1024xf32, #tpu.memory_space<hbm>>
      %dma_start3A_138 = arith.constant 0 : i32
      %dma_start3A_139 = tpu.memref_slice %arg4[%add3A_131, %dma_start3A_132, %add3A, %dma_start3A_138] : memref<200x4x32x1024xf32, #tpu.memory_space<hbm>> -> memref<1x1x1x1024xf32, #tpu.memory_space<hbm>>
      %dma_start3A_140 = tpu.memref_squeeze %dma_start3A_139 : memref<1x1x1x1024xf32, #tpu.memory_space<hbm>> -> memref<1024xf32, #tpu.memory_space<hbm>>
      %dma_start3A_141 = arith.constant 1024 : i32
      %dma_start3A_142 = tpu.memref_slice %arg8[%dma_start3A_141] : memref<16384xf32, #tpu.memory_space<vmem>> -> memref<1024xf32, #tpu.memory_space<vmem>>
      tpu.enqueue_dma source(%dma_start3A_142 : memref<1024xf32, #tpu.memory_space<vmem>>) target(%dma_start3A_140 : memref<1024xf32, #tpu.memory_space<hbm>>) target_semaphore(%arg12 : memref<!tpu.dma_semaphore, #tpu.memory_space<semaphore_mem>>)
      %mul3A_143 = arith.constant 4 : i32
      %mul3A_144 = arith.muli %mul3A_100, %mul3A_143 : i32
      %add3A_145 = arith.constant 0 : i32
      %add3A_146 = arith.addi %mul3A_144, %add3A_145 : i32
      %dma_start3A_147 = arith.constant 2 : i32
      %dma_start3A_148 = arith.constant 2048 : i32
      %dma_start3A_149 = tpu.memref_slice %arg8[%dma_start3A_148] : memref<16384xf32, #tpu.memory_space<vmem>> -> memref<1024xf32, #tpu.memory_space<vmem>>
      %dma_start3A_150 = arith.constant 0 : i32
      %dma_start3A_151 = tpu.memref_slice %arg4[%add3A_146, %dma_start3A_147, %add3A, %dma_start3A_150] : memref<200x4x32x1024xf32, #tpu.memory_space<hbm>> -> memref<1x1x1x1024xf32, #tpu.memory_space<hbm>>
      %dma_start3A_152 = tpu.memref_squeeze %dma_start3A_151 : memref<1x1x1x1024xf32, #tpu.memory_space<hbm>> -> memref<1024xf32, #tpu.memory_space<hbm>>
      %dma_start3A_153 = arith.constant 0 : i32
      %dma_start3A_154 = tpu.memref_slice %arg4[%add3A_146, %dma_start3A_147, %add3A, %dma_start3A_153] : memref<200x4x32x1024xf32, #tpu.memory_space<hbm>> -> memref<1x1x1x1024xf32, #tpu.memory_space<hbm>>
      %dma_start3A_155 = tpu.memref_squeeze %dma_start3A_154 : memref<1x1x1x1024xf32, #tpu.memory_space<hbm>> -> memref<1024xf32, #tpu.memory_space<hbm>>
      %dma_start3A_156 = arith.constant 2048 : i32
      %dma_start3A_157 = tpu.memref_slice %arg8[%dma_start3A_156] : memref<16384xf32, #tpu.memory_space<vmem>> -> memref<1024xf32, #tpu.memory_space<vmem>>
      tpu.enqueue_dma source(%dma_start3A_157 : memref<1024xf32, #tpu.memory_space<vmem>>) target(%dma_start3A_155 : memref<1024xf32, #tpu.memory_space<hbm>>) target_semaphore(%arg12 : memref<!tpu.dma_semaphore, #tpu.memory_space<semaphore_mem>>)
      %mul3A_158 = arith.constant 4 : i32
      %mul3A_159 = arith.muli %mul3A_100, %mul3A_158 : i32
      %add3A_160 = arith.constant 0 : i32
      %add3A_161 = arith.addi %mul3A_159, %add3A_160 : i32
      %dma_start3A_162 = arith.constant 3 : i32
      %dma_start3A_163 = arith.constant 3072 : i32
      %dma_start3A_164 = tpu.memref_slice %arg8[%dma_start3A_163] : memref<16384xf32, #tpu.memory_space<vmem>> -> memref<1024xf32, #tpu.memory_space<vmem>>
      %dma_start3A_165 = arith.constant 0 : i32
      %dma_start3A_166 = tpu.memref_slice %arg4[%add3A_161, %dma_start3A_162, %add3A, %dma_start3A_165] : memref<200x4x32x1024xf32, #tpu.memory_space<hbm>> -> memref<1x1x1x1024xf32, #tpu.memory_space<hbm>>
      %dma_start3A_167 = tpu.memref_squeeze %dma_start3A_166 : memref<1x1x1x1024xf32, #tpu.memory_space<hbm>> -> memref<1024xf32, #tpu.memory_space<hbm>>
      %dma_start3A_168 = arith.constant 0 : i32
      %dma_start3A_169 = tpu.memref_slice %arg4[%add3A_161, %dma_start3A_162, %add3A, %dma_start3A_168] : memref<200x4x32x1024xf32, #tpu.memory_space<hbm>> -> memref<1x1x1x1024xf32, #tpu.memory_space<hbm>>
      %dma_start3A_170 = tpu.memref_squeeze %dma_start3A_169 : memref<1x1x1x1024xf32, #tpu.memory_space<hbm>> -> memref<1024xf32, #tpu.memory_space<hbm>>
      %dma_start3A_171 = arith.constant 3072 : i32
      %dma_start3A_172 = tpu.memref_slice %arg8[%dma_start3A_171] : memref<16384xf32, #tpu.memory_space<vmem>> -> memref<1024xf32, #tpu.memory_space<vmem>>
      tpu.enqueue_dma source(%dma_start3A_172 : memref<1024xf32, #tpu.memory_space<vmem>>) target(%dma_start3A_170 : memref<1024xf32, #tpu.memory_space<hbm>>) target_semaphore(%arg12 : memref<!tpu.dma_semaphore, #tpu.memory_space<semaphore_mem>>)
      %mul3A_173 = arith.constant 4 : i32
      %mul3A_174 = arith.muli %mul3A_100, %mul3A_173 : i32
      %add3A_175 = arith.constant 1 : i32
      %add3A_176 = arith.addi %mul3A_174, %add3A_175 : i32
      %dma_start3A_177 = arith.constant 0 : i32
      %dma_start3A_178 = arith.constant 4096 : i32
      %dma_start3A_179 = tpu.memref_slice %arg8[%dma_start3A_178] : memref<16384xf32, #tpu.memory_space<vmem>> -> memref<1024xf32, #tpu.memory_space<vmem>>
      %dma_start3A_180 = arith.constant 0 : i32
      %dma_start3A_181 = tpu.memref_slice %arg4[%add3A_176, %dma_start3A_177, %add3A, %dma_start3A_180] : memref<200x4x32x1024xf32, #tpu.memory_space<hbm>> -> memref<1x1x1x1024xf32, #tpu.memory_space<hbm>>
      %dma_start3A_182 = tpu.memref_squeeze %dma_start3A_181 : memref<1x1x1x1024xf32, #tpu.memory_space<hbm>> -> memref<1024xf32, #tpu.memory_space<hbm>>
      %dma_start3A_183 = arith.constant 0 : i32
      %dma_start3A_184 = tpu.memref_slice %arg4[%add3A_176, %dma_start3A_177, %add3A, %dma_start3A_183] : memref<200x4x32x1024xf32, #tpu.memory_space<hbm>> -> memref<1x1x1x1024xf32, #tpu.memory_space<hbm>>
      %dma_start3A_185 = tpu.memref_squeeze %dma_start3A_184 : memref<1x1x1x1024xf32, #tpu.memory_space<hbm>> -> memref<1024xf32, #tpu.memory_space<hbm>>
      %dma_start3A_186 = arith.constant 4096 : i32
      %dma_start3A_187 = tpu.memref_slice %arg8[%dma_start3A_186] : memref<16384xf32, #tpu.memory_space<vmem>> -> memref<1024xf32, #tpu.memory_space<vmem>>
      tpu.enqueue_dma source(%dma_start3A_187 : memref<1024xf32, #tpu.memory_space<vmem>>) target(%dma_start3A_185 : memref<1024xf32, #tpu.memory_space<hbm>>) target_semaphore(%arg12 : memref<!tpu.dma_semaphore, #tpu.memory_space<semaphore_mem>>)
      %mul3A_188 = arith.constant 4 : i32
      %mul3A_189 = arith.muli %mul3A_100, %mul3A_188 : i32
      %add3A_190 = arith.constant 1 : i32
      %add3A_191 = arith.addi %mul3A_189, %add3A_190 : i32
      %dma_start3A_192 = arith.constant 1 : i32
      %dma_start3A_193 = arith.constant 5120 : i32
      %dma_start3A_194 = tpu.memref_slice %arg8[%dma_start3A_193] : memref<16384xf32, #tpu.memory_space<vmem>> -> memref<1024xf32, #tpu.memory_space<vmem>>
      %dma_start3A_195 = arith.constant 0 : i32
      %dma_start3A_196 = tpu.memref_slice %arg4[%add3A_191, %dma_start3A_192, %add3A, %dma_start3A_195] : memref<200x4x32x1024xf32, #tpu.memory_space<hbm>> -> memref<1x1x1x1024xf32, #tpu.memory_space<hbm>>
      %dma_start3A_197 = tpu.memref_squeeze %dma_start3A_196 : memref<1x1x1x1024xf32, #tpu.memory_space<hbm>> -> memref<1024xf32, #tpu.memory_space<hbm>>
      %dma_start3A_198 = arith.constant 0 : i32
      %dma_start3A_199 = tpu.memref_slice %arg4[%add3A_191, %dma_start3A_192, %add3A, %dma_start3A_198] : memref<200x4x32x1024xf32, #tpu.memory_space<hbm>> -> memref<1x1x1x1024xf32, #tpu.memory_space<hbm>>
      %dma_start3A_200 = tpu.memref_squeeze %dma_start3A_199 : memref<1x1x1x1024xf32, #tpu.memory_space<hbm>> -> memref<1024xf32, #tpu.memory_space<hbm>>
      %dma_start3A_201 = arith.constant 5120 : i32
      %dma_start3A_202 = tpu.memref_slice %arg8[%dma_start3A_201] : memref<16384xf32, #tpu.memory_space<vmem>> -> memref<1024xf32, #tpu.memory_space<vmem>>
      tpu.enqueue_dma source(%dma_start3A_202 : memref<1024xf32, #tpu.memory_space<vmem>>) target(%dma_start3A_200 : memref<1024xf32, #tpu.memory_space<hbm>>) target_semaphore(%arg12 : memref<!tpu.dma_semaphore, #tpu.memory_space<semaphore_mem>>)
      %mul3A_203 = arith.constant 4 : i32
      %mul3A_204 = arith.muli %mul3A_100, %mul3A_203 : i32
      %add3A_205 = arith.constant 1 : i32
      %add3A_206 = arith.addi %mul3A_204, %add3A_205 : i32
      %dma_start3A_207 = arith.constant 2 : i32
      %dma_start3A_208 = arith.constant 6144 : i32
      %dma_start3A_209 = tpu.memref_slice %arg8[%dma_start3A_208] : memref<16384xf32, #tpu.memory_space<vmem>> -> memref<1024xf32, #tpu.memory_space<vmem>>
      %dma_start3A_210 = arith.constant 0 : i32
      %dma_start3A_211 = tpu.memref_slice %arg4[%add3A_206, %dma_start3A_207, %add3A, %dma_start3A_210] : memref<200x4x32x1024xf32, #tpu.memory_space<hbm>> -> memref<1x1x1x1024xf32, #tpu.memory_space<hbm>>
      %dma_start3A_212 = tpu.memref_squeeze %dma_start3A_211 : memref<1x1x1x1024xf32, #tpu.memory_space<hbm>> -> memref<1024xf32, #tpu.memory_space<hbm>>
      %dma_start3A_213 = arith.constant 0 : i32
      %dma_start3A_214 = tpu.memref_slice %arg4[%add3A_206, %dma_start3A_207, %add3A, %dma_start3A_213] : memref<200x4x32x1024xf32, #tpu.memory_space<hbm>> -> memref<1x1x1x1024xf32, #tpu.memory_space<hbm>>
      %dma_start3A_215 = tpu.memref_squeeze %dma_start3A_214 : memref<1x1x1x1024xf32, #tpu.memory_space<hbm>> -> memref<1024xf32, #tpu.memory_space<hbm>>
      %dma_start3A_216 = arith.constant 6144 : i32
      %dma_start3A_217 = tpu.memref_slice %arg8[%dma_start3A_216] : memref<16384xf32, #tpu.memory_space<vmem>> -> memref<1024xf32, #tpu.memory_space<vmem>>
      tpu.enqueue_dma source(%dma_start3A_217 : memref<1024xf32, #tpu.memory_space<vmem>>) target(%dma_start3A_215 : memref<1024xf32, #tpu.memory_space<hbm>>) target_semaphore(%arg12 : memref<!tpu.dma_semaphore, #tpu.memory_space<semaphore_mem>>)
      %mul3A_218 = arith.constant 4 : i32
      %mul3A_219 = arith.muli %mul3A_100, %mul3A_218 : i32
      %add3A_220 = arith.constant 1 : i32
      %add3A_221 = arith.addi %mul3A_219, %add3A_220 : i32
      %dma_start3A_222 = arith.constant 3 : i32
      %dma_start3A_223 = arith.constant 7168 : i32
      %dma_start3A_224 = tpu.memref_slice %arg8[%dma_start3A_223] : memref<16384xf32, #tpu.memory_space<vmem>> -> memref<1024xf32, #tpu.memory_space<vmem>>
      %dma_start3A_225 = arith.constant 0 : i32
      %dma_start3A_226 = tpu.memref_slice %arg4[%add3A_221, %dma_start3A_222, %add3A, %dma_start3A_225] : memref<200x4x32x1024xf32, #tpu.memory_space<hbm>> -> memref<1x1x1x1024xf32, #tpu.memory_space<hbm>>
      %dma_start3A_227 = tpu.memref_squeeze %dma_start3A_226 : memref<1x1x1x1024xf32, #tpu.memory_space<hbm>> -> memref<1024xf32, #tpu.memory_space<hbm>>
      %dma_start3A_228 = arith.constant 0 : i32
      %dma_start3A_229 = tpu.memref_slice %arg4[%add3A_221, %dma_start3A_222, %add3A, %dma_start3A_228] : memref<200x4x32x1024xf32, #tpu.memory_space<hbm>> -> memref<1x1x1x1024xf32, #tpu.memory_space<hbm>>
      %dma_start3A_230 = tpu.memref_squeeze %dma_start3A_229 : memref<1x1x1x1024xf32, #tpu.memory_space<hbm>> -> memref<1024xf32, #tpu.memory_space<hbm>>
      %dma_start3A_231 = arith.constant 7168 : i32
      %dma_start3A_232 = tpu.memref_slice %arg8[%dma_start3A_231] : memref<16384xf32, #tpu.memory_space<vmem>> -> memref<1024xf32, #tpu.memory_space<vmem>>
      tpu.enqueue_dma source(%dma_start3A_232 : memref<1024xf32, #tpu.memory_space<vmem>>) target(%dma_start3A_230 : memref<1024xf32, #tpu.memory_space<hbm>>) target_semaphore(%arg12 : memref<!tpu.dma_semaphore, #tpu.memory_space<semaphore_mem>>)
      %mul3A_233 = arith.constant 4 : i32
      %mul3A_234 = arith.muli %mul3A_100, %mul3A_233 : i32
      %add3A_235 = arith.constant 2 : i32
      %add3A_236 = arith.addi %mul3A_234, %add3A_235 : i32
      %dma_start3A_237 = arith.constant 0 : i32
      %dma_start3A_238 = arith.constant 8192 : i32
      %dma_start3A_239 = tpu.memref_slice %arg8[%dma_start3A_238] : memref<16384xf32, #tpu.memory_space<vmem>> -> memref<1024xf32, #tpu.memory_space<vmem>>
      %dma_start3A_240 = arith.constant 0 : i32
      %dma_start3A_241 = tpu.memref_slice %arg4[%add3A_236, %dma_start3A_237, %add3A, %dma_start3A_240] : memref<200x4x32x1024xf32, #tpu.memory_space<hbm>> -> memref<1x1x1x1024xf32, #tpu.memory_space<hbm>>
      %dma_start3A_242 = tpu.memref_squeeze %dma_start3A_241 : memref<1x1x1x1024xf32, #tpu.memory_space<hbm>> -> memref<1024xf32, #tpu.memory_space<hbm>>
      %dma_start3A_243 = arith.constant 0 : i32
      %dma_start3A_244 = tpu.memref_slice %arg4[%add3A_236, %dma_start3A_237, %add3A, %dma_start3A_243] : memref<200x4x32x1024xf32, #tpu.memory_space<hbm>> -> memref<1x1x1x1024xf32, #tpu.memory_space<hbm>>
      %dma_start3A_245 = tpu.memref_squeeze %dma_start3A_244 : memref<1x1x1x1024xf32, #tpu.memory_space<hbm>> -> memref<1024xf32, #tpu.memory_space<hbm>>
      %dma_start3A_246 = arith.constant 8192 : i32
      %dma_start3A_247 = tpu.memref_slice %arg8[%dma_start3A_246] : memref<16384xf32, #tpu.memory_space<vmem>> -> memref<1024xf32, #tpu.memory_space<vmem>>
      tpu.enqueue_dma source(%dma_start3A_247 : memref<1024xf32, #tpu.memory_space<vmem>>) target(%dma_start3A_245 : memref<1024xf32, #tpu.memory_space<hbm>>) target_semaphore(%arg12 : memref<!tpu.dma_semaphore, #tpu.memory_space<semaphore_mem>>)
      %mul3A_248 = arith.constant 4 : i32
      %mul3A_249 = arith.muli %mul3A_100, %mul3A_248 : i32
      %add3A_250 = arith.constant 2 : i32
      %add3A_251 = arith.addi %mul3A_249, %add3A_250 : i32
      %dma_start3A_252 = arith.constant 1 : i32
      %dma_start3A_253 = arith.constant 9216 : i32
      %dma_start3A_254 = tpu.memref_slice %arg8[%dma_start3A_253] : memref<16384xf32, #tpu.memory_space<vmem>> -> memref<1024xf32, #tpu.memory_space<vmem>>
      %dma_start3A_255 = arith.constant 0 : i32
      %dma_start3A_256 = tpu.memref_slice %arg4[%add3A_251, %dma_start3A_252, %add3A, %dma_start3A_255] : memref<200x4x32x1024xf32, #tpu.memory_space<hbm>> -> memref<1x1x1x1024xf32, #tpu.memory_space<hbm>>
      %dma_start3A_257 = tpu.memref_squeeze %dma_start3A_256 : memref<1x1x1x1024xf32, #tpu.memory_space<hbm>> -> memref<1024xf32, #tpu.memory_space<hbm>>
      %dma_start3A_258 = arith.constant 0 : i32
      %dma_start3A_259 = tpu.memref_slice %arg4[%add3A_251, %dma_start3A_252, %add3A, %dma_start3A_258] : memref<200x4x32x1024xf32, #tpu.memory_space<hbm>> -> memref<1x1x1x1024xf32, #tpu.memory_space<hbm>>
      %dma_start3A_260 = tpu.memref_squeeze %dma_start3A_259 : memref<1x1x1x1024xf32, #tpu.memory_space<hbm>> -> memref<1024xf32, #tpu.memory_space<hbm>>
      %dma_start3A_261 = arith.constant 9216 : i32
      %dma_start3A_262 = tpu.memref_slice %arg8[%dma_start3A_261] : memref<16384xf32, #tpu.memory_space<vmem>> -> memref<1024xf32, #tpu.memory_space<vmem>>
      tpu.enqueue_dma source(%dma_start3A_262 : memref<1024xf32, #tpu.memory_space<vmem>>) target(%dma_start3A_260 : memref<1024xf32, #tpu.memory_space<hbm>>) target_semaphore(%arg12 : memref<!tpu.dma_semaphore, #tpu.memory_space<semaphore_mem>>)
      %mul3A_263 = arith.constant 4 : i32
      %mul3A_264 = arith.muli %mul3A_100, %mul3A_263 : i32
      %add3A_265 = arith.constant 2 : i32
      %add3A_266 = arith.addi %mul3A_264, %add3A_265 : i32
      %dma_start3A_267 = arith.constant 2 : i32
      %dma_start3A_268 = arith.constant 10240 : i32
      %dma_start3A_269 = tpu.memref_slice %arg8[%dma_start3A_268] : memref<16384xf32, #tpu.memory_space<vmem>> -> memref<1024xf32, #tpu.memory_space<vmem>>
      %dma_start3A_270 = arith.constant 0 : i32
      %dma_start3A_271 = tpu.memref_slice %arg4[%add3A_266, %dma_start3A_267, %add3A, %dma_start3A_270] : memref<200x4x32x1024xf32, #tpu.memory_space<hbm>> -> memref<1x1x1x1024xf32, #tpu.memory_space<hbm>>
      %dma_start3A_272 = tpu.memref_squeeze %dma_start3A_271 : memref<1x1x1x1024xf32, #tpu.memory_space<hbm>> -> memref<1024xf32, #tpu.memory_space<hbm>>
      %dma_start3A_273 = arith.constant 0 : i32
      %dma_start3A_274 = tpu.memref_slice %arg4[%add3A_266, %dma_start3A_267, %add3A, %dma_start3A_273] : memref<200x4x32x1024xf32, #tpu.memory_space<hbm>> -> memref<1x1x1x1024xf32, #tpu.memory_space<hbm>>
      %dma_start3A_275 = tpu.memref_squeeze %dma_start3A_274 : memref<1x1x1x1024xf32, #tpu.memory_space<hbm>> -> memref<1024xf32, #tpu.memory_space<hbm>>
      %dma_start3A_276 = arith.constant 10240 : i32
      %dma_start3A_277 = tpu.memref_slice %arg8[%dma_start3A_276] : memref<16384xf32, #tpu.memory_space<vmem>> -> memref<1024xf32, #tpu.memory_space<vmem>>
      tpu.enqueue_dma source(%dma_start3A_277 : memref<1024xf32, #tpu.memory_space<vmem>>) target(%dma_start3A_275 : memref<1024xf32, #tpu.memory_space<hbm>>) target_semaphore(%arg12 : memref<!tpu.dma_semaphore, #tpu.memory_space<semaphore_mem>>)
      %mul3A_278 = arith.constant 4 : i32
      %mul3A_279 = arith.muli %mul3A_100, %mul3A_278 : i32
      %add3A_280 = arith.constant 2 : i32
      %add3A_281 = arith.addi %mul3A_279, %add3A_280 : i32
      %dma_start3A_282 = arith.constant 3 : i32
      %dma_start3A_283 = arith.constant 11264 : i32
      %dma_start3A_284 = tpu.memref_slice %arg8[%dma_start3A_283] : memref<16384xf32, #tpu.memory_space<vmem>> -> memref<1024xf32, #tpu.memory_space<vmem>>
      %dma_start3A_285 = arith.constant 0 : i32
      %dma_start3A_286 = tpu.memref_slice %arg4[%add3A_281, %dma_start3A_282, %add3A, %dma_start3A_285] : memref<200x4x32x1024xf32, #tpu.memory_space<hbm>> -> memref<1x1x1x1024xf32, #tpu.memory_space<hbm>>
      %dma_start3A_287 = tpu.memref_squeeze %dma_start3A_286 : memref<1x1x1x1024xf32, #tpu.memory_space<hbm>> -> memref<1024xf32, #tpu.memory_space<hbm>>
      %dma_start3A_288 = arith.constant 0 : i32
      %dma_start3A_289 = tpu.memref_slice %arg4[%add3A_281, %dma_start3A_282, %add3A, %dma_start3A_288] : memref<200x4x32x1024xf32, #tpu.memory_space<hbm>> -> memref<1x1x1x1024xf32, #tpu.memory_space<hbm>>
      %dma_start3A_290 = tpu.memref_squeeze %dma_start3A_289 : memref<1x1x1x1024xf32, #tpu.memory_space<hbm>> -> memref<1024xf32, #tpu.memory_space<hbm>>
      %dma_start3A_291 = arith.constant 11264 : i32
      %dma_start3A_292 = tpu.memref_slice %arg8[%dma_start3A_291] : memref<16384xf32, #tpu.memory_space<vmem>> -> memref<1024xf32, #tpu.memory_space<vmem>>
      tpu.enqueue_dma source(%dma_start3A_292 : memref<1024xf32, #tpu.memory_space<vmem>>) target(%dma_start3A_290 : memref<1024xf32, #tpu.memory_space<hbm>>) target_semaphore(%arg12 : memref<!tpu.dma_semaphore, #tpu.memory_space<semaphore_mem>>)
      %mul3A_293 = arith.constant 4 : i32
      %mul3A_294 = arith.muli %mul3A_100, %mul3A_293 : i32
      %add3A_295 = arith.constant 3 : i32
      %add3A_296 = arith.addi %mul3A_294, %add3A_295 : i32
      %dma_start3A_297 = arith.constant 0 : i32
      %dma_start3A_298 = arith.constant 12288 : i32
      %dma_start3A_299 = tpu.memref_slice %arg8[%dma_start3A_298] : memref<16384xf32, #tpu.memory_space<vmem>> -> memref<1024xf32, #tpu.memory_space<vmem>>
      %dma_start3A_300 = arith.constant 0 : i32
      %dma_start3A_301 = tpu.memref_slice %arg4[%add3A_296, %dma_start3A_297, %add3A, %dma_start3A_300] : memref<200x4x32x1024xf32, #tpu.memory_space<hbm>> -> memref<1x1x1x1024xf32, #tpu.memory_space<hbm>>
      %dma_start3A_302 = tpu.memref_squeeze %dma_start3A_301 : memref<1x1x1x1024xf32, #tpu.memory_space<hbm>> -> memref<1024xf32, #tpu.memory_space<hbm>>
      %dma_start3A_303 = arith.constant 0 : i32
      %dma_start3A_304 = tpu.memref_slice %arg4[%add3A_296, %dma_start3A_297, %add3A, %dma_start3A_303] : memref<200x4x32x1024xf32, #tpu.memory_space<hbm>> -> memref<1x1x1x1024xf32, #tpu.memory_space<hbm>>
      %dma_start3A_305 = tpu.memref_squeeze %dma_start3A_304 : memref<1x1x1x1024xf32, #tpu.memory_space<hbm>> -> memref<1024xf32, #tpu.memory_space<hbm>>
      %dma_start3A_306 = arith.constant 12288 : i32
      %dma_start3A_307 = tpu.memref_slice %arg8[%dma_start3A_306] : memref<16384xf32, #tpu.memory_space<vmem>> -> memref<1024xf32, #tpu.memory_space<vmem>>
      tpu.enqueue_dma source(%dma_start3A_307 : memref<1024xf32, #tpu.memory_space<vmem>>) target(%dma_start3A_305 : memref<1024xf32, #tpu.memory_space<hbm>>) target_semaphore(%arg12 : memref<!tpu.dma_semaphore, #tpu.memory_space<semaphore_mem>>)
      %mul3A_308 = arith.constant 4 : i32
      %mul3A_309 = arith.muli %mul3A_100, %mul3A_308 : i32
      %add3A_310 = arith.constant 3 : i32
      %add3A_311 = arith.addi %mul3A_309, %add3A_310 : i32
      %dma_start3A_312 = arith.constant 1 : i32
      %dma_start3A_313 = arith.constant 13312 : i32
      %dma_start3A_314 = tpu.memref_slice %arg8[%dma_start3A_313] : memref<16384xf32, #tpu.memory_space<vmem>> -> memref<1024xf32, #tpu.memory_space<vmem>>
      %dma_start3A_315 = arith.constant 0 : i32
      %dma_start3A_316 = tpu.memref_slice %arg4[%add3A_311, %dma_start3A_312, %add3A, %dma_start3A_315] : memref<200x4x32x1024xf32, #tpu.memory_space<hbm>> -> memref<1x1x1x1024xf32, #tpu.memory_space<hbm>>
      %dma_start3A_317 = tpu.memref_squeeze %dma_start3A_316 : memref<1x1x1x1024xf32, #tpu.memory_space<hbm>> -> memref<1024xf32, #tpu.memory_space<hbm>>
      %dma_start3A_318 = arith.constant 0 : i32
      %dma_start3A_319 = tpu.memref_slice %arg4[%add3A_311, %dma_start3A_312, %add3A, %dma_start3A_318] : memref<200x4x32x1024xf32, #tpu.memory_space<hbm>> -> memref<1x1x1x1024xf32, #tpu.memory_space<hbm>>
      %dma_start3A_320 = tpu.memref_squeeze %dma_start3A_319 : memref<1x1x1x1024xf32, #tpu.memory_space<hbm>> -> memref<1024xf32, #tpu.memory_space<hbm>>
      %dma_start3A_321 = arith.constant 13312 : i32
      %dma_start3A_322 = tpu.memref_slice %arg8[%dma_start3A_321] : memref<16384xf32, #tpu.memory_space<vmem>> -> memref<1024xf32, #tpu.memory_space<vmem>>
      tpu.enqueue_dma source(%dma_start3A_322 : memref<1024xf32, #tpu.memory_space<vmem>>) target(%dma_start3A_320 : memref<1024xf32, #tpu.memory_space<hbm>>) target_semaphore(%arg12 : memref<!tpu.dma_semaphore, #tpu.memory_space<semaphore_mem>>)
      %mul3A_323 = arith.constant 4 : i32
      %mul3A_324 = arith.muli %mul3A_100, %mul3A_323 : i32
      %add3A_325 = arith.constant 3 : i32
      %add3A_326 = arith.addi %mul3A_324, %add3A_325 : i32
      %dma_start3A_327 = arith.constant 2 : i32
      %dma_start3A_328 = arith.constant 14336 : i32
      %dma_start3A_329 = tpu.memref_slice %arg8[%dma_start3A_328] : memref<16384xf32, #tpu.memory_space<vmem>> -> memref<1024xf32, #tpu.memory_space<vmem>>
      %dma_start3A_330 = arith.constant 0 : i32
      %dma_start3A_331 = tpu.memref_slice %arg4[%add3A_326, %dma_start3A_327, %add3A, %dma_start3A_330] : memref<200x4x32x1024xf32, #tpu.memory_space<hbm>> -> memref<1x1x1x1024xf32, #tpu.memory_space<hbm>>
      %dma_start3A_332 = tpu.memref_squeeze %dma_start3A_331 : memref<1x1x1x1024xf32, #tpu.memory_space<hbm>> -> memref<1024xf32, #tpu.memory_space<hbm>>
      %dma_start3A_333 = arith.constant 0 : i32
      %dma_start3A_334 = tpu.memref_slice %arg4[%add3A_326, %dma_start3A_327, %add3A, %dma_start3A_333] : memref<200x4x32x1024xf32, #tpu.memory_space<hbm>> -> memref<1x1x1x1024xf32, #tpu.memory_space<hbm>>
      %dma_start3A_335 = tpu.memref_squeeze %dma_start3A_334 : memref<1x1x1x1024xf32, #tpu.memory_space<hbm>> -> memref<1024xf32, #tpu.memory_space<hbm>>
      %dma_start3A_336 = arith.constant 14336 : i32
      %dma_start3A_337 = tpu.memref_slice %arg8[%dma_start3A_336] : memref<16384xf32, #tpu.memory_space<vmem>> -> memref<1024xf32, #tpu.memory_space<vmem>>
      tpu.enqueue_dma source(%dma_start3A_337 : memref<1024xf32, #tpu.memory_space<vmem>>) target(%dma_start3A_335 : memref<1024xf32, #tpu.memory_space<hbm>>) target_semaphore(%arg12 : memref<!tpu.dma_semaphore, #tpu.memory_space<semaphore_mem>>)
      %mul3A_338 = arith.constant 4 : i32
      %mul3A_339 = arith.muli %mul3A_100, %mul3A_338 : i32
      %add3A_340 = arith.constant 3 : i32
      %add3A_341 = arith.addi %mul3A_339, %add3A_340 : i32
      %dma_start3A_342 = arith.constant 3 : i32
      %dma_start3A_343 = arith.constant 15360 : i32
      %dma_start3A_344 = tpu.memref_slice %arg8[%dma_start3A_343] : memref<16384xf32, #tpu.memory_space<vmem>> -> memref<1024xf32, #tpu.memory_space<vmem>>
      %dma_start3A_345 = arith.constant 0 : i32
      %dma_start3A_346 = tpu.memref_slice %arg4[%add3A_341, %dma_start3A_342, %add3A, %dma_start3A_345] : memref<200x4x32x1024xf32, #tpu.memory_space<hbm>> -> memref<1x1x1x1024xf32, #tpu.memory_space<hbm>>
      %dma_start3A_347 = tpu.memref_squeeze %dma_start3A_346 : memref<1x1x1x1024xf32, #tpu.memory_space<hbm>> -> memref<1024xf32, #tpu.memory_space<hbm>>
      %dma_start3A_348 = arith.constant 0 : i32
      %dma_start3A_349 = tpu.memref_slice %arg4[%add3A_341, %dma_start3A_342, %add3A, %dma_start3A_348] : memref<200x4x32x1024xf32, #tpu.memory_space<hbm>> -> memref<1x1x1x1024xf32, #tpu.memory_space<hbm>>
      %dma_start3A_350 = tpu.memref_squeeze %dma_start3A_349 : memref<1x1x1x1024xf32, #tpu.memory_space<hbm>> -> memref<1024xf32, #tpu.memory_space<hbm>>
      %dma_start3A_351 = arith.constant 15360 : i32
      %dma_start3A_352 = tpu.memref_slice %arg8[%dma_start3A_351] : memref<16384xf32, #tpu.memory_space<vmem>> -> memref<1024xf32, #tpu.memory_space<vmem>>
      tpu.enqueue_dma source(%dma_start3A_352 : memref<1024xf32, #tpu.memory_space<vmem>>) target(%dma_start3A_350 : memref<1024xf32, #tpu.memory_space<hbm>>) target_semaphore(%arg12 : memref<!tpu.dma_semaphore, #tpu.memory_space<semaphore_mem>>)
      %add3A_353 = arith.constant 2 : i32
      %add3A_354 = arith.addi %mul3A_100, %add3A_353 : i32
      %rem3A = arith.constant 50 : i32
      %rem3A_355 = arith.remsi %add3A_354, %rem3A : i32
      %mul3A_356 = arith.constant 4 : i32
      %mul3A_357 = arith.muli %rem3A_355, %mul3A_356 : i32
      %add3A_358 = arith.constant 0 : i32
      %add3A_359 = arith.addi %mul3A_357, %add3A_358 : i32
      %dma_start3A_360 = arith.constant 0 : i32
      %dma_start3A_361 = arith.constant 0 : i32
      %dma_start3A_362 = tpu.memref_slice %arg6[%dma_start3A_360, %dma_start3A_361] : memref<512x32xf32, #tpu.memory_space<vmem>> -> memref<128x32xf32, #tpu.memory_space<vmem>>
      %dma_start3A_363 = arith.constant 0 : i32
      %dma_start3A_364 = tpu.memref_slice %arg5[%add3A_359, %dma_start3A_363] : memref<200x128xi32, #tpu.memory_space<vmem>> -> memref<1x128xi32, #tpu.memory_space<vmem>>
      %dma_start3A_365 = tpu.memref_squeeze %dma_start3A_364 : memref<1x128xi32, #tpu.memory_space<vmem>> -> memref<128xi32, #tpu.memory_space<vmem>>
      %dma_start3A_366 = arith.constant 0 : i32
      %dma_start3A_367 = arith.constant 0 : i32
      %dma_start3A_368 = tpu.memref_slice %arg3[%dma_start3A_366, %dma_start3A_367] : memref<1000000x32xf32, #tpu.memory_space<hbm>> -> memref<1000000x32xf32, #tpu.memory_space<hbm>>
      tpu.enqueue_indirect_dma source(%dma_start3A_368 : memref<1000000x32xf32, #tpu.memory_space<hbm>>) target(%dma_start3A_362 : memref<128x32xf32, #tpu.memory_space<vmem>>) offsets(%dma_start3A_365 : memref<128xi32, #tpu.memory_space<vmem>>) semaphore(%arg10 : memref<!tpu.dma_semaphore, #tpu.memory_space<semaphore_mem>>)
      %mul3A_369 = arith.constant 4 : i32
      %mul3A_370 = arith.muli %rem3A_355, %mul3A_369 : i32
      %add3A_371 = arith.constant 1 : i32
      %add3A_372 = arith.addi %mul3A_370, %add3A_371 : i32
      %dma_start3A_373 = arith.constant 128 : i32
      %dma_start3A_374 = arith.constant 0 : i32
      %dma_start3A_375 = tpu.memref_slice %arg6[%dma_start3A_373, %dma_start3A_374] : memref<512x32xf32, #tpu.memory_space<vmem>> -> memref<128x32xf32, #tpu.memory_space<vmem>>
      %dma_start3A_376 = arith.constant 0 : i32
      %dma_start3A_377 = tpu.memref_slice %arg5[%add3A_372, %dma_start3A_376] : memref<200x128xi32, #tpu.memory_space<vmem>> -> memref<1x128xi32, #tpu.memory_space<vmem>>
      %dma_start3A_378 = tpu.memref_squeeze %dma_start3A_377 : memref<1x128xi32, #tpu.memory_space<vmem>> -> memref<128xi32, #tpu.memory_space<vmem>>
      %dma_start3A_379 = arith.constant 0 : i32
      %dma_start3A_380 = arith.constant 0 : i32
      %dma_start3A_381 = tpu.memref_slice %arg3[%dma_start3A_379, %dma_start3A_380] : memref<1000000x32xf32, #tpu.memory_space<hbm>> -> memref<1000000x32xf32, #tpu.memory_space<hbm>>
      tpu.enqueue_indirect_dma source(%dma_start3A_381 : memref<1000000x32xf32, #tpu.memory_space<hbm>>) target(%dma_start3A_375 : memref<128x32xf32, #tpu.memory_space<vmem>>) offsets(%dma_start3A_378 : memref<128xi32, #tpu.memory_space<vmem>>) semaphore(%arg10 : memref<!tpu.dma_semaphore, #tpu.memory_space<semaphore_mem>>)
      %mul3A_382 = arith.constant 4 : i32
      %mul3A_383 = arith.muli %rem3A_355, %mul3A_382 : i32
      %add3A_384 = arith.constant 2 : i32
      %add3A_385 = arith.addi %mul3A_383, %add3A_384 : i32
      %dma_start3A_386 = arith.constant 256 : i32
      %dma_start3A_387 = arith.constant 0 : i32
      %dma_start3A_388 = tpu.memref_slice %arg6[%dma_start3A_386, %dma_start3A_387] : memref<512x32xf32, #tpu.memory_space<vmem>> -> memref<128x32xf32, #tpu.memory_space<vmem>>
      %dma_start3A_389 = arith.constant 0 : i32
      %dma_start3A_390 = tpu.memref_slice %arg5[%add3A_385, %dma_start3A_389] : memref<200x128xi32, #tpu.memory_space<vmem>> -> memref<1x128xi32, #tpu.memory_space<vmem>>
      %dma_start3A_391 = tpu.memref_squeeze %dma_start3A_390 : memref<1x128xi32, #tpu.memory_space<vmem>> -> memref<128xi32, #tpu.memory_space<vmem>>
      %dma_start3A_392 = arith.constant 0 : i32
      %dma_start3A_393 = arith.constant 0 : i32
      %dma_start3A_394 = tpu.memref_slice %arg3[%dma_start3A_392, %dma_start3A_393] : memref<1000000x32xf32, #tpu.memory_space<hbm>> -> memref<1000000x32xf32, #tpu.memory_space<hbm>>
      tpu.enqueue_indirect_dma source(%dma_start3A_394 : memref<1000000x32xf32, #tpu.memory_space<hbm>>) target(%dma_start3A_388 : memref<128x32xf32, #tpu.memory_space<vmem>>) offsets(%dma_start3A_391 : memref<128xi32, #tpu.memory_space<vmem>>) semaphore(%arg10 : memref<!tpu.dma_semaphore, #tpu.memory_space<semaphore_mem>>)
      %mul3A_395 = arith.constant 4 : i32
      %mul3A_396 = arith.muli %rem3A_355, %mul3A_395 : i32
      %add3A_397 = arith.constant 3 : i32
      %add3A_398 = arith.addi %mul3A_396, %add3A_397 : i32
      %dma_start3A_399 = arith.constant 384 : i32
      %dma_start3A_400 = arith.constant 0 : i32
      %dma_start3A_401 = tpu.memref_slice %arg6[%dma_start3A_399, %dma_start3A_400] : memref<512x32xf32, #tpu.memory_space<vmem>> -> memref<128x32xf32, #tpu.memory_space<vmem>>
      %dma_start3A_402 = arith.constant 0 : i32
      %dma_start3A_403 = tpu.memref_slice %arg5[%add3A_398, %dma_start3A_402] : memref<200x128xi32, #tpu.memory_space<vmem>> -> memref<1x128xi32, #tpu.memory_space<vmem>>
      %dma_start3A_404 = tpu.memref_squeeze %dma_start3A_403 : memref<1x128xi32, #tpu.memory_space<vmem>> -> memref<128xi32, #tpu.memory_space<vmem>>
      %dma_start3A_405 = arith.constant 0 : i32
      %dma_start3A_406 = arith.constant 0 : i32
      %dma_start3A_407 = tpu.memref_slice %arg3[%dma_start3A_405, %dma_start3A_406] : memref<1000000x32xf32, #tpu.memory_space<hbm>> -> memref<1000000x32xf32, #tpu.memory_space<hbm>>
      tpu.enqueue_indirect_dma source(%dma_start3A_407 : memref<1000000x32xf32, #tpu.memory_space<hbm>>) target(%dma_start3A_401 : memref<128x32xf32, #tpu.memory_space<vmem>>) offsets(%dma_start3A_404 : memref<128xi32, #tpu.memory_space<vmem>>) semaphore(%arg10 : memref<!tpu.dma_semaphore, #tpu.memory_space<semaphore_mem>>)
      %dma_wait3A_408 = arith.constant 0 : i32
      %dma_wait3A_409 = arith.constant 0 : i32
      %dma_wait3A_410 = tpu.memref_slice %arg3[%dma_wait3A_408, %dma_wait3A_409] : memref<1000000x32xf32, #tpu.memory_space<hbm>> -> memref<512x32xf32, #tpu.memory_space<hbm>>
      %dma_wait3A_411 = arith.constant 0 : i32
      %dma_wait3A_412 = arith.constant 0 : i32
      %dma_wait3A_413 = tpu.memref_slice %arg3[%dma_wait3A_411, %dma_wait3A_412] : memref<1000000x32xf32, #tpu.memory_space<hbm>> -> memref<512x32xf32, #tpu.memory_space<hbm>>
      tpu.wait_dma2 semaphore(%arg11 : memref<!tpu.dma_semaphore, #tpu.memory_space<semaphore_mem>>) src(%dma_wait3A_413 : memref<512x32xf32, #tpu.memory_space<hbm>>) dst(%arg7 : memref<512x32xf32, #tpu.memory_space<vmem>>)
      %parallel_loop3A_414 = arith.constant 0 : i32
      %parallel_loop3A_415 = arith.constant 32 : i32
      %parallel_loop3A_416 = arith.constant 1 : i32
      scf.for %parallel_loop3A_725 = %parallel_loop3A_414 to %parallel_loop3A_415 step %parallel_loop3A_416  : i32 {
        %parallel_loop3A_726 = arith.constant 16 : i32
        %parallel_loop3A_727 = arith.muli %parallel_loop3A_725, %parallel_loop3A_726 : i32
        %parallel_loop3A_728 = arith.constant 8 : i32
        %parallel_loop3A_729 = arith.divsi %parallel_loop3A_725, %parallel_loop3A_728 : i32
        %parallel_loop3A_730 = arith.constant 0 : i32
        %parallel_loop3A_731 = arith.cmpi sgt, %parallel_loop3A_725, %parallel_loop3A_730 : i32
        %parallel_loop3A_732 = arith.extui %parallel_loop3A_731 : i1 to i32
        %parallel_loop3A_733 = arith.constant 0 : i32
        %parallel_loop3A_734 = arith.cmpi slt, %parallel_loop3A_725, %parallel_loop3A_733 : i32
        %parallel_loop3A_735 = arith.extui %parallel_loop3A_734 : i1 to i32
        %parallel_loop3A_736 = arith.subi %parallel_loop3A_732, %parallel_loop3A_735 : i32
        %parallel_loop3A_737 = arith.constant 0 : i32
        %parallel_loop3A_738 = arith.cmpi sgt, %parallel_loop3A_728, %parallel_loop3A_737 : i32
        %parallel_loop3A_739 = arith.extui %parallel_loop3A_738 : i1 to i32
        %parallel_loop3A_740 = arith.constant 0 : i32
        %parallel_loop3A_741 = arith.cmpi slt, %parallel_loop3A_728, %parallel_loop3A_740 : i32
        %parallel_loop3A_742 = arith.extui %parallel_loop3A_741 : i1 to i32
        %parallel_loop3A_743 = arith.subi %parallel_loop3A_739, %parallel_loop3A_742 : i32
        %parallel_loop3A_744 = arith.cmpi ne, %parallel_loop3A_736, %parallel_loop3A_743 : i32
        %parallel_loop3A_745 = arith.remsi %parallel_loop3A_725, %parallel_loop3A_728 : i32
        %parallel_loop3A_746 = arith.constant 0 : i32
        %parallel_loop3A_747 = arith.cmpi ne, %parallel_loop3A_745, %parallel_loop3A_746 : i32
        %parallel_loop3A_748 = arith.andi %parallel_loop3A_744, %parallel_loop3A_747 : i1
        %parallel_loop3A_749 = arith.constant 1 : i32
        %parallel_loop3A_750 = arith.subi %parallel_loop3A_729, %parallel_loop3A_749 : i32
        %parallel_loop3A_751 = arith.select %parallel_loop3A_748, %parallel_loop3A_750, %parallel_loop3A_729 : i32
        %parallel_loop3A_752 = arith.constant 8 : i32
        %parallel_loop3A_753 = arith.constant 0 : i32
        %parallel_loop3A_754 = arith.cmpi eq, %parallel_loop3A_752, %parallel_loop3A_753 : i32
        %parallel_loop3A_755 = arith.constant 1 : i32
        %parallel_loop3A_756 = arith.select %parallel_loop3A_754, %parallel_loop3A_755, %parallel_loop3A_752 : i32
        %parallel_loop3A_757 = arith.remsi %parallel_loop3A_725, %parallel_loop3A_756 : i32
        %parallel_loop3A_758 = arith.constant 0 : i32
        %parallel_loop3A_759 = arith.cmpi ne, %parallel_loop3A_757, %parallel_loop3A_758 : i32
        %parallel_loop3A_760 = arith.constant 0 : i32
        %parallel_loop3A_761 = arith.cmpi slt, %parallel_loop3A_757, %parallel_loop3A_760 : i32
        %parallel_loop3A_762 = arith.constant 0 : i32
        %parallel_loop3A_763 = arith.cmpi slt, %parallel_loop3A_756, %parallel_loop3A_762 : i32
        %parallel_loop3A_764 = arith.xori %parallel_loop3A_761, %parallel_loop3A_763 : i1
        %parallel_loop3A_765 = arith.andi %parallel_loop3A_764, %parallel_loop3A_759 : i1
        %parallel_loop3A_766 = arith.addi %parallel_loop3A_757, %parallel_loop3A_756 : i32
        %parallel_loop3A_767 = arith.select %parallel_loop3A_765, %parallel_loop3A_766, %parallel_loop3A_757 : i32
        %parallel_loop3A_768 = arith.constant 16 : i32
        %parallel_loop3A_769 = arith.muli %parallel_loop3A_767, %parallel_loop3A_768 : i32
        %parallel_loop3A_770 = vector.broadcast %parallel_loop3A_727 : i32 to vector<16xi32>
        %parallel_loop3A_771 = arith.addi %iota3A, %parallel_loop3A_770 : vector<16xi32>
        %parallel_loop3A_772 = arith.constant 4096 : i32
        %parallel_loop3A_773 = arith.muli %parallel_loop3A_751, %parallel_loop3A_772 : i32
        %parallel_loop3A_774 = arith.addi %parallel_loop3A_773, %parallel_loop3A_769 : i32
        %parallel_loop3A_775 = vector.broadcast %parallel_loop3A_774 : i32 to vector<16xi32>
        %parallel_loop3A_776 = arith.addi %iota3A, %parallel_loop3A_775 : vector<16xi32>
        %parallel_loop3A_777 = arith.constant 0 : i32
        %parallel_loop3A_778 = vector.broadcast %parallel_loop3A_777 : i32 to vector<16xi32>
        %parallel_loop3A_779 = arith.addi %iota3A, %parallel_loop3A_778 : vector<16xi32>
        %parallel_loop3A_780 = arith.constant 31 : i32
        %parallel_loop3A_781 = vector.broadcast %parallel_loop3A_780 : i32 to vector<16xi32>
        %parallel_loop3A_782 = arith.andi %parallel_loop3A_779, %parallel_loop3A_781 : vector<16xi32>
        %parallel_loop3A_783 = tpu.vector_load_idx %arg7[%parallel_loop3A_771, %parallel_loop3A_782] : memref<512x32xf32, #tpu.memory_space<vmem>>[vector<16xi32>, vector<16xi32>], vector<16xf32>,
        %parallel_loop3A_784 = arith.constant 7 : i32
        %parallel_loop3A_785 = vector.broadcast %parallel_loop3A_784 : i32 to vector<16xi32>
        %parallel_loop3A_786 = arith.shli %parallel_loop3A_782, %parallel_loop3A_785 : vector<16xi32>
        %parallel_loop3A_787 = arith.addi %parallel_loop3A_786, %parallel_loop3A_776 : vector<16xi32>
        tpu.vector_store_idx %arg9[%parallel_loop3A_787], %parallel_loop3A_783 : memref<16384xf32, #tpu.memory_space<vmem>>[vector<16xi32>], vector<16xf32>,
        %parallel_loop3A_788 = arith.constant 1 : i32
        %parallel_loop3A_789 = vector.broadcast %parallel_loop3A_788 : i32 to vector<16xi32>
        %parallel_loop3A_790 = arith.addi %iota3A, %parallel_loop3A_789 : vector<16xi32>
        %parallel_loop3A_791 = arith.constant 31 : i32
        %parallel_loop3A_792 = vector.broadcast %parallel_loop3A_791 : i32 to vector<16xi32>
        %parallel_loop3A_793 = arith.andi %parallel_loop3A_790, %parallel_loop3A_792 : vector<16xi32>
        %parallel_loop3A_794 = tpu.vector_load_idx %arg7[%parallel_loop3A_771, %parallel_loop3A_793] : memref<512x32xf32, #tpu.memory_space<vmem>>[vector<16xi32>, vector<16xi32>], vector<16xf32>,
        %parallel_loop3A_795 = arith.constant 7 : i32
        %parallel_loop3A_796 = vector.broadcast %parallel_loop3A_795 : i32 to vector<16xi32>
        %parallel_loop3A_797 = arith.shli %parallel_loop3A_793, %parallel_loop3A_796 : vector<16xi32>
        %parallel_loop3A_798 = arith.addi %parallel_loop3A_797, %parallel_loop3A_776 : vector<16xi32>
        tpu.vector_store_idx %arg9[%parallel_loop3A_798], %parallel_loop3A_794 : memref<16384xf32, #tpu.memory_space<vmem>>[vector<16xi32>], vector<16xf32>,
        %parallel_loop3A_799 = arith.constant 2 : i32
        %parallel_loop3A_800 = vector.broadcast %parallel_loop3A_799 : i32 to vector<16xi32>
        %parallel_loop3A_801 = arith.addi %iota3A, %parallel_loop3A_800 : vector<16xi32>
        %parallel_loop3A_802 = arith.constant 31 : i32
        %parallel_loop3A_803 = vector.broadcast %parallel_loop3A_802 : i32 to vector<16xi32>
        %parallel_loop3A_804 = arith.andi %parallel_loop3A_801, %parallel_loop3A_803 : vector<16xi32>
        %parallel_loop3A_805 = tpu.vector_load_idx %arg7[%parallel_loop3A_771, %parallel_loop3A_804] : memref<512x32xf32, #tpu.memory_space<vmem>>[vector<16xi32>, vector<16xi32>], vector<16xf32>,
        %parallel_loop3A_806 = arith.constant 7 : i32
        %parallel_loop3A_807 = vector.broadcast %parallel_loop3A_806 : i32 to vector<16xi32>
        %parallel_loop3A_808 = arith.shli %parallel_loop3A_804, %parallel_loop3A_807 : vector<16xi32>
        %parallel_loop3A_809 = arith.addi %parallel_loop3A_808, %parallel_loop3A_776 : vector<16xi32>
        tpu.vector_store_idx %arg9[%parallel_loop3A_809], %parallel_loop3A_805 : memref<16384xf32, #tpu.memory_space<vmem>>[vector<16xi32>], vector<16xf32>,
        %parallel_loop3A_810 = arith.constant 3 : i32
        %parallel_loop3A_811 = vector.broadcast %parallel_loop3A_810 : i32 to vector<16xi32>
        %parallel_loop3A_812 = arith.addi %iota3A, %parallel_loop3A_811 : vector<16xi32>
        %parallel_loop3A_813 = arith.constant 31 : i32
        %parallel_loop3A_814 = vector.broadcast %parallel_loop3A_813 : i32 to vector<16xi32>
        %parallel_loop3A_815 = arith.andi %parallel_loop3A_812, %parallel_loop3A_814 : vector<16xi32>
        %parallel_loop3A_816 = tpu.vector_load_idx %arg7[%parallel_loop3A_771, %parallel_loop3A_815] : memref<512x32xf32, #tpu.memory_space<vmem>>[vector<16xi32>, vector<16xi32>], vector<16xf32>,
        %parallel_loop3A_817 = arith.constant 7 : i32
        %parallel_loop3A_818 = vector.broadcast %parallel_loop3A_817 : i32 to vector<16xi32>
        %parallel_loop3A_819 = arith.shli %parallel_loop3A_815, %parallel_loop3A_818 : vector<16xi32>
        %parallel_loop3A_820 = arith.addi %parallel_loop3A_819, %parallel_loop3A_776 : vector<16xi32>
        tpu.vector_store_idx %arg9[%parallel_loop3A_820], %parallel_loop3A_816 : memref<16384xf32, #tpu.memory_space<vmem>>[vector<16xi32>], vector<16xf32>,
        %parallel_loop3A_821 = arith.constant 4 : i32
        %parallel_loop3A_822 = vector.broadcast %parallel_loop3A_821 : i32 to vector<16xi32>
        %parallel_loop3A_823 = arith.addi %iota3A, %parallel_loop3A_822 : vector<16xi32>
        %parallel_loop3A_824 = arith.constant 31 : i32
        %parallel_loop3A_825 = vector.broadcast %parallel_loop3A_824 : i32 to vector<16xi32>
        %parallel_loop3A_826 = arith.andi %parallel_loop3A_823, %parallel_loop3A_825 : vector<16xi32>
        %parallel_loop3A_827 = tpu.vector_load_idx %arg7[%parallel_loop3A_771, %parallel_loop3A_826] : memref<512x32xf32, #tpu.memory_space<vmem>>[vector<16xi32>, vector<16xi32>], vector<16xf32>,
        %parallel_loop3A_828 = arith.constant 7 : i32
        %parallel_loop3A_829 = vector.broadcast %parallel_loop3A_828 : i32 to vector<16xi32>
        %parallel_loop3A_830 = arith.shli %parallel_loop3A_826, %parallel_loop3A_829 : vector<16xi32>
        %parallel_loop3A_831 = arith.addi %parallel_loop3A_830, %parallel_loop3A_776 : vector<16xi32>
        tpu.vector_store_idx %arg9[%parallel_loop3A_831], %parallel_loop3A_827 : memref<16384xf32, #tpu.memory_space<vmem>>[vector<16xi32>], vector<16xf32>,
        %parallel_loop3A_832 = arith.constant 5 : i32
        %parallel_loop3A_833 = vector.broadcast %parallel_loop3A_832 : i32 to vector<16xi32>
        %parallel_loop3A_834 = arith.addi %iota3A, %parallel_loop3A_833 : vector<16xi32>
        %parallel_loop3A_835 = arith.constant 31 : i32
        %parallel_loop3A_836 = vector.broadcast %parallel_loop3A_835 : i32 to vector<16xi32>
        %parallel_loop3A_837 = arith.andi %parallel_loop3A_834, %parallel_loop3A_836 : vector<16xi32>
        %parallel_loop3A_838 = tpu.vector_load_idx %arg7[%parallel_loop3A_771, %parallel_loop3A_837] : memref<512x32xf32, #tpu.memory_space<vmem>>[vector<16xi32>, vector<16xi32>], vector<16xf32>,
        %parallel_loop3A_839 = arith.constant 7 : i32
        %parallel_loop3A_840 = vector.broadcast %parallel_loop3A_839 : i32 to vector<16xi32>
        %parallel_loop3A_841 = arith.shli %parallel_loop3A_837, %parallel_loop3A_840 : vector<16xi32>
        %parallel_loop3A_842 = arith.addi %parallel_loop3A_841, %parallel_loop3A_776 : vector<16xi32>
        tpu.vector_store_idx %arg9[%parallel_loop3A_842], %parallel_loop3A_838 : memref<16384xf32, #tpu.memory_space<vmem>>[vector<16xi32>], vector<16xf32>,
        %parallel_loop3A_843 = arith.constant 6 : i32
        %parallel_loop3A_844 = vector.broadcast %parallel_loop3A_843 : i32 to vector<16xi32>
        %parallel_loop3A_845 = arith.addi %iota3A, %parallel_loop3A_844 : vector<16xi32>
        %parallel_loop3A_846 = arith.constant 31 : i32
        %parallel_loop3A_847 = vector.broadcast %parallel_loop3A_846 : i32 to vector<16xi32>
        %parallel_loop3A_848 = arith.andi %parallel_loop3A_845, %parallel_loop3A_847 : vector<16xi32>
        %parallel_loop3A_849 = tpu.vector_load_idx %arg7[%parallel_loop3A_771, %parallel_loop3A_848] : memref<512x32xf32, #tpu.memory_space<vmem>>[vector<16xi32>, vector<16xi32>], vector<16xf32>,
        %parallel_loop3A_850 = arith.constant 7 : i32
        %parallel_loop3A_851 = vector.broadcast %parallel_loop3A_850 : i32 to vector<16xi32>
        %parallel_loop3A_852 = arith.shli %parallel_loop3A_848, %parallel_loop3A_851 : vector<16xi32>
        %parallel_loop3A_853 = arith.addi %parallel_loop3A_852, %parallel_loop3A_776 : vector<16xi32>
        tpu.vector_store_idx %arg9[%parallel_loop3A_853], %parallel_loop3A_849 : memref<16384xf32, #tpu.memory_space<vmem>>[vector<16xi32>], vector<16xf32>,
        %parallel_loop3A_854 = arith.constant 7 : i32
        %parallel_loop3A_855 = vector.broadcast %parallel_loop3A_854 : i32 to vector<16xi32>
        %parallel_loop3A_856 = arith.addi %iota3A, %parallel_loop3A_855 : vector<16xi32>
        %parallel_loop3A_857 = arith.constant 31 : i32
        %parallel_loop3A_858 = vector.broadcast %parallel_loop3A_857 : i32 to vector<16xi32>
        %parallel_loop3A_859 = arith.andi %parallel_loop3A_856, %parallel_loop3A_858 : vector<16xi32>
        %parallel_loop3A_860 = tpu.vector_load_idx %arg7[%parallel_loop3A_771, %parallel_loop3A_859] : memref<512x32xf32, #tpu.memory_space<vmem>>[vector<16xi32>, vector<16xi32>], vector<16xf32>,
        %parallel_loop3A_861 = arith.constant 7 : i32
        %parallel_loop3A_862 = vector.broadcast %parallel_loop3A_861 : i32 to vector<16xi32>
        %parallel_loop3A_863 = arith.shli %parallel_loop3A_859, %parallel_loop3A_862 : vector<16xi32>
        %parallel_loop3A_864 = arith.addi %parallel_loop3A_863, %parallel_loop3A_776 : vector<16xi32>
        tpu.vector_store_idx %arg9[%parallel_loop3A_864], %parallel_loop3A_860 : memref<16384xf32, #tpu.memory_space<vmem>>[vector<16xi32>], vector<16xf32>,
        %parallel_loop3A_865 = arith.constant 8 : i32
        %parallel_loop3A_866 = vector.broadcast %parallel_loop3A_865 : i32 to vector<16xi32>
        %parallel_loop3A_867 = arith.addi %iota3A, %parallel_loop3A_866 : vector<16xi32>
        %parallel_loop3A_868 = arith.constant 31 : i32
        %parallel_loop3A_869 = vector.broadcast %parallel_loop3A_868 : i32 to vector<16xi32>
        %parallel_loop3A_870 = arith.andi %parallel_loop3A_867, %parallel_loop3A_869 : vector<16xi32>
        %parallel_loop3A_871 = tpu.vector_load_idx %arg7[%parallel_loop3A_771, %parallel_loop3A_870] : memref<512x32xf32, #tpu.memory_space<vmem>>[vector<16xi32>, vector<16xi32>], vector<16xf32>,
        %parallel_loop3A_872 = arith.constant 7 : i32
        %parallel_loop3A_873 = vector.broadcast %parallel_loop3A_872 : i32 to vector<16xi32>
        %parallel_loop3A_874 = arith.shli %parallel_loop3A_870, %parallel_loop3A_873 : vector<16xi32>
        %parallel_loop3A_875 = arith.addi %parallel_loop3A_874, %parallel_loop3A_776 : vector<16xi32>
        tpu.vector_store_idx %arg9[%parallel_loop3A_875], %parallel_loop3A_871 : memref<16384xf32, #tpu.memory_space<vmem>>[vector<16xi32>], vector<16xf32>,
        %parallel_loop3A_876 = arith.constant 9 : i32
        %parallel_loop3A_877 = vector.broadcast %parallel_loop3A_876 : i32 to vector<16xi32>
        %parallel_loop3A_878 = arith.addi %iota3A, %parallel_loop3A_877 : vector<16xi32>
        %parallel_loop3A_879 = arith.constant 31 : i32
        %parallel_loop3A_880 = vector.broadcast %parallel_loop3A_879 : i32 to vector<16xi32>
        %parallel_loop3A_881 = arith.andi %parallel_loop3A_878, %parallel_loop3A_880 : vector<16xi32>
        %parallel_loop3A_882 = tpu.vector_load_idx %arg7[%parallel_loop3A_771, %parallel_loop3A_881] : memref<512x32xf32, #tpu.memory_space<vmem>>[vector<16xi32>, vector<16xi32>], vector<16xf32>,
        %parallel_loop3A_883 = arith.constant 7 : i32
        %parallel_loop3A_884 = vector.broadcast %parallel_loop3A_883 : i32 to vector<16xi32>
        %parallel_loop3A_885 = arith.shli %parallel_loop3A_881, %parallel_loop3A_884 : vector<16xi32>
        %parallel_loop3A_886 = arith.addi %parallel_loop3A_885, %parallel_loop3A_776 : vector<16xi32>
        tpu.vector_store_idx %arg9[%parallel_loop3A_886], %parallel_loop3A_882 : memref<16384xf32, #tpu.memory_space<vmem>>[vector<16xi32>], vector<16xf32>,
        %parallel_loop3A_887 = arith.constant 10 : i32
        %parallel_loop3A_888 = vector.broadcast %parallel_loop3A_887 : i32 to vector<16xi32>
        %parallel_loop3A_889 = arith.addi %iota3A, %parallel_loop3A_888 : vector<16xi32>
        %parallel_loop3A_890 = arith.constant 31 : i32
        %parallel_loop3A_891 = vector.broadcast %parallel_loop3A_890 : i32 to vector<16xi32>
        %parallel_loop3A_892 = arith.andi %parallel_loop3A_889, %parallel_loop3A_891 : vector<16xi32>
        %parallel_loop3A_893 = tpu.vector_load_idx %arg7[%parallel_loop3A_771, %parallel_loop3A_892] : memref<512x32xf32, #tpu.memory_space<vmem>>[vector<16xi32>, vector<16xi32>], vector<16xf32>,
        %parallel_loop3A_894 = arith.constant 7 : i32
        %parallel_loop3A_895 = vector.broadcast %parallel_loop3A_894 : i32 to vector<16xi32>
        %parallel_loop3A_896 = arith.shli %parallel_loop3A_892, %parallel_loop3A_895 : vector<16xi32>
        %parallel_loop3A_897 = arith.addi %parallel_loop3A_896, %parallel_loop3A_776 : vector<16xi32>
        tpu.vector_store_idx %arg9[%parallel_loop3A_897], %parallel_loop3A_893 : memref<16384xf32, #tpu.memory_space<vmem>>[vector<16xi32>], vector<16xf32>,
        %parallel_loop3A_898 = arith.constant 11 : i32
        %parallel_loop3A_899 = vector.broadcast %parallel_loop3A_898 : i32 to vector<16xi32>
        %parallel_loop3A_900 = arith.addi %iota3A, %parallel_loop3A_899 : vector<16xi32>
        %parallel_loop3A_901 = arith.constant 31 : i32
        %parallel_loop3A_902 = vector.broadcast %parallel_loop3A_901 : i32 to vector<16xi32>
        %parallel_loop3A_903 = arith.andi %parallel_loop3A_900, %parallel_loop3A_902 : vector<16xi32>
        %parallel_loop3A_904 = tpu.vector_load_idx %arg7[%parallel_loop3A_771, %parallel_loop3A_903] : memref<512x32xf32, #tpu.memory_space<vmem>>[vector<16xi32>, vector<16xi32>], vector<16xf32>,
        %parallel_loop3A_905 = arith.constant 7 : i32
        %parallel_loop3A_906 = vector.broadcast %parallel_loop3A_905 : i32 to vector<16xi32>
        %parallel_loop3A_907 = arith.shli %parallel_loop3A_903, %parallel_loop3A_906 : vector<16xi32>
        %parallel_loop3A_908 = arith.addi %parallel_loop3A_907, %parallel_loop3A_776 : vector<16xi32>
        tpu.vector_store_idx %arg9[%parallel_loop3A_908], %parallel_loop3A_904 : memref<16384xf32, #tpu.memory_space<vmem>>[vector<16xi32>], vector<16xf32>,
        %parallel_loop3A_909 = arith.constant 12 : i32
        %parallel_loop3A_910 = vector.broadcast %parallel_loop3A_909 : i32 to vector<16xi32>
        %parallel_loop3A_911 = arith.addi %iota3A, %parallel_loop3A_910 : vector<16xi32>
        %parallel_loop3A_912 = arith.constant 31 : i32
        %parallel_loop3A_913 = vector.broadcast %parallel_loop3A_912 : i32 to vector<16xi32>
        %parallel_loop3A_914 = arith.andi %parallel_loop3A_911, %parallel_loop3A_913 : vector<16xi32>
        %parallel_loop3A_915 = tpu.vector_load_idx %arg7[%parallel_loop3A_771, %parallel_loop3A_914] : memref<512x32xf32, #tpu.memory_space<vmem>>[vector<16xi32>, vector<16xi32>], vector<16xf32>,
        %parallel_loop3A_916 = arith.constant 7 : i32
        %parallel_loop3A_917 = vector.broadcast %parallel_loop3A_916 : i32 to vector<16xi32>
        %parallel_loop3A_918 = arith.shli %parallel_loop3A_914, %parallel_loop3A_917 : vector<16xi32>
        %parallel_loop3A_919 = arith.addi %parallel_loop3A_918, %parallel_loop3A_776 : vector<16xi32>
        tpu.vector_store_idx %arg9[%parallel_loop3A_919], %parallel_loop3A_915 : memref<16384xf32, #tpu.memory_space<vmem>>[vector<16xi32>], vector<16xf32>,
        %parallel_loop3A_920 = arith.constant 13 : i32
        %parallel_loop3A_921 = vector.broadcast %parallel_loop3A_920 : i32 to vector<16xi32>
        %parallel_loop3A_922 = arith.addi %iota3A, %parallel_loop3A_921 : vector<16xi32>
        %parallel_loop3A_923 = arith.constant 31 : i32
        %parallel_loop3A_924 = vector.broadcast %parallel_loop3A_923 : i32 to vector<16xi32>
        %parallel_loop3A_925 = arith.andi %parallel_loop3A_922, %parallel_loop3A_924 : vector<16xi32>
        %parallel_loop3A_926 = tpu.vector_load_idx %arg7[%parallel_loop3A_771, %parallel_loop3A_925] : memref<512x32xf32, #tpu.memory_space<vmem>>[vector<16xi32>, vector<16xi32>], vector<16xf32>,
        %parallel_loop3A_927 = arith.constant 7 : i32
        %parallel_loop3A_928 = vector.broadcast %parallel_loop3A_927 : i32 to vector<16xi32>
        %parallel_loop3A_929 = arith.shli %parallel_loop3A_925, %parallel_loop3A_928 : vector<16xi32>
        %parallel_loop3A_930 = arith.addi %parallel_loop3A_929, %parallel_loop3A_776 : vector<16xi32>
        tpu.vector_store_idx %arg9[%parallel_loop3A_930], %parallel_loop3A_926 : memref<16384xf32, #tpu.memory_space<vmem>>[vector<16xi32>], vector<16xf32>,
        %parallel_loop3A_931 = arith.constant 14 : i32
        %parallel_loop3A_932 = vector.broadcast %parallel_loop3A_931 : i32 to vector<16xi32>
        %parallel_loop3A_933 = arith.addi %iota3A, %parallel_loop3A_932 : vector<16xi32>
        %parallel_loop3A_934 = arith.constant 31 : i32
        %parallel_loop3A_935 = vector.broadcast %parallel_loop3A_934 : i32 to vector<16xi32>
        %parallel_loop3A_936 = arith.andi %parallel_loop3A_933, %parallel_loop3A_935 : vector<16xi32>
        %parallel_loop3A_937 = tpu.vector_load_idx %arg7[%parallel_loop3A_771, %parallel_loop3A_936] : memref<512x32xf32, #tpu.memory_space<vmem>>[vector<16xi32>, vector<16xi32>], vector<16xf32>,
        %parallel_loop3A_938 = arith.constant 7 : i32
        %parallel_loop3A_939 = vector.broadcast %parallel_loop3A_938 : i32 to vector<16xi32>
        %parallel_loop3A_940 = arith.shli %parallel_loop3A_936, %parallel_loop3A_939 : vector<16xi32>
        %parallel_loop3A_941 = arith.addi %parallel_loop3A_940, %parallel_loop3A_776 : vector<16xi32>
        tpu.vector_store_idx %arg9[%parallel_loop3A_941], %parallel_loop3A_937 : memref<16384xf32, #tpu.memory_space<vmem>>[vector<16xi32>], vector<16xf32>,
        %parallel_loop3A_942 = arith.constant 15 : i32
        %parallel_loop3A_943 = vector.broadcast %parallel_loop3A_942 : i32 to vector<16xi32>
        %parallel_loop3A_944 = arith.addi %iota3A, %parallel_loop3A_943 : vector<16xi32>
        %parallel_loop3A_945 = arith.constant 31 : i32
        %parallel_loop3A_946 = vector.broadcast %parallel_loop3A_945 : i32 to vector<16xi32>
        %parallel_loop3A_947 = arith.andi %parallel_loop3A_944, %parallel_loop3A_946 : vector<16xi32>
        %parallel_loop3A_948 = tpu.vector_load_idx %arg7[%parallel_loop3A_771, %parallel_loop3A_947] : memref<512x32xf32, #tpu.memory_space<vmem>>[vector<16xi32>, vector<16xi32>], vector<16xf32>,
        %parallel_loop3A_949 = arith.constant 7 : i32
        %parallel_loop3A_950 = vector.broadcast %parallel_loop3A_949 : i32 to vector<16xi32>
        %parallel_loop3A_951 = arith.shli %parallel_loop3A_947, %parallel_loop3A_950 : vector<16xi32>
        %parallel_loop3A_952 = arith.addi %parallel_loop3A_951, %parallel_loop3A_776 : vector<16xi32>
        tpu.vector_store_idx %arg9[%parallel_loop3A_952], %parallel_loop3A_948 : memref<16384xf32, #tpu.memory_space<vmem>>[vector<16xi32>], vector<16xf32>,
        %parallel_loop3A_953 = arith.constant 16 : i32
        %parallel_loop3A_954 = vector.broadcast %parallel_loop3A_953 : i32 to vector<16xi32>
        %parallel_loop3A_955 = arith.addi %iota3A, %parallel_loop3A_954 : vector<16xi32>
        %parallel_loop3A_956 = arith.constant 31 : i32
        %parallel_loop3A_957 = vector.broadcast %parallel_loop3A_956 : i32 to vector<16xi32>
        %parallel_loop3A_958 = arith.andi %parallel_loop3A_955, %parallel_loop3A_957 : vector<16xi32>
        %parallel_loop3A_959 = tpu.vector_load_idx %arg7[%parallel_loop3A_771, %parallel_loop3A_958] : memref<512x32xf32, #tpu.memory_space<vmem>>[vector<16xi32>, vector<16xi32>], vector<16xf32>,
        %parallel_loop3A_960 = arith.constant 7 : i32
        %parallel_loop3A_961 = vector.broadcast %parallel_loop3A_960 : i32 to vector<16xi32>
        %parallel_loop3A_962 = arith.shli %parallel_loop3A_958, %parallel_loop3A_961 : vector<16xi32>
        %parallel_loop3A_963 = arith.addi %parallel_loop3A_962, %parallel_loop3A_776 : vector<16xi32>
        tpu.vector_store_idx %arg9[%parallel_loop3A_963], %parallel_loop3A_959 : memref<16384xf32, #tpu.memory_space<vmem>>[vector<16xi32>], vector<16xf32>,
        %parallel_loop3A_964 = arith.constant 17 : i32
        %parallel_loop3A_965 = vector.broadcast %parallel_loop3A_964 : i32 to vector<16xi32>
        %parallel_loop3A_966 = arith.addi %iota3A, %parallel_loop3A_965 : vector<16xi32>
        %parallel_loop3A_967 = arith.constant 31 : i32
        %parallel_loop3A_968 = vector.broadcast %parallel_loop3A_967 : i32 to vector<16xi32>
        %parallel_loop3A_969 = arith.andi %parallel_loop3A_966, %parallel_loop3A_968 : vector<16xi32>
        %parallel_loop3A_970 = tpu.vector_load_idx %arg7[%parallel_loop3A_771, %parallel_loop3A_969] : memref<512x32xf32, #tpu.memory_space<vmem>>[vector<16xi32>, vector<16xi32>], vector<16xf32>,
        %parallel_loop3A_971 = arith.constant 7 : i32
        %parallel_loop3A_972 = vector.broadcast %parallel_loop3A_971 : i32 to vector<16xi32>
        %parallel_loop3A_973 = arith.shli %parallel_loop3A_969, %parallel_loop3A_972 : vector<16xi32>
        %parallel_loop3A_974 = arith.addi %parallel_loop3A_973, %parallel_loop3A_776 : vector<16xi32>
        tpu.vector_store_idx %arg9[%parallel_loop3A_974], %parallel_loop3A_970 : memref<16384xf32, #tpu.memory_space<vmem>>[vector<16xi32>], vector<16xf32>,
        %parallel_loop3A_975 = arith.constant 18 : i32
        %parallel_loop3A_976 = vector.broadcast %parallel_loop3A_975 : i32 to vector<16xi32>
        %parallel_loop3A_977 = arith.addi %iota3A, %parallel_loop3A_976 : vector<16xi32>
        %parallel_loop3A_978 = arith.constant 31 : i32
        %parallel_loop3A_979 = vector.broadcast %parallel_loop3A_978 : i32 to vector<16xi32>
        %parallel_loop3A_980 = arith.andi %parallel_loop3A_977, %parallel_loop3A_979 : vector<16xi32>
        %parallel_loop3A_981 = tpu.vector_load_idx %arg7[%parallel_loop3A_771, %parallel_loop3A_980] : memref<512x32xf32, #tpu.memory_space<vmem>>[vector<16xi32>, vector<16xi32>], vector<16xf32>,
        %parallel_loop3A_982 = arith.constant 7 : i32
        %parallel_loop3A_983 = vector.broadcast %parallel_loop3A_982 : i32 to vector<16xi32>
        %parallel_loop3A_984 = arith.shli %parallel_loop3A_980, %parallel_loop3A_983 : vector<16xi32>
        %parallel_loop3A_985 = arith.addi %parallel_loop3A_984, %parallel_loop3A_776 : vector<16xi32>
        tpu.vector_store_idx %arg9[%parallel_loop3A_985], %parallel_loop3A_981 : memref<16384xf32, #tpu.memory_space<vmem>>[vector<16xi32>], vector<16xf32>,
        %parallel_loop3A_986 = arith.constant 19 : i32
        %parallel_loop3A_987 = vector.broadcast %parallel_loop3A_986 : i32 to vector<16xi32>
        %parallel_loop3A_988 = arith.addi %iota3A, %parallel_loop3A_987 : vector<16xi32>
        %parallel_loop3A_989 = arith.constant 31 : i32
        %parallel_loop3A_990 = vector.broadcast %parallel_loop3A_989 : i32 to vector<16xi32>
        %parallel_loop3A_991 = arith.andi %parallel_loop3A_988, %parallel_loop3A_990 : vector<16xi32>
        %parallel_loop3A_992 = tpu.vector_load_idx %arg7[%parallel_loop3A_771, %parallel_loop3A_991] : memref<512x32xf32, #tpu.memory_space<vmem>>[vector<16xi32>, vector<16xi32>], vector<16xf32>,
        %parallel_loop3A_993 = arith.constant 7 : i32
        %parallel_loop3A_994 = vector.broadcast %parallel_loop3A_993 : i32 to vector<16xi32>
        %parallel_loop3A_995 = arith.shli %parallel_loop3A_991, %parallel_loop3A_994 : vector<16xi32>
        %parallel_loop3A_996 = arith.addi %parallel_loop3A_995, %parallel_loop3A_776 : vector<16xi32>
        tpu.vector_store_idx %arg9[%parallel_loop3A_996], %parallel_loop3A_992 : memref<16384xf32, #tpu.memory_space<vmem>>[vector<16xi32>], vector<16xf32>,
        %parallel_loop3A_997 = arith.constant 20 : i32
        %parallel_loop3A_998 = vector.broadcast %parallel_loop3A_997 : i32 to vector<16xi32>
        %parallel_loop3A_999 = arith.addi %iota3A, %parallel_loop3A_998 : vector<16xi32>
        %parallel_loop3A_1000 = arith.constant 31 : i32
        %parallel_loop3A_1001 = vector.broadcast %parallel_loop3A_1000 : i32 to vector<16xi32>
        %parallel_loop3A_1002 = arith.andi %parallel_loop3A_999, %parallel_loop3A_1001 : vector<16xi32>
        %parallel_loop3A_1003 = tpu.vector_load_idx %arg7[%parallel_loop3A_771, %parallel_loop3A_1002] : memref<512x32xf32, #tpu.memory_space<vmem>>[vector<16xi32>, vector<16xi32>], vector<16xf32>,
        %parallel_loop3A_1004 = arith.constant 7 : i32
        %parallel_loop3A_1005 = vector.broadcast %parallel_loop3A_1004 : i32 to vector<16xi32>
        %parallel_loop3A_1006 = arith.shli %parallel_loop3A_1002, %parallel_loop3A_1005 : vector<16xi32>
        %parallel_loop3A_1007 = arith.addi %parallel_loop3A_1006, %parallel_loop3A_776 : vector<16xi32>
        tpu.vector_store_idx %arg9[%parallel_loop3A_1007], %parallel_loop3A_1003 : memref<16384xf32, #tpu.memory_space<vmem>>[vector<16xi32>], vector<16xf32>,
        %parallel_loop3A_1008 = arith.constant 21 : i32
        %parallel_loop3A_1009 = vector.broadcast %parallel_loop3A_1008 : i32 to vector<16xi32>
        %parallel_loop3A_1010 = arith.addi %iota3A, %parallel_loop3A_1009 : vector<16xi32>
        %parallel_loop3A_1011 = arith.constant 31 : i32
        %parallel_loop3A_1012 = vector.broadcast %parallel_loop3A_1011 : i32 to vector<16xi32>
        %parallel_loop3A_1013 = arith.andi %parallel_loop3A_1010, %parallel_loop3A_1012 : vector<16xi32>
        %parallel_loop3A_1014 = tpu.vector_load_idx %arg7[%parallel_loop3A_771, %parallel_loop3A_1013] : memref<512x32xf32, #tpu.memory_space<vmem>>[vector<16xi32>, vector<16xi32>], vector<16xf32>,
        %parallel_loop3A_1015 = arith.constant 7 : i32
        %parallel_loop3A_1016 = vector.broadcast %parallel_loop3A_1015 : i32 to vector<16xi32>
        %parallel_loop3A_1017 = arith.shli %parallel_loop3A_1013, %parallel_loop3A_1016 : vector<16xi32>
        %parallel_loop3A_1018 = arith.addi %parallel_loop3A_1017, %parallel_loop3A_776 : vector<16xi32>
        tpu.vector_store_idx %arg9[%parallel_loop3A_1018], %parallel_loop3A_1014 : memref<16384xf32, #tpu.memory_space<vmem>>[vector<16xi32>], vector<16xf32>,
        %parallel_loop3A_1019 = arith.constant 22 : i32
        %parallel_loop3A_1020 = vector.broadcast %parallel_loop3A_1019 : i32 to vector<16xi32>
        %parallel_loop3A_1021 = arith.addi %iota3A, %parallel_loop3A_1020 : vector<16xi32>
        %parallel_loop3A_1022 = arith.constant 31 : i32
        %parallel_loop3A_1023 = vector.broadcast %parallel_loop3A_1022 : i32 to vector<16xi32>
        %parallel_loop3A_1024 = arith.andi %parallel_loop3A_1021, %parallel_loop3A_1023 : vector<16xi32>
        %parallel_loop3A_1025 = tpu.vector_load_idx %arg7[%parallel_loop3A_771, %parallel_loop3A_1024] : memref<512x32xf32, #tpu.memory_space<vmem>>[vector<16xi32>, vector<16xi32>], vector<16xf32>,
        %parallel_loop3A_1026 = arith.constant 7 : i32
        %parallel_loop3A_1027 = vector.broadcast %parallel_loop3A_1026 : i32 to vector<16xi32>
        %parallel_loop3A_1028 = arith.shli %parallel_loop3A_1024, %parallel_loop3A_1027 : vector<16xi32>
        %parallel_loop3A_1029 = arith.addi %parallel_loop3A_1028, %parallel_loop3A_776 : vector<16xi32>
        tpu.vector_store_idx %arg9[%parallel_loop3A_1029], %parallel_loop3A_1025 : memref<16384xf32, #tpu.memory_space<vmem>>[vector<16xi32>], vector<16xf32>,
        %parallel_loop3A_1030 = arith.constant 23 : i32
        %parallel_loop3A_1031 = vector.broadcast %parallel_loop3A_1030 : i32 to vector<16xi32>
        %parallel_loop3A_1032 = arith.addi %iota3A, %parallel_loop3A_1031 : vector<16xi32>
        %parallel_loop3A_1033 = arith.constant 31 : i32
        %parallel_loop3A_1034 = vector.broadcast %parallel_loop3A_1033 : i32 to vector<16xi32>
        %parallel_loop3A_1035 = arith.andi %parallel_loop3A_1032, %parallel_loop3A_1034 : vector<16xi32>
        %parallel_loop3A_1036 = tpu.vector_load_idx %arg7[%parallel_loop3A_771, %parallel_loop3A_1035] : memref<512x32xf32, #tpu.memory_space<vmem>>[vector<16xi32>, vector<16xi32>], vector<16xf32>,
        %parallel_loop3A_1037 = arith.constant 7 : i32
        %parallel_loop3A_1038 = vector.broadcast %parallel_loop3A_1037 : i32 to vector<16xi32>
        %parallel_loop3A_1039 = arith.shli %parallel_loop3A_1035, %parallel_loop3A_1038 : vector<16xi32>
        %parallel_loop3A_1040 = arith.addi %parallel_loop3A_1039, %parallel_loop3A_776 : vector<16xi32>
        tpu.vector_store_idx %arg9[%parallel_loop3A_1040], %parallel_loop3A_1036 : memref<16384xf32, #tpu.memory_space<vmem>>[vector<16xi32>], vector<16xf32>,
        %parallel_loop3A_1041 = arith.constant 24 : i32
        %parallel_loop3A_1042 = vector.broadcast %parallel_loop3A_1041 : i32 to vector<16xi32>
        %parallel_loop3A_1043 = arith.addi %iota3A, %parallel_loop3A_1042 : vector<16xi32>
        %parallel_loop3A_1044 = arith.constant 31 : i32
        %parallel_loop3A_1045 = vector.broadcast %parallel_loop3A_1044 : i32 to vector<16xi32>
        %parallel_loop3A_1046 = arith.andi %parallel_loop3A_1043, %parallel_loop3A_1045 : vector<16xi32>
        %parallel_loop3A_1047 = tpu.vector_load_idx %arg7[%parallel_loop3A_771, %parallel_loop3A_1046] : memref<512x32xf32, #tpu.memory_space<vmem>>[vector<16xi32>, vector<16xi32>], vector<16xf32>,
        %parallel_loop3A_1048 = arith.constant 7 : i32
        %parallel_loop3A_1049 = vector.broadcast %parallel_loop3A_1048 : i32 to vector<16xi32>
        %parallel_loop3A_1050 = arith.shli %parallel_loop3A_1046, %parallel_loop3A_1049 : vector<16xi32>
        %parallel_loop3A_1051 = arith.addi %parallel_loop3A_1050, %parallel_loop3A_776 : vector<16xi32>
        tpu.vector_store_idx %arg9[%parallel_loop3A_1051], %parallel_loop3A_1047 : memref<16384xf32, #tpu.memory_space<vmem>>[vector<16xi32>], vector<16xf32>,
        %parallel_loop3A_1052 = arith.constant 25 : i32
        %parallel_loop3A_1053 = vector.broadcast %parallel_loop3A_1052 : i32 to vector<16xi32>
        %parallel_loop3A_1054 = arith.addi %iota3A, %parallel_loop3A_1053 : vector<16xi32>
        %parallel_loop3A_1055 = arith.constant 31 : i32
        %parallel_loop3A_1056 = vector.broadcast %parallel_loop3A_1055 : i32 to vector<16xi32>
        %parallel_loop3A_1057 = arith.andi %parallel_loop3A_1054, %parallel_loop3A_1056 : vector<16xi32>
        %parallel_loop3A_1058 = tpu.vector_load_idx %arg7[%parallel_loop3A_771, %parallel_loop3A_1057] : memref<512x32xf32, #tpu.memory_space<vmem>>[vector<16xi32>, vector<16xi32>], vector<16xf32>,
        %parallel_loop3A_1059 = arith.constant 7 : i32
        %parallel_loop3A_1060 = vector.broadcast %parallel_loop3A_1059 : i32 to vector<16xi32>
        %parallel_loop3A_1061 = arith.shli %parallel_loop3A_1057, %parallel_loop3A_1060 : vector<16xi32>
        %parallel_loop3A_1062 = arith.addi %parallel_loop3A_1061, %parallel_loop3A_776 : vector<16xi32>
        tpu.vector_store_idx %arg9[%parallel_loop3A_1062], %parallel_loop3A_1058 : memref<16384xf32, #tpu.memory_space<vmem>>[vector<16xi32>], vector<16xf32>,
        %parallel_loop3A_1063 = arith.constant 26 : i32
        %parallel_loop3A_1064 = vector.broadcast %parallel_loop3A_1063 : i32 to vector<16xi32>
        %parallel_loop3A_1065 = arith.addi %iota3A, %parallel_loop3A_1064 : vector<16xi32>
        %parallel_loop3A_1066 = arith.constant 31 : i32
        %parallel_loop3A_1067 = vector.broadcast %parallel_loop3A_1066 : i32 to vector<16xi32>
        %parallel_loop3A_1068 = arith.andi %parallel_loop3A_1065, %parallel_loop3A_1067 : vector<16xi32>
        %parallel_loop3A_1069 = tpu.vector_load_idx %arg7[%parallel_loop3A_771, %parallel_loop3A_1068] : memref<512x32xf32, #tpu.memory_space<vmem>>[vector<16xi32>, vector<16xi32>], vector<16xf32>,
        %parallel_loop3A_1070 = arith.constant 7 : i32
        %parallel_loop3A_1071 = vector.broadcast %parallel_loop3A_1070 : i32 to vector<16xi32>
        %parallel_loop3A_1072 = arith.shli %parallel_loop3A_1068, %parallel_loop3A_1071 : vector<16xi32>
        %parallel_loop3A_1073 = arith.addi %parallel_loop3A_1072, %parallel_loop3A_776 : vector<16xi32>
        tpu.vector_store_idx %arg9[%parallel_loop3A_1073], %parallel_loop3A_1069 : memref<16384xf32, #tpu.memory_space<vmem>>[vector<16xi32>], vector<16xf32>,
        %parallel_loop3A_1074 = arith.constant 27 : i32
        %parallel_loop3A_1075 = vector.broadcast %parallel_loop3A_1074 : i32 to vector<16xi32>
        %parallel_loop3A_1076 = arith.addi %iota3A, %parallel_loop3A_1075 : vector<16xi32>
        %parallel_loop3A_1077 = arith.constant 31 : i32
        %parallel_loop3A_1078 = vector.broadcast %parallel_loop3A_1077 : i32 to vector<16xi32>
        %parallel_loop3A_1079 = arith.andi %parallel_loop3A_1076, %parallel_loop3A_1078 : vector<16xi32>
        %parallel_loop3A_1080 = tpu.vector_load_idx %arg7[%parallel_loop3A_771, %parallel_loop3A_1079] : memref<512x32xf32, #tpu.memory_space<vmem>>[vector<16xi32>, vector<16xi32>], vector<16xf32>,
        %parallel_loop3A_1081 = arith.constant 7 : i32
        %parallel_loop3A_1082 = vector.broadcast %parallel_loop3A_1081 : i32 to vector<16xi32>
        %parallel_loop3A_1083 = arith.shli %parallel_loop3A_1079, %parallel_loop3A_1082 : vector<16xi32>
        %parallel_loop3A_1084 = arith.addi %parallel_loop3A_1083, %parallel_loop3A_776 : vector<16xi32>
        tpu.vector_store_idx %arg9[%parallel_loop3A_1084], %parallel_loop3A_1080 : memref<16384xf32, #tpu.memory_space<vmem>>[vector<16xi32>], vector<16xf32>,
        %parallel_loop3A_1085 = arith.constant 28 : i32
        %parallel_loop3A_1086 = vector.broadcast %parallel_loop3A_1085 : i32 to vector<16xi32>
        %parallel_loop3A_1087 = arith.addi %iota3A, %parallel_loop3A_1086 : vector<16xi32>
        %parallel_loop3A_1088 = arith.constant 31 : i32
        %parallel_loop3A_1089 = vector.broadcast %parallel_loop3A_1088 : i32 to vector<16xi32>
        %parallel_loop3A_1090 = arith.andi %parallel_loop3A_1087, %parallel_loop3A_1089 : vector<16xi32>
        %parallel_loop3A_1091 = tpu.vector_load_idx %arg7[%parallel_loop3A_771, %parallel_loop3A_1090] : memref<512x32xf32, #tpu.memory_space<vmem>>[vector<16xi32>, vector<16xi32>], vector<16xf32>,
        %parallel_loop3A_1092 = arith.constant 7 : i32
        %parallel_loop3A_1093 = vector.broadcast %parallel_loop3A_1092 : i32 to vector<16xi32>
        %parallel_loop3A_1094 = arith.shli %parallel_loop3A_1090, %parallel_loop3A_1093 : vector<16xi32>
        %parallel_loop3A_1095 = arith.addi %parallel_loop3A_1094, %parallel_loop3A_776 : vector<16xi32>
        tpu.vector_store_idx %arg9[%parallel_loop3A_1095], %parallel_loop3A_1091 : memref<16384xf32, #tpu.memory_space<vmem>>[vector<16xi32>], vector<16xf32>,
        %parallel_loop3A_1096 = arith.constant 29 : i32
        %parallel_loop3A_1097 = vector.broadcast %parallel_loop3A_1096 : i32 to vector<16xi32>
        %parallel_loop3A_1098 = arith.addi %iota3A, %parallel_loop3A_1097 : vector<16xi32>
        %parallel_loop3A_1099 = arith.constant 31 : i32
        %parallel_loop3A_1100 = vector.broadcast %parallel_loop3A_1099 : i32 to vector<16xi32>
        %parallel_loop3A_1101 = arith.andi %parallel_loop3A_1098, %parallel_loop3A_1100 : vector<16xi32>
        %parallel_loop3A_1102 = tpu.vector_load_idx %arg7[%parallel_loop3A_771, %parallel_loop3A_1101] : memref<512x32xf32, #tpu.memory_space<vmem>>[vector<16xi32>, vector<16xi32>], vector<16xf32>,
        %parallel_loop3A_1103 = arith.constant 7 : i32
        %parallel_loop3A_1104 = vector.broadcast %parallel_loop3A_1103 : i32 to vector<16xi32>
        %parallel_loop3A_1105 = arith.shli %parallel_loop3A_1101, %parallel_loop3A_1104 : vector<16xi32>
        %parallel_loop3A_1106 = arith.addi %parallel_loop3A_1105, %parallel_loop3A_776 : vector<16xi32>
        tpu.vector_store_idx %arg9[%parallel_loop3A_1106], %parallel_loop3A_1102 : memref<16384xf32, #tpu.memory_space<vmem>>[vector<16xi32>], vector<16xf32>,
        %parallel_loop3A_1107 = arith.constant 30 : i32
        %parallel_loop3A_1108 = vector.broadcast %parallel_loop3A_1107 : i32 to vector<16xi32>
        %parallel_loop3A_1109 = arith.addi %iota3A, %parallel_loop3A_1108 : vector<16xi32>
        %parallel_loop3A_1110 = arith.constant 31 : i32
        %parallel_loop3A_1111 = vector.broadcast %parallel_loop3A_1110 : i32 to vector<16xi32>
        %parallel_loop3A_1112 = arith.andi %parallel_loop3A_1109, %parallel_loop3A_1111 : vector<16xi32>
        %parallel_loop3A_1113 = tpu.vector_load_idx %arg7[%parallel_loop3A_771, %parallel_loop3A_1112] : memref<512x32xf32, #tpu.memory_space<vmem>>[vector<16xi32>, vector<16xi32>], vector<16xf32>,
        %parallel_loop3A_1114 = arith.constant 7 : i32
        %parallel_loop3A_1115 = vector.broadcast %parallel_loop3A_1114 : i32 to vector<16xi32>
        %parallel_loop3A_1116 = arith.shli %parallel_loop3A_1112, %parallel_loop3A_1115 : vector<16xi32>
        %parallel_loop3A_1117 = arith.addi %parallel_loop3A_1116, %parallel_loop3A_776 : vector<16xi32>
        tpu.vector_store_idx %arg9[%parallel_loop3A_1117], %parallel_loop3A_1113 : memref<16384xf32, #tpu.memory_space<vmem>>[vector<16xi32>], vector<16xf32>,
        %parallel_loop3A_1118 = arith.constant 31 : i32
        %parallel_loop3A_1119 = vector.broadcast %parallel_loop3A_1118 : i32 to vector<16xi32>
        %parallel_loop3A_1120 = arith.addi %iota3A, %parallel_loop3A_1119 : vector<16xi32>
        %parallel_loop3A_1121 = arith.constant 31 : i32
        %parallel_loop3A_1122 = vector.broadcast %parallel_loop3A_1121 : i32 to vector<16xi32>
        %parallel_loop3A_1123 = arith.andi %parallel_loop3A_1120, %parallel_loop3A_1122 : vector<16xi32>
        %parallel_loop3A_1124 = tpu.vector_load_idx %arg7[%parallel_loop3A_771, %parallel_loop3A_1123] : memref<512x32xf32, #tpu.memory_space<vmem>>[vector<16xi32>, vector<16xi32>], vector<16xf32>,
        %parallel_loop3A_1125 = arith.constant 7 : i32
        %parallel_loop3A_1126 = vector.broadcast %parallel_loop3A_1125 : i32 to vector<16xi32>
        %parallel_loop3A_1127 = arith.shli %parallel_loop3A_1123, %parallel_loop3A_1126 : vector<16xi32>
        %parallel_loop3A_1128 = arith.addi %parallel_loop3A_1127, %parallel_loop3A_776 : vector<16xi32>
        tpu.vector_store_idx %arg9[%parallel_loop3A_1128], %parallel_loop3A_1124 : memref<16384xf32, #tpu.memory_space<vmem>>[vector<16xi32>], vector<16xf32>,
      } {sc.loop_unroll_factor = 2 : i64, sc.parallel_access}
      %mul3A_417 = arith.constant 4 : i32
      %mul3A_418 = arith.muli %add3A_104, %mul3A_417 : i32
      %add3A_419 = arith.constant 0 : i32
      %add3A_420 = arith.addi %mul3A_418, %add3A_419 : i32
      %dma_start3A_421 = arith.constant 0 : i32
      %dma_start3A_422 = arith.constant 0 : i32
      %dma_start3A_423 = tpu.memref_slice %arg9[%dma_start3A_422] : memref<16384xf32, #tpu.memory_space<vmem>> -> memref<1024xf32, #tpu.memory_space<vmem>>
      %dma_start3A_424 = arith.constant 0 : i32
      %dma_start3A_425 = tpu.memref_slice %arg4[%add3A_420, %dma_start3A_421, %add3A, %dma_start3A_424] : memref<200x4x32x1024xf32, #tpu.memory_space<hbm>> -> memref<1x1x1x1024xf32, #tpu.memory_space<hbm>>
      %dma_start3A_426 = tpu.memref_squeeze %dma_start3A_425 : memref<1x1x1x1024xf32, #tpu.memory_space<hbm>> -> memref<1024xf32, #tpu.memory_space<hbm>>
      %dma_start3A_427 = arith.constant 0 : i32
      %dma_start3A_428 = tpu.memref_slice %arg4[%add3A_420, %dma_start3A_421, %add3A, %dma_start3A_427] : memref<200x4x32x1024xf32, #tpu.memory_space<hbm>> -> memref<1x1x1x1024xf32, #tpu.memory_space<hbm>>
      %dma_start3A_429 = tpu.memref_squeeze %dma_start3A_428 : memref<1x1x1x1024xf32, #tpu.memory_space<hbm>> -> memref<1024xf32, #tpu.memory_space<hbm>>
      %dma_start3A_430 = arith.constant 0 : i32
      %dma_start3A_431 = tpu.memref_slice %arg9[%dma_start3A_430] : memref<16384xf32, #tpu.memory_space<vmem>> -> memref<1024xf32, #tpu.memory_space<vmem>>
      tpu.enqueue_dma source(%dma_start3A_431 : memref<1024xf32, #tpu.memory_space<vmem>>) target(%dma_start3A_429 : memref<1024xf32, #tpu.memory_space<hbm>>) target_semaphore(%arg13 : memref<!tpu.dma_semaphore, #tpu.memory_space<semaphore_mem>>)
      %mul3A_432 = arith.constant 4 : i32
      %mul3A_433 = arith.muli %add3A_104, %mul3A_432 : i32
      %add3A_434 = arith.constant 0 : i32
      %add3A_435 = arith.addi %mul3A_433, %add3A_434 : i32
      %dma_start3A_436 = arith.constant 1 : i32
      %dma_start3A_437 = arith.constant 1024 : i32
      %dma_start3A_438 = tpu.memref_slice %arg9[%dma_start3A_437] : memref<16384xf32, #tpu.memory_space<vmem>> -> memref<1024xf32, #tpu.memory_space<vmem>>
      %dma_start3A_439 = arith.constant 0 : i32
      %dma_start3A_440 = tpu.memref_slice %arg4[%add3A_435, %dma_start3A_436, %add3A, %dma_start3A_439] : memref<200x4x32x1024xf32, #tpu.memory_space<hbm>> -> memref<1x1x1x1024xf32, #tpu.memory_space<hbm>>
      %dma_start3A_441 = tpu.memref_squeeze %dma_start3A_440 : memref<1x1x1x1024xf32, #tpu.memory_space<hbm>> -> memref<1024xf32, #tpu.memory_space<hbm>>
      %dma_start3A_442 = arith.constant 0 : i32
      %dma_start3A_443 = tpu.memref_slice %arg4[%add3A_435, %dma_start3A_436, %add3A, %dma_start3A_442] : memref<200x4x32x1024xf32, #tpu.memory_space<hbm>> -> memref<1x1x1x1024xf32, #tpu.memory_space<hbm>>
      %dma_start3A_444 = tpu.memref_squeeze %dma_start3A_443 : memref<1x1x1x1024xf32, #tpu.memory_space<hbm>> -> memref<1024xf32, #tpu.memory_space<hbm>>
      %dma_start3A_445 = arith.constant 1024 : i32
      %dma_start3A_446 = tpu.memref_slice %arg9[%dma_start3A_445] : memref<16384xf32, #tpu.memory_space<vmem>> -> memref<1024xf32, #tpu.memory_space<vmem>>
      tpu.enqueue_dma source(%dma_start3A_446 : memref<1024xf32, #tpu.memory_space<vmem>>) target(%dma_start3A_444 : memref<1024xf32, #tpu.memory_space<hbm>>) target_semaphore(%arg13 : memref<!tpu.dma_semaphore, #tpu.memory_space<semaphore_mem>>)
      %mul3A_447 = arith.constant 4 : i32
      %mul3A_448 = arith.muli %add3A_104, %mul3A_447 : i32
      %add3A_449 = arith.constant 0 : i32
      %add3A_450 = arith.addi %mul3A_448, %add3A_449 : i32
      %dma_start3A_451 = arith.constant 2 : i32
      %dma_start3A_452 = arith.constant 2048 : i32
      %dma_start3A_453 = tpu.memref_slice %arg9[%dma_start3A_452] : memref<16384xf32, #tpu.memory_space<vmem>> -> memref<1024xf32, #tpu.memory_space<vmem>>
      %dma_start3A_454 = arith.constant 0 : i32
      %dma_start3A_455 = tpu.memref_slice %arg4[%add3A_450, %dma_start3A_451, %add3A, %dma_start3A_454] : memref<200x4x32x1024xf32, #tpu.memory_space<hbm>> -> memref<1x1x1x1024xf32, #tpu.memory_space<hbm>>
      %dma_start3A_456 = tpu.memref_squeeze %dma_start3A_455 : memref<1x1x1x1024xf32, #tpu.memory_space<hbm>> -> memref<1024xf32, #tpu.memory_space<hbm>>
      %dma_start3A_457 = arith.constant 0 : i32
      %dma_start3A_458 = tpu.memref_slice %arg4[%add3A_450, %dma_start3A_451, %add3A, %dma_start3A_457] : memref<200x4x32x1024xf32, #tpu.memory_space<hbm>> -> memref<1x1x1x1024xf32, #tpu.memory_space<hbm>>
      %dma_start3A_459 = tpu.memref_squeeze %dma_start3A_458 : memref<1x1x1x1024xf32, #tpu.memory_space<hbm>> -> memref<1024xf32, #tpu.memory_space<hbm>>
      %dma_start3A_460 = arith.constant 2048 : i32
      %dma_start3A_461 = tpu.memref_slice %arg9[%dma_start3A_460] : memref<16384xf32, #tpu.memory_space<vmem>> -> memref<1024xf32, #tpu.memory_space<vmem>>
      tpu.enqueue_dma source(%dma_start3A_461 : memref<1024xf32, #tpu.memory_space<vmem>>) target(%dma_start3A_459 : memref<1024xf32, #tpu.memory_space<hbm>>) target_semaphore(%arg13 : memref<!tpu.dma_semaphore, #tpu.memory_space<semaphore_mem>>)
      %mul3A_462 = arith.constant 4 : i32
      %mul3A_463 = arith.muli %add3A_104, %mul3A_462 : i32
      %add3A_464 = arith.constant 0 : i32
      %add3A_465 = arith.addi %mul3A_463, %add3A_464 : i32
      %dma_start3A_466 = arith.constant 3 : i32
      %dma_start3A_467 = arith.constant 3072 : i32
      %dma_start3A_468 = tpu.memref_slice %arg9[%dma_start3A_467] : memref<16384xf32, #tpu.memory_space<vmem>> -> memref<1024xf32, #tpu.memory_space<vmem>>
      %dma_start3A_469 = arith.constant 0 : i32
      %dma_start3A_470 = tpu.memref_slice %arg4[%add3A_465, %dma_start3A_466, %add3A, %dma_start3A_469] : memref<200x4x32x1024xf32, #tpu.memory_space<hbm>> -> memref<1x1x1x1024xf32, #tpu.memory_space<hbm>>
      %dma_start3A_471 = tpu.memref_squeeze %dma_start3A_470 : memref<1x1x1x1024xf32, #tpu.memory_space<hbm>> -> memref<1024xf32, #tpu.memory_space<hbm>>
      %dma_start3A_472 = arith.constant 0 : i32
      %dma_start3A_473 = tpu.memref_slice %arg4[%add3A_465, %dma_start3A_466, %add3A, %dma_start3A_472] : memref<200x4x32x1024xf32, #tpu.memory_space<hbm>> -> memref<1x1x1x1024xf32, #tpu.memory_space<hbm>>
      %dma_start3A_474 = tpu.memref_squeeze %dma_start3A_473 : memref<1x1x1x1024xf32, #tpu.memory_space<hbm>> -> memref<1024xf32, #tpu.memory_space<hbm>>
      %dma_start3A_475 = arith.constant 3072 : i32
      %dma_start3A_476 = tpu.memref_slice %arg9[%dma_start3A_475] : memref<16384xf32, #tpu.memory_space<vmem>> -> memref<1024xf32, #tpu.memory_space<vmem>>
      tpu.enqueue_dma source(%dma_start3A_476 : memref<1024xf32, #tpu.memory_space<vmem>>) target(%dma_start3A_474 : memref<1024xf32, #tpu.memory_space<hbm>>) target_semaphore(%arg13 : memref<!tpu.dma_semaphore, #tpu.memory_space<semaphore_mem>>)
      %mul3A_477 = arith.constant 4 : i32
      %mul3A_478 = arith.muli %add3A_104, %mul3A_477 : i32
      %add3A_479 = arith.constant 1 : i32
      %add3A_480 = arith.addi %mul3A_478, %add3A_479 : i32
      %dma_start3A_481 = arith.constant 0 : i32
      %dma_start3A_482 = arith.constant 4096 : i32
      %dma_start3A_483 = tpu.memref_slice %arg9[%dma_start3A_482] : memref<16384xf32, #tpu.memory_space<vmem>> -> memref<1024xf32, #tpu.memory_space<vmem>>
      %dma_start3A_484 = arith.constant 0 : i32
      %dma_start3A_485 = tpu.memref_slice %arg4[%add3A_480, %dma_start3A_481, %add3A, %dma_start3A_484] : memref<200x4x32x1024xf32, #tpu.memory_space<hbm>> -> memref<1x1x1x1024xf32, #tpu.memory_space<hbm>>
      %dma_start3A_486 = tpu.memref_squeeze %dma_start3A_485 : memref<1x1x1x1024xf32, #tpu.memory_space<hbm>> -> memref<1024xf32, #tpu.memory_space<hbm>>
      %dma_start3A_487 = arith.constant 0 : i32
      %dma_start3A_488 = tpu.memref_slice %arg4[%add3A_480, %dma_start3A_481, %add3A, %dma_start3A_487] : memref<200x4x32x1024xf32, #tpu.memory_space<hbm>> -> memref<1x1x1x1024xf32, #tpu.memory_space<hbm>>
      %dma_start3A_489 = tpu.memref_squeeze %dma_start3A_488 : memref<1x1x1x1024xf32, #tpu.memory_space<hbm>> -> memref<1024xf32, #tpu.memory_space<hbm>>
      %dma_start3A_490 = arith.constant 4096 : i32
      %dma_start3A_491 = tpu.memref_slice %arg9[%dma_start3A_490] : memref<16384xf32, #tpu.memory_space<vmem>> -> memref<1024xf32, #tpu.memory_space<vmem>>
      tpu.enqueue_dma source(%dma_start3A_491 : memref<1024xf32, #tpu.memory_space<vmem>>) target(%dma_start3A_489 : memref<1024xf32, #tpu.memory_space<hbm>>) target_semaphore(%arg13 : memref<!tpu.dma_semaphore, #tpu.memory_space<semaphore_mem>>)
      %mul3A_492 = arith.constant 4 : i32
      %mul3A_493 = arith.muli %add3A_104, %mul3A_492 : i32
      %add3A_494 = arith.constant 1 : i32
      %add3A_495 = arith.addi %mul3A_493, %add3A_494 : i32
      %dma_start3A_496 = arith.constant 1 : i32
      %dma_start3A_497 = arith.constant 5120 : i32
      %dma_start3A_498 = tpu.memref_slice %arg9[%dma_start3A_497] : memref<16384xf32, #tpu.memory_space<vmem>> -> memref<1024xf32, #tpu.memory_space<vmem>>
      %dma_start3A_499 = arith.constant 0 : i32
      %dma_start3A_500 = tpu.memref_slice %arg4[%add3A_495, %dma_start3A_496, %add3A, %dma_start3A_499] : memref<200x4x32x1024xf32, #tpu.memory_space<hbm>> -> memref<1x1x1x1024xf32, #tpu.memory_space<hbm>>
      %dma_start3A_501 = tpu.memref_squeeze %dma_start3A_500 : memref<1x1x1x1024xf32, #tpu.memory_space<hbm>> -> memref<1024xf32, #tpu.memory_space<hbm>>
      %dma_start3A_502 = arith.constant 0 : i32
      %dma_start3A_503 = tpu.memref_slice %arg4[%add3A_495, %dma_start3A_496, %add3A, %dma_start3A_502] : memref<200x4x32x1024xf32, #tpu.memory_space<hbm>> -> memref<1x1x1x1024xf32, #tpu.memory_space<hbm>>
      %dma_start3A_504 = tpu.memref_squeeze %dma_start3A_503 : memref<1x1x1x1024xf32, #tpu.memory_space<hbm>> -> memref<1024xf32, #tpu.memory_space<hbm>>
      %dma_start3A_505 = arith.constant 5120 : i32
      %dma_start3A_506 = tpu.memref_slice %arg9[%dma_start3A_505] : memref<16384xf32, #tpu.memory_space<vmem>> -> memref<1024xf32, #tpu.memory_space<vmem>>
      tpu.enqueue_dma source(%dma_start3A_506 : memref<1024xf32, #tpu.memory_space<vmem>>) target(%dma_start3A_504 : memref<1024xf32, #tpu.memory_space<hbm>>) target_semaphore(%arg13 : memref<!tpu.dma_semaphore, #tpu.memory_space<semaphore_mem>>)
      %mul3A_507 = arith.constant 4 : i32
      %mul3A_508 = arith.muli %add3A_104, %mul3A_507 : i32
      %add3A_509 = arith.constant 1 : i32
      %add3A_510 = arith.addi %mul3A_508, %add3A_509 : i32
      %dma_start3A_511 = arith.constant 2 : i32
      %dma_start3A_512 = arith.constant 6144 : i32
      %dma_start3A_513 = tpu.memref_slice %arg9[%dma_start3A_512] : memref<16384xf32, #tpu.memory_space<vmem>> -> memref<1024xf32, #tpu.memory_space<vmem>>
      %dma_start3A_514 = arith.constant 0 : i32
      %dma_start3A_515 = tpu.memref_slice %arg4[%add3A_510, %dma_start3A_511, %add3A, %dma_start3A_514] : memref<200x4x32x1024xf32, #tpu.memory_space<hbm>> -> memref<1x1x1x1024xf32, #tpu.memory_space<hbm>>
      %dma_start3A_516 = tpu.memref_squeeze %dma_start3A_515 : memref<1x1x1x1024xf32, #tpu.memory_space<hbm>> -> memref<1024xf32, #tpu.memory_space<hbm>>
      %dma_start3A_517 = arith.constant 0 : i32
      %dma_start3A_518 = tpu.memref_slice %arg4[%add3A_510, %dma_start3A_511, %add3A, %dma_start3A_517] : memref<200x4x32x1024xf32, #tpu.memory_space<hbm>> -> memref<1x1x1x1024xf32, #tpu.memory_space<hbm>>
      %dma_start3A_519 = tpu.memref_squeeze %dma_start3A_518 : memref<1x1x1x1024xf32, #tpu.memory_space<hbm>> -> memref<1024xf32, #tpu.memory_space<hbm>>
      %dma_start3A_520 = arith.constant 6144 : i32
      %dma_start3A_521 = tpu.memref_slice %arg9[%dma_start3A_520] : memref<16384xf32, #tpu.memory_space<vmem>> -> memref<1024xf32, #tpu.memory_space<vmem>>
      tpu.enqueue_dma source(%dma_start3A_521 : memref<1024xf32, #tpu.memory_space<vmem>>) target(%dma_start3A_519 : memref<1024xf32, #tpu.memory_space<hbm>>) target_semaphore(%arg13 : memref<!tpu.dma_semaphore, #tpu.memory_space<semaphore_mem>>)
      %mul3A_522 = arith.constant 4 : i32
      %mul3A_523 = arith.muli %add3A_104, %mul3A_522 : i32
      %add3A_524 = arith.constant 1 : i32
      %add3A_525 = arith.addi %mul3A_523, %add3A_524 : i32
      %dma_start3A_526 = arith.constant 3 : i32
      %dma_start3A_527 = arith.constant 7168 : i32
      %dma_start3A_528 = tpu.memref_slice %arg9[%dma_start3A_527] : memref<16384xf32, #tpu.memory_space<vmem>> -> memref<1024xf32, #tpu.memory_space<vmem>>
      %dma_start3A_529 = arith.constant 0 : i32
      %dma_start3A_530 = tpu.memref_slice %arg4[%add3A_525, %dma_start3A_526, %add3A, %dma_start3A_529] : memref<200x4x32x1024xf32, #tpu.memory_space<hbm>> -> memref<1x1x1x1024xf32, #tpu.memory_space<hbm>>
      %dma_start3A_531 = tpu.memref_squeeze %dma_start3A_530 : memref<1x1x1x1024xf32, #tpu.memory_space<hbm>> -> memref<1024xf32, #tpu.memory_space<hbm>>
      %dma_start3A_532 = arith.constant 0 : i32
      %dma_start3A_533 = tpu.memref_slice %arg4[%add3A_525, %dma_start3A_526, %add3A, %dma_start3A_532] : memref<200x4x32x1024xf32, #tpu.memory_space<hbm>> -> memref<1x1x1x1024xf32, #tpu.memory_space<hbm>>
      %dma_start3A_534 = tpu.memref_squeeze %dma_start3A_533 : memref<1x1x1x1024xf32, #tpu.memory_space<hbm>> -> memref<1024xf32, #tpu.memory_space<hbm>>
      %dma_start3A_535 = arith.constant 7168 : i32
      %dma_start3A_536 = tpu.memref_slice %arg9[%dma_start3A_535] : memref<16384xf32, #tpu.memory_space<vmem>> -> memref<1024xf32, #tpu.memory_space<vmem>>
      tpu.enqueue_dma source(%dma_start3A_536 : memref<1024xf32, #tpu.memory_space<vmem>>) target(%dma_start3A_534 : memref<1024xf32, #tpu.memory_space<hbm>>) target_semaphore(%arg13 : memref<!tpu.dma_semaphore, #tpu.memory_space<semaphore_mem>>)
      %mul3A_537 = arith.constant 4 : i32
      %mul3A_538 = arith.muli %add3A_104, %mul3A_537 : i32
      %add3A_539 = arith.constant 2 : i32
      %add3A_540 = arith.addi %mul3A_538, %add3A_539 : i32
      %dma_start3A_541 = arith.constant 0 : i32
      %dma_start3A_542 = arith.constant 8192 : i32
      %dma_start3A_543 = tpu.memref_slice %arg9[%dma_start3A_542] : memref<16384xf32, #tpu.memory_space<vmem>> -> memref<1024xf32, #tpu.memory_space<vmem>>
      %dma_start3A_544 = arith.constant 0 : i32
      %dma_start3A_545 = tpu.memref_slice %arg4[%add3A_540, %dma_start3A_541, %add3A, %dma_start3A_544] : memref<200x4x32x1024xf32, #tpu.memory_space<hbm>> -> memref<1x1x1x1024xf32, #tpu.memory_space<hbm>>
      %dma_start3A_546 = tpu.memref_squeeze %dma_start3A_545 : memref<1x1x1x1024xf32, #tpu.memory_space<hbm>> -> memref<1024xf32, #tpu.memory_space<hbm>>
      %dma_start3A_547 = arith.constant 0 : i32
      %dma_start3A_548 = tpu.memref_slice %arg4[%add3A_540, %dma_start3A_541, %add3A, %dma_start3A_547] : memref<200x4x32x1024xf32, #tpu.memory_space<hbm>> -> memref<1x1x1x1024xf32, #tpu.memory_space<hbm>>
      %dma_start3A_549 = tpu.memref_squeeze %dma_start3A_548 : memref<1x1x1x1024xf32, #tpu.memory_space<hbm>> -> memref<1024xf32, #tpu.memory_space<hbm>>
      %dma_start3A_550 = arith.constant 8192 : i32
      %dma_start3A_551 = tpu.memref_slice %arg9[%dma_start3A_550] : memref<16384xf32, #tpu.memory_space<vmem>> -> memref<1024xf32, #tpu.memory_space<vmem>>
      tpu.enqueue_dma source(%dma_start3A_551 : memref<1024xf32, #tpu.memory_space<vmem>>) target(%dma_start3A_549 : memref<1024xf32, #tpu.memory_space<hbm>>) target_semaphore(%arg13 : memref<!tpu.dma_semaphore, #tpu.memory_space<semaphore_mem>>)
      %mul3A_552 = arith.constant 4 : i32
      %mul3A_553 = arith.muli %add3A_104, %mul3A_552 : i32
      %add3A_554 = arith.constant 2 : i32
      %add3A_555 = arith.addi %mul3A_553, %add3A_554 : i32
      %dma_start3A_556 = arith.constant 1 : i32
      %dma_start3A_557 = arith.constant 9216 : i32
      %dma_start3A_558 = tpu.memref_slice %arg9[%dma_start3A_557] : memref<16384xf32, #tpu.memory_space<vmem>> -> memref<1024xf32, #tpu.memory_space<vmem>>
      %dma_start3A_559 = arith.constant 0 : i32
      %dma_start3A_560 = tpu.memref_slice %arg4[%add3A_555, %dma_start3A_556, %add3A, %dma_start3A_559] : memref<200x4x32x1024xf32, #tpu.memory_space<hbm>> -> memref<1x1x1x1024xf32, #tpu.memory_space<hbm>>
      %dma_start3A_561 = tpu.memref_squeeze %dma_start3A_560 : memref<1x1x1x1024xf32, #tpu.memory_space<hbm>> -> memref<1024xf32, #tpu.memory_space<hbm>>
      %dma_start3A_562 = arith.constant 0 : i32
      %dma_start3A_563 = tpu.memref_slice %arg4[%add3A_555, %dma_start3A_556, %add3A, %dma_start3A_562] : memref<200x4x32x1024xf32, #tpu.memory_space<hbm>> -> memref<1x1x1x1024xf32, #tpu.memory_space<hbm>>
      %dma_start3A_564 = tpu.memref_squeeze %dma_start3A_563 : memref<1x1x1x1024xf32, #tpu.memory_space<hbm>> -> memref<1024xf32, #tpu.memory_space<hbm>>
      %dma_start3A_565 = arith.constant 9216 : i32
      %dma_start3A_566 = tpu.memref_slice %arg9[%dma_start3A_565] : memref<16384xf32, #tpu.memory_space<vmem>> -> memref<1024xf32, #tpu.memory_space<vmem>>
      tpu.enqueue_dma source(%dma_start3A_566 : memref<1024xf32, #tpu.memory_space<vmem>>) target(%dma_start3A_564 : memref<1024xf32, #tpu.memory_space<hbm>>) target_semaphore(%arg13 : memref<!tpu.dma_semaphore, #tpu.memory_space<semaphore_mem>>)
      %mul3A_567 = arith.constant 4 : i32
      %mul3A_568 = arith.muli %add3A_104, %mul3A_567 : i32
      %add3A_569 = arith.constant 2 : i32
      %add3A_570 = arith.addi %mul3A_568, %add3A_569 : i32
      %dma_start3A_571 = arith.constant 2 : i32
      %dma_start3A_572 = arith.constant 10240 : i32
      %dma_start3A_573 = tpu.memref_slice %arg9[%dma_start3A_572] : memref<16384xf32, #tpu.memory_space<vmem>> -> memref<1024xf32, #tpu.memory_space<vmem>>
      %dma_start3A_574 = arith.constant 0 : i32
      %dma_start3A_575 = tpu.memref_slice %arg4[%add3A_570, %dma_start3A_571, %add3A, %dma_start3A_574] : memref<200x4x32x1024xf32, #tpu.memory_space<hbm>> -> memref<1x1x1x1024xf32, #tpu.memory_space<hbm>>
      %dma_start3A_576 = tpu.memref_squeeze %dma_start3A_575 : memref<1x1x1x1024xf32, #tpu.memory_space<hbm>> -> memref<1024xf32, #tpu.memory_space<hbm>>
      %dma_start3A_577 = arith.constant 0 : i32
      %dma_start3A_578 = tpu.memref_slice %arg4[%add3A_570, %dma_start3A_571, %add3A, %dma_start3A_577] : memref<200x4x32x1024xf32, #tpu.memory_space<hbm>> -> memref<1x1x1x1024xf32, #tpu.memory_space<hbm>>
      %dma_start3A_579 = tpu.memref_squeeze %dma_start3A_578 : memref<1x1x1x1024xf32, #tpu.memory_space<hbm>> -> memref<1024xf32, #tpu.memory_space<hbm>>
      %dma_start3A_580 = arith.constant 10240 : i32
      %dma_start3A_581 = tpu.memref_slice %arg9[%dma_start3A_580] : memref<16384xf32, #tpu.memory_space<vmem>> -> memref<1024xf32, #tpu.memory_space<vmem>>
      tpu.enqueue_dma source(%dma_start3A_581 : memref<1024xf32, #tpu.memory_space<vmem>>) target(%dma_start3A_579 : memref<1024xf32, #tpu.memory_space<hbm>>) target_semaphore(%arg13 : memref<!tpu.dma_semaphore, #tpu.memory_space<semaphore_mem>>)
      %mul3A_582 = arith.constant 4 : i32
      %mul3A_583 = arith.muli %add3A_104, %mul3A_582 : i32
      %add3A_584 = arith.constant 2 : i32
      %add3A_585 = arith.addi %mul3A_583, %add3A_584 : i32
      %dma_start3A_586 = arith.constant 3 : i32
      %dma_start3A_587 = arith.constant 11264 : i32
      %dma_start3A_588 = tpu.memref_slice %arg9[%dma_start3A_587] : memref<16384xf32, #tpu.memory_space<vmem>> -> memref<1024xf32, #tpu.memory_space<vmem>>
      %dma_start3A_589 = arith.constant 0 : i32
      %dma_start3A_590 = tpu.memref_slice %arg4[%add3A_585, %dma_start3A_586, %add3A, %dma_start3A_589] : memref<200x4x32x1024xf32, #tpu.memory_space<hbm>> -> memref<1x1x1x1024xf32, #tpu.memory_space<hbm>>
      %dma_start3A_591 = tpu.memref_squeeze %dma_start3A_590 : memref<1x1x1x1024xf32, #tpu.memory_space<hbm>> -> memref<1024xf32, #tpu.memory_space<hbm>>
      %dma_start3A_592 = arith.constant 0 : i32
      %dma_start3A_593 = tpu.memref_slice %arg4[%add3A_585, %dma_start3A_586, %add3A, %dma_start3A_592] : memref<200x4x32x1024xf32, #tpu.memory_space<hbm>> -> memref<1x1x1x1024xf32, #tpu.memory_space<hbm>>
      %dma_start3A_594 = tpu.memref_squeeze %dma_start3A_593 : memref<1x1x1x1024xf32, #tpu.memory_space<hbm>> -> memref<1024xf32, #tpu.memory_space<hbm>>
      %dma_start3A_595 = arith.constant 11264 : i32
      %dma_start3A_596 = tpu.memref_slice %arg9[%dma_start3A_595] : memref<16384xf32, #tpu.memory_space<vmem>> -> memref<1024xf32, #tpu.memory_space<vmem>>
      tpu.enqueue_dma source(%dma_start3A_596 : memref<1024xf32, #tpu.memory_space<vmem>>) target(%dma_start3A_594 : memref<1024xf32, #tpu.memory_space<hbm>>) target_semaphore(%arg13 : memref<!tpu.dma_semaphore, #tpu.memory_space<semaphore_mem>>)
      %mul3A_597 = arith.constant 4 : i32
      %mul3A_598 = arith.muli %add3A_104, %mul3A_597 : i32
      %add3A_599 = arith.constant 3 : i32
      %add3A_600 = arith.addi %mul3A_598, %add3A_599 : i32
      %dma_start3A_601 = arith.constant 0 : i32
      %dma_start3A_602 = arith.constant 12288 : i32
      %dma_start3A_603 = tpu.memref_slice %arg9[%dma_start3A_602] : memref<16384xf32, #tpu.memory_space<vmem>> -> memref<1024xf32, #tpu.memory_space<vmem>>
      %dma_start3A_604 = arith.constant 0 : i32
      %dma_start3A_605 = tpu.memref_slice %arg4[%add3A_600, %dma_start3A_601, %add3A, %dma_start3A_604] : memref<200x4x32x1024xf32, #tpu.memory_space<hbm>> -> memref<1x1x1x1024xf32, #tpu.memory_space<hbm>>
      %dma_start3A_606 = tpu.memref_squeeze %dma_start3A_605 : memref<1x1x1x1024xf32, #tpu.memory_space<hbm>> -> memref<1024xf32, #tpu.memory_space<hbm>>
      %dma_start3A_607 = arith.constant 0 : i32
      %dma_start3A_608 = tpu.memref_slice %arg4[%add3A_600, %dma_start3A_601, %add3A, %dma_start3A_607] : memref<200x4x32x1024xf32, #tpu.memory_space<hbm>> -> memref<1x1x1x1024xf32, #tpu.memory_space<hbm>>
      %dma_start3A_609 = tpu.memref_squeeze %dma_start3A_608 : memref<1x1x1x1024xf32, #tpu.memory_space<hbm>> -> memref<1024xf32, #tpu.memory_space<hbm>>
      %dma_start3A_610 = arith.constant 12288 : i32
      %dma_start3A_611 = tpu.memref_slice %arg9[%dma_start3A_610] : memref<16384xf32, #tpu.memory_space<vmem>> -> memref<1024xf32, #tpu.memory_space<vmem>>
      tpu.enqueue_dma source(%dma_start3A_611 : memref<1024xf32, #tpu.memory_space<vmem>>) target(%dma_start3A_609 : memref<1024xf32, #tpu.memory_space<hbm>>) target_semaphore(%arg13 : memref<!tpu.dma_semaphore, #tpu.memory_space<semaphore_mem>>)
      %mul3A_612 = arith.constant 4 : i32
      %mul3A_613 = arith.muli %add3A_104, %mul3A_612 : i32
      %add3A_614 = arith.constant 3 : i32
      %add3A_615 = arith.addi %mul3A_613, %add3A_614 : i32
      %dma_start3A_616 = arith.constant 1 : i32
      %dma_start3A_617 = arith.constant 13312 : i32
      %dma_start3A_618 = tpu.memref_slice %arg9[%dma_start3A_617] : memref<16384xf32, #tpu.memory_space<vmem>> -> memref<1024xf32, #tpu.memory_space<vmem>>
      %dma_start3A_619 = arith.constant 0 : i32
      %dma_start3A_620 = tpu.memref_slice %arg4[%add3A_615, %dma_start3A_616, %add3A, %dma_start3A_619] : memref<200x4x32x1024xf32, #tpu.memory_space<hbm>> -> memref<1x1x1x1024xf32, #tpu.memory_space<hbm>>
      %dma_start3A_621 = tpu.memref_squeeze %dma_start3A_620 : memref<1x1x1x1024xf32, #tpu.memory_space<hbm>> -> memref<1024xf32, #tpu.memory_space<hbm>>
      %dma_start3A_622 = arith.constant 0 : i32
      %dma_start3A_623 = tpu.memref_slice %arg4[%add3A_615, %dma_start3A_616, %add3A, %dma_start3A_622] : memref<200x4x32x1024xf32, #tpu.memory_space<hbm>> -> memref<1x1x1x1024xf32, #tpu.memory_space<hbm>>
      %dma_start3A_624 = tpu.memref_squeeze %dma_start3A_623 : memref<1x1x1x1024xf32, #tpu.memory_space<hbm>> -> memref<1024xf32, #tpu.memory_space<hbm>>
      %dma_start3A_625 = arith.constant 13312 : i32
      %dma_start3A_626 = tpu.memref_slice %arg9[%dma_start3A_625] : memref<16384xf32, #tpu.memory_space<vmem>> -> memref<1024xf32, #tpu.memory_space<vmem>>
      tpu.enqueue_dma source(%dma_start3A_626 : memref<1024xf32, #tpu.memory_space<vmem>>) target(%dma_start3A_624 : memref<1024xf32, #tpu.memory_space<hbm>>) target_semaphore(%arg13 : memref<!tpu.dma_semaphore, #tpu.memory_space<semaphore_mem>>)
      %mul3A_627 = arith.constant 4 : i32
      %mul3A_628 = arith.muli %add3A_104, %mul3A_627 : i32
      %add3A_629 = arith.constant 3 : i32
      %add3A_630 = arith.addi %mul3A_628, %add3A_629 : i32
      %dma_start3A_631 = arith.constant 2 : i32
      %dma_start3A_632 = arith.constant 14336 : i32
      %dma_start3A_633 = tpu.memref_slice %arg9[%dma_start3A_632] : memref<16384xf32, #tpu.memory_space<vmem>> -> memref<1024xf32, #tpu.memory_space<vmem>>
      %dma_start3A_634 = arith.constant 0 : i32
      %dma_start3A_635 = tpu.memref_slice %arg4[%add3A_630, %dma_start3A_631, %add3A, %dma_start3A_634] : memref<200x4x32x1024xf32, #tpu.memory_space<hbm>> -> memref<1x1x1x1024xf32, #tpu.memory_space<hbm>>
      %dma_start3A_636 = tpu.memref_squeeze %dma_start3A_635 : memref<1x1x1x1024xf32, #tpu.memory_space<hbm>> -> memref<1024xf32, #tpu.memory_space<hbm>>
      %dma_start3A_637 = arith.constant 0 : i32
      %dma_start3A_638 = tpu.memref_slice %arg4[%add3A_630, %dma_start3A_631, %add3A, %dma_start3A_637] : memref<200x4x32x1024xf32, #tpu.memory_space<hbm>> -> memref<1x1x1x1024xf32, #tpu.memory_space<hbm>>
      %dma_start3A_639 = tpu.memref_squeeze %dma_start3A_638 : memref<1x1x1x1024xf32, #tpu.memory_space<hbm>> -> memref<1024xf32, #tpu.memory_space<hbm>>
      %dma_start3A_640 = arith.constant 14336 : i32
      %dma_start3A_641 = tpu.memref_slice %arg9[%dma_start3A_640] : memref<16384xf32, #tpu.memory_space<vmem>> -> memref<1024xf32, #tpu.memory_space<vmem>>
      tpu.enqueue_dma source(%dma_start3A_641 : memref<1024xf32, #tpu.memory_space<vmem>>) target(%dma_start3A_639 : memref<1024xf32, #tpu.memory_space<hbm>>) target_semaphore(%arg13 : memref<!tpu.dma_semaphore, #tpu.memory_space<semaphore_mem>>)
      %mul3A_642 = arith.constant 4 : i32
      %mul3A_643 = arith.muli %add3A_104, %mul3A_642 : i32
      %add3A_644 = arith.constant 3 : i32
      %add3A_645 = arith.addi %mul3A_643, %add3A_644 : i32
      %dma_start3A_646 = arith.constant 3 : i32
      %dma_start3A_647 = arith.constant 15360 : i32
      %dma_start3A_648 = tpu.memref_slice %arg9[%dma_start3A_647] : memref<16384xf32, #tpu.memory_space<vmem>> -> memref<1024xf32, #tpu.memory_space<vmem>>
      %dma_start3A_649 = arith.constant 0 : i32
      %dma_start3A_650 = tpu.memref_slice %arg4[%add3A_645, %dma_start3A_646, %add3A, %dma_start3A_649] : memref<200x4x32x1024xf32, #tpu.memory_space<hbm>> -> memref<1x1x1x1024xf32, #tpu.memory_space<hbm>>
      %dma_start3A_651 = tpu.memref_squeeze %dma_start3A_650 : memref<1x1x1x1024xf32, #tpu.memory_space<hbm>> -> memref<1024xf32, #tpu.memory_space<hbm>>
      %dma_start3A_652 = arith.constant 0 : i32
      %dma_start3A_653 = tpu.memref_slice %arg4[%add3A_645, %dma_start3A_646, %add3A, %dma_start3A_652] : memref<200x4x32x1024xf32, #tpu.memory_space<hbm>> -> memref<1x1x1x1024xf32, #tpu.memory_space<hbm>>
      %dma_start3A_654 = tpu.memref_squeeze %dma_start3A_653 : memref<1x1x1x1024xf32, #tpu.memory_space<hbm>> -> memref<1024xf32, #tpu.memory_space<hbm>>
      %dma_start3A_655 = arith.constant 15360 : i32
      %dma_start3A_656 = tpu.memref_slice %arg9[%dma_start3A_655] : memref<16384xf32, #tpu.memory_space<vmem>> -> memref<1024xf32, #tpu.memory_space<vmem>>
      tpu.enqueue_dma source(%dma_start3A_656 : memref<1024xf32, #tpu.memory_space<vmem>>) target(%dma_start3A_654 : memref<1024xf32, #tpu.memory_space<hbm>>) target_semaphore(%arg13 : memref<!tpu.dma_semaphore, #tpu.memory_space<semaphore_mem>>)
      %add3A_657 = arith.constant 2 : i32
      %add3A_658 = arith.addi %add3A_104, %add3A_657 : i32
      %rem3A_659 = arith.constant 50 : i32
      %rem3A_660 = arith.remsi %add3A_658, %rem3A_659 : i32
      %mul3A_661 = arith.constant 4 : i32
      %mul3A_662 = arith.muli %rem3A_660, %mul3A_661 : i32
      %add3A_663 = arith.constant 0 : i32
      %add3A_664 = arith.addi %mul3A_662, %add3A_663 : i32
      %dma_start3A_665 = arith.constant 0 : i32
      %dma_start3A_666 = arith.constant 0 : i32
      %dma_start3A_667 = tpu.memref_slice %arg7[%dma_start3A_665, %dma_start3A_666] : memref<512x32xf32, #tpu.memory_space<vmem>> -> memref<128x32xf32, #tpu.memory_space<vmem>>
      %dma_start3A_668 = arith.constant 0 : i32
      %dma_start3A_669 = tpu.memref_slice %arg5[%add3A_664, %dma_start3A_668] : memref<200x128xi32, #tpu.memory_space<vmem>> -> memref<1x128xi32, #tpu.memory_space<vmem>>
      %dma_start3A_670 = tpu.memref_squeeze %dma_start3A_669 : memref<1x128xi32, #tpu.memory_space<vmem>> -> memref<128xi32, #tpu.memory_space<vmem>>
      %dma_start3A_671 = arith.constant 0 : i32
      %dma_start3A_672 = arith.constant 0 : i32
      %dma_start3A_673 = tpu.memref_slice %arg3[%dma_start3A_671, %dma_start3A_672] : memref<1000000x32xf32, #tpu.memory_space<hbm>> -> memref<1000000x32xf32, #tpu.memory_space<hbm>>
      tpu.enqueue_indirect_dma source(%dma_start3A_673 : memref<1000000x32xf32, #tpu.memory_space<hbm>>) target(%dma_start3A_667 : memref<128x32xf32, #tpu.memory_space<vmem>>) offsets(%dma_start3A_670 : memref<128xi32, #tpu.memory_space<vmem>>) semaphore(%arg11 : memref<!tpu.dma_semaphore, #tpu.memory_space<semaphore_mem>>)
      %mul3A_674 = arith.constant 4 : i32
      %mul3A_675 = arith.muli %rem3A_660, %mul3A_674 : i32
      %add3A_676 = arith.constant 1 : i32
      %add3A_677 = arith.addi %mul3A_675, %add3A_676 : i32
      %dma_start3A_678 = arith.constant 128 : i32
      %dma_start3A_679 = arith.constant 0 : i32
      %dma_start3A_680 = tpu.memref_slice %arg7[%dma_start3A_678, %dma_start3A_679] : memref<512x32xf32, #tpu.memory_space<vmem>> -> memref<128x32xf32, #tpu.memory_space<vmem>>
      %dma_start3A_681 = arith.constant 0 : i32
      %dma_start3A_682 = tpu.memref_slice %arg5[%add3A_677, %dma_start3A_681] : memref<200x128xi32, #tpu.memory_space<vmem>> -> memref<1x128xi32, #tpu.memory_space<vmem>>
      %dma_start3A_683 = tpu.memref_squeeze %dma_start3A_682 : memref<1x128xi32, #tpu.memory_space<vmem>> -> memref<128xi32, #tpu.memory_space<vmem>>
      %dma_start3A_684 = arith.constant 0 : i32
      %dma_start3A_685 = arith.constant 0 : i32
      %dma_start3A_686 = tpu.memref_slice %arg3[%dma_start3A_684, %dma_start3A_685] : memref<1000000x32xf32, #tpu.memory_space<hbm>> -> memref<1000000x32xf32, #tpu.memory_space<hbm>>
      tpu.enqueue_indirect_dma source(%dma_start3A_686 : memref<1000000x32xf32, #tpu.memory_space<hbm>>) target(%dma_start3A_680 : memref<128x32xf32, #tpu.memory_space<vmem>>) offsets(%dma_start3A_683 : memref<128xi32, #tpu.memory_space<vmem>>) semaphore(%arg11 : memref<!tpu.dma_semaphore, #tpu.memory_space<semaphore_mem>>)
      %mul3A_687 = arith.constant 4 : i32
      %mul3A_688 = arith.muli %rem3A_660, %mul3A_687 : i32
      %add3A_689 = arith.constant 2 : i32
      %add3A_690 = arith.addi %mul3A_688, %add3A_689 : i32
      %dma_start3A_691 = arith.constant 256 : i32
      %dma_start3A_692 = arith.constant 0 : i32
      %dma_start3A_693 = tpu.memref_slice %arg7[%dma_start3A_691, %dma_start3A_692] : memref<512x32xf32, #tpu.memory_space<vmem>> -> memref<128x32xf32, #tpu.memory_space<vmem>>
      %dma_start3A_694 = arith.constant 0 : i32
      %dma_start3A_695 = tpu.memref_slice %arg5[%add3A_690, %dma_start3A_694] : memref<200x128xi32, #tpu.memory_space<vmem>> -> memref<1x128xi32, #tpu.memory_space<vmem>>
      %dma_start3A_696 = tpu.memref_squeeze %dma_start3A_695 : memref<1x128xi32, #tpu.memory_space<vmem>> -> memref<128xi32, #tpu.memory_space<vmem>>
      %dma_start3A_697 = arith.constant 0 : i32
      %dma_start3A_698 = arith.constant 0 : i32
      %dma_start3A_699 = tpu.memref_slice %arg3[%dma_start3A_697, %dma_start3A_698] : memref<1000000x32xf32, #tpu.memory_space<hbm>> -> memref<1000000x32xf32, #tpu.memory_space<hbm>>
      tpu.enqueue_indirect_dma source(%dma_start3A_699 : memref<1000000x32xf32, #tpu.memory_space<hbm>>) target(%dma_start3A_693 : memref<128x32xf32, #tpu.memory_space<vmem>>) offsets(%dma_start3A_696 : memref<128xi32, #tpu.memory_space<vmem>>) semaphore(%arg11 : memref<!tpu.dma_semaphore, #tpu.memory_space<semaphore_mem>>)
      %mul3A_700 = arith.constant 4 : i32
      %mul3A_701 = arith.muli %rem3A_660, %mul3A_700 : i32
      %add3A_702 = arith.constant 3 : i32
      %add3A_703 = arith.addi %mul3A_701, %add3A_702 : i32
      %dma_start3A_704 = arith.constant 384 : i32
      %dma_start3A_705 = arith.constant 0 : i32
      %dma_start3A_706 = tpu.memref_slice %arg7[%dma_start3A_704, %dma_start3A_705] : memref<512x32xf32, #tpu.memory_space<vmem>> -> memref<128x32xf32, #tpu.memory_space<vmem>>
      %dma_start3A_707 = arith.constant 0 : i32
      %dma_start3A_708 = tpu.memref_slice %arg5[%add3A_703, %dma_start3A_707] : memref<200x128xi32, #tpu.memory_space<vmem>> -> memref<1x128xi32, #tpu.memory_space<vmem>>
      %dma_start3A_709 = tpu.memref_squeeze %dma_start3A_708 : memref<1x128xi32, #tpu.memory_space<vmem>> -> memref<128xi32, #tpu.memory_space<vmem>>
      %dma_start3A_710 = arith.constant 0 : i32
      %dma_start3A_711 = arith.constant 0 : i32
      %dma_start3A_712 = tpu.memref_slice %arg3[%dma_start3A_710, %dma_start3A_711] : memref<1000000x32xf32, #tpu.memory_space<hbm>> -> memref<1000000x32xf32, #tpu.memory_space<hbm>>
      tpu.enqueue_indirect_dma source(%dma_start3A_712 : memref<1000000x32xf32, #tpu.memory_space<hbm>>) target(%dma_start3A_706 : memref<128x32xf32, #tpu.memory_space<vmem>>) offsets(%dma_start3A_709 : memref<128xi32, #tpu.memory_space<vmem>>) semaphore(%arg11 : memref<!tpu.dma_semaphore, #tpu.memory_space<semaphore_mem>>)
      %dma_wait3A_713 = arith.constant 0 : i32
      %dma_wait3A_714 = arith.constant 0 : i32
      %dma_wait3A_715 = tpu.memref_slice %arg3[%dma_wait3A_713, %dma_wait3A_714] : memref<1000000x32xf32, #tpu.memory_space<hbm>> -> memref<512x32xf32, #tpu.memory_space<hbm>>
      %dma_wait3A_716 = arith.constant 0 : i32
      %dma_wait3A_717 = arith.constant 0 : i32
      %dma_wait3A_718 = tpu.memref_slice %arg3[%dma_wait3A_716, %dma_wait3A_717] : memref<1000000x32xf32, #tpu.memory_space<hbm>> -> memref<512x32xf32, #tpu.memory_space<hbm>>
      tpu.wait_dma2 semaphore(%arg12 : memref<!tpu.dma_semaphore, #tpu.memory_space<semaphore_mem>>) src(%dma_wait3A_718 : memref<512x32xf32, #tpu.memory_space<hbm>>) dst(%arg8 : memref<16384xf32, #tpu.memory_space<vmem>>)
      %dma_wait3A_719 = arith.constant 0 : i32
      %dma_wait3A_720 = arith.constant 0 : i32
      %dma_wait3A_721 = tpu.memref_slice %arg3[%dma_wait3A_719, %dma_wait3A_720] : memref<1000000x32xf32, #tpu.memory_space<hbm>> -> memref<512x32xf32, #tpu.memory_space<hbm>>
      %dma_wait3A_722 = arith.constant 0 : i32
      %dma_wait3A_723 = arith.constant 0 : i32
      %dma_wait3A_724 = tpu.memref_slice %arg3[%dma_wait3A_722, %dma_wait3A_723] : memref<1000000x32xf32, #tpu.memory_space<hbm>> -> memref<512x32xf32, #tpu.memory_space<hbm>>
      tpu.wait_dma2 semaphore(%arg13 : memref<!tpu.dma_semaphore, #tpu.memory_space<semaphore_mem>>) src(%dma_wait3A_724 : memref<512x32xf32, #tpu.memory_space<hbm>>) dst(%arg9 : memref<16384xf32, #tpu.memory_space<vmem>>)
    }
    %scan3A_86 = arith.constant 25 : i32
    %dma_wait3A = arith.constant 0 : i32
    %dma_wait3A_87 = arith.constant 0 : i32
    %dma_wait3A_88 = tpu.memref_slice %arg3[%dma_wait3A, %dma_wait3A_87] : memref<1000000x32xf32, #tpu.memory_space<hbm>> -> memref<512x32xf32, #tpu.memory_space<hbm>>
    %dma_wait3A_89 = arith.constant 0 : i32
    %dma_wait3A_90 = arith.constant 0 : i32
    %dma_wait3A_91 = tpu.memref_slice %arg3[%dma_wait3A_89, %dma_wait3A_90] : memref<1000000x32xf32, #tpu.memory_space<hbm>> -> memref<512x32xf32, #tpu.memory_space<hbm>>
    tpu.wait_dma2 semaphore(%arg10 : memref<!tpu.dma_semaphore, #tpu.memory_space<semaphore_mem>>) src(%dma_wait3A_91 : memref<512x32xf32, #tpu.memory_space<hbm>>) dst(%arg6 : memref<512x32xf32, #tpu.memory_space<vmem>>)
    %dma_wait3A_92 = arith.constant 0 : i32
    %dma_wait3A_93 = arith.constant 0 : i32
    %dma_wait3A_94 = tpu.memref_slice %arg3[%dma_wait3A_92, %dma_wait3A_93] : memref<1000000x32xf32, #tpu.memory_space<hbm>> -> memref<512x32xf32, #tpu.memory_space<hbm>>
    %dma_wait3A_95 = arith.constant 0 : i32
    %dma_wait3A_96 = arith.constant 0 : i32
    %dma_wait3A_97 = tpu.memref_slice %arg3[%dma_wait3A_95, %dma_wait3A_96] : memref<1000000x32xf32, #tpu.memory_space<hbm>> -> memref<512x32xf32, #tpu.memory_space<hbm>>
    tpu.wait_dma2 semaphore(%arg11 : memref<!tpu.dma_semaphore, #tpu.memory_space<semaphore_mem>>) src(%dma_wait3A_97 : memref<512x32xf32, #tpu.memory_space<hbm>>) dst(%arg7 : memref<512x32xf32, #tpu.memory_space<vmem>>)
    return
  }
}

</mosaic_0001>

<sc_bundles>
// kernel: _gather.3.cloned.1.call-start
scs
__scs_entry_jumppad:
0x0: {  	(pc) =	sbr.rel $0x88, $3  }
0x1: {  	(tag) =	ssettag $0x0;
	lr =	simm.s32 $0x1  }
0x2: {  	[smem:$0x3F9F] =	sst lr;
	_ =	strace $0xD0000000  }
0x3: {  	_ = 	snop  }
0x4: {  	_ = 	snop  }
0x5: {  	_ = 	snop  }
0x6: {  	_ = 	snop  }
0x7: {  	_ = 	snop  }
__scs_overlays_trampoline_lowered:
0x8: {  	[smem:$0x3FAE] =	sst s0  }
0x9: {  	[smem:$0x3FAF] =	sst s1  }
0xa: {  	[smem:$0x3FB0] =	sst s2  }
0xb: {  	[smem:$0x3FB1] =	sst s3  }
0xc: {  	[smem:$0x3FB2] =	sst s4  }
0xd: {  	[smem:$0x3FB3] =	sst s5  }
0xe: {  	[smem:$0x3FB4] =	sst s6  }
0xf: {  	[smem:$0x3FB5] =	sst s7  }
0x10: {  	[smem:$0x3FB6] =	sst s8  }
0x11: {  	[smem:$0x3FB7] =	sst s9;
	s0 =	simm.s32 @!p0 $0x0  }
0x12: {  	s1 =	sld [smem:$0x3F9D];
	s0 =	simm.s32 @p0 $0x1  }
0x13: {  	[smem:$0x3FB8] =	sst s0;
	s0 =	simm.s32 @!p1 $0x0  }
0x14: {  	s2 =	sld [smem:$0x3F9C];
	s0 =	simm.s32 @p1 $0x1  }
0x15: {  	[smem:$0x3FB9] =	sst s0;
	s0 =	simm.s32 @!p2 $0x0  }
0x16: {  	s3 =	sld [smem:$0x3FDB];
	s0 =	simm.s32 @p2 $0x1  }
0x17: {  	s4 =	simm.s32 $0x1BF5;
	[smem:$0x3FBB] =	sst s0  }
0x18: {  	s0 =	sld [smem:$0x3F9E];
	_ =	swait.ge [sflag:s4], $0x0  }
0x19: {  	s7 =	sld [smem:$0x3F9F]  }
0x1a: {  	s8 =	sadd.s32 $0xFFFFE003, lr  }
0x1b: {  	s9 =	sadd.s32 $0xFFFFFEF7, lr;
	s5 =	simm.s32 $0xFFFFFFFF;
	p2 =	slt.u32 s8, $0xFFFFF086  }
0x1c: {  	p1 =	slt.u32 s9, $0xF7A;
	s5 =	simm.s32 @!p2 $0x0  }
0x1d: {  	s5 =	simm.s32 @p1 $0x1;
	p0 =	seq.s32 s7, s2  }
0x1e: {  	s7 =	smul.u32 @!p0 $0xF7A, s2;
	p2 =	seq.s32 @!p0 s5, $0x0  }
0x1f: {  	s9 =	smul.u32 $0xF7A, s1;
	s8 =	simm.s32 @!p0 $0x1BF5;
	p2 =	por !p2, p0  }
0x20: {  	[sflag:s8] =	ssyncset.s32 @!p0 $0xFFFFF086;
	s6 =	sadd.s32 @!p0 s3, s7;
	s7 =	simm.s32 @!p0 $0x108  }
0x21: {  	s3 =	sadd.s32 s3, s9;
	s6 =	sadd.s32 @!p0 $0x88, s6;
	s7 =	simm.s32 @p2 $0x1082  }
0x22: {  	[simem:s7], [sflag:s8] =	dma.local @!p0 [hbm:s6], $0xF7A  }
0x23: {  	s9 =	sor.u32 $0xD0000000, s2;
	s6 =	simm.s32 $0x108;
	_ =	swait.ge @!p0 [sflag:s8], $0x0  }
0x24: {  	s3 =	sadd.s32 $0x88, s3;
	s6 =	simm.s32 @!p1 $0x1082;
	[sflag:s4] =	ssyncset.s32 $0xFFFFF086  }
0x25: {  	[simem:s6], [sflag:s4] =	dma.local [hbm:s3], $0xF7A  }
0x26: {  	[smem:$0x3F9F] =	sst s1;
	(tag) =	ssettag s2;
	_ =	strace s9  }
0x27: {  	s1 =	sld [smem:$0x3FAF]  }
0x28: {  	s2 =	sld [smem:$0x3FB0]  }
0x29: {  	s4 =	sld [smem:$0x3FB2]  }
0x2a: {  	p0 =	seq.s32 s5, $0x0;
	s5 =	sld [smem:$0x3FB3]  }
0x2b: {  	s6 =	sld [smem:$0x3FB4]  }
0x2c: {  	s7 =	sld [smem:$0x3FB5]  }
0x2d: {  	s3 =	simm.s32 $0x108;
	s8 =	sld [smem:$0x3FB6]  }
0x2e: {  	s3 =	simm.s32 @!p0 $0x1082;
	s9 =	sld [smem:$0x3FB7]  }
0x2f: {  	lr =	sadd.s32 s0, s3;
	s0 =	sld [smem:$0x3FAE]  }
0x30: {  	s3 =	sld [smem:$0x3FB1]  }
0x31: {  	[smem:$0x3FBA] =	sst s10  }
0x32: {  	s10 =	sld [smem:$0x3FB8];
	_ =	sdelay $0x3  }
0x33: {  	p0 =	seq.s32 s10, $0x1;
	s10 =	sld [smem:$0x3FBA];
	_ =	sdelay $0x3  }
0x34: {  	[smem:$0x3FBA] =	sst s10  }
0x35: {  	s10 =	sld [smem:$0x3FB9];
	_ =	sdelay $0x3  }
0x36: {  	p1 =	seq.s32 s10, $0x1;
	s10 =	sld [smem:$0x3FBA];
	_ =	sdelay $0x3  }
0x37: {  	[smem:$0x3FBA] =	sst s10  }
0x38: {  	s10 =	sld [smem:$0x3FBB]  }
0x39: {  	_ = 	snop;
	(pc) =	sbr.ind lr, $3  }
0x3a: {  	_ = 	snop  }
0x3b: {  	_ = 	snop  }
0x3c: {  	p2 =	seq.s32 s10, $0x1;
	s10 =	sld [smem:$0x3FBA]  }
0x3d: {  	_ =	shalt  }
0x3e: {  	_ =	shalt  }
0x3f: {  	_ =	shalt  }
0x40: {  	_ =	shalt  }
0x41: {  	_ =	shalt  }
0x42: {  	_ =	shalt  }
0x43: {  	_ =	shalt  }
0x44: {  	_ =	shalt  }
0x45: {  	_ =	shalt  }
0x46: {  	_ =	shalt  }
0x47: {  	_ =	shalt  }
0x48: {  	_ =	shalt  }
0x49: {  	_ =	shalt  }
0x4a: {  	_ =	shalt  }
0x4b: {  	_ =	shalt  }
0x4c: {  	_ =	shalt  }
0x4d: {  	_ =	shalt  }
0x4e: {  	_ =	shalt  }
0x4f: {  	_ =	shalt  }
0x50: {  	_ =	shalt  }
0x51: {  	_ =	shalt  }
0x52: {  	_ =	shalt  }
0x53: {  	_ =	shalt  }
0x54: {  	_ =	shalt  }
0x55: {  	_ =	shalt  }
0x56: {  	_ =	shalt  }
0x57: {  	_ =	shalt  }
0x58: {  	_ =	shalt  }
0x59: {  	_ =	shalt  }
0x5a: {  	_ =	shalt  }
0x5b: {  	_ =	shalt  }
0x5c: {  	_ =	shalt  }
0x5d: {  	_ =	shalt  }
0x5e: {  	_ =	shalt  }
0x5f: {  	_ =	shalt  }
0x60: {  	_ =	shalt  }
0x61: {  	_ =	shalt  }
0x62: {  	_ =	shalt  }
0x63: {  	_ =	shalt  }
0x64: {  	_ =	shalt  }
0x65: {  	_ =	shalt  }
0x66: {  	_ =	shalt  }
0x67: {  	_ =	shalt  }
0x68: {  	_ =	shalt  }
0x69: {  	_ =	shalt  }
0x6a: {  	_ =	shalt  }
0x6b: {  	_ =	shalt  }
0x6c: {  	_ =	shalt  }
0x6d: {  	_ =	shalt  }
0x6e: {  	_ =	shalt  }
0x6f: {  	_ =	shalt  }
0x70: {  	_ =	shalt  }
0x71: {  	_ =	shalt  }
0x72: {  	_ =	shalt  }
0x73: {  	_ =	shalt  }
0x74: {  	_ =	shalt  }
0x75: {  	_ =	shalt  }
0x76: {  	_ =	shalt  }
0x77: {  	_ =	shalt  }
0x78: {  	_ =	shalt  }
0x79: {  	_ =	shalt  }
0x7a: {  	_ =	shalt  }
0x7b: {  	_ =	shalt  }
0x7c: {  	_ =	shalt  }
0x7d: {  	_ =	shalt  }
0x7e: {  	_ =	shalt  }
0x7f: {  	_ =	shalt  }
0x80: {  	_ =	shalt  }
0x81: {  	_ =	shalt  }
0x82: {  	_ =	shalt  }
0x83: {  	_ =	shalt  }
0x84: {  	_ =	shalt  }
0x85: {  	_ =	shalt  }
0x86: {  	_ =	shalt  }
0x87: {  	_ =	shalt  }
.Lfunc_end0:
.L_simem_size_0:
called_computation_lowered:
.L_overlay_start_0:
0x88: {  	s2 =	sld [smem:$0x3FD9]  }
0x89: {  	s3 =	sld [smem:$0x3FFE];
	_ =	sdelay $0x1  }
0x8a: {  	s1 =	srdreg.scid  }
0x8b: {  	s0 =	sand.u32 $0x1, s1  }
0x8c: {  	s17 =	sshll.u32 s0, $0xA;
	s2 =	sadd.s32 s3, s2  }
0x8d: {  	s2 =	sadd.s32 s2, s17  }
0x8e: {  	[smem:$0x3FC6] =	sst s2  }
0x8f: {  	_ = 	snop  }
0x90: {  	s2 =	sld [smem:$0x3FD0];
	(tm) =	ssettm $0x1  }
0x91: {  	s18 =	sld [smem:$0x3FFB];
	_ =	sdelay $0x3  }
0x92: {  	_ =	strace s18  }
0x93: {  	s3 =	sld [smem:$0x3FFC];
	_ =	sdelay $0x3  }
0x94: {  	_ =	strace s3  }
0x95: {  	s3 =	sld [smem:$0x3FFD];
	_ =	sdelay $0x3  }
0x96: {  	_ =	strace s3  }
0x97: {  	_ =	strace $0x8FFFFFFF  }
0x98: {  	s19 =	sld [smem:$0x3FDB];
	_ =	sdelay $0x1  }
0x99: {  	s4 =	simm.s32 $_scs_section_size  }
0x9a: {  	s5 =	simm.s32 $_size__tile_overlayer_lowered;
	s6 =	simm.s32 $_tile_overlayer_lowered  }
0x9b: {  	s22 =	simm.s32 $0x1BFF;
	s21 =	sshll.u32 s6, $0x1;
	s3 =	sadd.s32 s4, s19  }
0x9c: {  	s7 =	simm.s32 $0x0;
	s20 =	sshll.u32 s5, $0x1;
	s5 =	sadd.s32 s21, s3  }
0x9d: {  	[timem:s7], [sflag:s22] =	dma.local [hbm:s5], s20  }
0x9e: {  	_ =	swait.ge [sflag:s22], s20  }
0x9f: {  	s4 =	ssub.s32 $0x0, s20;
	[sflag:s22] =	ssyncset.done $0x0  }
0xa0: {  	[sflag:s22] =	ssyncadd.s32 s4;
	_ =	sdelay $0x1  }
0xa1: {  	s23 =	simm.s32 $0x1B8B  }
0xa2: {  	_ =	swait.ge [sflag:s23], $0x1  }
0xa3: {  	[sflag:s23] =	ssyncset.done $0x0  }
0xa4: {  	s25 =	simm.s32 $0x1B8E;
	s24 =	sld [smem:$0x3FFE];
	[sflag:s23] =	ssyncadd.s32 $0xFFFFFFFF  }
0xa5: {  	s26 =	simm.s32 $execute0_lowered;
	[smem:$0x3FD2] =	sst s25  }
0xa6: {  	s5 =	sshll.u32 s26, $0x1;
	_ =	strace $0x80000046;
	[dreg:$0x1] =	wrdreg $0xFFFFFFFF  }
0xa7: {  	s28 =	simm.s32 $_size_execute0_lowered;
	s3 =	sadd.s32 s3, s5;
	[dreg:$0x0] =	wrdreg $0x0  }
0xa8: {  	s5 =	sshll.u32 s28, $0x1;
	[dreg:$0x2] =	wrdreg s3  }
0xa9: {  	[dreg:$0x3] =	wrdreg s5  }
0xaa: {  	[dreg:$0x4] =	wrdreg $0xC0  }
0xab: {  	_ =	task [dreg:s7], $0x5FFFF  }
0xac: {  	[dreg:$0x1] =	wrdreg $0xFFFFFFFF  }
0xad: {  	[dreg:$0x0] =	wrdreg $0x60  }
0xae: {  	[dreg:$0x2] =	wrdreg s2  }
0xaf: {  	[dreg:$0x3] =	wrdreg s24  }
0xb0: {  	[dreg:$0x4] =	wrdreg $0x9  }
0xb1: {  	_ =	task.clear_ibuf [dreg:s7], $0x5FFFF;
	_ =	strace $0x90000046  }
0xb2: {  	s29 =	simm.s32 $0x9;
	_ =	strace $0x80000048  }
0xb3: {  	_ =	swait.ge [sflag:s29], $0x1  }
0xb4: {  	[sflag:s29] =	ssyncadd.s32 $0xFFFFFFFF  }
0xb5: {  	_ =	strace $0x90000048  }
0xb6: {  	_ =	sfence  }
0xb7: {  	s30 =	sld [smem:$0x0];
	_ =	sdelay $0x2  }
0xb8: {  	s31 =	sshll.u32 s1, $0xD;
	s1 =	sshrl.u32 s1, $0x2  }
0xb9: {  	s3 =	sand.u32 $0x4000, s31;
	s1 =	sadd.s32 s1, s30  }
0xba: {  	s0 =	sor.u32 s3, s0;
	s1 =	sshll.u32 s1, $0x11  }
0xbb: {  	s0 =	sor.u32 s1, s0  }
0xbc: {  	s0 =	sadd.s32 $0x8F2B, s0  }
0xbd: {  	[sflag:s0] =	ssyncadd.remote.s32 $0x1  }
0xbe: {  	_ =	sfence.sel $0xFFFF  }
0xbf: {  	[dreg:$0x0] =	wrdreg $0xFFFFFFFF;
	(pc) =	sbr.abs _section_cstart, $3  }
0xc0: {  	[dreg:$0x1] =	wrdreg $0xFFFFFFFF  }
0xc1: {  	_ =	task.clear_ibuf [dreg:s7], $0x2FFFF;
	_ =	strace $0x9FFFFFFF  }
0xc2: {  	(tm) =	ssettm $0x7FFFFFFF  }
0xc3: {  	_ =	shalt  }
tec
execute0_lowered:
.L_overlay_start_1:
0x0: {  	(tag) =	ssettag $0x1  }
0x1: {  	v0 =	vimm.s32 $0x14131211;
	v1 =	vimm.s32 $0x18171615;
	vm6 =	vcmask $0x1F10  }
0x2: {  	vm7 =	vcmask $0x300;
	v2 =	vimm.s32 $0x1C1B1A19;
	vm5 =	vcmask $0x704  }
0x3: {  	vm4 =	vcmask $0xB08;
	vm3 =	vcmask $0xF0C;
	vm2 =	vcmask $0x1310  }
0x4: {  	v3 =	vimm.s32 $0x19181716;
	vm1 =	vcmask $0x1714;
	vm0 =	vcmask $0x1B18  }
0x5: {  	v5 =	vimm.s32 $0x1A191817;
	v9 =	vimm.s32 $0x3020100;
	v10 =	vimm.s32 $0x1B1A1918  }
0x6: {  	v21 =	vimm.s32 $0x5040302;
	v22 =	vimm.s32 $0x6050403;
	v23 =	vimm.s32 $0x32107654  }
0x7: {  	vm13 =	vcmask $0x2F10;
	vm14 =	vcmask $0x3F30;
	vm15 =	vcmask $0x1F1C  }
0x8: {  	v24 =	vimm.s32 $0x68F;
	v25 =	vimm.s32 $0x70F;
	vm9 =	vcmask $0x2320  }
0x9: {  	vm10 =	vcmask $0x2724;
	vm11 =	vcmask $0x2B28;
	vm12 =	vcmask $0x2F2C  }
0xa: {  	v39 =	vlaneseq.u32;
	v0 =	vunpack.c.0.s8.s32 v0;
	v6 =	vunpack.c.0.s8.s32 v1  }
0xb: {  	v1 =	vimm.s32 $0xF;
	v7 =	vunpack.c.0.s8.s32 v2;
	v2 =	vimm.s32 $0x1F1E1D  }
0xc: {  	v8 =	vunpack.c.0.s8.s32 v3;
	v3 =	vimm.s32 $0x1D1C1B1A;
	v15 =	vunpack.c.0.s8.s32 v5  }
0xd: {  	v5 =	vimm.s32 $0x201001F;
	v9 =	vunpack.c.0.s8.s32 v9;
	v20 =	vunpack.c.0.s8.s32 v10  }
0xe: {  	v21 =	vunpack.c.0.s8.s32 v21;
	v22 =	vunpack.c.0.s8.s32 v22;
	v24 =	vsel vm7, $0xF00, v24  }
0xf: {  	v25 =	vsel vm7, $0xF80, v25;
	v31 =	vmul.u32 $0x81, v39;
	v42 =	vmul.u32 $0x20, v39  }
0x10: {  	v58 =	vadd.s32 $0x1, v39;
	v60 =	vadd.s32 $0x2, v39;
	v62 =	vadd.s32 $0x3, v39  }
0x11: {  	v46 =	vadd.s32 $0x7, v39;
	v40 =	vadd.s32 $0x8, v39;
	v38 =	vadd.s32 $0xA, v39  }
0x12: {  	v1 =	vsel vm7, $0x880, v1;
	v11 =	vunpack.c.0.s8.s32 v2;
	v2 =	vimm.s32 $0x15141312  }
0x13: {  	v13 =	vunpack.c.0.s8.s32 v3;
	v3 =	vimm.s32 $0x1001F1E;
	v17 =	vunpack.c.0.s8.s32 v5  }
0x14: {  	v5 =	vimm.s32 $0x17161514;
	v24 =	vsel vm5, $0xF81, v24;
	v25 =	vsel vm5, $0x1, v25  }
0x15: {  	v0 =	vsel vm6, v6, v0;
	v1 =	vsel vm5, $0x901, v1;
	v4 =	vunpack.c.0.s8.s32 v2  }
0x16: {  	v14 =	vunpack.c.0.s8.s32 v3;
	v19 =	vunpack.c.0.s8.s32 v5;
	v52 =	vsel vm6, v7, v6  }
0x17: {  	v24 =	vsel vm4, $0x2, v24;
	v25 =	vsel vm4, $0x82, v25;
	v59 =	vadd.s32 $0x80, v31  }
0x18: {  	v61 =	vadd.s32 $0x100, v31;
	v63 =	vadd.s32 $0x180, v31;
	v32 =	vadd.s32 $0x300, v31  }
0x19: {  	v29 =	vadd.s32 $0x380, v31;
	v28 =	vadd.s32 $0x400, v31;
	v45 =	vadd.s32 $0x480, v31  }
0x1a: {  	v49 =	vadd.s32 $0x580, v31;
	v1 =	vsel vm4, $0x982, v1;
	v2 =	vsel vm6, v11, v7  }
0x1b: {  	v51 =	vsel vm6, v13, v8;
	v6 =	vsel vm6, v22, v17;
	v22 =	vimm.s32 $0x58F  }
0x1c: {  	v24 =	vsel vm3, $0x83, v24;
	v25 =	vsel vm3, $0x103, v25;
	v1 =	vsel vm3, $0xA03, v1  }
0x1d: {  	v5 =	vsel vm6, v14, v13;
	v10 =	vsel vm6, v20, v19;
	v19 =	vimm.s32 $0x4030201  }
0x1e: {  	v50 =	vsel vm6, v21, v14;
	v21 =	vimm.s32 $0x50F;
	v22 =	vsel vm7, $0xE00, v22  }
0x1f: {  	v24 =	vsel vm2, $0x104, v24;
	v25 =	vsel vm2, $0x184, v25;
	v1 =	vsel vm2, $0xA84, v1  }
0x20: {  	v19 =	vunpack.c.0.s8.s32 v19;
	v21 =	vsel vm7, $0xD80, v21;
	v22 =	vsel vm5, $0xE81, v22  }
0x21: {  	v24 =	vsel vm1, $0x185, v24;
	v25 =	vsel vm1, $0x205, v25;
	v53 =	vcombine.low v51, v50  }
0x22: {  	v12 =	vsel vm1, $0xB05, v1;
	v1 =	vsel vm6, v8, v4;
	v4 =	vimm.s32 $0x16151413  }
0x23: {  	v8 =	vimm.s32 $0x43218765;
	v21 =	vsel vm5, $0xE01, v21;
	v22 =	vsel vm4, $0xF02, v22  }
0x24: {  	v24 =	vsel vm0, $0x206, v24;
	v25 =	vsel vm0, $0x286, v25;
	v3 =	vunpack.c.0.s8.s32 v4  }
0x25: {  	v4 =	vimm.s32 $0x1E1D1C1B;
	v26 =	vsel vm6, v19, v11;
	v19 =	vunpack.c.l.s4.s8 v23  }
0x26: {  	v12 =	vsel vm0, $0xB86, v12;
	v23 =	vimm.s32 $0x60F;
	v21 =	vsel vm4, $0xE82, v21  }
0x27: {  	v22 =	vsel vm3, $0xF83, v22;
	v24 =	vsel vm15, $0x287, v24;
	v25 =	vsel vm15, $0x307, v25  }
0x28: {  	v16 =	vunpack.c.0.s8.s32 v4;
	v4 =	vimm.s32 $0x1F1E1D1C;
	v23 =	vsel vm7, $0xE80, v23  }
0x29: {  	v12 =	vsel vm15, $0xC07, v12;
	v21 =	vsel vm3, $0xF03, v21;
	v22 =	vsel vm2, $0x4, v22  }
0x2a: {  	v24 =	vsel vm9, $0x308, v24;
	v25 =	vsel vm9, $0x388, v25;
	v56 =	vcombine.low v52, v26  }
0x2b: {  	v18 =	vunpack.c.0.s8.s32 v4;
	v4 =	vsel vm6, v15, v3;
	v13 =	vunpack.c.0.s8.s32 v19  }
0x2c: {  	v19 =	vimm.s32 $0x6543A987;
	v23 =	vsel vm5, $0xF01, v23;
	v12 =	vsel vm9, $0xC88, v12  }
0x2d: {  	v21 =	vsel vm2, $0xF84, v21;
	v22 =	vsel vm1, $0x85, v22;
	v24 =	vsel vm10, $0x389, v24  }
0x2e: {  	v25 =	vsel vm10, $0x409, v25;
	v3 =	vsel vm6, v17, v16;
	v7 =	vsel vm6, v16, v15  }
0x2f: {  	v15 =	vunpack.c.l.s4.s8 v8;
	v16 =	vimm.s32 $0x54329876;
	v19 =	vunpack.c.l.s4.s8 v19  }
0x30: {  	v23 =	vsel vm4, $0xF82, v23;
	v12 =	vsel vm10, $0xD09, v12;
	v21 =	vsel vm1, $0x5, v21  }
0x31: {  	v22 =	vsel vm0, $0x106, v22;
	v24 =	vsel vm11, $0x40A, v24;
	v25 =	vsel vm11, $0x48A, v25  }
0x32: {  	v9 =	vsel vm6, v9, v18;
	v8 =	vsel vm6, v18, v20;
	v16 =	vunpack.c.l.s4.s8 v16  }
0x33: {  	v13 =	vand.u32 $0xF, v13;
	v20 =	vimm.s32 $0xB0A0908;
	v23 =	vsel vm3, $0x3, v23  }
0x34: {  	v21 =	vsel vm0, $0x86, v21;
	v12 =	vsel vm11, $0xD8A, v12;
	v22 =	vsel vm15, $0x187, v22  }
0x35: {  	v24 =	vsel vm12, $0x48B, v24;
	v25 =	vsel vm12, $0x50B, v25;
	v6 =	vcombine.low v7, v6  }
0x36: {  	v7 =	vimm.s32 $0xA9876543;
	v4 =	vcombine.low v4, v3;
	v15 =	vunpack.c.0.s8.s32 v15  }
0x37: {  	v19 =	vunpack.c.0.s8.s32 v19;
	v13 =	vsel vm13, v13, v18;
	v18 =	vunpack.c.0.s8.s32 v20  }
0x38: {  	v20 =	vimm.s32 $0x8F;
	v23 =	vsel vm2, $0x84, v23;
	v21 =	vsel vm15, $0x107, v21  }
0x39: {  	v22 =	vsel vm9, $0x208, v22;
	v12 =	vsel vm12, $0xE0B, v12;
	v7 =	vunpack.c.l.s4.s8 v7  }
0x3a: {  	v16 =	vunpack.c.0.s8.s32 v16;
	v23 =	vsel vm1, $0x105, v23;
	v21 =	vsel vm9, $0x188, v21  }
0x3b: {  	v22 =	vsel vm10, $0x289, v22;
	v15 =	vand.u32 $0xF, v15;
	v37 =	vsel vm14, v18, v13  }
0x3c: {  	v13 =	vimm.s32 $0x10F;
	v18 =	vimm.s32 $0x38F;
	v23 =	vsel vm0, $0x186, v23  }
0x3d: {  	v21 =	vsel vm10, $0x209, v21;
	v22 =	vsel vm11, $0x30A, v22;
	v11 =	vsel vm13, v15, v11  }
0x3e: {  	v15 =	vand.u32 $0xF, v16;
	v16 =	vand.u32 $0xF, v19;
	v19 =	vimm.s32 $0xE0D0C0B  }
0x3f: {  	v13 =	vsel vm7, $0x980, v13;
	v18 =	vsel vm7, $0xC00, v18;
	v23 =	vsel vm15, $0x207, v23  }
0x40: {  	v21 =	vsel vm11, $0x28A, v21;
	v22 =	vsel vm12, $0x38B, v22;
	v14 =	vsel vm13, v15, v14  }
0x41: {  	v15 =	vsel vm13, v16, v17;
	v16 =	vimm.s32 $0xC0B0A09;
	v17 =	vimm.s32 $0xD0C0B0A  }
0x42: {  	v19 =	vunpack.c.0.s8.s32 v19;
	v13 =	vsel vm5, $0xA01, v13;
	v18 =	vsel vm5, $0xC81, v18  }
0x43: {  	v23 =	vsel vm9, $0x288, v23;
	vm13 =	vcmask $0x3330;
	v21 =	vsel vm12, $0x30B, v21  }
0x44: {  	v16 =	vunpack.c.0.s8.s32 v16;
	v17 =	vunpack.c.0.s8.s32 v17;
	v13 =	vsel vm4, $0xA82, v13  }
0x45: {  	v18 =	vsel vm4, $0xD02, v18;
	v23 =	vsel vm10, $0x309, v23;
	v12 =	vsel vm13, $0xE8C, v12  }
0x46: {  	v22 =	vsel vm13, $0x40C, v22;
	v24 =	vsel vm13, $0x50C, v24;
	v25 =	vsel vm13, $0x58C, v25  }
0x47: {  	v13 =	vsel vm3, $0xB03, v13;
	v18 =	vsel vm3, $0xD83, v18;
	v23 =	vsel vm11, $0x38A, v23  }
0x48: {  	v35 =	vsel vm14, v16, v11;
	v36 =	vsel vm14, v17, v14;
	v11 =	vsel vm14, v19, v15  }
0x49: {  	v14 =	vimm.s32 $0x18F;
	v15 =	vimm.s32 $0x20F;
	v16 =	vimm.s32 $0x28F  }
0x4a: {  	v17 =	vimm.s32 $0x30F;
	v19 =	vimm.s32 $0x40F;
	v13 =	vsel vm2, $0xB84, v13  }
0x4b: {  	v18 =	vsel vm2, $0xE04, v18;
	v23 =	vsel vm12, $0x40B, v23;
	vm14 =	vcmask $0x3734  }
0x4c: {  	[tilespmem:$0x1FC30] =	vst v11;
	v11 =	vsel vm7, $0x900, v20;
	v14 =	vsel vm7, $0xA00, v14;
	v15 =	vsel vm7, $0xA80, v15  }
0x4d: {  	v16 =	vsel vm7, $0xB00, v16;
	v17 =	vsel vm7, $0xB80, v17;
	v19 =	vsel vm7, $0xC80, v19  }
0x4e: {  	v20 =	vimm.s32 $0x48F;
	v13 =	vsel vm1, $0xC05, v13;
	v18 =	vsel vm1, $0xE85, v18  }
0x4f: {  	v23 =	vsel vm13, $0x48C, v23;
	v12 =	vsel vm14, $0xF0D, v12;
	v22 =	vsel vm14, $0x48D, v22  }
0x50: {  	v24 =	vsel vm14, $0x58D, v24;
	v25 =	vsel vm14, $0x60D, v25;
	v20 =	vsel vm7, $0xD00, v20  }
0x51: {  	v11 =	vsel vm5, $0x981, v11;
	v14 =	vsel vm5, $0xA81, v14;
	v15 =	vsel vm5, $0xB01, v15  }
0x52: {  	v16 =	vsel vm5, $0xB81, v16;
	v17 =	vsel vm5, $0xC01, v17;
	v19 =	vsel vm5, $0xD01, v19  }
0x53: {  	v13 =	vsel vm0, $0xC86, v13;
	v18 =	vsel vm0, $0xF06, v18;
	v23 =	vsel vm14, $0x50D, v23  }
0x54: {  	v20 =	vsel vm5, $0xD81, v20;
	v11 =	vsel vm4, $0xA02, v11;
	v14 =	vsel vm4, $0xB02, v14  }
0x55: {  	v15 =	vsel vm4, $0xB82, v15;
	v16 =	vsel vm4, $0xC02, v16;
	v17 =	vsel vm4, $0xC82, v17  }
0x56: {  	s1 =	rddreg [dreg:$0x0];
	s2 =	simm.s32 $0x0;
	v19 =	vsel vm4, $0xD82, v19;
	v13 =	vsel vm15, $0xD07, v13;
	v18 =	vsel vm15, $0xF87, v18  }
0x57: {  	[smem:$0x7FF] =	sst s2;
	v20 =	vsel vm4, $0xE02, v20;
	v11 =	vsel vm3, $0xA83, v11;
	v14 =	vsel vm3, $0xB83, v14  }
0x58: {  	s0 =	rddreg [dreg:$0x1];
	_ =	strace $0x80000047;
	[tilespmem:$0x1FCD0] =	vst v6;
	v15 =	vsel vm3, $0xC03, v15;
	v16 =	vsel vm3, $0xC83, v16;
	v17 =	vsel vm3, $0xD03, v17  }
0x59: {  	[tilespmem:$0x1FCE0] =	vst v4;
	v19 =	vsel vm3, $0xE03, v19;
	v13 =	vsel vm9, $0xD88, v13;
	v18 =	vsel vm9, $0x8, v18  }
0x5a: {  	[tilespmem:$0x1FD70] =	vst v53;
	v20 =	vsel vm3, $0xE83, v20;
	v11 =	vsel vm2, $0xB04, v11;
	v14 =	vsel vm2, $0xC04, v14  }
0x5b: {  	[tilespmem:$0x1FE10] =	vst v38;
	v15 =	vsel vm2, $0xC84, v15;
	v16 =	vsel vm2, $0xD04, v16;
	v17 =	vsel vm2, $0xD84, v17  }
0x5c: {  	[tilespmem:$0x1FE70] =	vst v56;
	v19 =	vsel vm2, $0xE84, v19;
	v13 =	vsel vm10, $0xE09, v13;
	v18 =	vsel vm10, $0x89, v18  }
0x5d: {  	[tilespmem:$0x1FE80] =	vst v45;
	v20 =	vsel vm2, $0xF04, v20;
	v11 =	vsel vm1, $0xB85, v11;
	v14 =	vsel vm1, $0xC85, v14  }
0x5e: {  	[tilespmem:$0x1FE90] =	vst v49;
	v15 =	vsel vm1, $0xD05, v15;
	v16 =	vsel vm1, $0xD85, v16;
	v17 =	vsel vm1, $0xE05, v17  }
0x5f: {  	[tilespmem:$0x1FEA0] =	vst v28;
	v19 =	vsel vm1, $0xF05, v19;
	v13 =	vsel vm11, $0xE8A, v13;
	v18 =	vsel vm11, $0x10A, v18  }
0x60: {  	[tilespmem:$0x1FEC0] =	vst v40;
	v20 =	vsel vm1, $0xF85, v20;
	v11 =	vsel vm0, $0xC06, v11;
	v14 =	vsel vm0, $0xD06, v14  }
0x61: {  	[tilespmem:$0x1FED0] =	vst v29;
	v15 =	vsel vm0, $0xD86, v15;
	v16 =	vsel vm0, $0xE06, v16;
	v17 =	vsel vm0, $0xE86, v17  }
0x62: {  	[tilespmem:$0x1FEE0] =	vst v32;
	v19 =	vsel vm0, $0xF86, v19;
	v13 =	vsel vm12, $0xF0B, v13;
	v18 =	vsel vm12, $0x18B, v18  }
0x63: {  	[tilespmem:$0x1FF00] =	vst v46;
	v20 =	vsel vm0, $0x6, v20;
	v11 =	vsel vm15, $0xC87, v11;
	v14 =	vsel vm15, $0xD87, v14  }
0x64: {  	[tilespmem:$0x1FF20] =	vst v31;
	v15 =	vsel vm15, $0xE07, v15;
	v16 =	vsel vm15, $0xE87, v16;
	v17 =	vsel vm15, $0xF07, v17  }
0x65: {  	[tilespmem:$0x1FF90] =	vst v63;
	v19 =	vsel vm15, $0x7, v19;
	v13 =	vsel vm13, $0xF8C, v13;
	v18 =	vsel vm13, $0x20C, v18  }
0x66: {  	[tilespmem:$0x1FFA0] =	vst v62;
	v20 =	vsel vm15, $0x87, v20;
	v11 =	vsel vm9, $0xD08, v11;
	v14 =	vsel vm9, $0xE08, v14  }
0x67: {  	[tilespmem:$0x1FFB0] =	vst v61;
	v15 =	vsel vm9, $0xE88, v15;
	v16 =	vsel vm9, $0xF08, v16;
	v17 =	vsel vm9, $0xF88, v17  }
0x68: {  	[tilespmem:$0x1FFC0] =	vst v60;
	v19 =	vsel vm9, $0x88, v19;
	v13 =	vsel vm14, $0xD, v13;
	vm15 =	vcmask $0x3B38  }
0x69: {  	[tilespmem:$0x1FFD0] =	vst v58;
	v11 =	vsel vm10, $0xD89, v11;
	v14 =	vsel vm10, $0xE89, v14;
	v15 =	vsel vm10, $0xF09, v15  }
0x6a: {  	[tilespmem:$0x1FFE0] =	vst v59;
	v16 =	vsel vm10, $0xF89, v16;
	v17 =	vsel vm10, $0x9, v17;
	v43 =	vsel vm15, $0xF8E, v12  }
0x6b: {  	[tilespmem:$0x1FFF0] =	vst v42;
	v30 =	vsel vm15, $0x8E, v13;
	v57 =	vsel vm15, $0x50E, v22;
	v13 =	vadd.s32 $0xE, v39  }
0x6c: {  	v27 =	vsel vm15, $0x58E, v23;
	v34 =	vsel vm15, $0x60E, v24;
	v33 =	vsel vm15, $0x68E, v25;
	[tilespmem:$0x1FD80] =	vst v13  }
0x6d: {  	v22 =	vcombine.low v10, v9;
	v9 =	vimm.s32 $0x76543210;
	v10 =	vimm.s32 $0x87654321;
	[tilespmem:$0x1FE40] =	vst v27  }
0x6e: {  	v11 =	vsel vm11, $0xE0A, v11;
	v15 =	vsel vm11, $0xF8A, v15;
	v16 =	vsel vm11, $0xA, v16;
	[tilespmem:$0x1FE50] =	vst v57  }
0x6f: {  	s3 =	srdreg.scid;
	s4 =	stileid.u32;
	v17 =	vsel vm11, $0x8A, v17;
	v9 =	vunpack.c.l.s4.s8 v9;
	v10 =	vunpack.c.l.s4.s8 v10;
	[tilespmem:$0x1FE60] =	vst v34  }
0x70: {  	s3 =	sand.u32 $0x1, s3;
	s4 =	sshll.u32 s4, $0x1;
	[tilespmem:$0x1FF40] =	vst v43;
	v11 =	vsel vm12, $0xE8B, v11;
	v15 =	vsel vm12, $0xB, v15;
	v16 =	vsel vm12, $0x8B, v16  }
0x71: {  	s4 =	sor.u32 s3, s4;
	[tilespmem:$0x1FF50] =	vst v30;
	v17 =	vsel vm12, $0x10B, v17;
	v11 =	vsel vm13, $0xF0C, v11;
	v15 =	vsel vm13, $0x8C, v15  }
0x72: {  	s8 =	sadd.s32 $0x600, s0;
	s7 =	sshll.u32 s4, $0x4;
	[tilespmem:$0x1FF80] =	vst v33;
	v17 =	vsel vm13, $0x18C, v17;
	v6 =	vunpack.c.0.s8.s32 v10;
	v10 =	vcombine.low v0, v2  }
0x73: {  	s1 =	sadd.s32 s1, s7;
	[dreg:$0x3] =	wrdreg s8;
	[tilespmem:$0x1FDD0] =	vst v22;
	v9 =	vunpack.c.0.s8.s32 v9;
	v11 =	vsel vm14, $0xF8D, v11;
	v17 =	vsel vm14, $0x20D, v17  }
0x74: {  	s30 =	sshll.u32 s4, $0x7;
	[dreg:$0x4] =	wrdreg s1;
	v16 =	vsel vm13, $0x10C, v16;
	v54 =	vsel vm15, $0xE, v11;
	v11 =	vsel vm15, $0x28E, v17;
	[tilespmem:$0x1FD60] =	vst v10  }
0x75: {  	s31 =	sadd.s32 $0x1600, s0;
	s5 =	ssub.s32 $0x2, s3;
	[dreg:$0x5] =	wrdreg s30;
	v15 =	vsel vm14, $0x10D, v15;
	v51 =	vcombine.low v8, v9;
	v9 =	vadd.s32 $0x700, v31;
	[tilespmem:$0x1FC40] =	vst v11  }
0x76: {  	s6 =	sshrl.u32 s5, $0x1;
	s4 =	sadd.s32 $0x2600, s0;
	[dreg:$0x6] =	wrdreg s31;
	v16 =	vsel vm14, $0x18D, v16;
	v47 =	vsel vm15, $0x18E, v15;
	v15 =	vadd.s32 $0xC, v39;
	[tilespmem:$0x1FD50] =	vst v9  }
0x77: {  	s9 =	ssub.s32 s5, s6;
	s5 =	sadd.s32 $0x3600, s0;
	[dreg:$0x7] =	wrdreg s4;
	v14 =	vsel vm11, $0xF0A, v14;
	v41 =	vsel vm15, $0x20E, v16;
	v16 =	vadd.s32 $0x600, v31;
	[tilespmem:$0x1FD90] =	vst v15  }
0x78: {  	s6 =	sadd.s32 $0x4600, s0;
	[dreg:$0x8] =	wrdreg s5;
	v20 =	vsel vm9, $0x108, v20;
	v14 =	vsel vm12, $0xF8B, v14;
	v17 =	vadd.s32 $0xD, v39;
	[tilespmem:$0x1FDA0] =	vst v16  }
0x79: {  	s7 =	sadd.s32 $0x5600, s0;
	[dreg:$0x9] =	wrdreg s6;
	v19 =	vsel vm10, $0x109, v19;
	v20 =	vsel vm10, $0x189, v20;
	v14 =	vsel vm13, $0xC, v14;
	[tilespmem:$0x1FDB0] =	vst v17  }
0x7a: {  	s10 =	sadd.s32 $0x7600, s0;
	[dreg:$0xa] =	wrdreg s7;
	v19 =	vsel vm11, $0x18A, v19;
	v20 =	vsel vm11, $0x20A, v20;
	v14 =	vsel vm14, $0x8D, v14;
	[tilespmem:$0x1FF10] =	vst v41  }
0x7b: {  	s11 =	sadd.s32 $0x8600, s0;
	[dreg:$0xc] =	wrdreg s10;
	v19 =	vsel vm12, $0x20B, v19;
	v20 =	vsel vm12, $0x28B, v20;
	v44 =	vsel vm15, $0x10E, v14;
	[tilespmem:$0x1FF30] =	vst v47  }
0x7c: {  	s12 =	sadd.s32 $0x9600, s0;
	[dreg:$0xd] =	wrdreg s11;
	v18 =	vsel vm14, $0x28D, v18;
	v19 =	vsel vm13, $0x28C, v19;
	v20 =	vsel vm13, $0x30C, v20;
	[tilespmem:$0x1FF60] =	vst v44  }
0x7d: {  	s13 =	sadd.s32 $0xA600, s0;
	[dreg:$0xe] =	wrdreg s12;
	v19 =	vsel vm14, $0x30D, v19;
	v0 =	vand.u32 $0xF, v6;
	v11 =	vsel vm15, $0x30E, v18;
	[tilespmem:$0x1FF70] =	vst v54  }
0x7e: {  	s14 =	sadd.s32 $0xB600, s0;
	[dreg:$0xf] =	wrdreg s13;
	v52 =	vcombine.low v2, v0;
	v2 =	vunpack.c.0.s8.s32 v7;
	v7 =	vadd.s32 $0xF, v39;
	[tilespmem:$0x1FC50] =	vst v11  }
0x7f: {  	s15 =	sadd.s32 $0xC600, s0;
	v21 =	vsel vm13, $0x38C, v21;
	[dreg:$0x10] =	wrdreg s14;
	v20 =	vsel vm14, $0x38D, v20;
	v11 =	vsel vm15, $0x38E, v19;
	[tilespmem:$0x1FD30] =	vst v7  }
0x80: {  	s16 =	sadd.s32 $0xD600, s0;
	v21 =	vsel vm14, $0x40D, v21;
	[dreg:$0x11] =	wrdreg s15;
	[tilespmem:$0x1FC60] =	vst v11;
	v11 =	vsel vm15, $0x40E, v20  }
0x81: {  	s17 =	sadd.s32 $0xE600, s0;
	[dreg:$0x12] =	wrdreg s16;
	[tilespmem:$0x1FC70] =	vst v11;
	v11 =	vsel vm15, $0x48E, v21  }
0x82: {  	s18 =	sadd.s32 $0xF600, s0;
	[dreg:$0x13] =	wrdreg s17;
	[tilespmem:$0x1FC80] =	vst v11;
	v11 =	vadd.s32 $0x4, v39  }
0x83: {  	s19 =	sadd.s32 $0x10600, s0;
	[dreg:$0x14] =	wrdreg s18;
	[tilespmem:$0x1FC90] =	vst v11;
	v11 =	vadd.s32 $0x200, v31  }
0x84: {  	s20 =	sadd.s32 $0x11600, s0;
	[dreg:$0x15] =	wrdreg s19;
	[tilespmem:$0x1FCA0] =	vst v11;
	v11 =	vadd.s32 $0x280, v31  }
0x85: {  	s21 =	sadd.s32 $0x12600, s0;
	[dreg:$0x16] =	wrdreg s20;
	[tilespmem:$0x1FCB0] =	vst v11;
	v11 =	vadd.s32 $0x6, v39  }
0x86: {  	s22 =	sadd.s32 $0x13600, s0;
	[dreg:$0x17] =	wrdreg s21;
	v18 =	vadd.s32 $0x680, v31;
	[tilespmem:$0x1FCC0] =	vst v11;
	v11 =	vimm.s32 $0x98765432  }
0x87: {  	s23 =	sadd.s32 $0x14600, s0;
	[dreg:$0x18] =	wrdreg s22;
	[tilespmem:$0x1FDC0] =	vst v18;
	v11 =	vunpack.c.l.s4.s8 v11  }
0x88: {  	s24 =	sadd.s32 $0x15600, s0;
	[dreg:$0x19] =	wrdreg s23;
	[tilespmem:$0x1FE00] =	vst v51  }
0x89: {  	s25 =	sadd.s32 $0x16600, s0;
	[dreg:$0x1a] =	wrdreg s24;
	[tilespmem:$0x1FDE0] =	vst v52;
	v21 =	vadd.s32 $0x5, v39;
	v8 =	vunpack.c.0.s8.s32 v11  }
0x8a: {  	s26 =	sadd.s32 $0x17600, s0;
	[dreg:$0x1b] =	wrdreg s25;
	v14 =	vadd.s32 $0x9, v39;
	[tilespmem:$0x1FEF0] =	vst v21;
	v11 =	vadd.s32 $0x780, v31  }
0x8b: {  	s28 =	sadd.s32 $0x18600, s0;
	s29 =	sadd.s32 $0x19600, s0;
	[dreg:$0x1c] =	wrdreg s26;
	v19 =	vadd.s32 $0xB, v39;
	[tilespmem:$0x1FCF0] =	vst v11;
	v0 =	vand.u32 $0xF, v8;
	v8 =	vcombine.low v1, v5;
	v1 =	vmovc v14  }
0x8c: {  	s3 =	sadd.s32 $0xF42A00, s0;
	s8 =	sadd.s32 $0x6600, s0;
	[dreg:$0x1d] =	wrdreg s28;
	v55 =	vcombine.low v5, v0;
	v0 =	vand.u32 $0xF, v2;
	v2 =	vmovc v19;
	v19 =	vor.u32 $0x10, v39;
	[tilespmem:$0x1FEB0] =	vst v1  }
0x8d: {  	[dreg:$0x1e] =	wrdreg s29;
	s30 =	sadd.s32 $0x1A600, s0;
	s5 =	sadd.s32 $0x1B600, s0;
	[tilespmem:$0x1FD00] =	vst v19  }
0x8e: {  	s4 =	sadd.s32 $0x1C600, s0;
	s6 =	sadd.s32 $0x1D600, s0;
	s7 =	sadd.s32 $0x1E600, s0;
	v20 =	vadd.s32 $0x500, v31;
	[tilespmem:$0x1FD40] =	vst v8  }
0x8f: {  	s31 =	smax.u32 s9, $0x1;
	s9 =	simm.s32 $0x80;
	s10 =	simm.s32 $0x6400;
	v14 =	vcombine.low v3, v0;
	v3 =	vmov v20;
	v20 =	vor.u32 $0x800, v31;
	[tilespmem:$0x1FE30] =	vst v2  }
0x90: {  	s11 =	simm.s32 $0xA400;
	s12 =	simm.s32 $0x1;
	s13 =	simm.s32 $0xE400;
	[tilespmem:$0x1FD20] =	vst v20  }
0x91: {  	s14 =	simm.s32 $0x2;
	s15 =	simm.s32 $0x12400;
	[dreg:$0xb] =	wrdreg s8;
	[tilespmem:$0x1FDF0] =	vst v55  }
0x92: {  	s16 =	simm.s32 $0x3;
	s17 =	simm.s32 $0x4;
	[dreg:$0x1f] =	wrdreg s30;
	[tilespmem:$0x1FE20] =	vst v3  }
0x93: {  	s1 =	simm.s32 $0x0;
	s8 =	sadd.s32 $0x1F600, s0;
	[smem:$0x7FD] =	sst s31;
	v5 =	vmov v38;
	[tilespmem:$0x1FD10] =	vst v14  }
.LBB2_1:
0x94: {  	[smem:$0x7FC] =	sst s1  }
0x95: {  	s0 =	rddreg [dreg:$0x4];
	s31 =	simm.s32 $0x1000;
	s18 =	simm.s32 $0x5  }
0x96: {  	[tilespmem:s2], [sflag:$0x5] =	stream.strided.gather [hbm4b:s0+s9], $0x6400, s31, s9, $0x38;
	[tilespmem:$0x16400] =	vst v63  }
0x97: {  	_ =	swait.ge [sflag:s18], $0x6400  }
0x98: {  	[sflag:s18] =	ssyncset.done $0x0  }
0x99: {  	[sflag:s18] =	ssyncadd.s32 $0xFFFF9C00  }
0x9a: {  	[tilespmem:s10], [sflag:$0x1] =	stream.indirect.gather [hbm4b:s3+s9], $0x20, s2, s9, $0xb8;
	[tilespmem:$0x16400] =	vst v63  }
0x9b: {  	s19 =	simm.s32 $0x7400  }
0x9c: {  	[tilespmem:s19], [sflag:$0x1] =	stream.indirect.gather [hbm4b:s3+s9], $0x20, s9, s9, $0xb8;
	[tilespmem:$0x16400] =	vst v63  }
0x9d: {  	s20 =	simm.s32 $0x100;
	s21 =	simm.s32 $0x8400  }
0x9e: {  	[tilespmem:s21], [sflag:$0x1] =	stream.indirect.gather [hbm4b:s3+s9], $0x20, s20, s9, $0xb8;
	[tilespmem:$0x16400] =	vst v63  }
0x9f: {  	s22 =	simm.s32 $0x180;
	s23 =	simm.s32 $0x9400  }
0xa0: {  	[tilespmem:s23], [sflag:$0x1] =	stream.indirect.gather [hbm4b:s3+s9], $0x20, s22, s9, $0xb8;
	[tilespmem:$0x16400] =	vst v63  }
0xa1: {  	s24 =	simm.s32 $0x200  }
0xa2: {  	[tilespmem:s11], [sflag:$0x2] =	stream.indirect.gather [hbm4b:s3+s9], $0x20, s24, s9, $0xb8;
	[tilespmem:$0x16400] =	vst v63  }
0xa3: {  	s25 =	simm.s32 $0x280;
	s26 =	simm.s32 $0xB400  }
0xa4: {  	[tilespmem:s26], [sflag:$0x2] =	stream.indirect.gather [hbm4b:s3+s9], $0x20, s25, s9, $0xb8;
	[tilespmem:$0x16400] =	vst v63  }
0xa5: {  	s28 =	simm.s32 $0x300;
	s29 =	simm.s32 $0xC400  }
0xa6: {  	[tilespmem:s29], [sflag:$0x2] =	stream.indirect.gather [hbm4b:s3+s9], $0x20, s28, s9, $0xb8;
	[tilespmem:$0x16400] =	vst v63  }
0xa7: {  	s30 =	simm.s32 $0x380;
	s31 =	simm.s32 $0xD400;
	s18 =	simm.s32 $0x0  }
0xa8: {  	[tilespmem:s31], [sflag:$0x2] =	stream.indirect.gather [hbm4b:s3+s9], $0x20, s30, s9, $0xb8;
	[tilespmem:$0x16400] =	vst v63  }
.LBB2_2:
0xa9: {  	s0 =	simm.s32 $0x10  }
0xaa: {  	v0 =	vmov s0  }
0xab: {  	v0 =	vshll.u32 v0, $0x5  }
0xac: {  	v26 =	vor.u32 v42, v0  }
0xad: {  	v0 =	vor.u32 v39, v26;
	_ =	sdelay $0x1  }
0xae: {  	_ =	swait.ge [sflag:s12], $0x4000;
	s19 =	simm.s32 $0x0  }
0xaf: {  	[sflag:s12] =	ssyncset.done $0x0;
	s19 =	sand.u32 $0x3000, s19;
	s0 =	sand.u32 $0x70, s0  }
0xb0: {  	[sflag:s12] =	ssyncadd.s32 $0xFFFFC000;
	s25 =	sor.u32 s19, s0  }
0xb1: {  	v25 =	vmov v1;
	v1 =	vor.u32 s25, v31;
	v0 =	vld.idx.msk [tilespmem:v0+s10+$0x0], $0xffff  }
0xb2: {  	v57 =	vmov v2;
	v2 =	vor.u32 v58, v26;
	_ =	sdelay $0x3  }
0xb3: {  	[tilespmem:v1+s13+$0x0] =	vst.idx.msk $0xffff, v0  }
0xb4: {  	v1 =	vor.u32 s25, v59;
	v0 =	vld.idx.msk [tilespmem:v2+s10+$0x0], $0xffff  }
0xb5: {  	v24 =	vmov v3;
	v3 =	vor.u32 v60, v26  }
0xb6: {  	s23 =	simm.s32 $0x0  }
0xb7: {  	v2 =	vmov s23  }
0xb8: {  	v2 =	vshll.u32 v2, $0x5  }
0xb9: {  	v23 =	vor.u32 v42, v2;
	[tilespmem:v1+s13+$0x0] =	vst.idx.msk $0xffff, v0  }
0xba: {  	v2 =	vor.u32 v39, v23;
	v1 =	vor.u32 s25, v61;
	v0 =	vld.idx.msk [tilespmem:v3+s10+$0x0], $0xffff  }
0xbb: {  	v3 =	vor.u32 v62, v26;
	_ =	sdelay $0x1  }
0xbc: {  	s0 =	sand.u32 $0x60, s23  }
0xbd: {  	s26 =	sor.u32 s0, s19  }
0xbe: {  	v54 =	vmov v5;
	v5 =	vor.u32 s26, v31;
	v2 =	vld.idx.msk [tilespmem:v2+s10+$0x0], $0xffff;
	[tilespmem:v1+s13+$0x0] =	vst.idx.msk $0xffff, v0  }
0xbf: {  	v1 =	vor.u32 s25, v63;
	v0 =	vld.idx.msk [tilespmem:v3+s10+$0x0], $0xffff  }
0xc0: {  	v4 =	vld [tilespmem:$0x1FC90];
	_ =	sdelay $0x2  }
0xc1: {  	[tilespmem:v5+s13+$0x0] =	vst.idx.msk $0xffff, v2  }
0xc2: {  	v6 =	vor.u32 v58, v23;
	[tilespmem:v1+s13+$0x0] =	vst.idx.msk $0xffff, v0  }
0xc3: {  	v3 =	vor.u32 v4, v26;
	v55 =	vld [tilespmem:$0x1FCA0];
	_ =	sdelay $0x3  }
0xc4: {  	v2 =	vor.u32 s26, v59;
	v5 =	vld.idx.msk [tilespmem:v6+s10+$0x0], $0xffff  }
0xc5: {  	v0 =	vld.idx.msk [tilespmem:v3+s10+$0x0], $0xffff;
	v1 =	vor.u32 s25, v55;
	_ =	sdelay $0x2  }
0xc6: {  	v6 =	vor.u32 v60, v23  }
0xc7: {  	[tilespmem:v2+s13+$0x0] =	vst.idx.msk $0xffff, v5  }
0xc8: {  	[tilespmem:v1+s13+$0x0] =	vst.idx.msk $0xffff, v0  }
0xc9: {  	v47 =	vmov v56;
	v3 =	vor.u32 v21, v26;
	v56 =	vld [tilespmem:$0x1FCB0]  }
0xca: {  	v50 =	vmov v43;
	v43 =	vld [tilespmem:$0x1FCC0]  }
0xcb: {  	v5 =	vor.u32 s26, v61;
	v2 =	vld.idx.msk [tilespmem:v6+s10+$0x0], $0xffff  }
0xcc: {  	v6 =	vor.u32 v62, v23;
	_ =	sdelay $0x1  }
0xcd: {  	v0 =	vld.idx.msk [tilespmem:v3+s10+$0x0], $0xffff;
	v1 =	vor.u32 s25, v56  }
0xce: {  	v3 =	vor.u32 v43, v26  }
0xcf: {  	[tilespmem:v5+s13+$0x0] =	vst.idx.msk $0xffff, v2  }
0xd0: {  	v5 =	vor.u32 s26, v63;
	v2 =	vld.idx.msk [tilespmem:v6+s10+$0x0], $0xffff  }
0xd1: {  	v6 =	vor.u32 v4, v23  }
0xd2: {  	[tilespmem:v1+s13+$0x0] =	vst.idx.msk $0xffff, v0  }
0xd3: {  	v1 =	vor.u32 s25, v32;
	v0 =	vld.idx.msk [tilespmem:v3+s10+$0x0], $0xffff  }
0xd4: {  	v3 =	vor.u32 v46, v26  }
0xd5: {  	[tilespmem:v5+s13+$0x0] =	vst.idx.msk $0xffff, v2  }
0xd6: {  	v5 =	vor.u32 s26, v55;
	v2 =	vld.idx.msk [tilespmem:v6+s10+$0x0], $0xffff  }
0xd7: {  	v6 =	vor.u32 v21, v23  }
0xd8: {  	[tilespmem:v1+s13+$0x0] =	vst.idx.msk $0xffff, v0  }
0xd9: {  	v1 =	vor.u32 s25, v29;
	v0 =	vld.idx.msk [tilespmem:v3+s10+$0x0], $0xffff  }
0xda: {  	v3 =	vor.u32 v40, v26  }
0xdb: {  	[tilespmem:v5+s13+$0x0] =	vst.idx.msk $0xffff, v2  }
0xdc: {  	v5 =	vor.u32 s26, v56;
	v2 =	vld.idx.msk [tilespmem:v6+s10+$0x0], $0xffff  }
0xdd: {  	s24 =	simm.s32 $0x30;
	v6 =	vor.u32 v43, v23  }
0xde: {  	v34 =	vmov v7;
	v7 =	vmov s24;
	[tilespmem:v1+s13+$0x0] =	vst.idx.msk $0xffff, v0  }
0xdf: {  	v0 =	vshll.u32 v7, $0x5;
	v1 =	vld.idx.msk [tilespmem:v3+s10+$0x0], $0xffff;
	v3 =	vor.u32 s25, v28  }
0xe0: {  	v7 =	vor.u32 v25, v26;
	v0 =	vor.u32 v42, v0  }
0xe1: {  	[tilespmem:v5+s13+$0x0] =	vst.idx.msk $0xffff, v2;
	v2 =	vor.u32 v39, v0  }
0xe2: {  	v5 =	vld.idx.msk [tilespmem:v6+s10+$0x0], $0xffff;
	v6 =	vor.u32 s26, v32  }
0xe3: {  	v51 =	vmov v8;
	s29 =	simm.s32 $0x400;
	v8 =	vor.u32 v46, v23  }
0xe4: {  	s20 =	simm.s32 $0x20;
	s21 =	sand.u32 $0x3000, s29;
	s0 =	sand.u32 $0x70, s24;
	[tilespmem:v3+s13+$0x0] =	vst.idx.msk $0xffff, v1  }
0xe5: {  	s19 =	sor.u32 s21, s0;
	v1 =	vmov s20;
	v3 =	vld.idx.msk [tilespmem:v7+s10+$0x0], $0xffff;
	v7 =	vor.u32 s25, v45  }
0xe6: {  	v38 =	vmovc v9;
	v27 =	vmovc v10;
	v10 =	vor.u32 v54, v26;
	v9 =	vor.u32 s19, v31;
	v1 =	vshll.u32 v1, $0x5;
	v2 =	vld.idx.msk [tilespmem:v2+s10+$0x0], $0xffff  }
0xe7: {  	[tilespmem:v6+s13+$0x0] =	vst.idx.msk $0xffff, v5;
	v5 =	vor.u32 v58, v0;
	v1 =	vor.u32 v42, v1  }
0xe8: {  	v41 =	vmov v11;
	v6 =	vld.idx.msk [tilespmem:v8+s10+$0x0], $0xffff;
	v8 =	vor.u32 s26, v29;
	v11 =	vor.u32 v39, v1;
	_ =	sdelay $0x1  }
0xe9: {  	v12 =	vor.u32 v40, v23;
	[tilespmem:v7+s13+$0x0] =	vst.idx.msk $0xffff, v3  }
0xea: {  	s30 =	sand.u32 $0x60, s20;
	[tilespmem:v9+s13+$0x0] =	vst.idx.msk $0xffff, v2;
	v3 =	vor.u32 s25, v24;
	v2 =	vld.idx.msk [tilespmem:v10+s10+$0x0], $0xffff  }
0xeb: {  	s20 =	sor.u32 s30, s21;
	v7 =	vor.u32 s19, v59;
	v9 =	vor.u32 v57, v26;
	v5 =	vld.idx.msk [tilespmem:v5+s10+$0x0], $0xffff  }
0xec: {  	[tilespmem:v8+s13+$0x0] =	vst.idx.msk $0xffff, v6;
	v6 =	vor.u32 s20, v31;
	v10 =	vor.u32 v60, v0;
	v8 =	vld.idx.msk [tilespmem:v11+s10+$0x0], $0xffff  }
0xed: {  	v52 =	vmov v13;
	v13 =	vor.u32 v58, v1  }
0xee: {  	v12 =	vld.idx.msk [tilespmem:v12+s10+$0x0], $0xffff;
	v11 =	vor.u32 s26, v28  }
0xef: {  	[tilespmem:v3+s13+$0x0] =	vst.idx.msk $0xffff, v2  }
0xf0: {  	v14 =	vor.u32 v25, v23;
	[tilespmem:v7+s13+$0x0] =	vst.idx.msk $0xffff, v5;
	v3 =	vor.u32 s25, v49;
	v2 =	vld.idx.msk [tilespmem:v9+s10+$0x0], $0xffff  }
0xf1: {  	v7 =	vor.u32 v15, v26;
	[tilespmem:v6+s13+$0x0] =	vst.idx.msk $0xffff, v8;
	v5 =	vld.idx.msk [tilespmem:v10+s10+$0x0], $0xffff;
	v6 =	vor.u32 s19, v61  }
0xf2: {  	v8 =	vor.u32 s20, v59;
	v10 =	vor.u32 v62, v0;
	v9 =	vld.idx.msk [tilespmem:v13+s10+$0x0], $0xffff  }
0xf3: {  	[tilespmem:v11+s13+$0x0] =	vst.idx.msk $0xffff, v12;
	v11 =	vor.u32 v60, v1;
	_ =	sdelay $0x1  }
0xf4: {  	v12 =	vld.idx.msk [tilespmem:v14+s10+$0x0], $0xffff;
	v13 =	vor.u32 s26, v45;
	[tilespmem:v3+s13+$0x0] =	vst.idx.msk $0xffff, v2  }
0xf5: {  	v14 =	vor.u32 v54, v23;
	[tilespmem:v6+s13+$0x0] =	vst.idx.msk $0xffff, v5;
	v3 =	vor.u32 s25, v16;
	v2 =	vld.idx.msk [tilespmem:v7+s10+$0x0], $0xffff  }
0xf6: {  	v6 =	vor.u32 s19, v63;
	[tilespmem:v8+s13+$0x0] =	vst.idx.msk $0xffff, v9;
	v5 =	vld.idx.msk [tilespmem:v10+s10+$0x0], $0xffff;
	v7 =	vor.u32 v17, v26  }
0xf7: {  	v9 =	vor.u32 s20, v61;
	v10 =	vor.u32 v4, v0;
	v8 =	vld.idx.msk [tilespmem:v11+s10+$0x0], $0xffff  }
0xf8: {  	v11 =	vor.u32 v62, v1  }
0xf9: {  	[tilespmem:v13+s13+$0x0] =	vst.idx.msk $0xffff, v12  }
0xfa: {  	v13 =	vor.u32 s26, v24;
	v12 =	vld.idx.msk [tilespmem:v14+s10+$0x0], $0xffff;
	[tilespmem:v3+s13+$0x0] =	vst.idx.msk $0xffff, v2  }
0xfb: {  	v14 =	vor.u32 v57, v23;
	[tilespmem:v6+s13+$0x0] =	vst.idx.msk $0xffff, v5;
	v3 =	vor.u32 s25, v18;
	v2 =	vld.idx.msk [tilespmem:v7+s10+$0x0], $0xffff  }
0xfc: {  	v6 =	vor.u32 s19, v55;
	[tilespmem:v9+s13+$0x0] =	vst.idx.msk $0xffff, v8;
	v5 =	vld.idx.msk [tilespmem:v10+s10+$0x0], $0xffff;
	v7 =	vor.u32 v52, v26  }
0xfd: {  	v9 =	vor.u32 s20, v63;
	v10 =	vor.u32 v21, v0;
	v8 =	vld.idx.msk [tilespmem:v11+s10+$0x0], $0xffff  }
0xfe: {  	v11 =	vor.u32 v4, v1  }
0xff: {  	[tilespmem:v13+s13+$0x0] =	vst.idx.msk $0xffff, v12  }
0x100: {  	v13 =	vor.u32 s26, v49;
	v12 =	vld.idx.msk [tilespmem:v14+s10+$0x0], $0xffff;
	[tilespmem:v3+s13+$0x0] =	vst.idx.msk $0xffff, v2  }
0x101: {  	v14 =	vor.u32 v15, v23;
	[tilespmem:v6+s13+$0x0] =	vst.idx.msk $0xffff, v5;
	v3 =	vor.u32 s25, v38;
	v2 =	vld.idx.msk [tilespmem:v7+s10+$0x0], $0xffff  }
0x102: {  	v6 =	vor.u32 s19, v56;
	[tilespmem:v9+s13+$0x0] =	vst.idx.msk $0xffff, v8;
	v5 =	vld.idx.msk [tilespmem:v10+s10+$0x0], $0xffff;
	v7 =	vor.u32 v34, v26  }
0x103: {  	v9 =	vor.u32 s20, v55;
	v10 =	vor.u32 v43, v0;
	v8 =	vld.idx.msk [tilespmem:v11+s10+$0x0], $0xffff  }
0x104: {  	v11 =	vor.u32 v21, v1  }
0x105: {  	[tilespmem:v13+s13+$0x0] =	vst.idx.msk $0xffff, v12  }
0x106: {  	v13 =	vor.u32 s26, v16;
	v12 =	vld.idx.msk [tilespmem:v14+s10+$0x0], $0xffff;
	[tilespmem:v3+s13+$0x0] =	vst.idx.msk $0xffff, v2  }
0x107: {  	[tilespmem:v6+s13+$0x0] =	vst.idx.msk $0xffff, v5;
	v6 =	vor.u32 s25, v41;
	v5 =	vld.idx.msk [tilespmem:v7+s10+$0x0], $0xffff  }
0x108: {  	[tilespmem:v9+s13+$0x0] =	vst.idx.msk $0xffff, v8;
	v8 =	vld.idx.msk [tilespmem:v10+s10+$0x0], $0xffff;
	v9 =	vor.u32 s19, v32  }
0x109: {  	v14 =	vor.u32 v17, v23;
	v7 =	vor.u32 s20, v56;
	v11 =	vld.idx.msk [tilespmem:v11+s10+$0x0], $0xffff;
	_ =	sdelay $0x1  }
0x10a: {  	[tilespmem:v13+s13+$0x0] =	vst.idx.msk $0xffff, v12  }
0x10b: {  	[tilespmem:v6+s13+$0x0] =	vst.idx.msk $0xffff, v5  }
0x10c: {  	v53 =	vmov v45;
	s31 =	simm.s32 $0x40;
	v45 =	vmov v15;
	v10 =	vor.u32 v19, v26;
	[tilespmem:v9+s13+$0x0] =	vst.idx.msk $0xffff, v8  }
0x10d: {  	s22 =	simm.s32 $0x50;
	v15 =	vor.u32 v43, v1;
	v16 =	vor.u32 v46, v0;
	v2 =	vmov s31;
	v12 =	vld.idx.msk [tilespmem:v14+s10+$0x0], $0xffff;
	[tilespmem:v7+s13+$0x0] =	vst.idx.msk $0xffff, v11  }
0x10e: {  	v3 =	vmov s22;
	v13 =	vor.u32 s26, v18;
	v2 =	vshll.u32 v2, $0x5;
	v11 =	vld [tilespmem:$0x1FEC0]  }
0x10f: {  	v3 =	vshll.u32 v3, $0x5;
	v2 =	vor.u32 v42, v2;
	v14 =	vor.u32 v52, v23  }
0x110: {  	v30 =	vmovc v49;
	v49 =	vmovc v32;
	v32 =	vmov v17;
	v3 =	vor.u32 v42, v3;
	v17 =	vor.u32 v39, v2  }
0x111: {  	v44 =	vmov v29;
	v5 =	vor.u32 v39, v3;
	v8 =	vor.u32 s25, v20;
	v6 =	vld.idx.msk [tilespmem:v10+s10+$0x0], $0xffff  }
0x112: {  	s1 =	simm.s32 $0x800;
	v9 =	vor.u32 s19, v44;
	v7 =	vld.idx.msk [tilespmem:v16+s10+$0x0], $0xffff;
	v10 =	vor.u32 v27, v26  }
0x113: {  	s0 =	sand.u32 $0x60, s31;
	s23 =	sand.u32 $0x3000, s1;
	v16 =	vor.u32 s20, v49;
	v15 =	vld.idx.msk [tilespmem:v15+s10+$0x0], $0xffff;
	[tilespmem:v13+s13+$0x0] =	vst.idx.msk $0xffff, v12;
	v11 =	vor.u32 v11, v0  }
0x114: {  	s21 =	sor.u32 s0, s23;
	s22 =	sand.u32 $0x70, s22;
	v13 =	vld.idx.msk [tilespmem:v14+s10+$0x0], $0xffff;
	v14 =	vor.u32 s26, v38  }
0x115: {  	s22 =	sor.u32 s23, s22;
	v52 =	vmov v38;
	v17 =	vld.idx.msk [tilespmem:v17+s10+$0x0], $0xffff;
	v38 =	vmov v18;
	v18 =	vor.u32 s21, v31  }
0x116: {  	v29 =	vmov v20;
	v20 =	vor.u32 s22, v31;
	v5 =	vld.idx.msk [tilespmem:v5+s10+$0x0], $0xffff;
	[tilespmem:v8+s13+$0x0] =	vst.idx.msk $0xffff, v6  }
0x117: {  	v40 =	vmov v28;
	v12 =	vor.u32 v46, v1;
	[tilespmem:v9+s13+$0x0] =	vst.idx.msk $0xffff, v7;
	v8 =	vor.u32 s25, v50;
	v7 =	vld.idx.msk [tilespmem:v10+s10+$0x0], $0xffff  }
0x118: {  	v22 =	vmov v19;
	v19 =	vor.u32 v34, v23;
	[tilespmem:v16+s13+$0x0] =	vst.idx.msk $0xffff, v15;
	v10 =	vor.u32 s19, v40;
	v9 =	vld.idx.msk [tilespmem:v11+s10+$0x0], $0xffff  }
0x119: {  	[tilespmem:v14+s13+$0x0] =	vst.idx.msk $0xffff, v13  }
0x11a: {  	v48 =	vmov v21;
	v21 =	vor.u32 v58, v2;
	v13 =	vld [tilespmem:$0x1FEC0];
	[tilespmem:v18+s13+$0x0] =	vst.idx.msk $0xffff, v17  }
0x11b: {  	v6 =	vor.u32 v58, v3;
	[tilespmem:v20+s13+$0x0] =	vst.idx.msk $0xffff, v5  }
0x11c: {  	v12 =	vld.idx.msk [tilespmem:v12+s10+$0x0], $0xffff;
	v11 =	vor.u32 v51, v26;
	[tilespmem:v8+s13+$0x0] =	vst.idx.msk $0xffff, v7  }
0x11d: {  	v15 =	vor.u32 s20, v44;
	v16 =	vor.u32 v25, v0;
	v14 =	vld.idx.msk [tilespmem:v19+s10+$0x0], $0xffff;
	[tilespmem:v10+s13+$0x0] =	vst.idx.msk $0xffff, v9  }
0x11e: {  	v34 =	vld [tilespmem:$0x1FF70]  }
0x11f: {  	v17 =	vor.u32 s26, v41;
	v18 =	vld.idx.msk [tilespmem:v21+s10+$0x0], $0xffff  }
0x120: {  	v5 =	vor.u32 s21, v59;
	v6 =	vld.idx.msk [tilespmem:v6+s10+$0x0], $0xffff  }
0x121: {  	v20 =	vor.u32 s22, v59;
	v8 =	vld.idx.msk [tilespmem:v11+s10+$0x0], $0xffff  }
0x122: {  	v13 =	vor.u32 v13, v1;
	v11 =	vor.u32 s19, v53;
	[tilespmem:v15+s13+$0x0] =	vst.idx.msk $0xffff, v12;
	v10 =	vld.idx.msk [tilespmem:v16+s10+$0x0], $0xffff  }
0x123: {  	v28 =	vmov v27;
	v19 =	vor.u32 v22, v23;
	v27 =	vld [tilespmem:$0x1FCE0];
	v9 =	vor.u32 s25, v34  }
0x124: {  	[tilespmem:v17+s13+$0x0] =	vst.idx.msk $0xffff, v14  }
0x125: {  	v21 =	vor.u32 v60, v2;
	[tilespmem:v5+s13+$0x0] =	vst.idx.msk $0xffff, v18  }
0x126: {  	v7 =	vor.u32 v60, v3;
	[tilespmem:v20+s13+$0x0] =	vst.idx.msk $0xffff, v6  }
0x127: {  	v16 =	vor.u32 v54, v0;
	v13 =	vld.idx.msk [tilespmem:v13+s10+$0x0], $0xffff;
	[tilespmem:v11+s13+$0x0] =	vst.idx.msk $0xffff, v10  }
0x128: {  	v15 =	vor.u32 s20, v40;
	v14 =	vld.idx.msk [tilespmem:v19+s10+$0x0], $0xffff;
	v12 =	vor.u32 v27, v26;
	[tilespmem:v9+s13+$0x0] =	vst.idx.msk $0xffff, v8  }
0x129: {  	v41 =	vld [tilespmem:$0x1FF50]  }
0x12a: {  	v17 =	vor.u32 s26, v29;
	v6 =	vld.idx.msk [tilespmem:v21+s10+$0x0], $0xffff  }
0x12b: {  	v18 =	vor.u32 s21, v61;
	v7 =	vld.idx.msk [tilespmem:v7+s10+$0x0], $0xffff  }
0x12c: {  	v20 =	vor.u32 s22, v61;
	v11 =	vld.idx.msk [tilespmem:v16+s10+$0x0], $0xffff  }
0x12d: {  	v5 =	vor.u32 v25, v1;
	v9 =	vld.idx.msk [tilespmem:v12+s10+$0x0], $0xffff;
	[tilespmem:v15+s13+$0x0] =	vst.idx.msk $0xffff, v13;
	v12 =	vor.u32 s19, v24  }
0x12e: {  	v19 =	vor.u32 v28, v23;
	v29 =	vld [tilespmem:$0x1FDD0];
	v10 =	vor.u32 s25, v41  }
0x12f: {  	[tilespmem:v17+s13+$0x0] =	vst.idx.msk $0xffff, v14  }
0x130: {  	v21 =	vor.u32 v62, v2;
	[tilespmem:v18+s13+$0x0] =	vst.idx.msk $0xffff, v6  }
0x131: {  	v8 =	vor.u32 v62, v3;
	[tilespmem:v20+s13+$0x0] =	vst.idx.msk $0xffff, v7  }
0x132: {  	v15 =	vor.u32 v57, v0;
	v5 =	vld.idx.msk [tilespmem:v5+s10+$0x0], $0xffff;
	[tilespmem:v12+s13+$0x0] =	vst.idx.msk $0xffff, v11  }
0x133: {  	v6 =	vld.idx.msk [tilespmem:v19+s10+$0x0], $0xffff;
	v13 =	vor.u32 v29, v26;
	[tilespmem:v10+s13+$0x0] =	vst.idx.msk $0xffff, v9  }
0x134: {  	v16 =	vor.u32 s20, v53;
	v22 =	vld [tilespmem:$0x1FF60]  }
0x135: {  	v17 =	vor.u32 s26, v50;
	v7 =	vld.idx.msk [tilespmem:v21+s10+$0x0], $0xffff  }
0x136: {  	v18 =	vor.u32 s21, v63;
	v8 =	vld.idx.msk [tilespmem:v8+s10+$0x0], $0xffff  }
0x137: {  	v21 =	vor.u32 s22, v63;
	v12 =	vld.idx.msk [tilespmem:v15+s10+$0x0], $0xffff  }
0x138: {  	v14 =	vor.u32 v54, v1;
	v9 =	vld.idx.msk [tilespmem:v13+s10+$0x0], $0xffff;
	v13 =	vor.u32 s19, v30  }
0x139: {  	v19 =	vor.u32 v51, v23;
	[tilespmem:v16+s13+$0x0] =	vst.idx.msk $0xffff, v5;
	v11 =	vor.u32 s25, v22  }
0x13a: {  	[tilespmem:v17+s13+$0x0] =	vst.idx.msk $0xffff, v6  }
0x13b: {  	[tilespmem:v18+s13+$0x0] =	vst.idx.msk $0xffff, v7  }
0x13c: {  	v20 =	vor.u32 v4, v2;
	[tilespmem:v21+s13+$0x0] =	vst.idx.msk $0xffff, v8  }
0x13d: {  	v10 =	vor.u32 v4, v3;
	v6 =	vor.u32 s20, v24;
	v14 =	vld.idx.msk [tilespmem:v14+s10+$0x0], $0xffff;
	[tilespmem:v13+s13+$0x0] =	vst.idx.msk $0xffff, v12  }
0x13e: {  	v7 =	vld.idx.msk [tilespmem:v19+s10+$0x0], $0xffff;
	[tilespmem:v11+s13+$0x0] =	vst.idx.msk $0xffff, v9  }
0x13f: {  	v5 =	vor.u32 v47, v26;
	v16 =	vor.u32 v57, v1;
	v57 =	vld [tilespmem:$0x1FF30]  }
0x140: {  	v15 =	vor.u32 v45, v0;
	v24 =	vld [tilespmem:$0x1FDA0]  }
0x141: {  	v17 =	vor.u32 s26, v34;
	v18 =	vld.idx.msk [tilespmem:v20+s10+$0x0], $0xffff  }
0x142: {  	v8 =	vor.u32 s21, v55;
	v10 =	vld.idx.msk [tilespmem:v10+s10+$0x0], $0xffff;
	[tilespmem:v6+s13+$0x0] =	vst.idx.msk $0xffff, v14  }
0x143: {  	v9 =	vor.u32 s22, v55;
	v21 =	vld [tilespmem:$0x1FD70]  }
0x144: {  	v19 =	vor.u32 v27, v23;
	v5 =	vld.idx.msk [tilespmem:v5+s10+$0x0], $0xffff;
	v12 =	vor.u32 s25, v57  }
0x145: {  	v20 =	vor.u32 v48, v2;
	v13 =	vld.idx.msk [tilespmem:v15+s10+$0x0], $0xffff;
	v15 =	vor.u32 s19, v24  }
0x146: {  	[tilespmem:v17+s13+$0x0] =	vst.idx.msk $0xffff, v7  }
0x147: {  	v11 =	vor.u32 v48, v3;
	[tilespmem:v8+s13+$0x0] =	vst.idx.msk $0xffff, v18  }
0x148: {  	v14 =	vld.idx.msk [tilespmem:v16+s10+$0x0], $0xffff;
	[tilespmem:v9+s13+$0x0] =	vst.idx.msk $0xffff, v10;
	v6 =	vor.u32 v21, v26  }
0x149: {  	v7 =	vor.u32 s20, v30;
	v16 =	vor.u32 v32, v0;
	v8 =	vld.idx.msk [tilespmem:v19+s10+$0x0], $0xffff;
	[tilespmem:v12+s13+$0x0] =	vst.idx.msk $0xffff, v5  }
0x14a: {  	v18 =	vor.u32 s26, v41;
	v19 =	vld.idx.msk [tilespmem:v20+s10+$0x0], $0xffff;
	[tilespmem:v15+s13+$0x0] =	vst.idx.msk $0xffff, v13  }
0x14b: {  	v27 =	vld [tilespmem:$0x1FF10]  }
0x14c: {  	v11 =	vld.idx.msk [tilespmem:v11+s10+$0x0], $0xffff  }
0x14d: {  	v20 =	vor.u32 s21, v56;
	v6 =	vld.idx.msk [tilespmem:v6+s10+$0x0], $0xffff  }
0x14e: {  	v5 =	vor.u32 s22, v56;
	[tilespmem:v7+s13+$0x0] =	vst.idx.msk $0xffff, v14;
	v7 =	vld.idx.msk [tilespmem:v16+s10+$0x0], $0xffff  }
0x14f: {  	v54 =	vmov v34;
	v17 =	vor.u32 v45, v1;
	v14 =	vor.u32 s19, v38;
	v34 =	vld [tilespmem:$0x1FCD0];
	[tilespmem:v18+s13+$0x0] =	vst.idx.msk $0xffff, v8  }
0x150: {  	v9 =	vor.u32 v29, v23;
	v53 =	vld [tilespmem:$0x1FD80];
	v13 =	vor.u32 s25, v27;
	_ =	sdelay $0x1  }
0x151: {  	v10 =	vor.u32 v43, v2;
	[tilespmem:v20+s13+$0x0] =	vst.idx.msk $0xffff, v19  }
0x152: {  	v12 =	vor.u32 v43, v3;
	[tilespmem:v5+s13+$0x0] =	vst.idx.msk $0xffff, v11  }
0x153: {  	v16 =	vld.idx.msk [tilespmem:v17+s10+$0x0], $0xffff;
	[tilespmem:v14+s13+$0x0] =	vst.idx.msk $0xffff, v7;
	v15 =	vor.u32 v34, v26  }
0x154: {  	v8 =	vor.u32 s20, v24;
	v9 =	vld.idx.msk [tilespmem:v9+s10+$0x0], $0xffff;
	v17 =	vor.u32 v53, v0;
	[tilespmem:v13+s13+$0x0] =	vst.idx.msk $0xffff, v6  }
0x155: {  	v43 =	vld [tilespmem:$0x1FC40]  }
0x156: {  	v18 =	vor.u32 v32, v1;
	v19 =	vor.u32 s26, v22;
	v10 =	vld.idx.msk [tilespmem:v10+s10+$0x0], $0xffff  }
0x157: {  	v28 =	vmov v47;
	v12 =	vld.idx.msk [tilespmem:v12+s10+$0x0], $0xffff  }
0x158: {  	v20 =	vor.u32 s21, v49;
	v5 =	vor.u32 v28, v23;
	v7 =	vld.idx.msk [tilespmem:v15+s10+$0x0], $0xffff  }
0x159: {  	v11 =	vor.u32 v46, v2;
	v6 =	vor.u32 s22, v49;
	[tilespmem:v8+s13+$0x0] =	vst.idx.msk $0xffff, v16;
	v8 =	vld.idx.msk [tilespmem:v17+s10+$0x0], $0xffff  }
0x15a: {  	v51 =	vld [tilespmem:$0x1FE00];
	v14 =	vor.u32 s25, v43  }
0x15b: {  	v17 =	vld.idx.msk [tilespmem:v18+s10+$0x0], $0xffff;
	[tilespmem:v19+s13+$0x0] =	vst.idx.msk $0xffff, v9  }
0x15c: {  	v15 =	vor.u32 s19, v52;
	v28 =	vld [tilespmem:$0x1FD30]  }
0x15d: {  	[tilespmem:v20+s13+$0x0] =	vst.idx.msk $0xffff, v10;
	v5 =	vld.idx.msk [tilespmem:v5+s10+$0x0], $0xffff  }
0x15e: {  	v13 =	vor.u32 v46, v3;
	v11 =	vld.idx.msk [tilespmem:v11+s10+$0x0], $0xffff;
	[tilespmem:v6+s13+$0x0] =	vst.idx.msk $0xffff, v12  }
0x15f: {  	v12 =	vld [tilespmem:$0x1FEC0];
	v16 =	vor.u32 v51, v26;
	[tilespmem:v14+s13+$0x0] =	vst.idx.msk $0xffff, v7  }
0x160: {  	v10 =	vor.u32 s26, v57;
	v57 =	vld [tilespmem:$0x1FC50]  }
0x161: {  	v19 =	vld [tilespmem:$0x1FEC0];
	[tilespmem:v15+s13+$0x0] =	vst.idx.msk $0xffff, v8  }
0x162: {  	v18 =	vor.u32 s21, v44;
	v9 =	vor.u32 v28, v0;
	v45 =	vld [tilespmem:$0x1FCF0]  }
0x163: {  	s24 =	simm.s32 $0x70;
	v25 =	vmov v38;
	v13 =	vld.idx.msk [tilespmem:v13+s10+$0x0], $0xffff  }
0x164: {  	v6 =	vor.u32 v21, v23;
	v21 =	vor.u32 s20, v25;
	v8 =	vld.idx.msk [tilespmem:v16+s10+$0x0], $0xffff;
	v15 =	vmov s24  }
0x165: {  	v48 =	vmovc v29;
	v29 =	vmov v31;
	v7 =	vor.u32 s22, v44;
	v30 =	vld [tilespmem:$0x1FDE0];
	v15 =	vshll.u32 v15, $0x5  }
0x166: {  	v12 =	vor.u32 v12, v2;
	v31 =	vld [tilespmem:$0x1FD00];
	[tilespmem:v10+s13+$0x0] =	vst.idx.msk $0xffff, v5;
	v5 =	vor.u32 v42, v15;
	v14 =	vor.u32 s25, v57  }
0x167: {  	v9 =	vld.idx.msk [tilespmem:v9+s10+$0x0], $0xffff;
	[tilespmem:v18+s13+$0x0] =	vst.idx.msk $0xffff, v11;
	v18 =	vor.u32 v39, v5;
	v20 =	vor.u32 s19, v45;
	_ =	sdelay $0x1  }
0x168: {  	[tilespmem:v21+s13+$0x0] =	vst.idx.msk $0xffff, v17  }
0x169: {  	v11 =	vld.idx.msk [tilespmem:v6+s10+$0x0], $0xffff;
	[tilespmem:v7+s13+$0x0] =	vst.idx.msk $0xffff, v13;
	v19 =	vor.u32 v19, v3  }
0x16a: {  	v12 =	vld.idx.msk [tilespmem:v12+s10+$0x0], $0xffff;
	v16 =	vor.u32 v30, v26;
	[tilespmem:v14+s13+$0x0] =	vst.idx.msk $0xffff, v8  }
0x16b: {  	v18 =	vld.idx.msk [tilespmem:v18+s10+$0x0], $0xffff;
	[tilespmem:v20+s13+$0x0] =	vst.idx.msk $0xffff, v9  }
0x16c: {  	v10 =	vor.u32 s26, v27;
	v13 =	vor.u32 v53, v1;
	v53 =	vmovc v41;
	v22 =	vor.u32 v31, v0;
	v41 =	vld [tilespmem:$0x1FC60]  }
0x16d: {  	s30 =	simm.s32 $0x60;
	v38 =	vld [tilespmem:$0x1FD20]  }
0x16e: {  	v15 =	vmov s30;
	v7 =	vld.idx.msk [tilespmem:v19+s10+$0x0], $0xffff  }
0x16f: {  	v6 =	vshll.u32 v15, $0x5;
	v15 =	vor.u32 s21, v40;
	v16 =	vld.idx.msk [tilespmem:v16+s10+$0x0], $0xffff  }
0x170: {  	s28 =	simm.s32 $0xC00;
	v14 =	vor.u32 s22, v40;
	v40 =	vld [tilespmem:$0x1FEB0]  }
0x171: {  	s29 =	sand.u32 $0x3000, s28;
	s0 =	sand.u32 $0x70, s24;
	v19 =	vld.idx.msk [tilespmem:v22+s10+$0x0], $0xffff;
	[tilespmem:v10+s13+$0x0] =	vst.idx.msk $0xffff, v11;
	v20 =	vor.u32 s25, v41  }
0x172: {  	s24 =	sor.u32 s29, s0;
	v47 =	vld [tilespmem:$0x1FDF0];
	v21 =	vor.u32 s19, v38  }
0x173: {  	v49 =	vor.u32 v34, v23;
	v11 =	vor.u32 s24, v29;
	v9 =	vld [tilespmem:$0x1FEC0]  }
0x174: {  	v6 =	vor.u32 v42, v6;
	v32 =	vld [tilespmem:$0x1FD60];
	[tilespmem:v15+s13+$0x0] =	vst.idx.msk $0xffff, v12  }
0x175: {  	v8 =	vor.u32 v39, v6;
	[tilespmem:v14+s13+$0x0] =	vst.idx.msk $0xffff, v7  }
0x176: {  	v13 =	vld.idx.msk [tilespmem:v13+s10+$0x0], $0xffff;
	v17 =	vor.u32 v40, v3;
	[tilespmem:v20+s13+$0x0] =	vst.idx.msk $0xffff, v16  }
0x177: {  	v25 =	vor.u32 v28, v1;
	v10 =	vor.u32 v47, v26;
	v28 =	vld [tilespmem:$0x1FE80];
	[tilespmem:v21+s13+$0x0] =	vst.idx.msk $0xffff, v19  }
0x178: {  	v27 =	vld.idx.msk [tilespmem:v49+s10+$0x0], $0xffff;
	[tilespmem:v11+s13+$0x0] =	vst.idx.msk $0xffff, v18  }
0x179: {  	v15 =	vor.u32 s26, v43;
	v22 =	vor.u32 v32, v0;
	v49 =	vld [tilespmem:$0x1FC70]  }
0x17a: {  	s31 =	sand.u32 $0x60, s30;
	v8 =	vld.idx.msk [tilespmem:v8+s10+$0x0], $0xffff  }
0x17b: {  	s23 =	sor.u32 s31, s29;
	v12 =	vor.u32 v58, v5;
	v7 =	vor.u32 s20, v52;
	v17 =	vld.idx.msk [tilespmem:v17+s10+$0x0], $0xffff  }
0x17c: {  	v14 =	vor.u32 s23, v29;
	v10 =	vld.idx.msk [tilespmem:v10+s10+$0x0], $0xffff  }
0x17d: {  	v34 =	vld [tilespmem:$0x1FE10];
	v20 =	vor.u32 s22, v28  }
0x17e: {  	v24 =	vor.u32 v51, v23;
	v18 =	vld.idx.msk [tilespmem:v22+s10+$0x0], $0xffff;
	[tilespmem:v15+s13+$0x0] =	vst.idx.msk $0xffff, v27;
	v19 =	vor.u32 s25, v49  }
0x17f: {  	v21 =	vor.u32 s19, v50;
	v44 =	vld [tilespmem:$0x1FD10]  }
0x180: {  	v12 =	vld.idx.msk [tilespmem:v12+s10+$0x0], $0xffff;
	v22 =	vor.u32 s24, v59;
	[tilespmem:v7+s13+$0x0] =	vst.idx.msk $0xffff, v13  }
0x181: {  	v29 =	vld [tilespmem:$0x1FD40];
	[tilespmem:v14+s13+$0x0] =	vst.idx.msk $0xffff, v8  }
0x182: {  	v16 =	vor.u32 v58, v6;
	[tilespmem:v20+s13+$0x0] =	vst.idx.msk $0xffff, v17  }
0x183: {  	v13 =	vld.idx.msk [tilespmem:v24+s10+$0x0], $0xffff;
	v11 =	vor.u32 v34, v3;
	[tilespmem:v19+s13+$0x0] =	vst.idx.msk $0xffff, v10  }
0x184: {  	v15 =	vor.u32 v44, v26;
	v43 =	vld [tilespmem:$0x1FE20];
	[tilespmem:v21+s13+$0x0] =	vst.idx.msk $0xffff, v18  }
0x185: {  	v14 =	vld.idx.msk [tilespmem:v25+s10+$0x0], $0xffff;
	[tilespmem:v22+s13+$0x0] =	vst.idx.msk $0xffff, v12  }
0x186: {  	v27 =	vor.u32 s26, v57;
	v7 =	vor.u32 v29, v0;
	v17 =	vor.u32 s20, v45;
	v45 =	vld [tilespmem:$0x1FC80]  }
0x187: {  	v8 =	vor.u32 v60, v5;
	v16 =	vld.idx.msk [tilespmem:v16+s10+$0x0], $0xffff  }
0x188: {  	v20 =	vor.u32 s23, v59;
	v11 =	vld.idx.msk [tilespmem:v11+s10+$0x0], $0xffff  }
0x189: {  	v24 =	vor.u32 v30, v23;
	v15 =	vld.idx.msk [tilespmem:v15+s10+$0x0], $0xffff  }
0x18a: {  	v25 =	vor.u32 v31, v1;
	v52 =	vld [tilespmem:$0x1FE30];
	v19 =	vor.u32 s22, v43  }
0x18b: {  	v10 =	vor.u32 v60, v6;
	v7 =	vld.idx.msk [tilespmem:v7+s10+$0x0], $0xffff;
	[tilespmem:v27+s13+$0x0] =	vst.idx.msk $0xffff, v13;
	v18 =	vor.u32 s25, v45  }
0x18c: {  	v21 =	vor.u32 s19, v54;
	v8 =	vld.idx.msk [tilespmem:v8+s10+$0x0], $0xffff;
	[tilespmem:v17+s13+$0x0] =	vst.idx.msk $0xffff, v14  }
0x18d: {  	v22 =	vor.u32 s24, v61;
	v31 =	vld [tilespmem:$0x1FCE0];
	[tilespmem:v20+s13+$0x0] =	vst.idx.msk $0xffff, v16;
	v16 =	vor.u32 v40, v2  }
0x18e: {  	v17 =	vld.idx.msk [tilespmem:v24+s10+$0x0], $0xffff  }
0x18f: {  	v20 =	vld.idx.msk [tilespmem:v25+s10+$0x0], $0xffff;
	v12 =	vor.u32 v52, v3;
	[tilespmem:v19+s13+$0x0] =	vst.idx.msk $0xffff, v11  }
0x190: {  	v27 =	vor.u32 s26, v41;
	v10 =	vld.idx.msk [tilespmem:v10+s10+$0x0], $0xffff;
	[tilespmem:v18+s13+$0x0] =	vst.idx.msk $0xffff, v15  }
0x191: {  	v13 =	vor.u32 v37, v26;
	v19 =	vor.u32 v47, v23;
	v47 =	vld [tilespmem:$0x1FE90];
	[tilespmem:v21+s13+$0x0] =	vst.idx.msk $0xffff, v7  }
0x192: {  	v14 =	vor.u32 v31, v0;
	v16 =	vld.idx.msk [tilespmem:v16+s10+$0x0], $0xffff;
	[tilespmem:v22+s13+$0x0] =	vst.idx.msk $0xffff, v8  }
0x193: {  	v24 =	vor.u32 s23, v61;
	v11 =	vor.u32 s20, v38;
	v38 =	vld [tilespmem:$0x1FE50]  }
0x194: {  	v12 =	vld.idx.msk [tilespmem:v12+s10+$0x0], $0xffff  }
0x195: {  	v41 =	vld [tilespmem:$0x1FD90];
	[tilespmem:v27+s13+$0x0] =	vst.idx.msk $0xffff, v17;
	v17 =	vor.u32 s21, v28  }
0x196: {  	v25 =	vor.u32 v32, v1;
	v7 =	vld.idx.msk [tilespmem:v13+s10+$0x0], $0xffff;
	v18 =	vor.u32 s22, v47  }
0x197: {  	v22 =	vor.u32 s19, v53;
	v13 =	vld.idx.msk [tilespmem:v14+s10+$0x0], $0xffff  }
0x198: {  	v15 =	vor.u32 v62, v6;
	[tilespmem:v24+s13+$0x0] =	vst.idx.msk $0xffff, v10;
	v14 =	vor.u32 s25, v38  }
0x199: {  	[tilespmem:v11+s13+$0x0] =	vst.idx.msk $0xffff, v20  }
0x19a: {  	v19 =	vld.idx.msk [tilespmem:v19+s10+$0x0], $0xffff;
	v20 =	vor.u32 s26, v49;
	[tilespmem:v17+s13+$0x0] =	vst.idx.msk $0xffff, v16  }
0x19b: {  	v8 =	vor.u32 v62, v5;
	v10 =	vld.idx.msk [tilespmem:v25+s10+$0x0], $0xffff;
	[tilespmem:v18+s13+$0x0] =	vst.idx.msk $0xffff, v12;
	v12 =	vor.u32 s20, v50  }
0x19c: {  	[tilespmem:v22+s13+$0x0] =	vst.idx.msk $0xffff, v13  }
0x19d: {  	v11 =	vor.u32 v48, v0;
	v15 =	vld.idx.msk [tilespmem:v15+s10+$0x0], $0xffff;
	[tilespmem:v14+s13+$0x0] =	vst.idx.msk $0xffff, v7  }
0x19e: {  	v21 =	vor.u32 v41, v3;
	v30 =	vld [tilespmem:$0x1FDA0]  }
0x19f: {  	v24 =	vor.u32 v34, v2;
	v49 =	vld [tilespmem:$0x1FF60];
	[tilespmem:v20+s13+$0x0] =	vst.idx.msk $0xffff, v19  }
0x1a0: {  	v8 =	vld.idx.msk [tilespmem:v8+s10+$0x0], $0xffff;
	v18 =	vor.u32 s23, v63;
	[tilespmem:v12+s13+$0x0] =	vst.idx.msk $0xffff, v10  }
0x1a1: {  	v27 =	vor.u32 v35, v26;
	v34 =	vld [tilespmem:$0x1FE40]  }
0x1a2: {  	v25 =	vor.u32 v29, v1;
	v11 =	vld.idx.msk [tilespmem:v11+s10+$0x0], $0xffff;
	v14 =	vor.u32 s24, v63  }
0x1a3: {  	v13 =	vor.u32 v44, v23;
	v21 =	vld.idx.msk [tilespmem:v21+s10+$0x0], $0xffff;
	v16 =	vor.u32 s22, v30  }
0x1a4: {  	v20 =	vld.idx.msk [tilespmem:v24+s10+$0x0], $0xffff;
	v22 =	vor.u32 s19, v49  }
0x1a5: {  	v7 =	vor.u32 v4, v6;
	v29 =	vld [tilespmem:$0x1FE70];
	[tilespmem:v18+s13+$0x0] =	vst.idx.msk $0xffff, v15;
	v15 =	vor.u32 s21, v43  }
0x1a6: {  	v17 =	vor.u32 v4, v5;
	v19 =	vld.idx.msk [tilespmem:v27+s10+$0x0], $0xffff;
	v12 =	vor.u32 s25, v34  }
0x1a7: {  	v18 =	vld.idx.msk [tilespmem:v25+s10+$0x0], $0xffff;
	[tilespmem:v14+s13+$0x0] =	vst.idx.msk $0xffff, v8;
	v14 =	vor.u32 s20, v54  }
0x1a8: {  	v13 =	vld.idx.msk [tilespmem:v13+s10+$0x0], $0xffff;
	[tilespmem:v16+s13+$0x0] =	vst.idx.msk $0xffff, v21  }
0x1a9: {  	v28 =	vld [tilespmem:$0x1FEF0];
	[tilespmem:v22+s13+$0x0] =	vst.idx.msk $0xffff, v11  }
0x1aa: {  	v8 =	vor.u32 v52, v2;
	v7 =	vld.idx.msk [tilespmem:v7+s10+$0x0], $0xffff;
	[tilespmem:v15+s13+$0x0] =	vst.idx.msk $0xffff, v20  }
0x1ab: {  	v17 =	vld.idx.msk [tilespmem:v17+s10+$0x0], $0xffff;
	v10 =	vor.u32 v29, v0;
	[tilespmem:v12+s13+$0x0] =	vst.idx.msk $0xffff, v19  }
0x1ac: {  	v27 =	vor.u32 v36, v26;
	v24 =	vor.u32 s23, v55;
	v52 =	vld [tilespmem:$0x1FF30];
	[tilespmem:v14+s13+$0x0] =	vst.idx.msk $0xffff, v18  }
0x1ad: {  	v43 =	vld [tilespmem:$0x1FD70]  }
0x1ae: {  	v16 =	vor.u32 v31, v1;
	v21 =	vor.u32 s26, v45;
	v32 =	vld [tilespmem:$0x1FE60]  }
0x1af: {  	v11 =	vor.u32 v37, v23;
	v22 =	vor.u32 s24, v55;
	v8 =	vld.idx.msk [tilespmem:v8+s10+$0x0], $0xffff  }
0x1b0: {  	v10 =	vld.idx.msk [tilespmem:v10+s10+$0x0], $0xffff  }
0x1b1: {  	v19 =	vld.idx.msk [tilespmem:v27+s10+$0x0], $0xffff;
	v25 =	vor.u32 v28, v6;
	[tilespmem:v24+s13+$0x0] =	vst.idx.msk $0xffff, v7;
	v7 =	vor.u32 s21, v47  }
0x1b2: {  	v12 =	vor.u32 v28, v5;
	v55 =	vld [tilespmem:$0x1FDB0];
	v15 =	vor.u32 s19, v52  }
0x1b3: {  	v16 =	vld.idx.msk [tilespmem:v16+s10+$0x0], $0xffff;
	[tilespmem:v21+s13+$0x0] =	vst.idx.msk $0xffff, v13;
	v14 =	vor.u32 v43, v0;
	v18 =	vor.u32 s25, v32  }
0x1b4: {  	[tilespmem:v22+s13+$0x0] =	vst.idx.msk $0xffff, v17;
	v11 =	vld.idx.msk [tilespmem:v11+s10+$0x0], $0xffff  }
0x1b5: {  	v28 =	vld [tilespmem:$0x1FCC0]  }
0x1b6: {  	v24 =	vor.u32 v41, v2;
	v27 =	vld.idx.msk [tilespmem:v25+s10+$0x0], $0xffff;
	[tilespmem:v7+s13+$0x0] =	vst.idx.msk $0xffff, v8  }
0x1b7: {  	v25 =	vor.u32 s20, v53;
	v12 =	vld.idx.msk [tilespmem:v12+s10+$0x0], $0xffff;
	v20 =	vor.u32 v55, v3;
	[tilespmem:v15+s13+$0x0] =	vst.idx.msk $0xffff, v10  }
0x1b8: {  	v13 =	vor.u32 s23, v56;
	v14 =	vld.idx.msk [tilespmem:v14+s10+$0x0], $0xffff;
	[tilespmem:v18+s13+$0x0] =	vst.idx.msk $0xffff, v19  }
0x1b9: {  	v47 =	vld [tilespmem:$0x1FF10]  }
0x1ba: {  	v21 =	vor.u32 s26, v38;
	v41 =	vld [tilespmem:$0x1FDC0]  }
0x1bb: {  	v19 =	vld.idx.msk [tilespmem:v24+s10+$0x0], $0xffff  }
0x1bc: {  	v15 =	vor.u32 s24, v56;
	v7 =	vld.idx.msk [tilespmem:v20+s10+$0x0], $0xffff;
	[tilespmem:v25+s13+$0x0] =	vst.idx.msk $0xffff, v16  }
0x1bd: {  	v38 =	vld [tilespmem:$0x1FCD0];
	[tilespmem:v13+s13+$0x0] =	vst.idx.msk $0xffff, v27;
	v13 =	vor.u32 s21, v30  }
0x1be: {  	v17 =	vor.u32 v48, v1;
	v24 =	vld [tilespmem:$0x1FD80];
	v8 =	vor.u32 s19, v47  }
0x1bf: {  	v22 =	vor.u32 v28, v6;
	v44 =	vld [tilespmem:$0x1FEC0];
	[tilespmem:v21+s13+$0x0] =	vst.idx.msk $0xffff, v11;
	v20 =	vor.u32 s22, v41  }
0x1c0: {  	v21 =	vld [tilespmem:$0x1FEE0]  }
0x1c1: {  	v10 =	vor.u32 v35, v23;
	[tilespmem:v15+s13+$0x0] =	vst.idx.msk $0xffff, v12  }
0x1c2: {  	v18 =	vor.u32 v28, v5;
	[tilespmem:v13+s13+$0x0] =	vst.idx.msk $0xffff, v19  }
0x1c3: {  	v17 =	vld.idx.msk [tilespmem:v17+s10+$0x0], $0xffff;
	[tilespmem:v8+s13+$0x0] =	vst.idx.msk $0xffff, v14  }
0x1c4: {  	v25 =	vor.u32 s20, v49;
	v28 =	vld.idx.msk [tilespmem:v22+s10+$0x0], $0xffff;
	v16 =	vor.u32 v38, v0;
	[tilespmem:v20+s13+$0x0] =	vst.idx.msk $0xffff, v7  }
0x1c5: {  	v11 =	vor.u32 s23, v21;
	v14 =	vld [tilespmem:$0x1FD50]  }
0x1c6: {  	v54 =	vld.idx.msk [tilespmem:v10+s10+$0x0], $0xffff  }
0x1c7: {  	v53 =	vor.u32 v24, v3;
	v24 =	vor.u32 v55, v2;
	v55 =	vld.idx.msk [tilespmem:v18+s10+$0x0], $0xffff  }
0x1c8: {  	v34 =	vor.u32 s26, v34;
	v8 =	vld [tilespmem:$0x1FC40]  }
0x1c9: {  	v18 =	vld.idx.msk [tilespmem:v16+s10+$0x0], $0xffff;
	[tilespmem:v25+s13+$0x0] =	vst.idx.msk $0xffff, v17  }
0x1ca: {  	v12 =	vor.u32 v29, v1;
	v15 =	vor.u32 s22, v14;
	v14 =	vld [tilespmem:$0x1FC30];
	[tilespmem:v11+s13+$0x0] =	vst.idx.msk $0xffff, v28  }
0x1cb: {  	v27 =	vor.u32 v46, v6;
	v31 =	vor.u32 s24, v21;
	v11 =	vld [tilespmem:$0x1FD30]  }
0x1cc: {  	v9 =	vor.u32 v9, v5;
	v56 =	vor.u32 v51, v0;
	v22 =	vor.u32 v46, v5;
	v40 =	vld.idx.msk [tilespmem:v53+s10+$0x0], $0xffff  }
0x1cd: {  	v30 =	vor.u32 v36, v23;
	v21 =	vld.idx.msk [tilespmem:v24+s10+$0x0], $0xffff;
	v13 =	vor.u32 s19, v8;
	[tilespmem:v34+s13+$0x0] =	vst.idx.msk $0xffff, v54  }
0x1ce: {  	v10 =	vor.u32 s19, v57;
	v7 =	vor.u32 s22, v57;
	v8 =	vor.u32 s24, v57;
	v57 =	vld [tilespmem:$0x1FED0]  }
0x1cf: {  	v29 =	vor.u32 s21, v41;
	v19 =	vor.u32 s26, v32;
	v17 =	vor.u32 s25, v33;
	v12 =	vld.idx.msk [tilespmem:v12+s10+$0x0], $0xffff  }
0x1d0: {  	v24 =	vor.u32 v44, v6;
	v20 =	vld.idx.msk [tilespmem:v27+s10+$0x0], $0xffff;
	[tilespmem:v31+s13+$0x0] =	vst.idx.msk $0xffff, v55;
	v28 =	vor.u32 v11, v3  }
0x1d1: {  	v27 =	vor.u32 s20, v52;
	v22 =	vld.idx.msk [tilespmem:v22+s10+$0x0], $0xffff;
	v16 =	vor.u32 v14, v26;
	v14 =	vor.u32 v14, v23  }
0x1d2: {  	v26 =	vor.u32 v43, v1;
	v23 =	vld.idx.msk [tilespmem:v30+s10+$0x0], $0xffff;
	[tilespmem:v13+s13+$0x0] =	vst.idx.msk $0xffff, v18;
	v13 =	vor.u32 s26, v33;
	v18 =	vor.u32 s20, v47  }
0x1d3: {  	s25 =	simm.s32 $0x6;
	s26 =	simm.s32 $0x90;
	[tilespmem:v15+s13+$0x0] =	vst.idx.msk $0xffff, v40;
	v15 =	vor.u32 v38, v1;
	v31 =	vld.idx.msk [tilespmem:v56+s10+$0x0], $0xffff;
	v25 =	vor.u32 s23, v57;
	v30 =	vor.u32 s24, v57  }
.LBB2_3:
0x1d4: {  	_ = 	snop  }
0x1d5: {  	[tilespmem:v29+s13+$0x0] =	vst.idx.msk $0xffff, v21;
	v21 =	vld.idx.msk [tilespmem:v28+s10+$0x0], $0xffff  }
0x1d6: {  	v53 =	vld [tilespmem:$0x1FD00]  }
0x1d7: {  	v47 =	vld [tilespmem:$0x1FDE0]  }
0x1d8: {  	v38 =	vld [tilespmem:$0x1FCF0]  }
0x1d9: {  	v16 =	vld.idx.msk [tilespmem:v16+s10+$0x0], $0xffff  }
0x1da: {  	v56 =	vld [tilespmem:$0x1FEA0]  }
0x1db: {  	v45 =	vld [tilespmem:$0x1FD80]  }
0x1dc: {  	v48 =	vld [tilespmem:$0x1FE00]  }
0x1dd: {  	v50 =	vld [tilespmem:$0x1FEB0]  }
0x1de: {  	v41 =	vld [tilespmem:$0x1FC60]  }
0x1df: {  	v57 =	vmov v33;
	v33 =	vld [tilespmem:$0x1FD20]  }
0x1e0: {  	v46 =	vld [tilespmem:$0x1FDF0]  }
0x1e1: {  	v54 =	vld [tilespmem:$0x1FC50]  }
0x1e2: {  	v49 =	vld [tilespmem:$0x1FC40]  }
0x1e3: {  	v43 =	vld [tilespmem:$0x1FD30]  }
0x1e4: {  	v51 =	vld [tilespmem:$0x1FE80]  }
0x1e5: {  	v40 =	vmov s26;
	v52 =	vld [tilespmem:$0x1FF40]  }
0x1e6: {  	v55 =	vshll.u32 v40, $0x5;
	[tilespmem:v27+s13+$0x0] =	vst.idx.msk $0xffff, v12;
	v40 =	vld [tilespmem:$0x1FD10]  }
0x1e7: {  	s0 =	sadd.s32 $0xFFFFFFF0, s26;
	v12 =	vor.u32 v42, v55;
	[tilespmem:v30+s13+$0x0] =	vst.idx.msk $0xffff, v22;
	v55 =	vld [tilespmem:$0x1FC80]  }
0x1e8: {  	v32 =	vmov s0;
	[tilespmem:v25+s13+$0x0] =	vst.idx.msk $0xffff, v20;
	v22 =	vld.idx.msk [tilespmem:v9+s10+$0x0], $0xffff  }
0x1e9: {  	v11 =	vmov v6;
	v6 =	vshll.u32 v32, $0x5;
	v25 =	vld.idx.msk [tilespmem:v26+s10+$0x0], $0xffff;
	v34 =	vor.u32 s22, v38  }
0x1ea: {  	v6 =	vor.u32 v42, v6;
	v26 =	vor.u32 v39, v12;
	v24 =	vld.idx.msk [tilespmem:v24+s10+$0x0], $0xffff;
	v29 =	vor.u32 v47, v0  }
0x1eb: {  	[tilespmem:v19+s13+$0x0] =	vst.idx.msk $0xffff, v23;
	v19 =	vor.u32 v39, v6;
	v39 =	vld [tilespmem:$0x1FD60];
	v28 =	vor.u32 v53, v3  }
0x1ec: {  	v23 =	vor.u32 v44, v12;
	v44 =	vld [tilespmem:$0x1FD50]  }
0x1ed: {  	s1 =	smov.u32 s24;
	[tilespmem:v10+s13+$0x0] =	vst.idx.msk $0xffff, v31;
	v20 =	vor.u32 s23, v56;
	v14 =	vld.idx.msk [tilespmem:v14+s10+$0x0], $0xffff  }
0x1ee: {  	v9 =	vmov v23;
	v23 =	vor.u32 s1, v56;
	v56 =	vld [tilespmem:$0x1FC70];
	[tilespmem:v34+s13+$0x0] =	vst.idx.msk $0xffff, v21  }
0x1ef: {  	v27 =	vor.u32 v45, v2;
	v29 =	vld.idx.msk [tilespmem:v29+s10+$0x0], $0xffff  }
0x1f0: {  	v28 =	vld.idx.msk [tilespmem:v28+s10+$0x0], $0xffff;
	[tilespmem:v17+s13+$0x0] =	vst.idx.msk $0xffff, v16  }
0x1f1: {  	[tilespmem:v18+s13+$0x0] =	vst.idx.msk $0xffff, v25;
	v16 =	vld.idx.msk [tilespmem:v26+s10+$0x0], $0xffff  }
0x1f2: {  	v30 =	vor.u32 v50, v5;
	v31 =	vor.u32 s19, v41;
	[tilespmem:v20+s13+$0x0] =	vst.idx.msk $0xffff, v24;
	v26 =	vld [tilespmem:$0x1FF20]  }
0x1f3: {  	v32 =	vor.u32 s20, v49;
	v15 =	vld.idx.msk [tilespmem:v15+s10+$0x0], $0xffff  }
0x1f4: {  	s28 =	sadd.s32 $0x400, s28;
	v17 =	vor.u32 s22, v33;
	v27 =	vld.idx.msk [tilespmem:v27+s10+$0x0], $0xffff;
	[tilespmem:v13+s13+$0x0] =	vst.idx.msk $0xffff, v14  }
0x1f5: {  	s31 =	sand.u32 $0x70, s26;
	s29 =	sand.u32 $0x60, s0;
	s0 =	sand.u32 $0x3000, s28;
	v13 =	vld.idx.msk [tilespmem:v19+s10+$0x0], $0xffff;
	v19 =	vor.u32 s21, v44  }
0x1f6: {  	s24 =	sor.u32 s0, s31;
	v18 =	vor.u32 v46, v0;
	v34 =	vld [tilespmem:$0x1FD40];
	[tilespmem:v23+s13+$0x0] =	vst.idx.msk $0xffff, v22  }
0x1f7: {  	v21 =	vor.u32 v48, v1;
	v22 =	vld.idx.msk [tilespmem:v30+s10+$0x0], $0xffff;
	[tilespmem:v31+s13+$0x0] =	vst.idx.msk $0xffff, v29;
	v25 =	vor.u32 s24, v26  }
0x1f8: {  	s30 =	sor.u32 s29, s0;
	v10 =	vmov v7;
	v20 =	vor.u32 v39, v3;
	[tilespmem:v32+s13+$0x0] =	vst.idx.msk $0xffff, v15;
	v32 =	vld [tilespmem:$0x1FCE0]  }
0x1f9: {  	v24 =	vor.u32 s30, v26;
	v26 =	vor.u32 v58, v12;
	[tilespmem:v17+s13+$0x0] =	vst.idx.msk $0xffff, v28;
	v17 =	vor.u32 v47, v1;
	v47 =	vld [tilespmem:$0x1FE10]  }
0x1fa: {  	v7 =	vmovc v8;
	v8 =	vor.u32 s24, v54;
	v23 =	vor.u32 v43, v2;
	[tilespmem:v19+s13+$0x0] =	vst.idx.msk $0xffff, v27;
	v27 =	vor.u32 s20, v54;
	v54 =	vld [tilespmem:$0x1FE30]  }
0x1fb: {  	v14 =	vor.u32 v58, v6;
	v29 =	vor.u32 s1, v51;
	v18 =	vld.idx.msk [tilespmem:v18+s10+$0x0], $0xffff  }
0x1fc: {  	v21 =	vld.idx.msk [tilespmem:v21+s10+$0x0], $0xffff;
	[tilespmem:v25+s13+$0x0] =	vst.idx.msk $0xffff, v16  }
0x1fd: {  	v20 =	vld.idx.msk [tilespmem:v20+s10+$0x0], $0xffff  }
0x1fe: {  	v16 =	vor.u32 v47, v5;
	v25 =	vor.u32 s19, v56;
	[tilespmem:v24+s13+$0x0] =	vst.idx.msk $0xffff, v13;
	v26 =	vld.idx.msk [tilespmem:v26+s10+$0x0], $0xffff  }
0x1ff: {  	v28 =	vor.u32 s22, v52;
	v23 =	vld.idx.msk [tilespmem:v23+s10+$0x0], $0xffff  }
0x200: {  	v14 =	vld.idx.msk [tilespmem:v14+s10+$0x0], $0xffff;
	[tilespmem:v29+s13+$0x0] =	vst.idx.msk $0xffff, v22;
	v22 =	vor.u32 s21, v38  }
0x201: {  	v15 =	vor.u32 v40, v0;
	v29 =	vor.u32 v53, v2;
	v53 =	vld [tilespmem:$0x1FE20]  }
0x202: {  	v30 =	vor.u32 s24, v59;
	[tilespmem:v27+s13+$0x0] =	vst.idx.msk $0xffff, v21;
	v38 =	vld [tilespmem:$0x1FDD0]  }
0x203: {  	v13 =	vor.u32 s30, v59;
	v16 =	vld.idx.msk [tilespmem:v16+s10+$0x0], $0xffff;
	[tilespmem:v25+s13+$0x0] =	vst.idx.msk $0xffff, v18  }
0x204: {  	v19 =	vor.u32 v34, v3;
	[tilespmem:v28+s13+$0x0] =	vst.idx.msk $0xffff, v20;
	v20 =	vor.u32 v40, v1;
	v40 =	vmov v36;
	v36 =	vld [tilespmem:$0x1FF70]  }
0x205: {  	v24 =	vor.u32 v60, v12;
	[tilespmem:v22+s13+$0x0] =	vst.idx.msk $0xffff, v23;
	v23 =	vor.u32 s20, v41;
	v41 =	vld [tilespmem:$0x1FF50]  }
0x206: {  	v15 =	vld.idx.msk [tilespmem:v15+s10+$0x0], $0xffff  }
0x207: {  	v31 =	vor.u32 v60, v6;
	[tilespmem:v30+s13+$0x0] =	vst.idx.msk $0xffff, v26;
	v17 =	vld.idx.msk [tilespmem:v17+s10+$0x0], $0xffff  }
0x208: {  	[tilespmem:v13+s13+$0x0] =	vst.idx.msk $0xffff, v14;
	v13 =	vor.u32 v50, v11;
	v50 =	vld [tilespmem:$0x1FE90]  }
0x209: {  	v18 =	vor.u32 s1, v53;
	v19 =	vld.idx.msk [tilespmem:v19+s10+$0x0], $0xffff  }
0x20a: {  	v24 =	vld.idx.msk [tilespmem:v24+s10+$0x0], $0xffff  }
0x20b: {  	v25 =	vor.u32 v54, v5;
	v14 =	vld.idx.msk [tilespmem:v29+s10+$0x0], $0xffff  }
0x20c: {  	v26 =	vor.u32 s19, v55;
	v29 =	vld.idx.msk [tilespmem:v31+s10+$0x0], $0xffff  }
0x20d: {  	v31 =	vor.u32 v39, v2;
	v39 =	vld [tilespmem:$0x1FE40]  }
0x20e: {  	v28 =	vor.u32 s22, v36;
	[tilespmem:v18+s13+$0x0] =	vst.idx.msk $0xffff, v16;
	v18 =	vor.u32 v46, v1;
	v46 =	vld [tilespmem:$0x1FE50]  }
0x20f: {  	v21 =	vor.u32 v37, v0;
	v16 =	vor.u32 s21, v33;
	v33 =	vld [tilespmem:$0x1FD90]  }
0x210: {  	v27 =	vor.u32 s24, v61;
	v25 =	vld.idx.msk [tilespmem:v25+s10+$0x0], $0xffff  }
0x211: {  	v30 =	vor.u32 s30, v61;
	[tilespmem:v26+s13+$0x0] =	vst.idx.msk $0xffff, v15;
	v13 =	vld.idx.msk [tilespmem:v13+s10+$0x0], $0xffff  }
0x212: {  	v22 =	vor.u32 v32, v3;
	[tilespmem:v23+s13+$0x0] =	vst.idx.msk $0xffff, v17;
	v23 =	vor.u32 s20, v56;
	v56 =	vld [tilespmem:$0x1FF60]  }
0x213: {  	v17 =	vor.u32 s23, v51;
	v51 =	vld [tilespmem:$0x1FE70];
	[tilespmem:v28+s13+$0x0] =	vst.idx.msk $0xffff, v19  }
0x214: {  	v15 =	vor.u32 v62, v6;
	[tilespmem:v16+s13+$0x0] =	vst.idx.msk $0xffff, v14;
	v19 =	vld.idx.msk [tilespmem:v21+s10+$0x0], $0xffff  }
0x215: {  	v26 =	vor.u32 s1, v50;
	[tilespmem:v27+s13+$0x0] =	vst.idx.msk $0xffff, v24;
	v16 =	vld.idx.msk [tilespmem:v18+s10+$0x0], $0xffff  }
0x216: {  	[tilespmem:v30+s13+$0x0] =	vst.idx.msk $0xffff, v29;
	v30 =	vor.u32 v47, v11;
	v47 =	vld [tilespmem:$0x1FDC0]  }
0x217: {  	v21 =	vor.u32 v62, v12;
	v24 =	vor.u32 s19, v46;
	v22 =	vld.idx.msk [tilespmem:v22+s10+$0x0], $0xffff  }
0x218: {  	v27 =	vor.u32 v33, v5;
	v18 =	vld.idx.msk [tilespmem:v31+s10+$0x0], $0xffff  }
0x219: {  	v15 =	vld.idx.msk [tilespmem:v15+s10+$0x0], $0xffff  }
0x21a: {  	v28 =	vor.u32 s22, v41;
	[tilespmem:v26+s13+$0x0] =	vst.idx.msk $0xffff, v25;
	v31 =	vor.u32 v34, v2;
	v34 =	vld [tilespmem:$0x1FDA0]  }
0x21b: {  	v14 =	vor.u32 v38, v3;
	v25 =	vor.u32 s21, v52;
	[tilespmem:v17+s13+$0x0] =	vst.idx.msk $0xffff, v13;
	v52 =	vld [tilespmem:$0x1FF30]  }
0x21c: {  	v29 =	vor.u32 v35, v0;
	v21 =	vld.idx.msk [tilespmem:v21+s10+$0x0], $0xffff;
	[tilespmem:v24+s13+$0x0] =	vst.idx.msk $0xffff, v19  }
0x21d: {  	v26 =	vor.u32 s30, v63;
	[tilespmem:v23+s13+$0x0] =	vst.idx.msk $0xffff, v16;
	v27 =	vld.idx.msk [tilespmem:v27+s10+$0x0], $0xffff  }
0x21e: {  	v24 =	vor.u32 s24, v63;
	v23 =	vld.idx.msk [tilespmem:v30+s10+$0x0], $0xffff  }
0x21f: {  	v19 =	vor.u32 v4, v6;
	[tilespmem:v28+s13+$0x0] =	vst.idx.msk $0xffff, v22;
	v22 =	vor.u32 v4, v12;
	v4 =	vld [tilespmem:$0x1FCA0]  }
0x220: {  	v14 =	vld.idx.msk [tilespmem:v14+s10+$0x0], $0xffff  }
0x221: {  	[tilespmem:v25+s13+$0x0] =	vst.idx.msk $0xffff, v18;
	v16 =	vld.idx.msk [tilespmem:v29+s10+$0x0], $0xffff  }
0x222: {  	v13 =	vor.u32 s1, v34;
	[tilespmem:v26+s13+$0x0] =	vst.idx.msk $0xffff, v15;
	v15 =	vor.u32 s23, v53;
	v53 =	vld [tilespmem:$0x1FD70]  }
0x223: {  	v28 =	vor.u32 s22, v56;
	[tilespmem:v24+s13+$0x0] =	vst.idx.msk $0xffff, v21;
	v24 =	vor.u32 s21, v36;
	v36 =	vld [tilespmem:$0x1FEF0]  }
0x224: {  	v26 =	vld.idx.msk [tilespmem:v31+s10+$0x0], $0xffff  }
0x225: {  	v20 =	vld.idx.msk [tilespmem:v20+s10+$0x0], $0xffff;
	v21 =	vor.u32 v54, v11  }
0x226: {  	v18 =	vor.u32 v51, v3;
	v19 =	vld.idx.msk [tilespmem:v19+s10+$0x0], $0xffff;
	v31 =	vor.u32 s30, v4  }
0x227: {  	v54 =	vld [tilespmem:$0x1FE60];
	[tilespmem:v13+s13+$0x0] =	vst.idx.msk $0xffff, v27;
	v13 =	vor.u32 v32, v2  }
0x228: {  	v25 =	vor.u32 s19, v39;
	v22 =	vld.idx.msk [tilespmem:v22+s10+$0x0], $0xffff;
	[tilespmem:v28+s13+$0x0] =	vst.idx.msk $0xffff, v14;
	v27 =	vor.u32 v36, v6  }
0x229: {  	v29 =	vor.u32 s20, v55;
	v14 =	vor.u32 s24, v4;
	[tilespmem:v15+s13+$0x0] =	vst.idx.msk $0xffff, v23;
	v4 =	vld [tilespmem:$0x1FDB0]  }
0x22a: {  	v21 =	vld.idx.msk [tilespmem:v21+s10+$0x0], $0xffff;
	[tilespmem:v24+s13+$0x0] =	vst.idx.msk $0xffff, v26  }
0x22b: {  	v30 =	vor.u32 v40, v0;
	v18 =	vld.idx.msk [tilespmem:v18+s10+$0x0], $0xffff;
	[tilespmem:v31+s13+$0x0] =	vst.idx.msk $0xffff, v19  }
0x22c: {  	v13 =	vld.idx.msk [tilespmem:v13+s10+$0x0], $0xffff  }
0x22d: {  	[tilespmem:v25+s13+$0x0] =	vst.idx.msk $0xffff, v16;
	v27 =	vld.idx.msk [tilespmem:v27+s10+$0x0], $0xffff  }
0x22e: {  	v16 =	vor.u32 v36, v12;
	[tilespmem:v29+s13+$0x0] =	vst.idx.msk $0xffff, v20;
	v29 =	vld [tilespmem:$0x1FCB0]  }
0x22f: {  	v17 =	vor.u32 v37, v1;
	v55 =	vld [tilespmem:$0x1FCC0];
	v15 =	vor.u32 s22, v52  }
0x230: {  	v23 =	vld.idx.msk [tilespmem:v30+s10+$0x0], $0xffff;
	v24 =	vor.u32 v53, v3;
	v25 =	vor.u32 s19, v54  }
0x231: {  	v30 =	vor.u32 s20, v46;
	v46 =	vld [tilespmem:$0x1FCD0];
	v19 =	vor.u32 s23, v50;
	v26 =	vor.u32 v4, v5  }
0x232: {  	v41 =	vor.u32 s21, v41;
	v31 =	vor.u32 v33, v11;
	v50 =	vld [tilespmem:$0x1FF10];
	[tilespmem:v14+s13+$0x0] =	vst.idx.msk $0xffff, v22  }
0x233: {  	v16 =	vld.idx.msk [tilespmem:v16+s10+$0x0], $0xffff;
	v20 =	vor.u32 s30, v29  }
0x234: {  	v14 =	vor.u32 v38, v2;
	[tilespmem:v15+s13+$0x0] =	vst.idx.msk $0xffff, v18;
	v17 =	vld.idx.msk [tilespmem:v17+s10+$0x0], $0xffff  }
0x235: {  	v22 =	vor.u32 v55, v6;
	v18 =	vld.idx.msk [tilespmem:v24+s10+$0x0], $0xffff;
	[tilespmem:v25+s13+$0x0] =	vst.idx.msk $0xffff, v23;
	v15 =	vor.u32 s24, v29  }
0x236: {  	v23 =	vor.u32 v55, v12;
	[tilespmem:v19+s13+$0x0] =	vst.idx.msk $0xffff, v21;
	v19 =	vld.idx.msk [tilespmem:v26+s10+$0x0], $0xffff  }
0x237: {  	v28 =	vor.u32 v35, v1;
	v25 =	vld.idx.msk [tilespmem:v31+s10+$0x0], $0xffff;
	[tilespmem:v41+s13+$0x0] =	vst.idx.msk $0xffff, v13  }
0x238: {  	v21 =	vor.u32 s22, v50;
	v29 =	vor.u32 v4, v11;
	v4 =	vld [tilespmem:$0x1FEE0];
	[tilespmem:v20+s13+$0x0] =	vst.idx.msk $0xffff, v27  }
0x239: {  	v26 =	vor.u32 s1, v47;
	v14 =	vld.idx.msk [tilespmem:v14+s10+$0x0], $0xffff  }
0x23a: {  	[tilespmem:v15+s13+$0x0] =	vst.idx.msk $0xffff, v16;
	v22 =	vld.idx.msk [tilespmem:v22+s10+$0x0], $0xffff  }
0x23b: {  	[tilespmem:v30+s13+$0x0] =	vst.idx.msk $0xffff, v17;
	v23 =	vld.idx.msk [tilespmem:v23+s10+$0x0], $0xffff  }
0x23c: {  	v13 =	vor.u32 v46, v3;
	v20 =	vor.u32 s23, v34;
	v30 =	vld.idx.msk [tilespmem:v28+s10+$0x0], $0xffff  }
0x23d: {  	v56 =	vor.u32 s21, v56;
	[tilespmem:v21+s13+$0x0] =	vst.idx.msk $0xffff, v18;
	v28 =	vld [tilespmem:$0x1FF00]  }
0x23e: {  	v27 =	vor.u32 v45, v5;
	v17 =	vor.u32 s30, v4;
	[tilespmem:v26+s13+$0x0] =	vst.idx.msk $0xffff, v19;
	v26 =	vld [tilespmem:$0x1FC30]  }
0x23f: {  	v15 =	vor.u32 v51, v2  }
0x240: {  	v55 =	vor.u32 s1, v44;
	v44 =	vld [tilespmem:$0x1FEC0]  }
0x241: {  	v38 =	vmov v37;
	v31 =	vor.u32 s20, v39;
	v39 =	vmov v35;
	v13 =	vld.idx.msk [tilespmem:v13+s10+$0x0], $0xffff;
	[tilespmem:v20+s13+$0x0] =	vst.idx.msk $0xffff, v25  }
0x242: {  	v18 =	vor.u32 s24, v4;
	v4 =	vmovc v63;
	v63 =	vmov v62;
	v62 =	vmov v61;
	v21 =	vld.idx.msk [tilespmem:v29+s10+$0x0], $0xffff;
	[tilespmem:v56+s13+$0x0] =	vst.idx.msk $0xffff, v14  }
0x243: {  	v35 =	vld.idx.msk [tilespmem:v27+s10+$0x0], $0xffff;
	v33 =	vor.u32 v28, v6;
	v16 =	vor.u32 v26, v0;
	[tilespmem:v17+s13+$0x0] =	vst.idx.msk $0xffff, v22  }
0x244: {  	v51 =	vor.u32 s22, v49;
	v0 =	vmovc v3;
	v34 =	vor.u32 v28, v12;
	v3 =	vmovc v5;
	v5 =	vmov v12;
	v12 =	vld.idx.msk [tilespmem:v15+s10+$0x0], $0xffff  }
0x245: {  	s25 =	sadd.s32 $0x2, s25;
	v36 =	vmovc v40;
	v37 =	vmov v38;
	v24 =	vor.u32 v40, v1;
	v41 =	vmov v60;
	v15 =	vld [tilespmem:$0x1FED0]  }
0x246: {  	p0 =	slt.u32 s25, $0x1E;
	v60 =	vmovc v41;
	v19 =	vor.u32 s20, v54;
	v61 =	vmovc v62;
	v62 =	vmov v63;
	v56 =	vor.u32 v48, v0  }
.Ltmp0:
0x247: {  	v63 =	vmovc v4;
	v4 =	vld [tilespmem:$0x1FC90];
	v27 =	vor.u32 s21, v52;
	v29 =	vor.u32 s23, v47;
	[tilespmem:v18+s13+$0x0] =	vst.idx.msk $0xffff, v23;
	v14 =	vor.u32 v26, v1;
	(pc) =	sbr.rel @p0 .LBB2_3-.Ltmp0, $4  }
0x248: {  	v1 =	vmov v2;
	v2 =	vmov v11;
	v28 =	vor.u32 v43, v3;
	v20 =	vld.idx.msk [tilespmem:v33+s10+$0x0], $0xffff;
	[tilespmem:v31+s13+$0x0] =	vst.idx.msk $0xffff, v30  }
0x249: {  	v17 =	vor.u32 s19, v57;
	v26 =	vor.u32 v53, v1;
	v22 =	vld.idx.msk [tilespmem:v34+s10+$0x0], $0xffff;
	[tilespmem:v51+s13+$0x0] =	vst.idx.msk $0xffff, v13;
	v13 =	vor.u32 s20, v57  }
0x24a: {  	s26 =	sadd.s32 $0x20, s26;
	s19 =	smov.u32 s22;
	s20 =	smov.u32 s21;
	v25 =	vor.u32 s30, v15;
	v23 =	vld.idx.msk [tilespmem:v24+s10+$0x0], $0xffff;
	v24 =	vor.u32 v44, v6;
	v30 =	vor.u32 s24, v15;
	[tilespmem:v55+s13+$0x0] =	vst.idx.msk $0xffff, v35  }
0x24b: {  	s22 =	smov.u32 s1;
	v33 =	vmovc v57;
	s21 =	smov.u32 s23;
	s23 =	smov.u32 s30;
	v35 =	vmovc v39;
	v39 =	vlaneseq.u32;
	v18 =	vor.u32 s20, v50;
	v15 =	vor.u32 v46, v1;
	v31 =	vld.idx.msk [tilespmem:v56+s10+$0x0], $0xffff  }
0x24c: {  	_ =	sdelay $0x3  }
0x24d: {  	[tilespmem:v29+s13+$0x0] =	vst.idx.msk $0xffff, v21  }
0x24e: {  	v49 =	vld [tilespmem:$0x1FCF0]  }
0x24f: {  	v11 =	vld.idx.msk [tilespmem:v28+s10+$0x0], $0xffff  }
0x250: {  	v16 =	vld.idx.msk [tilespmem:v16+s10+$0x0], $0xffff  }
0x251: {  	v51 =	vld [tilespmem:$0x1FDE0];
	[tilespmem:v27+s13+$0x0] =	vst.idx.msk $0xffff, v12  }
0x252: {  	v45 =	vld [tilespmem:$0x1FD00]  }
0x253: {  	[tilespmem:v25+s13+$0x0] =	vst.idx.msk $0xffff, v20;
	v20 =	vld.idx.msk [tilespmem:v26+s10+$0x0], $0xffff;
	v28 =	vor.u32 s22, v49  }
0x254: {  	[tilespmem:v19+s13+$0x0] =	vst.idx.msk $0xffff, v23;
	v23 =	vld.idx.msk [tilespmem:v24+s10+$0x0], $0xffff  }
0x255: {  	v46 =	vld [tilespmem:$0x1FEA0]  }
0x256: {  	[tilespmem:v30+s13+$0x0] =	vst.idx.msk $0xffff, v22;
	v14 =	vld.idx.msk [tilespmem:v14+s10+$0x0], $0xffff  }
0x257: {  	v30 =	vld [tilespmem:$0x1FD80];
	[tilespmem:v10+s13+$0x0] =	vst.idx.msk $0xffff, v31;
	v21 =	vor.u32 v51, v0  }
0x258: {  	v9 =	vld.idx.msk [tilespmem:v9+s10+$0x0], $0xffff;
	v12 =	vor.u32 v45, v3;
	[tilespmem:v28+s13+$0x0] =	vst.idx.msk $0xffff, v11  }
0x259: {  	v50 =	vld [tilespmem:$0x1FEB0]  }
0x25a: {  	v26 =	vld [tilespmem:$0x1FC60];
	[tilespmem:v17+s13+$0x0] =	vst.idx.msk $0xffff, v16  }
0x25b: {  	v19 =	vor.u32 s23, v46;
	v40 =	vld [tilespmem:$0x1FD20]  }
0x25c: {  	v11 =	vld.idx.msk [tilespmem:v21+s10+$0x0], $0xffff  }
0x25d: {  	v10 =	vor.u32 s24, v46;
	v12 =	vld.idx.msk [tilespmem:v12+s10+$0x0], $0xffff  }
0x25e: {  	v43 =	vld [tilespmem:$0x1FDF0];
	[tilespmem:v18+s13+$0x0] =	vst.idx.msk $0xffff, v20  }
0x25f: {  	v41 =	vld [tilespmem:$0x1FD60];
	v24 =	vor.u32 s19, v26  }
0x260: {  	[tilespmem:v19+s13+$0x0] =	vst.idx.msk $0xffff, v23;
	v15 =	vld.idx.msk [tilespmem:v15+s10+$0x0], $0xffff;
	v16 =	vor.u32 s22, v40  }
0x261: {  	v29 =	vld [tilespmem:$0x1FC40]  }
0x262: {  	v23 =	vld [tilespmem:$0x1FE00];
	[tilespmem:v10+s13+$0x0] =	vst.idx.msk $0xffff, v9  }
0x263: {  	v28 =	vld [tilespmem:$0x1FD50]  }
0x264: {  	v27 =	vld [tilespmem:$0x1FD30];
	[tilespmem:v24+s13+$0x0] =	vst.idx.msk $0xffff, v11  }
0x265: {  	v22 =	vor.u32 v30, v2;
	v57 =	vld [tilespmem:$0x1FE80];
	[tilespmem:v16+s13+$0x0] =	vst.idx.msk $0xffff, v12  }
0x266: {  	v21 =	vor.u32 v50, v5;
	v31 =	vld [tilespmem:$0x1FE10]  }
0x267: {  	v17 =	vor.u32 v43, v0;
	v24 =	vld [tilespmem:$0x1FC70];
	[tilespmem:v13+s13+$0x0] =	vst.idx.msk $0xffff, v14  }
0x268: {  	v18 =	vor.u32 v41, v3;
	v19 =	vor.u32 s20, v29;
	v32 =	vld [tilespmem:$0x1FF40];
	_ =	sdelay $0x1  }
0x269: {  	v22 =	vld.idx.msk [tilespmem:v22+s10+$0x0], $0xffff;
	v9 =	vor.u32 s21, v28  }
0x26a: {  	v10 =	vld.idx.msk [tilespmem:v21+s10+$0x0], $0xffff;
	v11 =	vor.u32 s24, v57  }
0x26b: {  	v12 =	vld.idx.msk [tilespmem:v17+s10+$0x0], $0xffff;
	v17 =	vor.u32 s19, v24  }
0x26c: {  	v13 =	vld.idx.msk [tilespmem:v18+s10+$0x0], $0xffff;
	[tilespmem:v19+s13+$0x0] =	vst.idx.msk $0xffff, v15;
	v15 =	vor.u32 v50, v6;
	v14 =	vor.u32 s22, v32;
	_ =	sdelay $0x1  }
0x26d: {  	[tilespmem:v9+s13+$0x0] =	vst.idx.msk $0xffff, v22  }
0x26e: {  	[tilespmem:v11+s13+$0x0] =	vst.idx.msk $0xffff, v10  }
0x26f: {  	[tilespmem:v17+s13+$0x0] =	vst.idx.msk $0xffff, v12  }
0x270: {  	v11 =	vld.idx.msk [tilespmem:v15+s10+$0x0], $0xffff;
	[tilespmem:v14+s13+$0x0] =	vst.idx.msk $0xffff, v13  }
0x271: {  	v16 =	vor.u32 v31, v5;
	v12 =	vor.u32 s23, v57;
	v48 =	vld [tilespmem:$0x1FE20];
	_ =	sdelay $0x4  }
0x272: {  	v10 =	vld.idx.msk [tilespmem:v16+s10+$0x0], $0xffff;
	v13 =	vor.u32 v31, v6;
	[tilespmem:v12+s13+$0x0] =	vst.idx.msk $0xffff, v11;
	v14 =	vor.u32 s24, v48  }
0x273: {  	v47 =	vld [tilespmem:$0x1FE30];
	_ =	sdelay $0x3  }
0x274: {  	v12 =	vld.idx.msk [tilespmem:v13+s10+$0x0], $0xffff;
	[tilespmem:v14+s13+$0x0] =	vst.idx.msk $0xffff, v10  }
0x275: {  	v13 =	vor.u32 s23, v48;
	v11 =	vor.u32 v47, v5;
	v34 =	vld [tilespmem:$0x1FE90];
	_ =	sdelay $0x4  }
0x276: {  	v15 =	vor.u32 v47, v6;
	[tilespmem:v13+s13+$0x0] =	vst.idx.msk $0xffff, v12;
	v10 =	vld.idx.msk [tilespmem:v11+s10+$0x0], $0xffff;
	v11 =	vor.u32 s24, v34  }
0x277: {  	v16 =	vld [tilespmem:$0x1FD90];
	_ =	sdelay $0x3  }
0x278: {  	v13 =	vld.idx.msk [tilespmem:v15+s10+$0x0], $0xffff;
	[tilespmem:v11+s13+$0x0] =	vst.idx.msk $0xffff, v10  }
0x279: {  	v14 =	vor.u32 s23, v34;
	v12 =	vor.u32 v16, v5;
	v17 =	vld [tilespmem:$0x1FDA0];
	_ =	sdelay $0x4  }
0x27a: {  	v15 =	vor.u32 v16, v6;
	v10 =	vld.idx.msk [tilespmem:v12+s10+$0x0], $0xffff;
	[tilespmem:v14+s13+$0x0] =	vst.idx.msk $0xffff, v13;
	v11 =	vor.u32 s24, v17  }
0x27b: {  	v16 =	vld [tilespmem:$0x1FDB0];
	_ =	sdelay $0x3  }
0x27c: {  	v13 =	vld.idx.msk [tilespmem:v15+s10+$0x0], $0xffff;
	[tilespmem:v11+s13+$0x0] =	vst.idx.msk $0xffff, v10  }
0x27d: {  	v12 =	vor.u32 v16, v5;
	v15 =	vor.u32 v16, v6;
	v16 =	vld [tilespmem:$0x1FDC0];
	_ =	sdelay $0x1  }
0x27e: {  	v14 =	vor.u32 s23, v17;
	_ =	sdelay $0x2  }
0x27f: {  	v10 =	vld.idx.msk [tilespmem:v12+s10+$0x0], $0xffff;
	v11 =	vor.u32 s24, v16  }
0x280: {  	v12 =	vor.u32 v30, v5  }
0x281: {  	[tilespmem:v14+s13+$0x0] =	vst.idx.msk $0xffff, v13  }
0x282: {  	v13 =	vld.idx.msk [tilespmem:v15+s10+$0x0], $0xffff;
	v14 =	vor.u32 s23, v16  }
0x283: {  	v15 =	vor.u32 v30, v6  }
0x284: {  	v21 =	vor.u32 v27, v2;
	[tilespmem:v11+s13+$0x0] =	vst.idx.msk $0xffff, v10  }
0x285: {  	v11 =	vor.u32 s24, v28;
	v10 =	vld.idx.msk [tilespmem:v12+s10+$0x0], $0xffff;
	_ =	sdelay $0x1  }
0x286: {  	[tilespmem:v14+s13+$0x0] =	vst.idx.msk $0xffff, v13  }
0x287: {  	v14 =	vor.u32 s23, v28;
	v12 =	vor.u32 v27, v5;
	v13 =	vld.idx.msk [tilespmem:v15+s10+$0x0], $0xffff  }
0x288: {  	v18 =	vld.idx.msk [tilespmem:v21+s10+$0x0], $0xffff;
	v16 =	vor.u32 s21, v49;
	v15 =	vor.u32 v27, v6  }
0x289: {  	[tilespmem:v11+s13+$0x0] =	vst.idx.msk $0xffff, v10;
	v10 =	vor.u32 v45, v2;
	_ =	sdelay $0x2  }
0x28a: {  	[tilespmem:v14+s13+$0x0] =	vst.idx.msk $0xffff, v13;
	v11 =	vld.idx.msk [tilespmem:v12+s10+$0x0], $0xffff;
	v12 =	vor.u32 s24, v49  }
0x28b: {  	[tilespmem:v16+s13+$0x0] =	vst.idx.msk $0xffff, v18;
	v13 =	vor.u32 v45, v5;
	v14 =	vld.idx.msk [tilespmem:v15+s10+$0x0], $0xffff;
	v15 =	vor.u32 s23, v49  }
0x28c: {  	v17 =	vor.u32 v45, v6;
	v16 =	vor.u32 s21, v40;
	v10 =	vld.idx.msk [tilespmem:v10+s10+$0x0], $0xffff;
	_ =	sdelay $0x2  }
0x28d: {  	[tilespmem:v12+s13+$0x0] =	vst.idx.msk $0xffff, v11  }
0x28e: {  	v11 =	vor.u32 v41, v2;
	[tilespmem:v15+s13+$0x0] =	vst.idx.msk $0xffff, v14;
	v12 =	vld.idx.msk [tilespmem:v13+s10+$0x0], $0xffff;
	v13 =	vor.u32 s24, v40  }
0x28f: {  	v15 =	vld.idx.msk [tilespmem:v17+s10+$0x0], $0xffff;
	v17 =	vor.u32 s23, v40;
	[tilespmem:v16+s13+$0x0] =	vst.idx.msk $0xffff, v10  }
0x290: {  	v19 =	vld [tilespmem:$0x1FD40]  }
0x291: {  	v20 =	vor.u32 v23, v1  }
0x292: {  	v14 =	vor.u32 v41, v5  }
0x293: {  	v18 =	vor.u32 v41, v6;
	v16 =	vor.u32 s21, v32;
	v11 =	vld.idx.msk [tilespmem:v11+s10+$0x0], $0xffff;
	[tilespmem:v13+s13+$0x0] =	vst.idx.msk $0xffff, v12  }
0x294: {  	[tilespmem:v17+s13+$0x0] =	vst.idx.msk $0xffff, v15  }
0x295: {  	v21 =	vld [tilespmem:$0x1FF70];
	v10 =	vor.u32 v19, v3  }
0x296: {  	v9 =	vld.idx.msk [tilespmem:v20+s10+$0x0], $0xffff  }
0x297: {  	v13 =	vld.idx.msk [tilespmem:v14+s10+$0x0], $0xffff  }
0x298: {  	v14 =	vor.u32 s24, v32;
	v17 =	vld.idx.msk [tilespmem:v18+s10+$0x0], $0xffff;
	[tilespmem:v16+s13+$0x0] =	vst.idx.msk $0xffff, v11  }
0x299: {  	v18 =	vor.u32 s23, v32;
	v22 =	vld [tilespmem:$0x1FCE0]  }
0x29a: {  	v12 =	vor.u32 v19, v2;
	v20 =	vor.u32 s22, v21;
	v10 =	vld.idx.msk [tilespmem:v10+s10+$0x0], $0xffff;
	_ =	sdelay $0x2  }
0x29b: {  	v15 =	vor.u32 v19, v5;
	[tilespmem:v14+s13+$0x0] =	vst.idx.msk $0xffff, v13  }
0x29c: {  	v19 =	vor.u32 v19, v6;
	[tilespmem:v18+s13+$0x0] =	vst.idx.msk $0xffff, v17  }
0x29d: {  	v16 =	vor.u32 s21, v21;
	v12 =	vld.idx.msk [tilespmem:v12+s10+$0x0], $0xffff;
	v11 =	vor.u32 v22, v3;
	[tilespmem:v20+s13+$0x0] =	vst.idx.msk $0xffff, v10  }
0x29e: {  	v20 =	vld [tilespmem:$0x1FF50];
	_ =	sdelay $0x1  }
0x29f: {  	v14 =	vld.idx.msk [tilespmem:v15+s10+$0x0], $0xffff  }
0x2a0: {  	v15 =	vor.u32 s24, v21;
	v18 =	vld.idx.msk [tilespmem:v19+s10+$0x0], $0xffff  }
0x2a1: {  	v19 =	vor.u32 s23, v21;
	v10 =	vld.idx.msk [tilespmem:v11+s10+$0x0], $0xffff;
	[tilespmem:v16+s13+$0x0] =	vst.idx.msk $0xffff, v12  }
0x2a2: {  	v13 =	vor.u32 v22, v2;
	v27 =	vld [tilespmem:$0x1FDD0];
	v11 =	vor.u32 s22, v20;
	_ =	sdelay $0x2  }
0x2a3: {  	v17 =	vor.u32 v22, v5;
	[tilespmem:v15+s13+$0x0] =	vst.idx.msk $0xffff, v14  }
0x2a4: {  	v21 =	vor.u32 v22, v6;
	[tilespmem:v19+s13+$0x0] =	vst.idx.msk $0xffff, v18  }
0x2a5: {  	v13 =	vld.idx.msk [tilespmem:v13+s10+$0x0], $0xffff;
	v16 =	vor.u32 s21, v20;
	v12 =	vor.u32 v27, v3;
	[tilespmem:v11+s13+$0x0] =	vst.idx.msk $0xffff, v10  }
0x2a6: {  	v22 =	vld [tilespmem:$0x1FF60];
	_ =	sdelay $0x1  }
0x2a7: {  	v15 =	vld.idx.msk [tilespmem:v17+s10+$0x0], $0xffff  }
0x2a8: {  	v19 =	vld.idx.msk [tilespmem:v21+s10+$0x0], $0xffff;
	v17 =	vor.u32 s24, v20;
	v14 =	vor.u32 v27, v2  }
0x2a9: {  	v20 =	vor.u32 s23, v20;
	v18 =	vor.u32 v27, v5;
	v10 =	vld.idx.msk [tilespmem:v12+s10+$0x0], $0xffff;
	[tilespmem:v16+s13+$0x0] =	vst.idx.msk $0xffff, v13  }
0x2aa: {  	v21 =	vor.u32 v27, v6;
	v27 =	vld [tilespmem:$0x1FE70];
	v11 =	vor.u32 s22, v22;
	_ =	sdelay $0x2  }
0x2ab: {  	v13 =	vld.idx.msk [tilespmem:v14+s10+$0x0], $0xffff;
	[tilespmem:v17+s13+$0x0] =	vst.idx.msk $0xffff, v15  }
0x2ac: {  	[tilespmem:v20+s13+$0x0] =	vst.idx.msk $0xffff, v19;
	v16 =	vld.idx.msk [tilespmem:v18+s10+$0x0], $0xffff  }
0x2ad: {  	v19 =	vld.idx.msk [tilespmem:v21+s10+$0x0], $0xffff;
	v14 =	vor.u32 s21, v22;
	v12 =	vor.u32 v27, v3;
	[tilespmem:v11+s13+$0x0] =	vst.idx.msk $0xffff, v10  }
0x2ae: {  	v15 =	vor.u32 v27, v2;
	v18 =	vor.u32 v27, v5;
	v21 =	vor.u32 v27, v6;
	v27 =	vld [tilespmem:$0x1FF30];
	_ =	sdelay $0x2  }
0x2af: {  	v17 =	vor.u32 s24, v22  }
0x2b0: {  	v20 =	vor.u32 s23, v22;
	v10 =	vld.idx.msk [tilespmem:v12+s10+$0x0], $0xffff;
	[tilespmem:v14+s13+$0x0] =	vst.idx.msk $0xffff, v13  }
0x2b1: {  	v22 =	vld [tilespmem:$0x1FD70];
	v11 =	vor.u32 s22, v27  }
0x2b2: {  	v13 =	vld.idx.msk [tilespmem:v15+s10+$0x0], $0xffff;
	v14 =	vor.u32 s21, v27;
	_ =	sdelay $0x1  }
0x2b3: {  	[tilespmem:v17+s13+$0x0] =	vst.idx.msk $0xffff, v16  }
0x2b4: {  	[tilespmem:v20+s13+$0x0] =	vst.idx.msk $0xffff, v19;
	v16 =	vld.idx.msk [tilespmem:v18+s10+$0x0], $0xffff  }
0x2b5: {  	v19 =	vld.idx.msk [tilespmem:v21+s10+$0x0], $0xffff;
	[tilespmem:v11+s13+$0x0] =	vst.idx.msk $0xffff, v10  }
0x2b6: {  	v17 =	vor.u32 s24, v27;
	v20 =	vor.u32 s23, v27;
	v12 =	vor.u32 v22, v3;
	v27 =	vld [tilespmem:$0x1FF10];
	[tilespmem:v14+s13+$0x0] =	vst.idx.msk $0xffff, v13  }
0x2b7: {  	v15 =	vor.u32 v22, v2;
	v18 =	vor.u32 v22, v5;
	v21 =	vor.u32 v22, v6;
	v22 =	vld [tilespmem:$0x1FCD0];
	_ =	sdelay $0x3  }
0x2b8: {  	v10 =	vld.idx.msk [tilespmem:v12+s10+$0x0], $0xffff;
	v11 =	vor.u32 s22, v27  }
0x2b9: {  	v14 =	vld.idx.msk [tilespmem:v15+s10+$0x0], $0xffff;
	[tilespmem:v17+s13+$0x0] =	vst.idx.msk $0xffff, v16;
	v13 =	vor.u32 s21, v27;
	v12 =	vor.u32 v22, v3  }
0x2ba: {  	[tilespmem:v20+s13+$0x0] =	vst.idx.msk $0xffff, v19;
	v16 =	vld.idx.msk [tilespmem:v18+s10+$0x0], $0xffff;
	v17 =	vor.u32 s24, v27;
	v15 =	vor.u32 v22, v2  }
0x2bb: {  	v20 =	vld.idx.msk [tilespmem:v21+s10+$0x0], $0xffff;
	v19 =	vor.u32 s23, v27;
	v18 =	vor.u32 v22, v5  }
0x2bc: {  	v21 =	vor.u32 v22, v6  }
0x2bd: {  	[tilespmem:v11+s13+$0x0] =	vst.idx.msk $0xffff, v10  }
0x2be: {  	[tilespmem:v13+s13+$0x0] =	vst.idx.msk $0xffff, v14;
	v10 =	vld.idx.msk [tilespmem:v12+s10+$0x0], $0xffff  }
0x2bf: {  	[tilespmem:v17+s13+$0x0] =	vst.idx.msk $0xffff, v16;
	v13 =	vld.idx.msk [tilespmem:v15+s10+$0x0], $0xffff  }
0x2c0: {  	[tilespmem:v19+s13+$0x0] =	vst.idx.msk $0xffff, v20;
	v16 =	vld.idx.msk [tilespmem:v18+s10+$0x0], $0xffff  }
0x2c1: {  	v12 =	vor.u32 v23, v3;
	v19 =	vld.idx.msk [tilespmem:v21+s10+$0x0], $0xffff  }
0x2c2: {  	v15 =	vor.u32 v23, v2;
	v18 =	vor.u32 v23, v5;
	v21 =	vor.u32 v23, v6;
	v23 =	vld [tilespmem:$0x1FC50]  }
0x2c3: {  	v11 =	vor.u32 s22, v29  }
0x2c4: {  	v14 =	vor.u32 s21, v29  }
0x2c5: {  	v17 =	vor.u32 s24, v29  }
0x2c6: {  	v20 =	vor.u32 s23, v29  }
0x2c7: {  	v22 =	vor.u32 s20, v23  }
0x2c8: {  	[tilespmem:v11+s13+$0x0] =	vst.idx.msk $0xffff, v10;
	v10 =	vor.u32 v51, v1  }
0x2c9: {  	[tilespmem:v14+s13+$0x0] =	vst.idx.msk $0xffff, v13;
	v11 =	vld.idx.msk [tilespmem:v12+s10+$0x0], $0xffff  }
0x2ca: {  	v14 =	vor.u32 s21, v23;
	[tilespmem:v17+s13+$0x0] =	vst.idx.msk $0xffff, v16;
	v12 =	vor.u32 v51, v3;
	v13 =	vld.idx.msk [tilespmem:v15+s10+$0x0], $0xffff  }
0x2cb: {  	[tilespmem:v20+s13+$0x0] =	vst.idx.msk $0xffff, v19;
	v15 =	vor.u32 v51, v2;
	v16 =	vld.idx.msk [tilespmem:v18+s10+$0x0], $0xffff  }
0x2cc: {  	v17 =	vor.u32 v51, v5;
	v19 =	vor.u32 s23, v23;
	v18 =	vld.idx.msk [tilespmem:v21+s10+$0x0], $0xffff;
	[tilespmem:v22+s13+$0x0] =	vst.idx.msk $0xffff, v9  }
0x2cd: {  	v20 =	vor.u32 s20, v26;
	v9 =	vor.u32 v51, v6;
	v10 =	vld.idx.msk [tilespmem:v10+s10+$0x0], $0xffff  }
0x2ce: {  	[tilespmem:v7+s13+$0x0] =	vst.idx.msk $0xffff, v11  }
0x2cf: {  	[tilespmem:v14+s13+$0x0] =	vst.idx.msk $0xffff, v13;
	v11 =	vld.idx.msk [tilespmem:v12+s10+$0x0], $0xffff;
	v12 =	vor.u32 s22, v26  }
0x2d0: {  	v7 =	vor.u32 v43, v1;
	[tilespmem:v8+s13+$0x0] =	vst.idx.msk $0xffff, v16;
	v14 =	vld.idx.msk [tilespmem:v15+s10+$0x0], $0xffff;
	v15 =	vor.u32 s21, v26  }
0x2d1: {  	v13 =	vor.u32 v43, v3;
	[tilespmem:v19+s13+$0x0] =	vst.idx.msk $0xffff, v18;
	v16 =	vld.idx.msk [tilespmem:v17+s10+$0x0], $0xffff;
	v17 =	vor.u32 s24, v26  }
0x2d2: {  	v18 =	vor.u32 v43, v5;
	v19 =	vor.u32 s23, v26;
	v9 =	vld.idx.msk [tilespmem:v9+s10+$0x0], $0xffff;
	[tilespmem:v20+s13+$0x0] =	vst.idx.msk $0xffff, v10  }
0x2d3: {  	v23 =	vld [tilespmem:$0x1FD10]  }
0x2d4: {  	[tilespmem:v12+s13+$0x0] =	vst.idx.msk $0xffff, v11  }
0x2d5: {  	v8 =	vor.u32 v43, v2;
	v7 =	vld.idx.msk [tilespmem:v7+s10+$0x0], $0xffff;
	[tilespmem:v15+s13+$0x0] =	vst.idx.msk $0xffff, v14  }
0x2d6: {  	v21 =	vor.u32 s20, v24;
	[tilespmem:v17+s13+$0x0] =	vst.idx.msk $0xffff, v16;
	v12 =	vld.idx.msk [tilespmem:v13+s10+$0x0], $0xffff  }
0x2d7: {  	v10 =	vor.u32 v43, v6;
	v15 =	vor.u32 s21, v24;
	v13 =	vor.u32 s22, v24;
	v17 =	vld.idx.msk [tilespmem:v18+s10+$0x0], $0xffff;
	[tilespmem:v19+s13+$0x0] =	vst.idx.msk $0xffff, v9  }
0x2d8: {  	v18 =	vor.u32 s24, v24;
	v19 =	vor.u32 s23, v24;
	v24 =	vld [tilespmem:$0x1FC80];
	v20 =	vor.u32 v23, v0;
	_ =	sdelay $0x1  }
0x2d9: {  	v8 =	vld.idx.msk [tilespmem:v8+s10+$0x0], $0xffff;
	_ =	sdelay $0x1  }
0x2da: {  	v10 =	vld.idx.msk [tilespmem:v10+s10+$0x0], $0xffff;
	v11 =	vor.u32 v23, v1  }
0x2db: {  	v14 =	vor.u32 v23, v3;
	[tilespmem:v21+s13+$0x0] =	vst.idx.msk $0xffff, v7;
	v22 =	vor.u32 s19, v24;
	v20 =	vld.idx.msk [tilespmem:v20+s10+$0x0], $0xffff  }
0x2dc: {  	[tilespmem:v13+s13+$0x0] =	vst.idx.msk $0xffff, v12  }
0x2dd: {  	[tilespmem:v15+s13+$0x0] =	vst.idx.msk $0xffff, v8  }
0x2de: {  	v16 =	vor.u32 v23, v2;
	[tilespmem:v18+s13+$0x0] =	vst.idx.msk $0xffff, v17  }
0x2df: {  	v9 =	vor.u32 v23, v5;
	v7 =	vor.u32 v23, v6;
	[tilespmem:v19+s13+$0x0] =	vst.idx.msk $0xffff, v10;
	v11 =	vld.idx.msk [tilespmem:v11+s10+$0x0], $0xffff  }
0x2e0: {  	v21 =	vor.u32 v37, v0;
	v23 =	vor.u32 s20, v24;
	v15 =	vor.u32 s21, v24;
	v13 =	vld.idx.msk [tilespmem:v14+s10+$0x0], $0xffff;
	[tilespmem:v22+s13+$0x0] =	vst.idx.msk $0xffff, v20  }
0x2e1: {  	v18 =	vor.u32 s24, v24;
	v19 =	vor.u32 s23, v24;
	v14 =	vor.u32 s22, v24;
	v24 =	vld [tilespmem:$0x1FE50];
	_ =	sdelay $0x1  }
0x2e2: {  	v16 =	vld.idx.msk [tilespmem:v16+s10+$0x0], $0xffff  }
0x2e3: {  	v9 =	vld.idx.msk [tilespmem:v9+s10+$0x0], $0xffff  }
0x2e4: {  	v7 =	vld.idx.msk [tilespmem:v7+s10+$0x0], $0xffff  }
0x2e5: {  	v12 =	vor.u32 v37, v1;
	v20 =	vld.idx.msk [tilespmem:v21+s10+$0x0], $0xffff;
	[tilespmem:v23+s13+$0x0] =	vst.idx.msk $0xffff, v11;
	v21 =	vor.u32 s19, v24  }
0x2e6: {  	[tilespmem:v14+s13+$0x0] =	vst.idx.msk $0xffff, v13  }
0x2e7: {  	v8 =	vor.u32 v37, v3;
	[tilespmem:v15+s13+$0x0] =	vst.idx.msk $0xffff, v16  }
0x2e8: {  	v17 =	vor.u32 v37, v2;
	[tilespmem:v18+s13+$0x0] =	vst.idx.msk $0xffff, v9  }
0x2e9: {  	v10 =	vor.u32 v37, v5;
	v22 =	vor.u32 v35, v0;
	[tilespmem:v19+s13+$0x0] =	vst.idx.msk $0xffff, v7  }
0x2ea: {  	v11 =	vor.u32 v37, v6;
	v12 =	vld.idx.msk [tilespmem:v12+s10+$0x0], $0xffff;
	v23 =	vor.u32 s20, v24;
	v14 =	vor.u32 s22, v24;
	[tilespmem:v21+s13+$0x0] =	vst.idx.msk $0xffff, v20  }
0x2eb: {  	v16 =	vor.u32 s21, v24;
	v18 =	vor.u32 s24, v24;
	v19 =	vor.u32 s23, v24;
	v24 =	vld [tilespmem:$0x1FE40]  }
0x2ec: {  	v13 =	vor.u32 v35, v1;
	v8 =	vld.idx.msk [tilespmem:v8+s10+$0x0], $0xffff  }
0x2ed: {  	v17 =	vld.idx.msk [tilespmem:v17+s10+$0x0], $0xffff  }
0x2ee: {  	v10 =	vld.idx.msk [tilespmem:v10+s10+$0x0], $0xffff  }
0x2ef: {  	v11 =	vld.idx.msk [tilespmem:v11+s10+$0x0], $0xffff  }
0x2f0: {  	v15 =	vor.u32 v35, v3;
	v20 =	vld.idx.msk [tilespmem:v22+s10+$0x0], $0xffff;
	[tilespmem:v23+s13+$0x0] =	vst.idx.msk $0xffff, v12;
	v21 =	vor.u32 s19, v24  }
0x2f1: {  	[tilespmem:v14+s13+$0x0] =	vst.idx.msk $0xffff, v8;
	v13 =	vld.idx.msk [tilespmem:v13+s10+$0x0], $0xffff;
	v23 =	vor.u32 s20, v24  }
0x2f2: {  	[tilespmem:v16+s13+$0x0] =	vst.idx.msk $0xffff, v17  }
0x2f3: {  	v9 =	vor.u32 v35, v2;
	[tilespmem:v18+s13+$0x0] =	vst.idx.msk $0xffff, v10  }
0x2f4: {  	v7 =	vor.u32 v35, v5;
	v12 =	vor.u32 v35, v6;
	[tilespmem:v19+s13+$0x0] =	vst.idx.msk $0xffff, v11  }
0x2f5: {  	v22 =	vor.u32 v36, v0;
	v14 =	vld.idx.msk [tilespmem:v15+s10+$0x0], $0xffff;
	v15 =	vor.u32 s22, v24;
	[tilespmem:v21+s13+$0x0] =	vst.idx.msk $0xffff, v20  }
0x2f6: {  	v17 =	vor.u32 s21, v24;
	v18 =	vor.u32 s24, v24;
	v19 =	vor.u32 s23, v24;
	v24 =	vld [tilespmem:$0x1FE60];
	[tilespmem:v23+s13+$0x0] =	vst.idx.msk $0xffff, v13  }
0x2f7: {  	v8 =	vor.u32 v36, v1;
	v23 =	vld [tilespmem:$0x1FC30]  }
0x2f8: {  	v16 =	vor.u32 v36, v3;
	v9 =	vld.idx.msk [tilespmem:v9+s10+$0x0], $0xffff  }
0x2f9: {  	v10 =	vor.u32 v36, v2;
	v7 =	vld.idx.msk [tilespmem:v7+s10+$0x0], $0xffff  }
0x2fa: {  	v11 =	vor.u32 v36, v5;
	v12 =	vld.idx.msk [tilespmem:v12+s10+$0x0], $0xffff  }
0x2fb: {  	v20 =	vld.idx.msk [tilespmem:v22+s10+$0x0], $0xffff;
	v13 =	vor.u32 v36, v6;
	v21 =	vor.u32 s19, v24  }
0x2fc: {  	v8 =	vld.idx.msk [tilespmem:v8+s10+$0x0], $0xffff;
	[tilespmem:v15+s13+$0x0] =	vst.idx.msk $0xffff, v14;
	v22 =	vor.u32 s20, v24;
	v0 =	vor.u32 v23, v0  }
0x2fd: {  	[tilespmem:v17+s13+$0x0] =	vst.idx.msk $0xffff, v9;
	v14 =	vld.idx.msk [tilespmem:v16+s10+$0x0], $0xffff;
	v15 =	vor.u32 s22, v24;
	v1 =	vor.u32 v23, v1  }
0x2fe: {  	[tilespmem:v18+s13+$0x0] =	vst.idx.msk $0xffff, v7;
	v10 =	vld.idx.msk [tilespmem:v10+s10+$0x0], $0xffff;
	v9 =	vor.u32 s21, v24;
	v3 =	vor.u32 v23, v3  }
0x2ff: {  	[tilespmem:v19+s13+$0x0] =	vst.idx.msk $0xffff, v12;
	v7 =	vld.idx.msk [tilespmem:v11+s10+$0x0], $0xffff;
	v11 =	vor.u32 s24, v24;
	v2 =	vor.u32 v23, v2  }
0x300: {  	v12 =	vor.u32 s23, v24;
	v13 =	vld.idx.msk [tilespmem:v13+s10+$0x0], $0xffff;
	v5 =	vor.u32 v23, v5;
	[tilespmem:v21+s13+$0x0] =	vst.idx.msk $0xffff, v20  }
0x301: {  	v16 =	vor.u32 s19, v33;
	v6 =	vor.u32 v23, v6;
	[tilespmem:v22+s13+$0x0] =	vst.idx.msk $0xffff, v8;
	v0 =	vld.idx.msk [tilespmem:v0+s10+$0x0], $0xffff  }
0x302: {  	v8 =	vor.u32 s20, v33;
	[tilespmem:v15+s13+$0x0] =	vst.idx.msk $0xffff, v14;
	v1 =	vld.idx.msk [tilespmem:v1+s10+$0x0], $0xffff  }
0x303: {  	v14 =	vor.u32 s22, v33;
	[tilespmem:v9+s13+$0x0] =	vst.idx.msk $0xffff, v10;
	v3 =	vld.idx.msk [tilespmem:v3+s10+$0x0], $0xffff  }
0x304: {  	v9 =	vor.u32 s21, v33;
	[tilespmem:v11+s13+$0x0] =	vst.idx.msk $0xffff, v7;
	v2 =	vld.idx.msk [tilespmem:v2+s10+$0x0], $0xffff  }
0x305: {  	v7 =	vor.u32 s24, v33;
	[tilespmem:v12+s13+$0x0] =	vst.idx.msk $0xffff, v13;
	v5 =	vld.idx.msk [tilespmem:v5+s10+$0x0], $0xffff  }
0x306: {  	v6 =	vld.idx.msk [tilespmem:v6+s10+$0x0], $0xffff;
	[tilespmem:v16+s13+$0x0] =	vst.idx.msk $0xffff, v0;
	v0 =	vor.u32 s23, v33  }
0x307: {  	[tilespmem:v8+s13+$0x0] =	vst.idx.msk $0xffff, v1  }
0x308: {  	[tilespmem:v14+s13+$0x0] =	vst.idx.msk $0xffff, v3  }
0x309: {  	[tilespmem:v9+s13+$0x0] =	vst.idx.msk $0xffff, v2  }
0x30a: {  	[tilespmem:v7+s13+$0x0] =	vst.idx.msk $0xffff, v5  }
0x30b: {  	s0 =	sshll.u32 s18, $0x11;
	s1 =	rddreg [dreg:$0x5];
	[tilespmem:v0+s13+$0x0] =	vst.idx.msk $0xffff, v6  }
0x30c: {  	s25 =	simm.s32 $0xE800;
	s19 =	sor.u32 s1, s0;
	s23 =	rddreg [dreg:$0x3]  }
0x30d: {  	s21 =	simm.s32 $0x0;
	s24 =	rddreg [dreg:$0x6];
	s0 =	sadd.s32 s23, s19  }
0x30e: {  	[hbm4b:s0+s21] =	stream.linear.scatter [tilespmem:s13], [sflag:$0x3], $0x400, $0x38;
	[tilespmem:$0x16400] =	vst v63  }
0x30f: {  	s31 =	simm.s32 $0xEC00;
	s26 =	rddreg [dreg:$0x7];
	s0 =	sadd.s32 s19, s24  }
0x310: {  	[hbm4b:s0+s21] =	stream.linear.scatter [tilespmem:s25], [sflag:$0x3], $0x400, $0x38;
	[tilespmem:$0x16400] =	vst v63  }
0x311: {  	s20 =	simm.s32 $0xF000;
	s1 =	rddreg [dreg:$0x8];
	s0 =	sadd.s32 s19, s26  }
0x312: {  	[hbm4b:s0+s21] =	stream.linear.scatter [tilespmem:s31], [sflag:$0x3], $0x400, $0x38;
	[tilespmem:$0x16400] =	vst v63  }
0x313: {  	s22 =	rddreg [dreg:$0x9];
	s23 =	simm.s32 $0xF400;
	s0 =	sadd.s32 s19, s1  }
0x314: {  	[hbm4b:s0+s21] =	stream.linear.scatter [tilespmem:s20], [sflag:$0x3], $0x400, $0x38;
	[tilespmem:$0x16400] =	vst v63  }
0x315: {  	s24 =	rddreg [dreg:$0xa];
	s25 =	simm.s32 $0xF800;
	s0 =	sadd.s32 s19, s22  }
0x316: {  	[hbm4b:s0+s21] =	stream.linear.scatter [tilespmem:s23], [sflag:$0x3], $0x400, $0x38;
	[tilespmem:$0x16400] =	vst v63  }
0x317: {  	s26 =	rddreg [dreg:$0xb];
	s31 =	simm.s32 $0xFC00;
	s0 =	sadd.s32 s19, s24  }
0x318: {  	[hbm4b:s0+s21] =	stream.linear.scatter [tilespmem:s25], [sflag:$0x3], $0x400, $0x38;
	[tilespmem:$0x16400] =	vst v63  }
0x319: {  	s1 =	rddreg [dreg:$0xc];
	s20 =	simm.s32 $0x10000;
	s0 =	sadd.s32 s19, s26  }
0x31a: {  	[hbm4b:s0+s21] =	stream.linear.scatter [tilespmem:s31], [sflag:$0x3], $0x400, $0x38;
	[tilespmem:$0x16400] =	vst v63  }
0x31b: {  	s22 =	rddreg [dreg:$0xd];
	s23 =	simm.s32 $0x10400;
	s0 =	sadd.s32 s19, s1  }
0x31c: {  	[hbm4b:s0+s21] =	stream.linear.scatter [tilespmem:s20], [sflag:$0x3], $0x400, $0x38;
	[tilespmem:$0x16400] =	vst v63  }
0x31d: {  	s24 =	rddreg [dreg:$0xe];
	s25 =	simm.s32 $0x10800;
	s0 =	sadd.s32 s19, s22  }
0x31e: {  	[hbm4b:s0+s21] =	stream.linear.scatter [tilespmem:s23], [sflag:$0x3], $0x400, $0x38;
	[tilespmem:$0x16400] =	vst v63  }
0x31f: {  	s26 =	rddreg [dreg:$0xf];
	s31 =	simm.s32 $0x10C00;
	s0 =	sadd.s32 s19, s24  }
0x320: {  	[hbm4b:s0+s21] =	stream.linear.scatter [tilespmem:s25], [sflag:$0x3], $0x400, $0x38;
	[tilespmem:$0x16400] =	vst v63  }
0x321: {  	s1 =	rddreg [dreg:$0x10];
	s20 =	simm.s32 $0x11000;
	s0 =	sadd.s32 s19, s26  }
0x322: {  	[hbm4b:s0+s21] =	stream.linear.scatter [tilespmem:s31], [sflag:$0x3], $0x400, $0x38;
	[tilespmem:$0x16400] =	vst v63  }
0x323: {  	s22 =	rddreg [dreg:$0x11];
	s23 =	simm.s32 $0x11400;
	s0 =	sadd.s32 s19, s1  }
0x324: {  	[hbm4b:s0+s21] =	stream.linear.scatter [tilespmem:s20], [sflag:$0x3], $0x400, $0x38;
	[tilespmem:$0x16400] =	vst v63  }
0x325: {  	s24 =	rddreg [dreg:$0x12];
	s25 =	simm.s32 $0x11800;
	s0 =	sadd.s32 s19, s22  }
0x326: {  	[hbm4b:s0+s21] =	stream.linear.scatter [tilespmem:s23], [sflag:$0x3], $0x400, $0x38;
	[tilespmem:$0x16400] =	vst v63  }
0x327: {  	s26 =	rddreg [dreg:$0x13];
	s31 =	simm.s32 $0x11C00;
	s0 =	sadd.s32 s19, s24  }
0x328: {  	[hbm4b:s0+s21] =	stream.linear.scatter [tilespmem:s25], [sflag:$0x3], $0x400, $0x38;
	[tilespmem:$0x16400] =	vst v63  }
0x329: {  	s1 =	rddreg [dreg:$0x14];
	s20 =	sshll.u32 s18, $0x1;
	s0 =	sadd.s32 s19, s26  }
0x32a: {  	[hbm4b:s0+s21] =	stream.linear.scatter [tilespmem:s31], [sflag:$0x3], $0x400, $0x38;
	[tilespmem:$0x16400] =	vst v63  }
0x32b: {  	s22 =	simm.s32 $0x12000;
	s23 =	sadd.s32 $0x2, s20;
	s0 =	sadd.s32 s19, s1  }
0x32c: {  	[hbm4b:s0+s21] =	stream.linear.scatter [tilespmem:s22], [sflag:$0x3], $0x400, $0x38;
	[tilespmem:$0x16400] =	vst v63  }
0x32d: {  	p0 =	seq.s32 s23, $0x32;
	s0 =	sshll.u32 s23, $0xB  }
0x32e: {  	s0 =	simm.s32 @p0 $0x0  }
0x32f: {  	s0 =	sshrl.u32 s0, $0x2  }
0x330: {  	[tilespmem:s10], [sflag:$0x1] =	stream.indirect.gather [hbm4b:s3+s9], $0x20, s0, s9, $0xb8;
	[tilespmem:$0x16400] =	vst v63  }
0x331: {  	s25 =	simm.s32 $0x7400;
	s24 =	sor.u32 $0x80, s0  }
0x332: {  	[tilespmem:s25], [sflag:$0x1] =	stream.indirect.gather [hbm4b:s3+s9], $0x20, s24, s9, $0xb8;
	[tilespmem:$0x16400] =	vst v63  }
0x333: {  	s31 =	simm.s32 $0x8400;
	s23 =	simm.s32 $0x10;
	s26 =	sor.u32 $0x100, s0  }
0x334: {  	[tilespmem:s31], [sflag:$0x1] =	stream.indirect.gather [hbm4b:s3+s9], $0x20, s26, s9, $0xb8;
	[tilespmem:$0x16400] =	vst v63  }
0x335: {  	v0 =	vmov s23;
	s0 =	sor.u32 $0x180, s0;
	s24 =	simm.s32 $0x9400  }
0x336: {  	v0 =	vshll.u32 v0, $0x5;
	[tilespmem:s24], [sflag:$0x1] =	stream.indirect.gather [hbm4b:s3+s9], $0x20, s0, s9, $0xb8;
	[tilespmem:$0x16400] =	vst v63  }
0x337: {  	v53 =	vor.u32 v42, v0;
	_ =	swait.ge [sflag:s14], $0x4000  }
0x338: {  	v0 =	vor.u32 v39, v53;
	v54 =	vld [tilespmem:$0x1FF20];
	_ =	sdelay $0x2  }
0x339: {  	s25 =	sand.u32 $0x3000, s21;
	s26 =	sand.u32 $0x70, s23;
	[sflag:s14] =	ssyncset.done $0x0  }
0x33a: {  	s28 =	sor.u32 s25, s26;
	[sflag:s14] =	ssyncadd.s32 $0xFFFFC000  }
0x33b: {  	v0 =	vld.idx.msk [tilespmem:v0+s11+$0x0], $0xffff;
	v1 =	vor.u32 s28, v54  }
0x33c: {  	v2 =	vor.u32 v58, v53;
	_ =	sdelay $0x3  }
0x33d: {  	[tilespmem:v1+s15+$0x0] =	vst.idx.msk $0xffff, v0  }
0x33e: {  	v1 =	vor.u32 s28, v59;
	v0 =	vld.idx.msk [tilespmem:v2+s11+$0x0], $0xffff  }
0x33f: {  	v3 =	vor.u32 v60, v53  }
0x340: {  	s31 =	simm.s32 $0x0  }
0x341: {  	v2 =	vmov s31  }
0x342: {  	v2 =	vshll.u32 v2, $0x5  }
0x343: {  	v49 =	vor.u32 v42, v2;
	[tilespmem:v1+s15+$0x0] =	vst.idx.msk $0xffff, v0  }
0x344: {  	v2 =	vor.u32 v39, v49;
	v1 =	vor.u32 s28, v61;
	v0 =	vld.idx.msk [tilespmem:v3+s11+$0x0], $0xffff  }
0x345: {  	v3 =	vor.u32 v62, v53;
	_ =	sdelay $0x1  }
0x346: {  	s21 =	sand.u32 $0x60, s31  }
0x347: {  	s29 =	sor.u32 s21, s25  }
0x348: {  	v5 =	vor.u32 s29, v54;
	v2 =	vld.idx.msk [tilespmem:v2+s11+$0x0], $0xffff;
	[tilespmem:v1+s15+$0x0] =	vst.idx.msk $0xffff, v0  }
0x349: {  	v1 =	vor.u32 s28, v63;
	v0 =	vld.idx.msk [tilespmem:v3+s11+$0x0], $0xffff;
	_ =	sdelay $0x3  }
0x34a: {  	[tilespmem:v5+s15+$0x0] =	vst.idx.msk $0xffff, v2  }
0x34b: {  	v6 =	vor.u32 v58, v49;
	[tilespmem:v1+s15+$0x0] =	vst.idx.msk $0xffff, v0  }
0x34c: {  	v3 =	vor.u32 v4, v53;
	v41 =	vld [tilespmem:$0x1FCA0];
	_ =	sdelay $0x3  }
0x34d: {  	v2 =	vor.u32 s29, v59;
	v5 =	vld.idx.msk [tilespmem:v6+s11+$0x0], $0xffff  }
0x34e: {  	v0 =	vld.idx.msk [tilespmem:v3+s11+$0x0], $0xffff;
	v1 =	vor.u32 s28, v41  }
0x34f: {  	v25 =	vmov v44;
	v44 =	vld [tilespmem:$0x1FEF0];
	_ =	sdelay $0x2  }
0x350: {  	[tilespmem:v2+s15+$0x0] =	vst.idx.msk $0xffff, v5  }
0x351: {  	v6 =	vor.u32 v60, v49;
	[tilespmem:v1+s15+$0x0] =	vst.idx.msk $0xffff, v0  }
0x352: {  	v3 =	vor.u32 v44, v53;
	v40 =	vld [tilespmem:$0x1FCB0];
	_ =	sdelay $0x3  }
0x353: {  	v5 =	vor.u32 s29, v61;
	v2 =	vld.idx.msk [tilespmem:v6+s11+$0x0], $0xffff  }
0x354: {  	v0 =	vld.idx.msk [tilespmem:v3+s11+$0x0], $0xffff;
	v1 =	vor.u32 s28, v40  }
0x355: {  	v52 =	vld [tilespmem:$0x1FCC0];
	_ =	sdelay $0x2  }
0x356: {  	[tilespmem:v5+s15+$0x0] =	vst.idx.msk $0xffff, v2  }
0x357: {  	v6 =	vor.u32 v62, v49;
	[tilespmem:v1+s15+$0x0] =	vst.idx.msk $0xffff, v0  }
0x358: {  	v3 =	vor.u32 v52, v53;
	v56 =	vld [tilespmem:$0x1FEE0];
	_ =	sdelay $0x3  }
0x359: {  	v5 =	vor.u32 s29, v63;
	v2 =	vld.idx.msk [tilespmem:v6+s11+$0x0], $0xffff  }
0x35a: {  	v0 =	vld.idx.msk [tilespmem:v3+s11+$0x0], $0xffff;
	v1 =	vor.u32 s28, v56  }
0x35b: {  	v51 =	vld [tilespmem:$0x1FF00];
	_ =	sdelay $0x1  }
0x35c: {  	v6 =	vor.u32 v4, v49  }
0x35d: {  	[tilespmem:v5+s15+$0x0] =	vst.idx.msk $0xffff, v2  }
0x35e: {  	[tilespmem:v1+s15+$0x0] =	vst.idx.msk $0xffff, v0  }
0x35f: {  	v3 =	vor.u32 v51, v53;
	v55 =	vld [tilespmem:$0x1FED0];
	_ =	sdelay $0x1  }
0x360: {  	v5 =	vor.u32 s29, v41;
	v2 =	vld.idx.msk [tilespmem:v6+s11+$0x0], $0xffff  }
0x361: {  	v6 =	vor.u32 v44, v49;
	_ =	sdelay $0x1  }
0x362: {  	v0 =	vld.idx.msk [tilespmem:v3+s11+$0x0], $0xffff;
	v1 =	vor.u32 s28, v55  }
0x363: {  	v3 =	vor.u32 v25, v53  }
0x364: {  	[tilespmem:v5+s15+$0x0] =	vst.idx.msk $0xffff, v2  }
0x365: {  	v5 =	vor.u32 s29, v40;
	v2 =	vld.idx.msk [tilespmem:v6+s11+$0x0], $0xffff  }
0x366: {  	s1 =	simm.s32 $0x30;
	v6 =	vor.u32 v52, v49  }
0x367: {  	v7 =	vmov s1;
	[tilespmem:v1+s15+$0x0] =	vst.idx.msk $0xffff, v0  }
0x368: {  	v0 =	vshll.u32 v7, $0x5;
	v1 =	vld.idx.msk [tilespmem:v3+s11+$0x0], $0xffff;
	v3 =	vor.u32 s28, v46  }
0x369: {  	v7 =	vor.u32 v50, v53;
	v0 =	vor.u32 v42, v0  }
0x36a: {  	[tilespmem:v5+s15+$0x0] =	vst.idx.msk $0xffff, v2;
	v2 =	vor.u32 v39, v0  }
0x36b: {  	v5 =	vld.idx.msk [tilespmem:v6+s11+$0x0], $0xffff;
	v6 =	vor.u32 s29, v56  }
0x36c: {  	s22 =	simm.s32 $0x400;
	v8 =	vor.u32 v51, v49  }
0x36d: {  	s23 =	simm.s32 $0x20;
	s24 =	sand.u32 $0x3000, s22;
	s0 =	sand.u32 $0x70, s1;
	[tilespmem:v3+s15+$0x0] =	vst.idx.msk $0xffff, v1  }
0x36e: {  	s21 =	sor.u32 s24, s0;
	v1 =	vmov s23;
	v3 =	vld.idx.msk [tilespmem:v7+s11+$0x0], $0xffff;
	v7 =	vor.u32 s28, v57  }
0x36f: {  	v10 =	vor.u32 v31, v53;
	v9 =	vor.u32 s21, v54;
	v1 =	vshll.u32 v1, $0x5;
	v2 =	vld.idx.msk [tilespmem:v2+s11+$0x0], $0xffff  }
0x370: {  	[tilespmem:v6+s15+$0x0] =	vst.idx.msk $0xffff, v5;
	v5 =	vor.u32 v58, v0;
	v1 =	vor.u32 v42, v1  }
0x371: {  	v6 =	vld.idx.msk [tilespmem:v8+s11+$0x0], $0xffff;
	v8 =	vor.u32 s29, v55;
	v11 =	vor.u32 v39, v1;
	_ =	sdelay $0x1  }
0x372: {  	[tilespmem:v7+s15+$0x0] =	vst.idx.msk $0xffff, v3  }
0x373: {  	s25 =	sand.u32 $0x60, s23;
	v12 =	vor.u32 v25, v49;
	[tilespmem:v9+s15+$0x0] =	vst.idx.msk $0xffff, v2;
	v3 =	vor.u32 s28, v48;
	v2 =	vld.idx.msk [tilespmem:v10+s11+$0x0], $0xffff  }
0x374: {  	s22 =	sor.u32 s25, s24;
	v7 =	vor.u32 s21, v59;
	v9 =	vor.u32 v47, v53;
	v5 =	vld.idx.msk [tilespmem:v5+s11+$0x0], $0xffff  }
0x375: {  	[tilespmem:v8+s15+$0x0] =	vst.idx.msk $0xffff, v6;
	v6 =	vor.u32 s22, v54;
	v10 =	vor.u32 v60, v0;
	v8 =	vld.idx.msk [tilespmem:v11+s11+$0x0], $0xffff;
	_ =	sdelay $0x2  }
0x376: {  	v12 =	vld.idx.msk [tilespmem:v12+s11+$0x0], $0xffff;
	v11 =	vor.u32 s29, v46;
	[tilespmem:v3+s15+$0x0] =	vst.idx.msk $0xffff, v2  }
0x377: {  	[tilespmem:v7+s15+$0x0] =	vst.idx.msk $0xffff, v5;
	v3 =	vor.u32 s28, v34;
	v2 =	vld.idx.msk [tilespmem:v9+s11+$0x0], $0xffff  }
0x378: {  	v13 =	vor.u32 v58, v1;
	[tilespmem:v6+s15+$0x0] =	vst.idx.msk $0xffff, v8;
	v5 =	vld.idx.msk [tilespmem:v10+s11+$0x0], $0xffff;
	v6 =	vor.u32 s21, v61  }
0x379: {  	v28 =	vld [tilespmem:$0x1FD90];
	_ =	sdelay $0x1  }
0x37a: {  	[tilespmem:v11+s15+$0x0] =	vst.idx.msk $0xffff, v12  }
0x37b: {  	v14 =	vor.u32 v50, v49;
	[tilespmem:v3+s15+$0x0] =	vst.idx.msk $0xffff, v2  }
0x37c: {  	v10 =	vor.u32 v62, v0;
	v9 =	vld.idx.msk [tilespmem:v13+s11+$0x0], $0xffff;
	[tilespmem:v6+s15+$0x0] =	vst.idx.msk $0xffff, v5  }
0x37d: {  	v8 =	vor.u32 s22, v59;
	v7 =	vor.u32 v28, v53;
	v16 =	vld [tilespmem:$0x1FDA0];
	_ =	sdelay $0x2  }
0x37e: {  	v13 =	vor.u32 s29, v57;
	v12 =	vld.idx.msk [tilespmem:v14+s11+$0x0], $0xffff  }
0x37f: {  	v6 =	vor.u32 s21, v63;
	v5 =	vld.idx.msk [tilespmem:v10+s11+$0x0], $0xffff  }
0x380: {  	[tilespmem:v8+s15+$0x0] =	vst.idx.msk $0xffff, v9;
	v2 =	vld.idx.msk [tilespmem:v7+s11+$0x0], $0xffff;
	v3 =	vor.u32 s28, v16  }
0x381: {  	v15 =	vld [tilespmem:$0x1FDB0];
	_ =	sdelay $0x1  }
0x382: {  	v11 =	vor.u32 v60, v1;
	[tilespmem:v13+s15+$0x0] =	vst.idx.msk $0xffff, v12  }
0x383: {  	v14 =	vor.u32 v31, v49;
	[tilespmem:v6+s15+$0x0] =	vst.idx.msk $0xffff, v5  }
0x384: {  	v10 =	vor.u32 v4, v0;
	[tilespmem:v3+s15+$0x0] =	vst.idx.msk $0xffff, v2  }
0x385: {  	v29 =	vmov v34;
	v7 =	vor.u32 v15, v53;
	v34 =	vld [tilespmem:$0x1FDC0];
	_ =	sdelay $0x1  }
0x386: {  	v9 =	vor.u32 s22, v61;
	v8 =	vld.idx.msk [tilespmem:v11+s11+$0x0], $0xffff  }
0x387: {  	v13 =	vor.u32 s29, v48;
	v12 =	vld.idx.msk [tilespmem:v14+s11+$0x0], $0xffff  }
0x388: {  	v6 =	vor.u32 s21, v41;
	v5 =	vld.idx.msk [tilespmem:v10+s11+$0x0], $0xffff  }
0x389: {  	v11 =	vor.u32 v62, v1;
	v2 =	vld.idx.msk [tilespmem:v7+s11+$0x0], $0xffff;
	v3 =	vor.u32 s28, v34;
	_ =	sdelay $0x1  }
0x38a: {  	[tilespmem:v9+s15+$0x0] =	vst.idx.msk $0xffff, v8  }
0x38b: {  	[tilespmem:v13+s15+$0x0] =	vst.idx.msk $0xffff, v12  }
0x38c: {  	v14 =	vor.u32 v47, v49;
	[tilespmem:v6+s15+$0x0] =	vst.idx.msk $0xffff, v5  }
0x38d: {  	v10 =	vor.u32 v44, v0;
	v8 =	vld.idx.msk [tilespmem:v11+s11+$0x0], $0xffff;
	[tilespmem:v3+s15+$0x0] =	vst.idx.msk $0xffff, v2  }
0x38e: {  	v7 =	vor.u32 v30, v53;
	v9 =	vor.u32 s22, v63;
	v18 =	vld [tilespmem:$0x1FD50];
	_ =	sdelay $0x2  }
0x38f: {  	v13 =	vor.u32 s29, v29;
	v12 =	vld.idx.msk [tilespmem:v14+s11+$0x0], $0xffff  }
0x390: {  	v6 =	vor.u32 s21, v40;
	v5 =	vld.idx.msk [tilespmem:v10+s11+$0x0], $0xffff  }
0x391: {  	v11 =	vor.u32 v4, v1;
	v2 =	vld.idx.msk [tilespmem:v7+s11+$0x0], $0xffff;
	[tilespmem:v9+s15+$0x0] =	vst.idx.msk $0xffff, v8;
	v3 =	vor.u32 s28, v18  }
0x392: {  	v19 =	vld [tilespmem:$0x1FD30];
	_ =	sdelay $0x1  }
0x393: {  	[tilespmem:v13+s15+$0x0] =	vst.idx.msk $0xffff, v12  }
0x394: {  	v14 =	vor.u32 v28, v49;
	[tilespmem:v6+s15+$0x0] =	vst.idx.msk $0xffff, v5  }
0x395: {  	v10 =	vor.u32 v52, v0;
	v9 =	vor.u32 s22, v41;
	v8 =	vld.idx.msk [tilespmem:v11+s11+$0x0], $0xffff;
	[tilespmem:v3+s15+$0x0] =	vst.idx.msk $0xffff, v2  }
0x396: {  	v7 =	vor.u32 v19, v53;
	v27 =	vld [tilespmem:$0x1FCF0]  }
0x397: {  	v11 =	vor.u32 v44, v1;
	_ =	sdelay $0x1  }
0x398: {  	v13 =	vor.u32 s29, v16;
	v12 =	vld.idx.msk [tilespmem:v14+s11+$0x0], $0xffff  }
0x399: {  	[tilespmem:v9+s15+$0x0] =	vst.idx.msk $0xffff, v8;
	v8 =	vld.idx.msk [tilespmem:v10+s11+$0x0], $0xffff;
	v9 =	vor.u32 s21, v56  }
0x39a: {  	v5 =	vld.idx.msk [tilespmem:v7+s11+$0x0], $0xffff;
	v6 =	vor.u32 s28, v27  }
0x39b: {  	v7 =	vor.u32 s22, v40;
	v11 =	vld.idx.msk [tilespmem:v11+s11+$0x0], $0xffff;
	_ =	sdelay $0x1  }
0x39c: {  	v14 =	vor.u32 v15, v49;
	[tilespmem:v13+s15+$0x0] =	vst.idx.msk $0xffff, v12  }
0x39d: {  	s26 =	simm.s32 $0x40;
	[tilespmem:v9+s15+$0x0] =	vst.idx.msk $0xffff, v8  }
0x39e: {  	v16 =	vor.u32 v51, v0;
	v2 =	vmov s26;
	[tilespmem:v6+s15+$0x0] =	vst.idx.msk $0xffff, v5  }
0x39f: {  	s31 =	simm.s32 $0x50;
	v10 =	vor.u32 v45, v53;
	v2 =	vshll.u32 v2, $0x5;
	v26 =	vld [tilespmem:$0x1FD20];
	[tilespmem:v7+s15+$0x0] =	vst.idx.msk $0xffff, v11  }
0x3a0: {  	v15 =	vor.u32 v52, v1;
	v3 =	vmov s31;
	v2 =	vor.u32 v42, v2;
	v24 =	vld [tilespmem:$0x1FD60]  }
0x3a1: {  	v13 =	vor.u32 s29, v34;
	v3 =	vshll.u32 v3, $0x5;
	v12 =	vld.idx.msk [tilespmem:v14+s11+$0x0], $0xffff;
	v17 =	vor.u32 v39, v2  }
0x3a2: {  	v14 =	vor.u32 v30, v49;
	v3 =	vor.u32 v42, v3  }
0x3a3: {  	v9 =	vor.u32 s21, v55;
	v5 =	vor.u32 v39, v3;
	v7 =	vld.idx.msk [tilespmem:v16+s11+$0x0], $0xffff  }
0x3a4: {  	v6 =	vld.idx.msk [tilespmem:v10+s11+$0x0], $0xffff;
	v11 =	vor.u32 v25, v0;
	v8 =	vor.u32 s28, v26  }
0x3a5: {  	s1 =	simm.s32 $0x800;
	v16 =	vor.u32 s22, v56;
	v15 =	vld.idx.msk [tilespmem:v15+s11+$0x0], $0xffff;
	v10 =	vor.u32 v24, v53  }
0x3a6: {  	s0 =	sand.u32 $0x60, s26;
	s25 =	sand.u32 $0x3000, s1;
	v17 =	vld.idx.msk [tilespmem:v17+s11+$0x0], $0xffff;
	[tilespmem:v13+s15+$0x0] =	vst.idx.msk $0xffff, v12  }
0x3a7: {  	s24 =	sand.u32 $0x70, s31;
	s23 =	sor.u32 s0, s25;
	v13 =	vld.idx.msk [tilespmem:v14+s11+$0x0], $0xffff;
	v14 =	vor.u32 s29, v18  }
0x3a8: {  	s24 =	sor.u32 s25, s24;
	v18 =	vor.u32 s23, v54;
	v5 =	vld.idx.msk [tilespmem:v5+s11+$0x0], $0xffff;
	[tilespmem:v9+s15+$0x0] =	vst.idx.msk $0xffff, v7  }
0x3a9: {  	v20 =	vor.u32 s24, v54;
	v9 =	vld.idx.msk [tilespmem:v11+s11+$0x0], $0xffff;
	[tilespmem:v8+s15+$0x0] =	vst.idx.msk $0xffff, v6  }
0x3aa: {  	v12 =	vor.u32 v51, v1;
	[tilespmem:v16+s15+$0x0] =	vst.idx.msk $0xffff, v15;
	v8 =	vor.u32 s28, v32;
	v7 =	vld.idx.msk [tilespmem:v10+s11+$0x0], $0xffff  }
0x3ab: {  	v19 =	vor.u32 v19, v49;
	v10 =	vor.u32 s21, v46;
	v22 =	vld [tilespmem:$0x1FD40]  }
0x3ac: {  	[tilespmem:v14+s15+$0x0] =	vst.idx.msk $0xffff, v13  }
0x3ad: {  	v21 =	vor.u32 v58, v2;
	[tilespmem:v18+s15+$0x0] =	vst.idx.msk $0xffff, v17  }
0x3ae: {  	v6 =	vor.u32 v58, v3;
	[tilespmem:v20+s15+$0x0] =	vst.idx.msk $0xffff, v5  }
0x3af: {  	v16 =	vor.u32 v50, v0;
	v12 =	vld.idx.msk [tilespmem:v12+s11+$0x0], $0xffff;
	[tilespmem:v8+s15+$0x0] =	vst.idx.msk $0xffff, v7  }
0x3b0: {  	v15 =	vor.u32 s22, v55;
	v14 =	vld.idx.msk [tilespmem:v19+s11+$0x0], $0xffff;
	v11 =	vor.u32 v22, v53;
	[tilespmem:v10+s15+$0x0] =	vst.idx.msk $0xffff, v9  }
0x3b1: {  	v19 =	vor.u32 v45, v49;
	v45 =	vld [tilespmem:$0x1FF70]  }
0x3b2: {  	v17 =	vor.u32 s29, v27;
	v18 =	vld.idx.msk [tilespmem:v21+s11+$0x0], $0xffff  }
0x3b3: {  	v5 =	vor.u32 s23, v59;
	v6 =	vld.idx.msk [tilespmem:v6+s11+$0x0], $0xffff  }
0x3b4: {  	v20 =	vor.u32 s24, v59;
	v10 =	vld.idx.msk [tilespmem:v16+s11+$0x0], $0xffff  }
0x3b5: {  	v13 =	vor.u32 v25, v1;
	[tilespmem:v15+s15+$0x0] =	vst.idx.msk $0xffff, v12;
	v8 =	vld.idx.msk [tilespmem:v11+s11+$0x0], $0xffff;
	v11 =	vor.u32 s21, v57  }
0x3b6: {  	v25 =	vld [tilespmem:$0x1FCE0];
	v9 =	vor.u32 s28, v45  }
0x3b7: {  	[tilespmem:v17+s15+$0x0] =	vst.idx.msk $0xffff, v14  }
0x3b8: {  	v21 =	vor.u32 v60, v2;
	[tilespmem:v5+s15+$0x0] =	vst.idx.msk $0xffff, v18  }
0x3b9: {  	v7 =	vor.u32 v60, v3;
	[tilespmem:v20+s15+$0x0] =	vst.idx.msk $0xffff, v6  }
0x3ba: {  	v16 =	vor.u32 v31, v0;
	v13 =	vld.idx.msk [tilespmem:v13+s11+$0x0], $0xffff;
	[tilespmem:v11+s15+$0x0] =	vst.idx.msk $0xffff, v10  }
0x3bb: {  	v15 =	vor.u32 s22, v46;
	v14 =	vld.idx.msk [tilespmem:v19+s11+$0x0], $0xffff;
	v12 =	vor.u32 v25, v53;
	[tilespmem:v9+s15+$0x0] =	vst.idx.msk $0xffff, v8  }
0x3bc: {  	v43 =	vld [tilespmem:$0x1FF50]  }
0x3bd: {  	v17 =	vor.u32 s29, v26;
	v6 =	vld.idx.msk [tilespmem:v21+s11+$0x0], $0xffff  }
0x3be: {  	v18 =	vor.u32 s23, v61;
	v7 =	vld.idx.msk [tilespmem:v7+s11+$0x0], $0xffff  }
0x3bf: {  	v20 =	vor.u32 s24, v61;
	v11 =	vld.idx.msk [tilespmem:v16+s11+$0x0], $0xffff  }
0x3c0: {  	v5 =	vor.u32 v50, v1;
	v9 =	vld.idx.msk [tilespmem:v12+s11+$0x0], $0xffff;
	[tilespmem:v15+s15+$0x0] =	vst.idx.msk $0xffff, v13;
	v12 =	vor.u32 s21, v48  }
0x3c1: {  	v19 =	vor.u32 v24, v49;
	v24 =	vld [tilespmem:$0x1FDD0];
	v10 =	vor.u32 s28, v43  }
0x3c2: {  	[tilespmem:v17+s15+$0x0] =	vst.idx.msk $0xffff, v14  }
0x3c3: {  	v21 =	vor.u32 v62, v2;
	[tilespmem:v18+s15+$0x0] =	vst.idx.msk $0xffff, v6  }
0x3c4: {  	v8 =	vor.u32 v62, v3;
	[tilespmem:v20+s15+$0x0] =	vst.idx.msk $0xffff, v7  }
0x3c5: {  	v15 =	vor.u32 v47, v0;
	v5 =	vld.idx.msk [tilespmem:v5+s11+$0x0], $0xffff;
	[tilespmem:v12+s15+$0x0] =	vst.idx.msk $0xffff, v11  }
0x3c6: {  	v16 =	vor.u32 s22, v57;
	v6 =	vld.idx.msk [tilespmem:v19+s11+$0x0], $0xffff;
	v13 =	vor.u32 v24, v53;
	[tilespmem:v10+s15+$0x0] =	vst.idx.msk $0xffff, v9  }
0x3c7: {  	v46 =	vld [tilespmem:$0x1FF60]  }
0x3c8: {  	v17 =	vor.u32 s29, v32;
	v7 =	vld.idx.msk [tilespmem:v21+s11+$0x0], $0xffff  }
0x3c9: {  	v18 =	vor.u32 s23, v63;
	v8 =	vld.idx.msk [tilespmem:v8+s11+$0x0], $0xffff  }
0x3ca: {  	v14 =	vor.u32 v31, v1;
	v21 =	vor.u32 s24, v63;
	v12 =	vld.idx.msk [tilespmem:v15+s11+$0x0], $0xffff  }
0x3cb: {  	v19 =	vor.u32 v22, v49;
	v9 =	vld.idx.msk [tilespmem:v13+s11+$0x0], $0xffff;
	v13 =	vor.u32 s21, v29;
	[tilespmem:v16+s15+$0x0] =	vst.idx.msk $0xffff, v5  }
0x3cc: {  	v27 =	vmov v29;
	v20 =	vor.u32 v4, v2;
	v29 =	vld [tilespmem:$0x1FE70];
	v11 =	vor.u32 s28, v46  }
0x3cd: {  	[tilespmem:v17+s15+$0x0] =	vst.idx.msk $0xffff, v6  }
0x3ce: {  	[tilespmem:v18+s15+$0x0] =	vst.idx.msk $0xffff, v7  }
0x3cf: {  	v10 =	vor.u32 v4, v3;
	v14 =	vld.idx.msk [tilespmem:v14+s11+$0x0], $0xffff;
	[tilespmem:v21+s15+$0x0] =	vst.idx.msk $0xffff, v8  }
0x3d0: {  	v15 =	vor.u32 v28, v0;
	v7 =	vld.idx.msk [tilespmem:v19+s11+$0x0], $0xffff;
	[tilespmem:v13+s15+$0x0] =	vst.idx.msk $0xffff, v12  }
0x3d1: {  	v6 =	vor.u32 s22, v48;
	v18 =	vld.idx.msk [tilespmem:v20+s11+$0x0], $0xffff;
	v5 =	vor.u32 v29, v53;
	[tilespmem:v11+s15+$0x0] =	vst.idx.msk $0xffff, v9  }
0x3d2: {  	v17 =	vor.u32 s29, v45;
	v23 =	vld [tilespmem:$0x1FF30]  }
0x3d3: {  	v26 =	vmov v28;
	v28 =	vld [tilespmem:$0x1FDA0]  }
0x3d4: {  	v10 =	vld.idx.msk [tilespmem:v10+s11+$0x0], $0xffff  }
0x3d5: {  	v8 =	vor.u32 s23, v41;
	v13 =	vld.idx.msk [tilespmem:v15+s11+$0x0], $0xffff  }
0x3d6: {  	v16 =	vor.u32 v47, v1;
	v9 =	vor.u32 s24, v41;
	v5 =	vld.idx.msk [tilespmem:v5+s11+$0x0], $0xffff;
	[tilespmem:v6+s15+$0x0] =	vst.idx.msk $0xffff, v14  }
0x3d7: {  	v21 =	vld [tilespmem:$0x1FD70];
	[tilespmem:v17+s15+$0x0] =	vst.idx.msk $0xffff, v7;
	v12 =	vor.u32 s28, v23  }
0x3d8: {  	v11 =	vor.u32 v44, v3;
	v7 =	vor.u32 s22, v27;
	v27 =	vld [tilespmem:$0x1FDB0];
	v15 =	vor.u32 s21, v28;
	_ =	sdelay $0x1  }
0x3d9: {  	v19 =	vor.u32 v25, v49;
	[tilespmem:v8+s15+$0x0] =	vst.idx.msk $0xffff, v18  }
0x3da: {  	v20 =	vor.u32 v44, v2;
	v14 =	vld.idx.msk [tilespmem:v16+s11+$0x0], $0xffff;
	[tilespmem:v9+s15+$0x0] =	vst.idx.msk $0xffff, v10  }
0x3db: {  	[tilespmem:v12+s15+$0x0] =	vst.idx.msk $0xffff, v5  }
0x3dc: {  	v47 =	vmov v45;
	v45 =	vmov v25;
	v25 =	vld.idx.msk [tilespmem:v11+s11+$0x0], $0xffff;
	v16 =	vor.u32 v27, v0;
	[tilespmem:v15+s15+$0x0] =	vst.idx.msk $0xffff, v13  }
0x3dd: {  	v6 =	vor.u32 v21, v53;
	v11 =	vld [tilespmem:$0x1FF10]  }
0x3de: {  	v17 =	vor.u32 v26, v1;
	v8 =	vld.idx.msk [tilespmem:v19+s11+$0x0], $0xffff;
	v18 =	vor.u32 s29, v43  }
0x3df: {  	v19 =	vld.idx.msk [tilespmem:v20+s11+$0x0], $0xffff;
	v20 =	vor.u32 s23, v40;
	[tilespmem:v7+s15+$0x0] =	vst.idx.msk $0xffff, v14  }
0x3e0: {  	v9 =	vor.u32 v24, v49;
	v5 =	vor.u32 s24, v40;
	v24 =	vld [tilespmem:$0x1FCD0]  }
0x3e1: {  	v10 =	vor.u32 v52, v2;
	v14 =	vor.u32 s21, v34;
	v7 =	vld.idx.msk [tilespmem:v16+s11+$0x0], $0xffff  }
0x3e2: {  	v12 =	vor.u32 v52, v3;
	v6 =	vld.idx.msk [tilespmem:v6+s11+$0x0], $0xffff;
	v13 =	vor.u32 s28, v11  }
0x3e3: {  	v16 =	vld.idx.msk [tilespmem:v17+s11+$0x0], $0xffff;
	[tilespmem:v18+s15+$0x0] =	vst.idx.msk $0xffff, v8;
	v8 =	vor.u32 s22, v28  }
0x3e4: {  	[tilespmem:v20+s15+$0x0] =	vst.idx.msk $0xffff, v19  }
0x3e5: {  	v9 =	vld.idx.msk [tilespmem:v9+s11+$0x0], $0xffff;
	[tilespmem:v5+s15+$0x0] =	vst.idx.msk $0xffff, v25;
	v15 =	vor.u32 v24, v53  }
0x3e6: {  	v17 =	vor.u32 v30, v0;
	v10 =	vld.idx.msk [tilespmem:v10+s11+$0x0], $0xffff;
	[tilespmem:v14+s15+$0x0] =	vst.idx.msk $0xffff, v7  }
0x3e7: {  	v19 =	vor.u32 s29, v46;
	v12 =	vld.idx.msk [tilespmem:v12+s11+$0x0], $0xffff;
	[tilespmem:v13+s15+$0x0] =	vst.idx.msk $0xffff, v6  }
0x3e8: {  	v44 =	vmov v30;
	v30 =	vld [tilespmem:$0x1FC40];
	[tilespmem:v8+s15+$0x0] =	vst.idx.msk $0xffff, v16  }
0x3e9: {  	v18 =	vor.u32 v27, v1;
	v27 =	vld [tilespmem:$0x1FD50]  }
0x3ea: {  	v7 =	vld.idx.msk [tilespmem:v15+s11+$0x0], $0xffff  }
0x3eb: {  	v20 =	vor.u32 s23, v56;
	v5 =	vor.u32 v29, v49;
	v8 =	vld.idx.msk [tilespmem:v17+s11+$0x0], $0xffff  }
0x3ec: {  	v22 =	vor.u32 v51, v2;
	v6 =	vor.u32 s24, v56;
	v17 =	vld [tilespmem:$0x1FE00];
	[tilespmem:v19+s15+$0x0] =	vst.idx.msk $0xffff, v9  }
0x3ed: {  	v31 =	vld [tilespmem:$0x1FD30];
	v14 =	vor.u32 s28, v30  }
0x3ee: {  	v15 =	vor.u32 s21, v27  }
0x3ef: {  	v25 =	vld.idx.msk [tilespmem:v18+s11+$0x0], $0xffff  }
0x3f0: {  	v13 =	vor.u32 v51, v3;
	[tilespmem:v20+s15+$0x0] =	vst.idx.msk $0xffff, v10;
	v5 =	vld.idx.msk [tilespmem:v5+s11+$0x0], $0xffff  }
0x3f1: {  	v10 =	vor.u32 s29, v23;
	v23 =	vld.idx.msk [tilespmem:v22+s11+$0x0], $0xffff;
	[tilespmem:v6+s15+$0x0] =	vst.idx.msk $0xffff, v12;
	v16 =	vor.u32 v17, v53  }
0x3f2: {  	v26 =	vmov v34;
	v34 =	vld [tilespmem:$0x1FEC0];
	v9 =	vor.u32 v31, v0;
	[tilespmem:v14+s15+$0x0] =	vst.idx.msk $0xffff, v7  }
0x3f3: {  	v28 =	vld [tilespmem:$0x1FC50];
	[tilespmem:v15+s15+$0x0] =	vst.idx.msk $0xffff, v8  }
0x3f4: {  	v40 =	vld [tilespmem:$0x1FCF0]  }
0x3f5: {  	v18 =	vor.u32 s23, v55;
	v13 =	vld.idx.msk [tilespmem:v13+s11+$0x0], $0xffff  }
0x3f6: {  	v6 =	vor.u32 v21, v49;
	v21 =	vor.u32 s22, v26;
	v8 =	vld.idx.msk [tilespmem:v16+s11+$0x0], $0xffff  }
0x3f7: {  	v7 =	vor.u32 s24, v55;
	v9 =	vld.idx.msk [tilespmem:v9+s11+$0x0], $0xffff  }
0x3f8: {  	v29 =	vld [tilespmem:$0x1FDE0];
	v14 =	vor.u32 s28, v28  }
0x3f9: {  	s26 =	simm.s32 $0x70;
	v12 =	vor.u32 v34, v2;
	v41 =	vld [tilespmem:$0x1FD00];
	[tilespmem:v10+s15+$0x0] =	vst.idx.msk $0xffff, v5;
	v20 =	vor.u32 s21, v40  }
0x3fa: {  	v15 =	vmov s26;
	[tilespmem:v18+s15+$0x0] =	vst.idx.msk $0xffff, v23  }
0x3fb: {  	v15 =	vshll.u32 v15, $0x5;
	v23 =	vor.u32 v24, v49;
	v24 =	vld [tilespmem:$0x1FEA0];
	[tilespmem:v21+s15+$0x0] =	vst.idx.msk $0xffff, v25  }
0x3fc: {  	v19 =	vor.u32 v34, v3;
	v5 =	vor.u32 v42, v15;
	[tilespmem:v7+s15+$0x0] =	vst.idx.msk $0xffff, v13  }
0x3fd: {  	v10 =	vor.u32 s29, v11;
	v11 =	vld.idx.msk [tilespmem:v6+s11+$0x0], $0xffff;
	v18 =	vor.u32 v39, v5;
	[tilespmem:v14+s15+$0x0] =	vst.idx.msk $0xffff, v8  }
0x3fe: {  	v12 =	vld.idx.msk [tilespmem:v12+s11+$0x0], $0xffff;
	v16 =	vor.u32 v29, v53;
	[tilespmem:v20+s15+$0x0] =	vst.idx.msk $0xffff, v9  }
0x3ff: {  	s1 =	simm.s32 $0x60;
	v22 =	vor.u32 v41, v0;
	v26 =	vld [tilespmem:$0x1FC60]  }
0x400: {  	s30 =	simm.s32 $0xC00;
	v15 =	vmov s1;
	v13 =	vor.u32 v44, v1;
	v44 =	vld [tilespmem:$0x1FD20]  }
0x401: {  	s31 =	sand.u32 $0x3000, s30;
	s0 =	sand.u32 $0x70, s26;
	v6 =	vshll.u32 v15, $0x5;
	v7 =	vld.idx.msk [tilespmem:v19+s11+$0x0], $0xffff;
	v15 =	vor.u32 s23, v24  }
0x402: {  	s26 =	sor.u32 s31, s0;
	v18 =	vld.idx.msk [tilespmem:v18+s11+$0x0], $0xffff;
	v14 =	vor.u32 s24, v24  }
0x403: {  	v16 =	vld.idx.msk [tilespmem:v16+s11+$0x0], $0xffff;
	[tilespmem:v10+s15+$0x0] =	vst.idx.msk $0xffff, v11;
	v11 =	vor.u32 s26, v54  }
0x404: {  	v19 =	vld.idx.msk [tilespmem:v22+s11+$0x0], $0xffff;
	v20 =	vor.u32 s28, v26  }
0x405: {  	v25 =	vor.u32 v50, v3;
	v6 =	vor.u32 v42, v6;
	v32 =	vld [tilespmem:$0x1FDF0];
	v21 =	vor.u32 s21, v44  }
0x406: {  	v8 =	vor.u32 v39, v6;
	v39 =	vld [tilespmem:$0x1FD60];
	[tilespmem:v15+s15+$0x0] =	vst.idx.msk $0xffff, v12  }
0x407: {  	[tilespmem:v14+s15+$0x0] =	vst.idx.msk $0xffff, v7  }
0x408: {  	v13 =	vld.idx.msk [tilespmem:v13+s11+$0x0], $0xffff;
	[tilespmem:v11+s15+$0x0] =	vst.idx.msk $0xffff, v18  }
0x409: {  	v23 =	vld.idx.msk [tilespmem:v23+s11+$0x0], $0xffff;
	v12 =	vor.u32 v58, v5;
	[tilespmem:v20+s15+$0x0] =	vst.idx.msk $0xffff, v16  }
0x40a: {  	v24 =	vor.u32 v17, v49;
	v17 =	vld.idx.msk [tilespmem:v25+s11+$0x0], $0xffff;
	v10 =	vor.u32 v32, v53;
	[tilespmem:v21+s15+$0x0] =	vst.idx.msk $0xffff, v19  }
0x40b: {  	v55 =	vld [tilespmem:$0x1FC70]  }
0x40c: {  	s25 =	sand.u32 $0x60, s1;
	v15 =	vor.u32 s29, v30;
	v25 =	vor.u32 v31, v1;
	v22 =	vor.u32 v39, v0;
	v31 =	vld [tilespmem:$0x1FF40]  }
0x40d: {  	s25 =	sor.u32 s25, s31;
	v8 =	vld.idx.msk [tilespmem:v8+s11+$0x0], $0xffff;
	v7 =	vor.u32 s22, v27  }
0x40e: {  	v14 =	vor.u32 s25, v54;
	v12 =	vld.idx.msk [tilespmem:v12+s11+$0x0], $0xffff  }
0x40f: {  	v20 =	vor.u32 s24, v57;
	v10 =	vld.idx.msk [tilespmem:v10+s11+$0x0], $0xffff  }
0x410: {  	v9 =	vor.u32 v34, v5;
	v34 =	vld [tilespmem:$0x1FE10];
	v19 =	vor.u32 s28, v55  }
0x411: {  	v18 =	vld.idx.msk [tilespmem:v22+s11+$0x0], $0xffff;
	[tilespmem:v15+s15+$0x0] =	vst.idx.msk $0xffff, v23;
	v21 =	vor.u32 s21, v31  }
0x412: {  	v22 =	vor.u32 s26, v59;
	v54 =	vld [tilespmem:$0x1FD10];
	[tilespmem:v7+s15+$0x0] =	vst.idx.msk $0xffff, v13  }
0x413: {  	v30 =	vld [tilespmem:$0x1FD40];
	[tilespmem:v14+s15+$0x0] =	vst.idx.msk $0xffff, v8  }
0x414: {  	[tilespmem:v20+s15+$0x0] =	vst.idx.msk $0xffff, v17  }
0x415: {  	[tilespmem:v19+s15+$0x0] =	vst.idx.msk $0xffff, v10  }
0x416: {  	v16 =	vor.u32 v58, v6;
	v58 =	vld [tilespmem:$0x1FE20];
	[tilespmem:v21+s15+$0x0] =	vst.idx.msk $0xffff, v18  }
0x417: {  	v13 =	vld.idx.msk [tilespmem:v24+s11+$0x0], $0xffff;
	v11 =	vor.u32 v34, v3;
	[tilespmem:v22+s15+$0x0] =	vst.idx.msk $0xffff, v12  }
0x418: {  	v24 =	vor.u32 v29, v49;
	v15 =	vor.u32 v54, v53;
	v29 =	vld [tilespmem:$0x1FC80]  }
0x419: {  	v23 =	vor.u32 s29, v28;
	v14 =	vld.idx.msk [tilespmem:v25+s11+$0x0], $0xffff;
	v7 =	vor.u32 v30, v0  }
0x41a: {  	v8 =	vor.u32 v60, v5;
	v17 =	vor.u32 s22, v40;
	v20 =	vor.u32 s25, v59;
	v59 =	vld [tilespmem:$0x1FE30]  }
0x41b: {  	v16 =	vld.idx.msk [tilespmem:v16+s11+$0x0], $0xffff  }
0x41c: {  	v25 =	vor.u32 v41, v1;
	v11 =	vld.idx.msk [tilespmem:v11+s11+$0x0], $0xffff;
	v19 =	vor.u32 s24, v58  }
0x41d: {  	v10 =	vor.u32 v60, v6;
	v15 =	vld.idx.msk [tilespmem:v15+s11+$0x0], $0xffff;
	v18 =	vor.u32 s28, v29  }
0x41e: {  	v21 =	vor.u32 s21, v47;
	v7 =	vld.idx.msk [tilespmem:v7+s11+$0x0], $0xffff;
	[tilespmem:v23+s15+$0x0] =	vst.idx.msk $0xffff, v13  }
0x41f: {  	v22 =	vor.u32 s26, v61;
	v8 =	vld.idx.msk [tilespmem:v8+s11+$0x0], $0xffff;
	[tilespmem:v17+s15+$0x0] =	vst.idx.msk $0xffff, v14;
	v12 =	vor.u32 v59, v3  }
0x420: {  	[tilespmem:v20+s15+$0x0] =	vst.idx.msk $0xffff, v16;
	v17 =	vld.idx.msk [tilespmem:v24+s11+$0x0], $0xffff  }
0x421: {  	v13 =	vor.u32 v37, v53;
	v20 =	vld.idx.msk [tilespmem:v25+s11+$0x0], $0xffff;
	[tilespmem:v19+s15+$0x0] =	vst.idx.msk $0xffff, v11  }
0x422: {  	v14 =	vor.u32 v45, v0;
	v10 =	vld.idx.msk [tilespmem:v10+s11+$0x0], $0xffff;
	[tilespmem:v18+s15+$0x0] =	vst.idx.msk $0xffff, v15  }
0x423: {  	v25 =	vor.u32 v39, v1;
	v39 =	vld [tilespmem:$0x1FE90];
	[tilespmem:v21+s15+$0x0] =	vst.idx.msk $0xffff, v7  }
0x424: {  	v16 =	vor.u32 v50, v2;
	v23 =	vor.u32 s29, v26;
	v12 =	vld.idx.msk [tilespmem:v12+s11+$0x0], $0xffff;
	[tilespmem:v22+s15+$0x0] =	vst.idx.msk $0xffff, v8  }
0x425: {  	v11 =	vor.u32 s22, v44;
	v44 =	vld [tilespmem:$0x1FE50]  }
0x426: {  	v48 =	vmov v43;
	v24 =	vor.u32 s25, v61;
	v7 =	vld.idx.msk [tilespmem:v13+s11+$0x0], $0xffff  }
0x427: {  	v19 =	vor.u32 v32, v49;
	v22 =	vor.u32 s21, v48;
	v13 =	vld.idx.msk [tilespmem:v14+s11+$0x0], $0xffff  }
0x428: {  	v26 =	vld [tilespmem:$0x1FD90];
	v18 =	vor.u32 s24, v39  }
0x429: {  	v16 =	vld.idx.msk [tilespmem:v16+s11+$0x0], $0xffff;
	[tilespmem:v23+s15+$0x0] =	vst.idx.msk $0xffff, v17;
	v17 =	vor.u32 s23, v57  }
0x42a: {  	v15 =	vor.u32 v62, v6;
	[tilespmem:v11+s15+$0x0] =	vst.idx.msk $0xffff, v20;
	v14 =	vor.u32 s28, v44  }
0x42b: {  	v27 =	vld [tilespmem:$0x1FDD0];
	[tilespmem:v24+s15+$0x0] =	vst.idx.msk $0xffff, v10  }
0x42c: {  	v8 =	vor.u32 v62, v5;
	v19 =	vld.idx.msk [tilespmem:v19+s11+$0x0], $0xffff;
	v20 =	vor.u32 s29, v55;
	[tilespmem:v22+s15+$0x0] =	vst.idx.msk $0xffff, v13  }
0x42d: {  	v10 =	vld.idx.msk [tilespmem:v25+s11+$0x0], $0xffff;
	v21 =	vor.u32 v26, v3;
	[tilespmem:v18+s15+$0x0] =	vst.idx.msk $0xffff, v12;
	v12 =	vor.u32 s22, v31  }
0x42e: {  	[tilespmem:v17+s15+$0x0] =	vst.idx.msk $0xffff, v16  }
0x42f: {  	v23 =	vor.u32 v35, v53;
	v15 =	vld.idx.msk [tilespmem:v15+s11+$0x0], $0xffff;
	[tilespmem:v14+s15+$0x0] =	vst.idx.msk $0xffff, v7  }
0x430: {  	v11 =	vor.u32 v27, v0;
	v60 =	vld [tilespmem:$0x1FDA0]  }
0x431: {  	v8 =	vld.idx.msk [tilespmem:v8+s11+$0x0], $0xffff;
	v18 =	vor.u32 s25, v63;
	[tilespmem:v20+s15+$0x0] =	vst.idx.msk $0xffff, v19  }
0x432: {  	v24 =	vor.u32 v34, v2;
	v14 =	vor.u32 s26, v63;
	v21 =	vld.idx.msk [tilespmem:v21+s11+$0x0], $0xffff;
	[tilespmem:v12+s15+$0x0] =	vst.idx.msk $0xffff, v10  }
0x433: {  	v28 =	vld [tilespmem:$0x1FE40]  }
0x434: {  	v25 =	vor.u32 v30, v1;
	v19 =	vld.idx.msk [tilespmem:v23+s11+$0x0], $0xffff  }
0x435: {  	v11 =	vld.idx.msk [tilespmem:v11+s11+$0x0], $0xffff;
	v16 =	vor.u32 s24, v60  }
0x436: {  	v22 =	vor.u32 s21, v46;
	v61 =	vld [tilespmem:$0x1FE70];
	[tilespmem:v18+s15+$0x0] =	vst.idx.msk $0xffff, v15  }
0x437: {  	v13 =	vor.u32 v54, v49;
	v20 =	vld.idx.msk [tilespmem:v24+s11+$0x0], $0xffff;
	v15 =	vor.u32 s23, v58;
	[tilespmem:v14+s15+$0x0] =	vst.idx.msk $0xffff, v8  }
0x438: {  	v7 =	vor.u32 v4, v6;
	v62 =	vld [tilespmem:$0x1FCA0];
	v12 =	vor.u32 s28, v28  }
0x439: {  	v18 =	vld.idx.msk [tilespmem:v25+s11+$0x0], $0xffff;
	v14 =	vor.u32 s22, v47  }
0x43a: {  	[tilespmem:v16+s15+$0x0] =	vst.idx.msk $0xffff, v21  }
0x43b: {  	v17 =	vor.u32 v4, v5;
	v30 =	vld [tilespmem:$0x1FEF0];
	[tilespmem:v22+s15+$0x0] =	vst.idx.msk $0xffff, v11  }
0x43c: {  	v13 =	vld.idx.msk [tilespmem:v13+s11+$0x0], $0xffff;
	v8 =	vor.u32 v59, v2;
	[tilespmem:v15+s15+$0x0] =	vst.idx.msk $0xffff, v20  }
0x43d: {  	v7 =	vld.idx.msk [tilespmem:v7+s11+$0x0], $0xffff;
	v24 =	vor.u32 s25, v62;
	[tilespmem:v12+s15+$0x0] =	vst.idx.msk $0xffff, v19  }
0x43e: {  	v10 =	vor.u32 v61, v0;
	v63 =	vld [tilespmem:$0x1FF30];
	[tilespmem:v14+s15+$0x0] =	vst.idx.msk $0xffff, v18  }
0x43f: {  	v23 =	vor.u32 v36, v53;
	v57 =	vld [tilespmem:$0x1FE60]  }
0x440: {  	v17 =	vld.idx.msk [tilespmem:v17+s11+$0x0], $0xffff;
	v21 =	vor.u32 s29, v29  }
0x441: {  	v22 =	vor.u32 s26, v62;
	v8 =	vld.idx.msk [tilespmem:v8+s11+$0x0], $0xffff  }
0x442: {  	v54 =	vld [tilespmem:$0x1FD70];
	[tilespmem:v24+s15+$0x0] =	vst.idx.msk $0xffff, v7;
	v7 =	vor.u32 s23, v39  }
0x443: {  	v16 =	vor.u32 v45, v1;
	v10 =	vld.idx.msk [tilespmem:v10+s11+$0x0], $0xffff;
	v15 =	vor.u32 s21, v63  }
0x444: {  	v19 =	vld.idx.msk [tilespmem:v23+s11+$0x0], $0xffff;
	v25 =	vor.u32 v30, v6;
	v18 =	vor.u32 s28, v57  }
0x445: {  	v12 =	vor.u32 v30, v5;
	v30 =	vld [tilespmem:$0x1FDB0];
	[tilespmem:v21+s15+$0x0] =	vst.idx.msk $0xffff, v13  }
0x446: {  	v24 =	vor.u32 v26, v2;
	v26 =	vld [tilespmem:$0x1FCB0];
	[tilespmem:v22+s15+$0x0] =	vst.idx.msk $0xffff, v17  }
0x447: {  	v11 =	vor.u32 v37, v49;
	[tilespmem:v7+s15+$0x0] =	vst.idx.msk $0xffff, v8  }
0x448: {  	v16 =	vld.idx.msk [tilespmem:v16+s11+$0x0], $0xffff;
	[tilespmem:v15+s15+$0x0] =	vst.idx.msk $0xffff, v10  }
0x449: {  	v23 =	vld.idx.msk [tilespmem:v25+s11+$0x0], $0xffff;
	[tilespmem:v18+s15+$0x0] =	vst.idx.msk $0xffff, v19  }
0x44a: {  	v14 =	vor.u32 v54, v0;
	v25 =	vor.u32 s22, v48;
	v48 =	vld [tilespmem:$0x1FF10]  }
0x44b: {  	v20 =	vor.u32 v30, v3;
	v19 =	vld [tilespmem:$0x1FDC0]  }
0x44c: {  	v11 =	vld.idx.msk [tilespmem:v11+s11+$0x0], $0xffff;
	v13 =	vor.u32 s25, v26  }
0x44d: {  	v21 =	vor.u32 s29, v44;
	v12 =	vld.idx.msk [tilespmem:v12+s11+$0x0], $0xffff  }
0x44e: {  	v39 =	vld.idx.msk [tilespmem:v24+s11+$0x0], $0xffff;
	v15 =	vor.u32 s26, v26  }
0x44f: {  	v14 =	vld.idx.msk [tilespmem:v14+s11+$0x0], $0xffff;
	v8 =	vor.u32 s21, v48  }
0x450: {  	v7 =	vld.idx.msk [tilespmem:v20+s11+$0x0], $0xffff;
	[tilespmem:v25+s15+$0x0] =	vst.idx.msk $0xffff, v16;
	v20 =	vor.u32 s24, v19  }
0x451: {  	v43 =	vld [tilespmem:$0x1FCD0];
	[tilespmem:v13+s15+$0x0] =	vst.idx.msk $0xffff, v23;
	v13 =	vor.u32 s23, v60  }
0x452: {  	v23 =	vld [tilespmem:$0x1FD80];
	[tilespmem:v21+s15+$0x0] =	vst.idx.msk $0xffff, v11  }
0x453: {  	[tilespmem:v15+s15+$0x0] =	vst.idx.msk $0xffff, v12  }
0x454: {  	[tilespmem:v8+s15+$0x0] =	vst.idx.msk $0xffff, v14  }
0x455: {  	v14 =	vld [tilespmem:$0x1FC50];
	[tilespmem:v20+s15+$0x0] =	vst.idx.msk $0xffff, v7  }
0x456: {  	v17 =	vor.u32 v27, v1;
	[tilespmem:v13+s15+$0x0] =	vst.idx.msk $0xffff, v39  }
0x457: {  	v13 =	vld [tilespmem:$0x1FC40];
	_ =	sdelay $0x1  }
0x458: {  	v22 =	vor.u32 v52, v6;
	_ =	sdelay $0x1  }
0x459: {  	v25 =	vor.u32 s22, v46;
	v17 =	vld.idx.msk [tilespmem:v17+s11+$0x0], $0xffff  }
0x45a: {  	v12 =	vor.u32 v61, v1;
	v61 =	vor.u32 s21, v13;
	v13 =	vld [tilespmem:$0x1FD50];
	_ =	sdelay $0x1  }
0x45b: {  	v10 =	vor.u32 v35, v49;
	v22 =	vld.idx.msk [tilespmem:v22+s11+$0x0], $0xffff  }
0x45c: {  	v18 =	vor.u32 v52, v5;
	v44 =	vld [tilespmem:$0x1FED0]  }
0x45d: {  	v55 =	vor.u32 v51, v5;
	v16 =	vor.u32 v43, v0;
	v58 =	vld [tilespmem:$0x1FEC0];
	[tilespmem:v25+s15+$0x0] =	vst.idx.msk $0xffff, v17  }
0x45e: {  	v27 =	vor.u32 v51, v6;
	v51 =	vmovc v62;
	v11 =	vor.u32 s25, v56;
	v62 =	vor.u32 s24, v13;
	v13 =	vld [tilespmem:$0x1FE00];
	_ =	sdelay $0x1  }
0x45f: {  	v21 =	vld.idx.msk [tilespmem:v10+s11+$0x0], $0xffff;
	v23 =	vor.u32 v23, v3  }
0x460: {  	v24 =	vor.u32 v30, v2;
	v18 =	vld.idx.msk [tilespmem:v18+s11+$0x0], $0xffff  }
0x461: {  	v28 =	vor.u32 s29, v28;
	v16 =	vld.idx.msk [tilespmem:v16+s11+$0x0], $0xffff  }
0x462: {  	v31 =	vor.u32 s26, v56;
	v20 =	vmov v63;
	v63 =	vor.u32 v13, v0;
	v13 =	vld [tilespmem:$0x1FC30];
	[tilespmem:v11+s15+$0x0] =	vst.idx.msk $0xffff, v22  }
0x463: {  	v30 =	vor.u32 v36, v49;
	v11 =	vld [tilespmem:$0x1FD30]  }
0x464: {  	v50 =	vmov v26;
	v26 =	vor.u32 s23, v19;
	v60 =	vld.idx.msk [tilespmem:v23+s11+$0x0], $0xffff  }
0x465: {  	v42 =	vmovc v56;
	v40 =	vmovc v36;
	v19 =	vor.u32 s29, v57;
	v24 =	vld.idx.msk [tilespmem:v24+s11+$0x0], $0xffff;
	v23 =	vor.u32 s22, v20;
	v10 =	vor.u32 s21, v14  }
0x466: {  	v59 =	vmovc v33;
	v39 =	vmov v35;
	v7 =	vor.u32 s24, v14;
	v8 =	vor.u32 s26, v14;
	v14 =	vld.idx.msk [tilespmem:v12+s11+$0x0], $0xffff;
	[tilespmem:v28+s15+$0x0] =	vst.idx.msk $0xffff, v21  }
0x467: {  	v47 =	vlaneseq.u32;
	v17 =	vor.u32 v43, v1;
	v27 =	vld.idx.msk [tilespmem:v27+s11+$0x0], $0xffff;
	[tilespmem:v31+s15+$0x0] =	vst.idx.msk $0xffff, v18;
	v21 =	vor.u32 v54, v1  }
0x468: {  	v29 =	vor.u32 s25, v44;
	[tilespmem:v61+s15+$0x0] =	vst.idx.msk $0xffff, v16;
	v16 =	vor.u32 s28, v59;
	v20 =	vld.idx.msk [tilespmem:v30+s11+$0x0], $0xffff;
	v25 =	vor.u32 v11, v3  }
0x469: {  	v28 =	vor.u32 v58, v6;
	v31 =	vor.u32 s26, v44;
	[tilespmem:v62+s15+$0x0] =	vst.idx.msk $0xffff, v60;
	v18 =	vor.u32 s22, v48;
	v30 =	vld.idx.msk [tilespmem:v55+s11+$0x0], $0xffff  }
0x46a: {  	v35 =	vmovc v43;
	s28 =	simm.s32 $0x6;
	v15 =	vor.u32 v13, v53;
	v13 =	vor.u32 v13, v49;
	v22 =	vld.idx.msk [tilespmem:v63+s11+$0x0], $0xffff;
	v11 =	vor.u32 s29, v59;
	s29 =	simm.s32 $0x90  }
.LBB2_5:
0x46b: {  	_ =	sdelay $0x1  }
0x46c: {  	[tilespmem:v26+s15+$0x0] =	vst.idx.msk $0xffff, v24;
	v24 =	vld.idx.msk [tilespmem:v25+s11+$0x0], $0xffff  }
0x46d: {  	v53 =	vld [tilespmem:$0x1FD00]  }
0x46e: {  	v57 =	vld [tilespmem:$0x1FDE0]  }
0x46f: {  	v36 =	vld [tilespmem:$0x1FCF0]  }
0x470: {  	v15 =	vld.idx.msk [tilespmem:v15+s11+$0x0], $0xffff  }
0x471: {  	v45 =	vld [tilespmem:$0x1FFF0]  }
0x472: {  	v46 =	vld [tilespmem:$0x1FEA0]  }
0x473: {  	v48 =	vld [tilespmem:$0x1FEC0]  }
0x474: {  	v56 =	vld [tilespmem:$0x1FD80]  }
0x475: {  	v63 =	vld [tilespmem:$0x1FE00]  }
0x476: {  	v43 =	vld [tilespmem:$0x1FEB0]  }
0x477: {  	v49 =	vld [tilespmem:$0x1FDF0]  }
0x478: {  	v62 =	vld [tilespmem:$0x1FC50]  }
0x479: {  	v59 =	vld [tilespmem:$0x1FFD0]  }
0x47a: {  	v44 =	vld [tilespmem:$0x1FC40]  }
0x47b: {  	v55 =	vld [tilespmem:$0x1FD50]  }
0x47c: {  	v54 =	vld [tilespmem:$0x1FD30]  }
0x47d: {  	v61 =	vld [tilespmem:$0x1FE80]  }
0x47e: {  	v60 =	vld [tilespmem:$0x1FD10]  }
0x47f: {  	v41 =	vmov s29;
	v58 =	vld [tilespmem:$0x1FF70];
	[tilespmem:v23+s15+$0x0] =	vst.idx.msk $0xffff, v14  }
0x480: {  	v33 =	vshll.u32 v41, $0x5;
	v41 =	vld [tilespmem:$0x1FD60];
	[tilespmem:v29+s15+$0x0] =	vst.idx.msk $0xffff, v27  }
0x481: {  	v21 =	vld.idx.msk [tilespmem:v21+s11+$0x0], $0xffff  }
0x482: {  	s0 =	sadd.s32 $0xFFFFFFF0, s29;
	[tilespmem:v31+s15+$0x0] =	vst.idx.msk $0xffff, v30;
	v28 =	vld.idx.msk [tilespmem:v28+s11+$0x0], $0xffff  }
0x483: {  	v32 =	vmov s0;
	v29 =	vld.idx.msk [tilespmem:v9+s11+$0x0], $0xffff;
	[tilespmem:v19+s15+$0x0] =	vst.idx.msk $0xffff, v20;
	v34 =	vor.u32 s24, v36  }
0x484: {  	s30 =	sadd.s32 $0x400, s30;
	v12 =	vmovc v6;
	v6 =	vshll.u32 v32, $0x5;
	v25 =	vor.u32 v53, v3;
	v26 =	vor.u32 v57, v0;
	v13 =	vld.idx.msk [tilespmem:v13+s11+$0x0], $0xffff  }
0x485: {  	s31 =	sand.u32 $0x60, s0;
	s1 =	sand.u32 $0x3000, s30;
	v14 =	vor.u32 v45, v33;
	v23 =	vor.u32 s25, v46;
	v6 =	vor.u32 v45, v6;
	v45 =	vld [tilespmem:$0x1FC60]  }
0x486: {  	s0 =	sor.u32 s31, s1;
	s31 =	smov.u32 s26;
	v33 =	vld [tilespmem:$0x1FD20];
	v20 =	vor.u32 v48, v14  }
0x487: {  	[tilespmem:v10+s15+$0x0] =	vst.idx.msk $0xffff, v22;
	v27 =	vor.u32 v47, v14;
	v9 =	vmov v20;
	v20 =	vor.u32 s31, v46;
	v46 =	vld [tilespmem:$0x1FC70]  }
0x488: {  	[tilespmem:v34+s15+$0x0] =	vst.idx.msk $0xffff, v24;
	v34 =	vld [tilespmem:$0x1FD40]  }
0x489: {  	v30 =	vor.u32 v56, v2;
	[tilespmem:v18+s15+$0x0] =	vst.idx.msk $0xffff, v21;
	v24 =	vld.idx.msk [tilespmem:v26+s11+$0x0], $0xffff  }
0x48a: {  	[tilespmem:v23+s15+$0x0] =	vst.idx.msk $0xffff, v28;
	v25 =	vld.idx.msk [tilespmem:v25+s11+$0x0], $0xffff  }
0x48b: {  	v19 =	vor.u32 v47, v6;
	[tilespmem:v16+s15+$0x0] =	vst.idx.msk $0xffff, v15;
	v17 =	vld.idx.msk [tilespmem:v17+s11+$0x0], $0xffff  }
0x48c: {  	v26 =	vor.u32 v43, v5;
	v15 =	vld.idx.msk [tilespmem:v27+s11+$0x0], $0xffff  }
0x48d: {  	v31 =	vor.u32 s21, v45;
	v27 =	vld [tilespmem:$0x1FF20]  }
0x48e: {  	v32 =	vor.u32 s22, v44;
	v30 =	vld.idx.msk [tilespmem:v30+s11+$0x0], $0xffff  }
0x48f: {  	v28 =	vor.u32 v59, v14;
	v16 =	vor.u32 s24, v33;
	[tilespmem:v11+s15+$0x0] =	vst.idx.msk $0xffff, v13;
	v13 =	vor.u32 v59, v6;
	v59 =	vld [tilespmem:$0x1FF40]  }
0x490: {  	s26 =	sand.u32 $0x70, s29;
	v11 =	vld.idx.msk [tilespmem:v19+s11+$0x0], $0xffff;
	[tilespmem:v20+s15+$0x0] =	vst.idx.msk $0xffff, v29;
	v19 =	vor.u32 s23, v55  }
0x491: {  	s26 =	sor.u32 s1, s26;
	v18 =	vor.u32 v49, v0;
	v20 =	vld.idx.msk [tilespmem:v26+s11+$0x0], $0xffff  }
0x492: {  	v22 =	vor.u32 v63, v1;
	[tilespmem:v31+s15+$0x0] =	vst.idx.msk $0xffff, v24;
	v31 =	vld [tilespmem:$0x1FFE0];
	v21 =	vor.u32 s26, v27  }
0x493: {  	[tilespmem:v32+s15+$0x0] =	vst.idx.msk $0xffff, v17;
	v32 =	vld [tilespmem:$0x1FCE0];
	v27 =	vor.u32 s0, v27  }
0x494: {  	v23 =	vor.u32 v41, v3;
	[tilespmem:v16+s15+$0x0] =	vst.idx.msk $0xffff, v25;
	v16 =	vor.u32 v57, v1;
	v57 =	vld [tilespmem:$0x1FE10]  }
0x495: {  	v10 =	vmovc v7;
	v7 =	vmov v8;
	v8 =	vor.u32 s26, v62;
	[tilespmem:v19+s15+$0x0] =	vst.idx.msk $0xffff, v30;
	v30 =	vor.u32 s22, v62;
	v62 =	vld [tilespmem:$0x1FE30]  }
0x496: {  	v26 =	vor.u32 v54, v2;
	v24 =	vor.u32 s31, v61;
	v18 =	vld.idx.msk [tilespmem:v18+s11+$0x0], $0xffff  }
0x497: {  	v22 =	vld.idx.msk [tilespmem:v22+s11+$0x0], $0xffff;
	[tilespmem:v21+s15+$0x0] =	vst.idx.msk $0xffff, v15  }
0x498: {  	v29 =	vor.u32 s26, v31;
	[tilespmem:v27+s15+$0x0] =	vst.idx.msk $0xffff, v11;
	v11 =	vor.u32 s0, v31;
	v31 =	vld [tilespmem:$0x1FFC0]  }
0x499: {  	v21 =	vld.idx.msk [tilespmem:v23+s11+$0x0], $0xffff  }
0x49a: {  	v15 =	vor.u32 v57, v5;
	v23 =	vor.u32 s21, v46;
	v25 =	vld.idx.msk [tilespmem:v28+s11+$0x0], $0xffff  }
0x49b: {  	v26 =	vld.idx.msk [tilespmem:v26+s11+$0x0], $0xffff;
	[tilespmem:v24+s15+$0x0] =	vst.idx.msk $0xffff, v20;
	v20 =	vor.u32 s23, v36  }
0x49c: {  	v28 =	vor.u32 s24, v59;
	v13 =	vld.idx.msk [tilespmem:v13+s11+$0x0], $0xffff  }
0x49d: {  	v36 =	vld [tilespmem:$0x1FE20]  }
0x49e: {  	[tilespmem:v30+s15+$0x0] =	vst.idx.msk $0xffff, v22;
	v30 =	vld [tilespmem:$0x1FFB0]  }
0x49f: {  	v17 =	vor.u32 v60, v0;
	v15 =	vld.idx.msk [tilespmem:v15+s11+$0x0], $0xffff;
	[tilespmem:v23+s15+$0x0] =	vst.idx.msk $0xffff, v18  }
0x4a0: {  	v24 =	vor.u32 v53, v2;
	v53 =	vld [tilespmem:$0x1FFA0];
	[tilespmem:v20+s15+$0x0] =	vst.idx.msk $0xffff, v26  }
0x4a1: {  	[tilespmem:v28+s15+$0x0] =	vst.idx.msk $0xffff, v21;
	v21 =	vor.u32 v60, v1;
	v60 =	vld [tilespmem:$0x1FC80]  }
0x4a2: {  	v19 =	vor.u32 v34, v3;
	v16 =	vld.idx.msk [tilespmem:v16+s11+$0x0], $0xffff  }
0x4a3: {  	v27 =	vor.u32 v31, v14;
	[tilespmem:v11+s15+$0x0] =	vst.idx.msk $0xffff, v13;
	v11 =	vor.u32 v43, v12;
	v43 =	vld [tilespmem:$0x1FE90]  }
0x4a4: {  	v31 =	vor.u32 v31, v6;
	v17 =	vld.idx.msk [tilespmem:v17+s11+$0x0], $0xffff  }
0x4a5: {  	v13 =	vld.idx.msk [tilespmem:v24+s11+$0x0], $0xffff  }
0x4a6: {  	v18 =	vor.u32 s31, v36;
	[tilespmem:v29+s15+$0x0] =	vst.idx.msk $0xffff, v25;
	v24 =	vor.u32 s22, v45;
	v45 =	vld [tilespmem:$0x1FF50]  }
0x4a7: {  	v19 =	vld.idx.msk [tilespmem:v19+s11+$0x0], $0xffff  }
0x4a8: {  	v23 =	vor.u32 v62, v5;
	v27 =	vld.idx.msk [tilespmem:v27+s11+$0x0], $0xffff  }
0x4a9: {  	v26 =	vld.idx.msk [tilespmem:v31+s11+$0x0], $0xffff  }
0x4aa: {  	v31 =	vor.u32 v41, v2;
	v41 =	vld [tilespmem:$0x1FD70]  }
0x4ab: {  	[tilespmem:v18+s15+$0x0] =	vst.idx.msk $0xffff, v15;
	v15 =	vor.u32 s23, v33;
	v18 =	vor.u32 v49, v1;
	v49 =	vld [tilespmem:$0x1FE50]  }
0x4ac: {  	v33 =	vld [tilespmem:$0x1FD90]  }
0x4ad: {  	v29 =	vor.u32 s26, v30;
	v30 =	vor.u32 s0, v30;
	v23 =	vld.idx.msk [tilespmem:v23+s11+$0x0], $0xffff  }
0x4ae: {  	v25 =	vor.u32 s21, v60;
	v11 =	vld.idx.msk [tilespmem:v11+s11+$0x0], $0xffff  }
0x4af: {  	v28 =	vor.u32 s24, v58;
	[tilespmem:v24+s15+$0x0] =	vst.idx.msk $0xffff, v16;
	v24 =	vor.u32 s22, v46;
	v46 =	vld [tilespmem:$0x1FF60]  }
0x4b0: {  	v22 =	vor.u32 v37, v0;
	v16 =	vor.u32 s25, v61;
	v61 =	vld [tilespmem:$0x1FE70];
	[tilespmem:v15+s15+$0x0] =	vst.idx.msk $0xffff, v13  }
0x4b1: {  	v15 =	vld.idx.msk [tilespmem:v18+s11+$0x0], $0xffff  }
0x4b2: {  	v20 =	vor.u32 v32, v3;
	[tilespmem:v30+s15+$0x0] =	vst.idx.msk $0xffff, v26;
	v30 =	vor.u32 v57, v12;
	v57 =	vld [tilespmem:$0x1FF90]  }
0x4b3: {  	[tilespmem:v25+s15+$0x0] =	vst.idx.msk $0xffff, v17;
	v17 =	vor.u32 v53, v6;
	v18 =	vld.idx.msk [tilespmem:v31+s11+$0x0], $0xffff  }
0x4b4: {  	[tilespmem:v28+s15+$0x0] =	vst.idx.msk $0xffff, v19;
	v31 =	vor.u32 v34, v2;
	v34 =	vld [tilespmem:$0x1FDA0]  }
0x4b5: {  	v25 =	vor.u32 s31, v43;
	v19 =	vld.idx.msk [tilespmem:v22+s11+$0x0], $0xffff  }
0x4b6: {  	[tilespmem:v29+s15+$0x0] =	vst.idx.msk $0xffff, v27;
	v22 =	vor.u32 v53, v14;
	v53 =	vld [tilespmem:$0x1FDD0]  }
0x4b7: {  	v20 =	vld.idx.msk [tilespmem:v20+s11+$0x0], $0xffff  }
0x4b8: {  	v27 =	vor.u32 s21, v49;
	v17 =	vld.idx.msk [tilespmem:v17+s11+$0x0], $0xffff  }
0x4b9: {  	v28 =	vor.u32 v33, v5;
	v29 =	vor.u32 s24, v45;
	[tilespmem:v16+s15+$0x0] =	vst.idx.msk $0xffff, v11;
	v16 =	vor.u32 v37, v1;
	v37 =	vld [tilespmem:$0x1FE40]  }
0x4ba: {  	v26 =	vor.u32 v39, v0;
	[tilespmem:v25+s15+$0x0] =	vst.idx.msk $0xffff, v23;
	v23 =	vor.u32 s23, v59;
	v59 =	vld [tilespmem:$0x1FEF0]  }
0x4bb: {  	[tilespmem:v24+s15+$0x0] =	vst.idx.msk $0xffff, v15;
	v22 =	vld.idx.msk [tilespmem:v22+s11+$0x0], $0xffff  }
0x4bc: {  	v25 =	vor.u32 s0, v57;
	v13 =	vor.u32 v53, v3;
	v24 =	vld.idx.msk [tilespmem:v30+s11+$0x0], $0xffff  }
0x4bd: {  	[tilespmem:v27+s15+$0x0] =	vst.idx.msk $0xffff, v19;
	v27 =	vor.u32 s26, v57;
	v57 =	vld [tilespmem:$0x1FE60]  }
0x4be: {  	v19 =	vor.u32 v4, v6;
	v28 =	vld.idx.msk [tilespmem:v28+s11+$0x0], $0xffff;
	[tilespmem:v29+s15+$0x0] =	vst.idx.msk $0xffff, v20  }
0x4bf: {  	v15 =	vld.idx.msk [tilespmem:v26+s11+$0x0], $0xffff  }
0x4c0: {  	v26 =	vor.u32 s22, v60;
	v60 =	vld [tilespmem:$0x1FDB0];
	[tilespmem:v23+s15+$0x0] =	vst.idx.msk $0xffff, v18  }
0x4c1: {  	v11 =	vor.u32 s31, v34;
	[tilespmem:v25+s15+$0x0] =	vst.idx.msk $0xffff, v17;
	v13 =	vld.idx.msk [tilespmem:v13+s11+$0x0], $0xffff  }
0x4c2: {  	v20 =	vor.u32 v4, v14;
	v17 =	vor.u32 s25, v36;
	v25 =	vld.idx.msk [tilespmem:v31+s11+$0x0], $0xffff  }
0x4c3: {  	v29 =	vor.u32 s24, v46;
	v19 =	vld.idx.msk [tilespmem:v19+s11+$0x0], $0xffff;
	[tilespmem:v27+s15+$0x0] =	vst.idx.msk $0xffff, v22;
	v22 =	vor.u32 v62, v12  }
0x4c4: {  	v18 =	vor.u32 v61, v3;
	v27 =	vor.u32 s23, v58;
	v21 =	vld.idx.msk [tilespmem:v21+s11+$0x0], $0xffff  }
0x4c5: {  	v31 =	vor.u32 s0, v51;
	v58 =	vld [tilespmem:$0x1FF30]  }
0x4c6: {  	v23 =	vor.u32 s21, v37;
	v62 =	vor.u32 s23, v45;
	v45 =	vld [tilespmem:$0x1FDC0];
	[tilespmem:v11+s15+$0x0] =	vst.idx.msk $0xffff, v28  }
0x4c7: {  	v30 =	vor.u32 v40, v0;
	v20 =	vld.idx.msk [tilespmem:v20+s11+$0x0], $0xffff;
	[tilespmem:v17+s15+$0x0] =	vst.idx.msk $0xffff, v24  }
0x4c8: {  	v11 =	vor.u32 v32, v2;
	[tilespmem:v29+s15+$0x0] =	vst.idx.msk $0xffff, v13;
	v22 =	vld.idx.msk [tilespmem:v22+s11+$0x0], $0xffff  }
0x4c9: {  	v28 =	vor.u32 v59, v6;
	[tilespmem:v27+s15+$0x0] =	vst.idx.msk $0xffff, v25;
	v18 =	vld.idx.msk [tilespmem:v18+s11+$0x0], $0xffff  }
0x4ca: {  	v13 =	vor.u32 s26, v51;
	[tilespmem:v31+s15+$0x0] =	vst.idx.msk $0xffff, v19;
	v19 =	vor.u32 s25, v43;
	v43 =	vld [tilespmem:$0x1FF10]  }
0x4cb: {  	v17 =	vor.u32 s24, v58;
	[tilespmem:v23+s15+$0x0] =	vst.idx.msk $0xffff, v15;
	v15 =	vor.u32 v59, v14;
	v59 =	vld [tilespmem:$0x1FC30]  }
0x4cc: {  	v24 =	vor.u32 v41, v3;
	v23 =	vld.idx.msk [tilespmem:v30+s11+$0x0], $0xffff  }
0x4cd: {  	v25 =	vor.u32 s21, v57;
	v31 =	vor.u32 v33, v12;
	v11 =	vld.idx.msk [tilespmem:v11+s11+$0x0], $0xffff  }
0x4ce: {  	v28 =	vld.idx.msk [tilespmem:v28+s11+$0x0], $0xffff;
	[tilespmem:v26+s15+$0x0] =	vst.idx.msk $0xffff, v21  }
0x4cf: {  	v27 =	vor.u32 v60, v5;
	v21 =	vor.u32 s0, v50;
	v16 =	vld.idx.msk [tilespmem:v16+s11+$0x0], $0xffff;
	[tilespmem:v13+s15+$0x0] =	vst.idx.msk $0xffff, v20  }
0x4d0: {  	v13 =	vor.u32 v53, v2;
	v15 =	vld.idx.msk [tilespmem:v15+s11+$0x0], $0xffff;
	[tilespmem:v17+s15+$0x0] =	vst.idx.msk $0xffff, v18  }
0x4d1: {  	v30 =	vor.u32 s22, v49;
	v20 =	vor.u32 v52, v6;
	[tilespmem:v19+s15+$0x0] =	vst.idx.msk $0xffff, v22;
	v18 =	vld.idx.msk [tilespmem:v24+s11+$0x0], $0xffff  }
0x4d2: {  	v17 =	vor.u32 s26, v50;
	[tilespmem:v25+s15+$0x0] =	vst.idx.msk $0xffff, v23;
	v24 =	vld.idx.msk [tilespmem:v31+s11+$0x0], $0xffff  }
0x4d3: {  	v22 =	vor.u32 s24, v43;
	v23 =	vor.u32 v52, v14;
	[tilespmem:v62+s15+$0x0] =	vst.idx.msk $0xffff, v11;
	v31 =	vor.u32 s23, v46;
	v46 =	vld [tilespmem:$0x1FF00]  }
0x4d4: {  	v29 =	vor.u32 v39, v1;
	v25 =	vor.u32 s31, v45;
	v19 =	vld.idx.msk [tilespmem:v27+s11+$0x0], $0xffff;
	[tilespmem:v21+s15+$0x0] =	vst.idx.msk $0xffff, v28  }
0x4d5: {  	v11 =	vor.u32 v35, v3;
	v13 =	vld.idx.msk [tilespmem:v13+s11+$0x0], $0xffff  }
0x4d6: {  	v26 =	vor.u32 v56, v5;
	v21 =	vor.u32 s25, v34;
	v20 =	vld.idx.msk [tilespmem:v20+s11+$0x0], $0xffff;
	[tilespmem:v30+s15+$0x0] =	vst.idx.msk $0xffff, v16  }
0x4d7: {  	v35 =	vld [tilespmem:$0x1FCD0];
	v27 =	vor.u32 v60, v12;
	[tilespmem:v17+s15+$0x0] =	vst.idx.msk $0xffff, v15  }
0x4d8: {  	v16 =	vor.u32 s0, v42;
	v56 =	vld.idx.msk [tilespmem:v23+s11+$0x0], $0xffff;
	[tilespmem:v22+s15+$0x0] =	vst.idx.msk $0xffff, v18  }
0x4d9: {  	v17 =	vor.u32 v61, v2;
	v29 =	vld.idx.msk [tilespmem:v29+s11+$0x0], $0xffff;
	[tilespmem:v25+s15+$0x0] =	vst.idx.msk $0xffff, v19  }
0x4da: {  	v33 =	vor.u32 v40, v1;
	v11 =	vld.idx.msk [tilespmem:v11+s11+$0x0], $0xffff  }
0x4db: {  	v28 =	vor.u32 s22, v37;
	v30 =	vor.u32 v46, v6;
	[tilespmem:v21+s15+$0x0] =	vst.idx.msk $0xffff, v24;
	v60 =	vld.idx.msk [tilespmem:v26+s11+$0x0], $0xffff  }
0x4dc: {  	v18 =	vor.u32 s26, v42;
	v22 =	vor.u32 v46, v14;
	v24 =	vld.idx.msk [tilespmem:v27+s11+$0x0], $0xffff;
	[tilespmem:v31+s15+$0x0] =	vst.idx.msk $0xffff, v13  }
0x4dd: {  	v61 =	vor.u32 s24, v44;
	v13 =	vor.u32 v59, v1;
	v1 =	vmovc v2;
	v2 =	vmov v12;
	v12 =	vld [tilespmem:$0x1FF80];
	[tilespmem:v16+s15+$0x0] =	vst.idx.msk $0xffff, v20  }
0x4de: {  	s28 =	sadd.s32 $0x2, s28;
	v62 =	vor.u32 s31, v55;
	v15 =	vor.u32 v59, v0;
	v0 =	vmovc v3;
	v3 =	vmovc v5;
	v5 =	vmov v14;
	v14 =	vld.idx.msk [tilespmem:v17+s11+$0x0], $0xffff  }
0x4df: {  	p0 =	slt.u32 s28, $0x1E;
	v63 =	vor.u32 v63, v0;
	v17 =	vld [tilespmem:$0x1FED0]  }
.Ltmp1:
0x4e0: {  	v27 =	vld.idx.msk [tilespmem:v30+s11+$0x0], $0xffff;
	[tilespmem:v28+s15+$0x0] =	vst.idx.msk $0xffff, v29;
	(pc) =	sbr.rel @p0 .LBB2_5-.Ltmp1, $4  }
0x4e1: {  	v23 =	vor.u32 s23, v58;
	v25 =	vor.u32 v54, v3;
	v19 =	vor.u32 s22, v57;
	[tilespmem:v18+s15+$0x0] =	vst.idx.msk $0xffff, v56  }
0x4e2: {  	v26 =	vor.u32 s25, v45;
	v21 =	vor.u32 v41, v1;
	v30 =	vld.idx.msk [tilespmem:v22+s11+$0x0], $0xffff;
	[tilespmem:v61+s15+$0x0] =	vst.idx.msk $0xffff, v11;
	v11 =	vor.u32 s22, v12;
	s22 =	smov.u32 s23  }
0x4e3: {  	s29 =	sadd.s32 $0x20, s29;
	v28 =	vor.u32 v48, v6;
	v20 =	vld.idx.msk [tilespmem:v33+s11+$0x0], $0xffff;
	v16 =	vor.u32 s21, v12;
	s23 =	smov.u32 s25;
	[tilespmem:v62+s15+$0x0] =	vst.idx.msk $0xffff, v60;
	v18 =	vor.u32 s22, v43  }
0x4e4: {  	v37 =	vmovc v38;
	s25 =	smov.u32 s0;
	s21 =	smov.u32 s24;
	s24 =	smov.u32 s31;
	v22 =	vld.idx.msk [tilespmem:v63+s11+$0x0], $0xffff;
	v29 =	vor.u32 s0, v17;
	v31 =	vor.u32 s26, v17;
	v17 =	vor.u32 v35, v1  }
0x4e5: {  	_ =	sdelay $0x3  }
0x4e6: {  	[tilespmem:v29+s15+$0x0] =	vst.idx.msk $0xffff, v27  }
0x4e7: {  	[tilespmem:v31+s15+$0x0] =	vst.idx.msk $0xffff, v30  }
0x4e8: {  	v4 =	vld [tilespmem:$0x1FEA0];
	_ =	sdelay $0x4  }
0x4e9: {  	v9 =	vld.idx.msk [tilespmem:v9+s11+$0x0], $0xffff;
	v12 =	vor.u32 s26, v4  }
0x4ea: {  	v28 =	vld.idx.msk [tilespmem:v28+s11+$0x0], $0xffff;
	v27 =	vor.u32 s25, v4  }
0x4eb: {  	v4 =	vld [tilespmem:$0x1FEB0];
	_ =	sdelay $0x2  }
0x4ec: {  	[tilespmem:v12+s15+$0x0] =	vst.idx.msk $0xffff, v9  }
0x4ed: {  	[tilespmem:v27+s15+$0x0] =	vst.idx.msk $0xffff, v28  }
0x4ee: {  	v29 =	vor.u32 v4, v5;
	v49 =	vld [tilespmem:$0x1FE80];
	_ =	sdelay $0x4  }
0x4ef: {  	v30 =	vor.u32 v4, v6;
	v9 =	vld.idx.msk [tilespmem:v29+s11+$0x0], $0xffff;
	v12 =	vor.u32 s26, v49  }
0x4f0: {  	v4 =	vld [tilespmem:$0x1FE10];
	_ =	sdelay $0x3  }
0x4f1: {  	v28 =	vld.idx.msk [tilespmem:v30+s11+$0x0], $0xffff;
	[tilespmem:v12+s15+$0x0] =	vst.idx.msk $0xffff, v9  }
0x4f2: {  	v27 =	vor.u32 v4, v5;
	v29 =	vor.u32 s25, v49;
	v30 =	vor.u32 v4, v6;
	v4 =	vld [tilespmem:$0x1FE20];
	_ =	sdelay $0x4  }
0x4f3: {  	v9 =	vld.idx.msk [tilespmem:v27+s11+$0x0], $0xffff;
	[tilespmem:v29+s15+$0x0] =	vst.idx.msk $0xffff, v28;
	v12 =	vor.u32 s26, v4  }
0x4f4: {  	v31 =	vld [tilespmem:$0x1FE30];
	_ =	sdelay $0x3  }
0x4f5: {  	v28 =	vld.idx.msk [tilespmem:v30+s11+$0x0], $0xffff;
	[tilespmem:v12+s15+$0x0] =	vst.idx.msk $0xffff, v9  }
0x4f6: {  	v29 =	vor.u32 s25, v4;
	v27 =	vor.u32 v31, v5;
	v55 =	vld [tilespmem:$0x1FE90];
	_ =	sdelay $0x4  }
0x4f7: {  	v30 =	vor.u32 v31, v6;
	v9 =	vld.idx.msk [tilespmem:v27+s11+$0x0], $0xffff;
	[tilespmem:v29+s15+$0x0] =	vst.idx.msk $0xffff, v28;
	v12 =	vor.u32 s26, v55  }
0x4f8: {  	v4 =	vld [tilespmem:$0x1FD90];
	_ =	sdelay $0x3  }
0x4f9: {  	v28 =	vld.idx.msk [tilespmem:v30+s11+$0x0], $0xffff;
	[tilespmem:v12+s15+$0x0] =	vst.idx.msk $0xffff, v9  }
0x4fa: {  	v27 =	vor.u32 v4, v5;
	v30 =	vor.u32 v4, v6;
	v4 =	vld [tilespmem:$0x1FDA0]  }
0x4fb: {  	v29 =	vor.u32 s25, v55;
	_ =	sdelay $0x3  }
0x4fc: {  	v9 =	vld.idx.msk [tilespmem:v27+s11+$0x0], $0xffff;
	v12 =	vor.u32 s26, v4  }
0x4fd: {  	[tilespmem:v29+s15+$0x0] =	vst.idx.msk $0xffff, v28  }
0x4fe: {  	v31 =	vld [tilespmem:$0x1FDB0];
	_ =	sdelay $0x2  }
0x4ff: {  	v28 =	vld.idx.msk [tilespmem:v30+s11+$0x0], $0xffff;
	[tilespmem:v12+s15+$0x0] =	vst.idx.msk $0xffff, v9  }
0x500: {  	v29 =	vor.u32 s25, v4;
	v4 =	vld [tilespmem:$0x1FD80]  }
0x501: {  	v27 =	vor.u32 v31, v5;
	v30 =	vor.u32 v31, v6;
	v31 =	vld [tilespmem:$0x1FDC0];
	_ =	sdelay $0x4  }
0x502: {  	v12 =	vld.idx.msk [tilespmem:v27+s11+$0x0], $0xffff;
	[tilespmem:v29+s15+$0x0] =	vst.idx.msk $0xffff, v28;
	v9 =	vor.u32 v4, v2;
	v27 =	vor.u32 s26, v31  }
0x503: {  	[tilespmem:v26+s15+$0x0] =	vst.idx.msk $0xffff, v24;
	v29 =	vld.idx.msk [tilespmem:v30+s11+$0x0], $0xffff;
	v30 =	vor.u32 s25, v31  }
0x504: {  	v28 =	vor.u32 v4, v5;
	v31 =	vor.u32 v4, v6;
	v4 =	vld [tilespmem:$0x1FD50];
	_ =	sdelay $0x2  }
0x505: {  	v9 =	vld.idx.msk [tilespmem:v9+s11+$0x0], $0xffff;
	[tilespmem:v27+s15+$0x0] =	vst.idx.msk $0xffff, v12  }
0x506: {  	v32 =	vld [tilespmem:$0x1FD30];
	[tilespmem:v30+s15+$0x0] =	vst.idx.msk $0xffff, v29  }
0x507: {  	v57 =	vor.u32 s23, v4;
	v50 =	vld [tilespmem:$0x1FCF0];
	_ =	sdelay $0x2  }
0x508: {  	v27 =	vor.u32 s26, v4;
	v58 =	vld.idx.msk [tilespmem:v28+s11+$0x0], $0xffff  }
0x509: {  	v30 =	vor.u32 s25, v4;
	v29 =	vld.idx.msk [tilespmem:v31+s11+$0x0], $0xffff  }
0x50a: {  	v25 =	vld.idx.msk [tilespmem:v25+s11+$0x0], $0xffff;
	[tilespmem:v57+s15+$0x0] =	vst.idx.msk $0xffff, v9;
	v12 =	vor.u32 v32, v2;
	v59 =	vor.u32 s24, v50  }
0x50b: {  	v51 =	vld [tilespmem:$0x1FD00];
	_ =	sdelay $0x1  }
0x50c: {  	[tilespmem:v27+s15+$0x0] =	vst.idx.msk $0xffff, v58  }
0x50d: {  	v28 =	vor.u32 v32, v5;
	[tilespmem:v30+s15+$0x0] =	vst.idx.msk $0xffff, v29  }
0x50e: {  	v31 =	vor.u32 v32, v6;
	v12 =	vld.idx.msk [tilespmem:v12+s11+$0x0], $0xffff;
	[tilespmem:v59+s15+$0x0] =	vst.idx.msk $0xffff, v25  }
0x50f: {  	v60 =	vor.u32 s23, v50;
	v9 =	vor.u32 v51, v3;
	v52 =	vld [tilespmem:$0x1FD20];
	_ =	sdelay $0x2  }
0x510: {  	v27 =	vld.idx.msk [tilespmem:v28+s11+$0x0], $0xffff;
	v28 =	vor.u32 s26, v50  }
0x511: {  	v30 =	vld.idx.msk [tilespmem:v31+s11+$0x0], $0xffff;
	v31 =	vor.u32 s25, v50  }
0x512: {  	v61 =	vor.u32 v51, v2;
	v9 =	vld.idx.msk [tilespmem:v9+s11+$0x0], $0xffff;
	[tilespmem:v60+s15+$0x0] =	vst.idx.msk $0xffff, v12;
	v62 =	vor.u32 s24, v52  }
0x513: {  	v38 =	vld [tilespmem:$0x1FD60];
	_ =	sdelay $0x1  }
0x514: {  	[tilespmem:v28+s15+$0x0] =	vst.idx.msk $0xffff, v27  }
0x515: {  	v29 =	vor.u32 v51, v5;
	[tilespmem:v31+s15+$0x0] =	vst.idx.msk $0xffff, v30  }
0x516: {  	v33 =	vor.u32 v51, v6;
	v24 =	vld.idx.msk [tilespmem:v61+s11+$0x0], $0xffff;
	[tilespmem:v62+s15+$0x0] =	vst.idx.msk $0xffff, v9  }
0x517: {  	v63 =	vor.u32 s23, v52;
	v12 =	vor.u32 v38, v3;
	v43 =	vld [tilespmem:$0x1FF40];
	_ =	sdelay $0x2  }
0x518: {  	v28 =	vld.idx.msk [tilespmem:v29+s11+$0x0], $0xffff;
	v29 =	vor.u32 s26, v52  }
0x519: {  	v31 =	vld.idx.msk [tilespmem:v33+s11+$0x0], $0xffff;
	v36 =	vor.u32 s25, v52  }
0x51a: {  	v27 =	vor.u32 v38, v2;
	[tilespmem:v63+s15+$0x0] =	vst.idx.msk $0xffff, v24;
	v9 =	vld.idx.msk [tilespmem:v12+s11+$0x0], $0xffff;
	v12 =	vor.u32 s24, v43  }
0x51b: {  	v34 =	vld [tilespmem:$0x1FD40];
	_ =	sdelay $0x1  }
0x51c: {  	[tilespmem:v29+s15+$0x0] =	vst.idx.msk $0xffff, v28  }
0x51d: {  	v30 =	vor.u32 v38, v5;
	[tilespmem:v36+s15+$0x0] =	vst.idx.msk $0xffff, v31  }
0x51e: {  	v45 =	vor.u32 v38, v6;
	v47 =	vld.idx.msk [tilespmem:v27+s11+$0x0], $0xffff;
	[tilespmem:v12+s15+$0x0] =	vst.idx.msk $0xffff, v9  }
0x51f: {  	v48 =	vor.u32 s23, v43;
	v46 =	vor.u32 v34, v3;
	v54 =	vld [tilespmem:$0x1FF70];
	_ =	sdelay $0x2  }
0x520: {  	v28 =	vld.idx.msk [tilespmem:v30+s11+$0x0], $0xffff;
	v29 =	vor.u32 s26, v43  }
0x521: {  	v31 =	vld.idx.msk [tilespmem:v45+s11+$0x0], $0xffff;
	v57 =	vor.u32 s25, v43  }
0x522: {  	v27 =	vor.u32 v34, v2;
	v9 =	vld.idx.msk [tilespmem:v46+s11+$0x0], $0xffff;
	[tilespmem:v48+s15+$0x0] =	vst.idx.msk $0xffff, v47;
	v12 =	vor.u32 s24, v54  }
0x523: {  	v4 =	vld [tilespmem:$0x1FCE0];
	_ =	sdelay $0x1  }
0x524: {  	[tilespmem:v29+s15+$0x0] =	vst.idx.msk $0xffff, v28  }
0x525: {  	v30 =	vor.u32 v34, v5;
	[tilespmem:v57+s15+$0x0] =	vst.idx.msk $0xffff, v31  }
0x526: {  	v58 =	vor.u32 v34, v6;
	v25 =	vld.idx.msk [tilespmem:v27+s11+$0x0], $0xffff;
	[tilespmem:v12+s15+$0x0] =	vst.idx.msk $0xffff, v9  }
0x527: {  	v60 =	vor.u32 s23, v54;
	v59 =	vor.u32 v4, v3;
	v41 =	vld [tilespmem:$0x1FF50];
	_ =	sdelay $0x2  }
0x528: {  	v28 =	vld.idx.msk [tilespmem:v30+s11+$0x0], $0xffff;
	v29 =	vor.u32 s26, v54  }
0x529: {  	v31 =	vld.idx.msk [tilespmem:v58+s11+$0x0], $0xffff;
	v61 =	vor.u32 s25, v54  }
0x52a: {  	v27 =	vor.u32 v4, v2;
	v9 =	vld.idx.msk [tilespmem:v59+s11+$0x0], $0xffff;
	[tilespmem:v60+s15+$0x0] =	vst.idx.msk $0xffff, v25;
	v12 =	vor.u32 s24, v41  }
0x52b: {  	v45 =	vld [tilespmem:$0x1FDD0];
	_ =	sdelay $0x1  }
0x52c: {  	[tilespmem:v29+s15+$0x0] =	vst.idx.msk $0xffff, v28  }
0x52d: {  	v30 =	vor.u32 v4, v5;
	[tilespmem:v61+s15+$0x0] =	vst.idx.msk $0xffff, v31  }
0x52e: {  	v62 =	vor.u32 v4, v6;
	v25 =	vld.idx.msk [tilespmem:v27+s11+$0x0], $0xffff;
	[tilespmem:v12+s15+$0x0] =	vst.idx.msk $0xffff, v9  }
0x52f: {  	v36 =	vor.u32 s23, v41;
	v63 =	vor.u32 v45, v3;
	v44 =	vld [tilespmem:$0x1FF60]  }
0x530: {  	v27 =	vor.u32 v45, v2;
	_ =	sdelay $0x1  }
0x531: {  	v28 =	vld.idx.msk [tilespmem:v30+s11+$0x0], $0xffff;
	v29 =	vor.u32 s26, v41  }
0x532: {  	v31 =	vld.idx.msk [tilespmem:v62+s11+$0x0], $0xffff;
	v41 =	vor.u32 s25, v41  }
0x533: {  	v9 =	vld.idx.msk [tilespmem:v63+s11+$0x0], $0xffff;
	[tilespmem:v36+s15+$0x0] =	vst.idx.msk $0xffff, v25;
	v12 =	vor.u32 s24, v44  }
0x534: {  	v25 =	vld.idx.msk [tilespmem:v27+s11+$0x0], $0xffff;
	v54 =	vor.u32 s23, v44  }
0x535: {  	v56 =	vld [tilespmem:$0x1FE70]  }
0x536: {  	v30 =	vor.u32 v45, v5;
	[tilespmem:v29+s15+$0x0] =	vst.idx.msk $0xffff, v28  }
0x537: {  	v48 =	vor.u32 v45, v6;
	[tilespmem:v41+s15+$0x0] =	vst.idx.msk $0xffff, v31  }
0x538: {  	[tilespmem:v12+s15+$0x0] =	vst.idx.msk $0xffff, v9  }
0x539: {  	[tilespmem:v54+s15+$0x0] =	vst.idx.msk $0xffff, v25  }
0x53a: {  	v53 =	vor.u32 v56, v3;
	v47 =	vld [tilespmem:$0x1FF30]  }
0x53b: {  	v28 =	vld.idx.msk [tilespmem:v30+s11+$0x0], $0xffff;
	v29 =	vor.u32 s26, v44;
	v27 =	vor.u32 v56, v2  }
0x53c: {  	v31 =	vld.idx.msk [tilespmem:v48+s11+$0x0], $0xffff;
	v57 =	vor.u32 s25, v44;
	_ =	sdelay $0x2  }
0x53d: {  	v9 =	vld.idx.msk [tilespmem:v53+s11+$0x0], $0xffff;
	v12 =	vor.u32 s24, v47  }
0x53e: {  	[tilespmem:v29+s15+$0x0] =	vst.idx.msk $0xffff, v28;
	v25 =	vld.idx.msk [tilespmem:v27+s11+$0x0], $0xffff;
	v60 =	vor.u32 s23, v47  }
0x53f: {  	v53 =	vld [tilespmem:$0x1FD70];
	[tilespmem:v57+s15+$0x0] =	vst.idx.msk $0xffff, v31  }
0x540: {  	v30 =	vor.u32 v56, v5;
	[tilespmem:v23+s15+$0x0] =	vst.idx.msk $0xffff, v14  }
0x541: {  	v58 =	vor.u32 v56, v6;
	[tilespmem:v19+s15+$0x0] =	vst.idx.msk $0xffff, v20  }
0x542: {  	[tilespmem:v12+s15+$0x0] =	vst.idx.msk $0xffff, v9  }
0x543: {  	[tilespmem:v60+s15+$0x0] =	vst.idx.msk $0xffff, v25  }
0x544: {  	v59 =	vor.u32 v53, v3;
	v48 =	vld [tilespmem:$0x1FF10]  }
0x545: {  	v28 =	vld.idx.msk [tilespmem:v30+s11+$0x0], $0xffff;
	v29 =	vor.u32 s26, v47  }
0x546: {  	v23 =	vld.idx.msk [tilespmem:v58+s11+$0x0], $0xffff;
	v30 =	vor.u32 s25, v47;
	_ =	sdelay $0x1  }
0x547: {  	v9 =	vld.idx.msk [tilespmem:v21+s11+$0x0], $0xffff  }
0x548: {  	v27 =	vor.u32 v53, v2;
	v12 =	vld.idx.msk [tilespmem:v59+s11+$0x0], $0xffff;
	v20 =	vor.u32 s24, v48  }
0x549: {  	[tilespmem:v29+s15+$0x0] =	vst.idx.msk $0xffff, v28  }
0x54a: {  	[tilespmem:v30+s15+$0x0] =	vst.idx.msk $0xffff, v23  }
0x54b: {  	v14 =	vor.u32 v53, v5;
	[tilespmem:v10+s15+$0x0] =	vst.idx.msk $0xffff, v22  }
0x54c: {  	v19 =	vor.u32 v53, v6;
	[tilespmem:v18+s15+$0x0] =	vst.idx.msk $0xffff, v9  }
0x54d: {  	v25 =	vld.idx.msk [tilespmem:v27+s11+$0x0], $0xffff;
	[tilespmem:v20+s15+$0x0] =	vst.idx.msk $0xffff, v12  }
0x54e: {  	v27 =	vld [tilespmem:$0x1FC40]  }
0x54f: {  	v21 =	vor.u32 v35, v3;
	v61 =	vor.u32 s23, v48  }
0x550: {  	v14 =	vld.idx.msk [tilespmem:v14+s11+$0x0], $0xffff;
	v62 =	vor.u32 s26, v48  }
0x551: {  	v19 =	vld.idx.msk [tilespmem:v19+s11+$0x0], $0xffff;
	v22 =	vor.u32 s25, v48  }
0x552: {  	v9 =	vld.idx.msk [tilespmem:v15+s11+$0x0], $0xffff  }
0x553: {  	v12 =	vld.idx.msk [tilespmem:v17+s11+$0x0], $0xffff;
	v17 =	vor.u32 s22, v27  }
0x554: {  	[tilespmem:v61+s15+$0x0] =	vst.idx.msk $0xffff, v25;
	v20 =	vld.idx.msk [tilespmem:v21+s11+$0x0], $0xffff;
	v21 =	vor.u32 s24, v27  }
0x555: {  	v25 =	vld [tilespmem:$0x1FE00];
	[tilespmem:v62+s15+$0x0] =	vst.idx.msk $0xffff, v14  }
0x556: {  	v23 =	vor.u32 v35, v2;
	[tilespmem:v22+s15+$0x0] =	vst.idx.msk $0xffff, v19  }
0x557: {  	v10 =	vor.u32 v35, v5;
	[tilespmem:v16+s15+$0x0] =	vst.idx.msk $0xffff, v9  }
0x558: {  	v15 =	vor.u32 v35, v6;
	[tilespmem:v17+s15+$0x0] =	vst.idx.msk $0xffff, v12  }
0x559: {  	v63 =	vor.u32 s23, v27;
	[tilespmem:v21+s15+$0x0] =	vst.idx.msk $0xffff, v20  }
0x55a: {  	v22 =	vor.u32 s26, v27;
	v16 =	vor.u32 s25, v27;
	v18 =	vor.u32 v25, v1;
	v27 =	vld [tilespmem:$0x1FC50]  }
0x55b: {  	v23 =	vld.idx.msk [tilespmem:v23+s11+$0x0], $0xffff  }
0x55c: {  	v10 =	vld.idx.msk [tilespmem:v10+s11+$0x0], $0xffff  }
0x55d: {  	v15 =	vld.idx.msk [tilespmem:v15+s11+$0x0], $0xffff  }
0x55e: {  	v12 =	vld.idx.msk [tilespmem:v13+s11+$0x0], $0xffff  }
0x55f: {  	v18 =	vld.idx.msk [tilespmem:v18+s11+$0x0], $0xffff;
	v20 =	vor.u32 s22, v27  }
0x560: {  	v26 =	vld [tilespmem:$0x1FDE0];
	[tilespmem:v63+s15+$0x0] =	vst.idx.msk $0xffff, v23  }
0x561: {  	v14 =	vor.u32 v25, v3;
	[tilespmem:v22+s15+$0x0] =	vst.idx.msk $0xffff, v10  }
0x562: {  	v19 =	vor.u32 v25, v2;
	[tilespmem:v16+s15+$0x0] =	vst.idx.msk $0xffff, v15  }
0x563: {  	v9 =	vor.u32 v25, v5;
	[tilespmem:v11+s15+$0x0] =	vst.idx.msk $0xffff, v12  }
0x564: {  	v13 =	vor.u32 v25, v6;
	[tilespmem:v20+s15+$0x0] =	vst.idx.msk $0xffff, v18  }
0x565: {  	v17 =	vor.u32 v26, v0;
	v23 =	vld [tilespmem:$0x1FC60]  }
0x566: {  	v14 =	vld.idx.msk [tilespmem:v14+s11+$0x0], $0xffff;
	v21 =	vor.u32 v26, v1  }
0x567: {  	v19 =	vld.idx.msk [tilespmem:v19+s11+$0x0], $0xffff;
	v22 =	vor.u32 s23, v27  }
0x568: {  	v9 =	vld.idx.msk [tilespmem:v9+s11+$0x0], $0xffff  }
0x569: {  	v12 =	vld.idx.msk [tilespmem:v13+s11+$0x0], $0xffff;
	v13 =	vor.u32 s25, v27  }
0x56a: {  	v16 =	vld.idx.msk [tilespmem:v17+s11+$0x0], $0xffff;
	v17 =	vor.u32 s21, v23  }
0x56b: {  	[tilespmem:v7+s15+$0x0] =	vst.idx.msk $0xffff, v14;
	v14 =	vld.idx.msk [tilespmem:v21+s11+$0x0], $0xffff;
	v20 =	vor.u32 s22, v23  }
0x56c: {  	v24 =	vld [tilespmem:$0x1FDF0];
	[tilespmem:v22+s15+$0x0] =	vst.idx.msk $0xffff, v19  }
0x56d: {  	v10 =	vor.u32 v26, v3;
	[tilespmem:v8+s15+$0x0] =	vst.idx.msk $0xffff, v9  }
0x56e: {  	v15 =	vor.u32 v26, v2;
	[tilespmem:v13+s15+$0x0] =	vst.idx.msk $0xffff, v12  }
0x56f: {  	v11 =	vor.u32 v26, v5;
	[tilespmem:v17+s15+$0x0] =	vst.idx.msk $0xffff, v16  }
0x570: {  	v18 =	vor.u32 v26, v6;
	[tilespmem:v20+s15+$0x0] =	vst.idx.msk $0xffff, v14  }
0x571: {  	v7 =	vor.u32 v24, v0;
	v22 =	vld [tilespmem:$0x1FC70]  }
0x572: {  	v10 =	vld.idx.msk [tilespmem:v10+s11+$0x0], $0xffff;
	v21 =	vor.u32 s24, v23;
	v19 =	vor.u32 v24, v1  }
0x573: {  	v9 =	vld.idx.msk [tilespmem:v15+s11+$0x0], $0xffff;
	v15 =	vor.u32 s23, v23  }
0x574: {  	v11 =	vld.idx.msk [tilespmem:v11+s11+$0x0], $0xffff;
	v13 =	vor.u32 s26, v23  }
0x575: {  	v17 =	vld.idx.msk [tilespmem:v18+s11+$0x0], $0xffff;
	v18 =	vor.u32 s25, v23  }
0x576: {  	v7 =	vld.idx.msk [tilespmem:v7+s11+$0x0], $0xffff;
	v14 =	vor.u32 s21, v22  }
0x577: {  	v20 =	vor.u32 v24, v6;
	[tilespmem:v21+s15+$0x0] =	vst.idx.msk $0xffff, v10;
	v19 =	vld.idx.msk [tilespmem:v19+s11+$0x0], $0xffff;
	v21 =	vor.u32 s22, v22  }
0x578: {  	v27 =	vld [tilespmem:$0x1FD10];
	[tilespmem:v15+s15+$0x0] =	vst.idx.msk $0xffff, v9  }
0x579: {  	v8 =	vor.u32 v24, v3;
	[tilespmem:v13+s15+$0x0] =	vst.idx.msk $0xffff, v11  }
0x57a: {  	v12 =	vor.u32 v24, v2;
	[tilespmem:v18+s15+$0x0] =	vst.idx.msk $0xffff, v17  }
0x57b: {  	v16 =	vor.u32 v24, v5;
	[tilespmem:v14+s15+$0x0] =	vst.idx.msk $0xffff, v7  }
0x57c: {  	v15 =	vor.u32 s24, v22;
	v13 =	vor.u32 s23, v22;
	v14 =	vld.idx.msk [tilespmem:v20+s11+$0x0], $0xffff;
	[tilespmem:v21+s15+$0x0] =	vst.idx.msk $0xffff, v19  }
0x57d: {  	v18 =	vor.u32 s26, v22;
	v10 =	vor.u32 v27, v0;
	v20 =	vor.u32 s25, v22;
	v22 =	vld [tilespmem:$0x1FC80]  }
0x57e: {  	v8 =	vld.idx.msk [tilespmem:v8+s11+$0x0], $0xffff;
	v9 =	vor.u32 v27, v1  }
0x57f: {  	v12 =	vld.idx.msk [tilespmem:v12+s11+$0x0], $0xffff  }
0x580: {  	v16 =	vld.idx.msk [tilespmem:v16+s11+$0x0], $0xffff;
	_ =	sdelay $0x1  }
0x581: {  	v10 =	vld.idx.msk [tilespmem:v10+s11+$0x0], $0xffff;
	v19 =	vor.u32 s21, v22  }
0x582: {  	[tilespmem:v15+s15+$0x0] =	vst.idx.msk $0xffff, v8;
	v9 =	vld.idx.msk [tilespmem:v9+s11+$0x0], $0xffff;
	v15 =	vor.u32 s22, v22  }
0x583: {  	[tilespmem:v13+s15+$0x0] =	vst.idx.msk $0xffff, v12  }
0x584: {  	v11 =	vor.u32 v27, v3;
	[tilespmem:v18+s15+$0x0] =	vst.idx.msk $0xffff, v16  }
0x585: {  	v17 =	vor.u32 v27, v2;
	[tilespmem:v20+s15+$0x0] =	vst.idx.msk $0xffff, v14  }
0x586: {  	v7 =	vor.u32 v27, v5;
	[tilespmem:v19+s15+$0x0] =	vst.idx.msk $0xffff, v10  }
0x587: {  	v21 =	vor.u32 v27, v6;
	[tilespmem:v15+s15+$0x0] =	vst.idx.msk $0xffff, v9  }
0x588: {  	v8 =	vor.u32 v37, v0;
	v23 =	vld [tilespmem:$0x1FE50]  }
0x589: {  	v12 =	vor.u32 v37, v1;
	v11 =	vld.idx.msk [tilespmem:v11+s11+$0x0], $0xffff;
	v13 =	vor.u32 s24, v22  }
0x58a: {  	v17 =	vld.idx.msk [tilespmem:v17+s11+$0x0], $0xffff;
	v18 =	vor.u32 s23, v22  }
0x58b: {  	v7 =	vld.idx.msk [tilespmem:v7+s11+$0x0], $0xffff;
	v20 =	vor.u32 s26, v22  }
0x58c: {  	v21 =	vld.idx.msk [tilespmem:v21+s11+$0x0], $0xffff;
	v19 =	vor.u32 s25, v22  }
0x58d: {  	v8 =	vld.idx.msk [tilespmem:v8+s11+$0x0], $0xffff;
	v9 =	vor.u32 s21, v23  }
0x58e: {  	[tilespmem:v13+s15+$0x0] =	vst.idx.msk $0xffff, v11;
	v12 =	vld.idx.msk [tilespmem:v12+s11+$0x0], $0xffff;
	v13 =	vor.u32 s22, v23  }
0x58f: {  	[tilespmem:v18+s15+$0x0] =	vst.idx.msk $0xffff, v17  }
0x590: {  	v16 =	vor.u32 v37, v3;
	[tilespmem:v20+s15+$0x0] =	vst.idx.msk $0xffff, v7  }
0x591: {  	v14 =	vor.u32 v37, v2;
	[tilespmem:v19+s15+$0x0] =	vst.idx.msk $0xffff, v21  }
0x592: {  	v10 =	vor.u32 v37, v5;
	[tilespmem:v9+s15+$0x0] =	vst.idx.msk $0xffff, v8  }
0x593: {  	v15 =	vor.u32 v37, v6;
	[tilespmem:v13+s15+$0x0] =	vst.idx.msk $0xffff, v12  }
0x594: {  	v11 =	vor.u32 v39, v0;
	v22 =	vld [tilespmem:$0x1FE40]  }
0x595: {  	v17 =	vor.u32 v39, v1;
	v16 =	vld.idx.msk [tilespmem:v16+s11+$0x0], $0xffff;
	v18 =	vor.u32 s24, v23  }
0x596: {  	v14 =	vld.idx.msk [tilespmem:v14+s11+$0x0], $0xffff;
	v20 =	vor.u32 s23, v23  }
0x597: {  	v10 =	vld.idx.msk [tilespmem:v10+s11+$0x0], $0xffff;
	v21 =	vor.u32 s26, v23  }
0x598: {  	v15 =	vld.idx.msk [tilespmem:v15+s11+$0x0], $0xffff;
	v9 =	vor.u32 s25, v23  }
0x599: {  	v11 =	vld.idx.msk [tilespmem:v11+s11+$0x0], $0xffff;
	v12 =	vor.u32 s21, v22  }
0x59a: {  	v7 =	vor.u32 v39, v3;
	[tilespmem:v18+s15+$0x0] =	vst.idx.msk $0xffff, v16;
	v17 =	vld.idx.msk [tilespmem:v17+s11+$0x0], $0xffff;
	v18 =	vor.u32 s22, v22  }
0x59b: {  	[tilespmem:v20+s15+$0x0] =	vst.idx.msk $0xffff, v14  }
0x59c: {  	[tilespmem:v21+s15+$0x0] =	vst.idx.msk $0xffff, v10  }
0x59d: {  	v19 =	vor.u32 v39, v2;
	[tilespmem:v9+s15+$0x0] =	vst.idx.msk $0xffff, v15  }
0x59e: {  	v8 =	vor.u32 v39, v5;
	[tilespmem:v12+s15+$0x0] =	vst.idx.msk $0xffff, v11  }
0x59f: {  	v13 =	vor.u32 v39, v6;
	v7 =	vld.idx.msk [tilespmem:v7+s11+$0x0], $0xffff;
	[tilespmem:v18+s15+$0x0] =	vst.idx.msk $0xffff, v17  }
0x5a0: {  	v16 =	vor.u32 v40, v0;
	v20 =	vor.u32 s24, v22;
	v28 =	vld [tilespmem:$0x1FE60];
	_ =	sdelay $0x1  }
0x5a1: {  	v19 =	vld.idx.msk [tilespmem:v19+s11+$0x0], $0xffff;
	v21 =	vor.u32 s23, v22  }
0x5a2: {  	v8 =	vld.idx.msk [tilespmem:v8+s11+$0x0], $0xffff;
	v15 =	vor.u32 s26, v22  }
0x5a3: {  	v13 =	vld.idx.msk [tilespmem:v13+s11+$0x0], $0xffff;
	v12 =	vor.u32 s25, v22  }
0x5a4: {  	v14 =	vor.u32 v40, v1;
	v16 =	vld.idx.msk [tilespmem:v16+s11+$0x0], $0xffff;
	[tilespmem:v20+s15+$0x0] =	vst.idx.msk $0xffff, v7;
	v17 =	vor.u32 s21, v28  }
0x5a5: {  	v20 =	vld [tilespmem:$0x1FC30]  }
0x5a6: {  	v10 =	vor.u32 v40, v3;
	[tilespmem:v21+s15+$0x0] =	vst.idx.msk $0xffff, v19  }
0x5a7: {  	v9 =	vor.u32 v40, v2;
	[tilespmem:v15+s15+$0x0] =	vst.idx.msk $0xffff, v8  }
0x5a8: {  	v11 =	vor.u32 v40, v5;
	[tilespmem:v12+s15+$0x0] =	vst.idx.msk $0xffff, v13  }
0x5a9: {  	v18 =	vor.u32 v40, v6;
	v14 =	vld.idx.msk [tilespmem:v14+s11+$0x0], $0xffff;
	[tilespmem:v17+s15+$0x0] =	vst.idx.msk $0xffff, v16  }
0x5aa: {  	v7 =	vor.u32 s22, v28;
	v0 =	vor.u32 v20, v0;
	v33 =	vld [tilespmem:$0x1FF80]  }
0x5ab: {  	v10 =	vld.idx.msk [tilespmem:v10+s11+$0x0], $0xffff;
	v19 =	vor.u32 s24, v28;
	v1 =	vor.u32 v20, v1  }
0x5ac: {  	v9 =	vld.idx.msk [tilespmem:v9+s11+$0x0], $0xffff;
	v8 =	vor.u32 s23, v28;
	v3 =	vor.u32 v20, v3  }
0x5ad: {  	v11 =	vld.idx.msk [tilespmem:v11+s11+$0x0], $0xffff;
	v12 =	vor.u32 s26, v28;
	v2 =	vor.u32 v20, v2  }
0x5ae: {  	v13 =	vor.u32 s25, v28;
	v15 =	vld.idx.msk [tilespmem:v18+s11+$0x0], $0xffff;
	v5 =	vor.u32 v20, v5  }
0x5af: {  	v6 =	vor.u32 v20, v6;
	[tilespmem:v7+s15+$0x0] =	vst.idx.msk $0xffff, v14;
	v0 =	vld.idx.msk [tilespmem:v0+s11+$0x0], $0xffff;
	v16 =	vor.u32 s21, v33  }
0x5b0: {  	[tilespmem:v19+s15+$0x0] =	vst.idx.msk $0xffff, v10;
	v1 =	vld.idx.msk [tilespmem:v1+s11+$0x0], $0xffff;
	v7 =	vor.u32 s22, v33  }
0x5b1: {  	[tilespmem:v8+s15+$0x0] =	vst.idx.msk $0xffff, v9;
	v3 =	vld.idx.msk [tilespmem:v3+s11+$0x0], $0xffff;
	v10 =	vor.u32 s24, v33  }
0x5b2: {  	[tilespmem:v12+s15+$0x0] =	vst.idx.msk $0xffff, v11;
	v2 =	vld.idx.msk [tilespmem:v2+s11+$0x0], $0xffff;
	v8 =	vor.u32 s23, v33  }
0x5b3: {  	[tilespmem:v13+s15+$0x0] =	vst.idx.msk $0xffff, v15;
	v5 =	vld.idx.msk [tilespmem:v5+s11+$0x0], $0xffff;
	v9 =	vor.u32 s26, v33  }
0x5b4: {  	v6 =	vld.idx.msk [tilespmem:v6+s11+$0x0], $0xffff;
	[tilespmem:v16+s15+$0x0] =	vst.idx.msk $0xffff, v0;
	v0 =	vor.u32 s25, v33  }
0x5b5: {  	[tilespmem:v7+s15+$0x0] =	vst.idx.msk $0xffff, v1  }
0x5b6: {  	[tilespmem:v10+s15+$0x0] =	vst.idx.msk $0xffff, v3  }
0x5b7: {  	[tilespmem:v8+s15+$0x0] =	vst.idx.msk $0xffff, v2  }
0x5b8: {  	[tilespmem:v9+s15+$0x0] =	vst.idx.msk $0xffff, v5  }
0x5b9: {  	[tilespmem:v0+s15+$0x0] =	vst.idx.msk $0xffff, v6  }
0x5ba: {  	s0 =	rddreg [dreg:$0x15]  }
0x5bb: {  	s26 =	rddreg [dreg:$0x16];
	s0 =	sadd.s32 s19, s0  }
0x5bc: {  	[hbm4b:s0+s2] =	stream.linear.scatter [tilespmem:s15], [sflag:$0x4], $0x400, $0x38;
	[tilespmem:$0x16400] =	vst v63  }
0x5bd: {  	s1 =	simm.s32 $0x12800;
	s28 =	rddreg [dreg:$0x17];
	s0 =	sadd.s32 s19, s26  }
0x5be: {  	[hbm4b:s0+s2] =	stream.linear.scatter [tilespmem:s1], [sflag:$0x4], $0x400, $0x38;
	[tilespmem:$0x16400] =	vst v63  }
0x5bf: {  	s29 =	simm.s32 $0x12C00;
	s30 =	rddreg [dreg:$0x18];
	s0 =	sadd.s32 s19, s28  }
0x5c0: {  	[hbm4b:s0+s2] =	stream.linear.scatter [tilespmem:s29], [sflag:$0x4], $0x400, $0x38;
	[tilespmem:$0x16400] =	vst v63  }
0x5c1: {  	s31 =	simm.s32 $0x13000;
	s21 =	rddreg [dreg:$0x19];
	s0 =	sadd.s32 s19, s30  }
0x5c2: {  	[hbm4b:s0+s2] =	stream.linear.scatter [tilespmem:s31], [sflag:$0x4], $0x400, $0x38;
	[tilespmem:$0x16400] =	vst v63  }
0x5c3: {  	s22 =	simm.s32 $0x13400;
	s23 =	rddreg [dreg:$0x1a];
	s0 =	sadd.s32 s19, s21  }
0x5c4: {  	[hbm4b:s0+s2] =	stream.linear.scatter [tilespmem:s22], [sflag:$0x4], $0x400, $0x38;
	[tilespmem:$0x16400] =	vst v63  }
0x5c5: {  	s24 =	simm.s32 $0x13800;
	s25 =	rddreg [dreg:$0x1b];
	s0 =	sadd.s32 s19, s23  }
0x5c6: {  	[hbm4b:s0+s2] =	stream.linear.scatter [tilespmem:s24], [sflag:$0x4], $0x400, $0x38;
	[tilespmem:$0x16400] =	vst v63  }
0x5c7: {  	s26 =	simm.s32 $0x13C00;
	s28 =	rddreg [dreg:$0x1c];
	s0 =	sadd.s32 s19, s25  }
0x5c8: {  	[hbm4b:s0+s2] =	stream.linear.scatter [tilespmem:s26], [sflag:$0x4], $0x400, $0x38;
	[tilespmem:$0x16400] =	vst v63  }
0x5c9: {  	s29 =	simm.s32 $0x14000;
	s30 =	rddreg [dreg:$0x1d];
	s0 =	sadd.s32 s19, s28  }
0x5ca: {  	[hbm4b:s0+s2] =	stream.linear.scatter [tilespmem:s29], [sflag:$0x4], $0x400, $0x38;
	[tilespmem:$0x16400] =	vst v63  }
0x5cb: {  	s1 =	rddreg [dreg:$0x1e];
	s31 =	simm.s32 $0x14400;
	s0 =	sadd.s32 s19, s30  }
0x5cc: {  	[hbm4b:s0+s2] =	stream.linear.scatter [tilespmem:s31], [sflag:$0x4], $0x400, $0x38;
	[tilespmem:$0x16400] =	vst v63  }
0x5cd: {  	s21 =	simm.s32 $0x14800;
	s22 =	rddreg [dreg:$0x1f];
	s0 =	sadd.s32 s19, s1  }
0x5ce: {  	[hbm4b:s0+s2] =	stream.linear.scatter [tilespmem:s21], [sflag:$0x4], $0x400, $0x38;
	[tilespmem:$0x16400] =	vst v63  }
0x5cf: {  	s23 =	simm.s32 $0x14C00;
	s0 =	sadd.s32 s19, s22  }
0x5d0: {  	[hbm4b:s0+s2] =	stream.linear.scatter [tilespmem:s23], [sflag:$0x4], $0x400, $0x38;
	[tilespmem:$0x16400] =	vst v63  }
0x5d1: {  	s24 =	sadd.s32 s19, s5;
	s25 =	simm.s32 $0x15000;
	s31 =	sadd.s32 $0x3, s20  }
0x5d2: {  	[hbm4b:s24+s2] =	stream.linear.scatter [tilespmem:s25], [sflag:$0x4], $0x400, $0x38;
	[tilespmem:$0x16400] =	vst v63  }
0x5d3: {  	s26 =	sadd.s32 s19, s4;
	s28 =	simm.s32 $0x15400;
	s20 =	smulhi.u32 $0x51EB851F, s31  }
0x5d4: {  	[hbm4b:s26+s2] =	stream.linear.scatter [tilespmem:s28], [sflag:$0x4], $0x400, $0x38;
	[tilespmem:$0x16400] =	vst v63  }
0x5d5: {  	s29 =	sadd.s32 s19, s6;
	s30 =	simm.s32 $0x15800;
	s23 =	sshrl.u32 s20, $0x4  }
0x5d6: {  	[hbm4b:s29+s2] =	stream.linear.scatter [tilespmem:s30], [sflag:$0x4], $0x400, $0x38;
	[tilespmem:$0x16400] =	vst v63  }
0x5d7: {  	s21 =	sadd.s32 s19, s7;
	s22 =	simm.s32 $0x15C00;
	s1 =	smul.u32 $0x32, s23  }
0x5d8: {  	[hbm4b:s21+s2] =	stream.linear.scatter [tilespmem:s22], [sflag:$0x4], $0x400, $0x38;
	[tilespmem:$0x16400] =	vst v63  }
0x5d9: {  	s24 =	sadd.s32 s19, s8;
	s25 =	simm.s32 $0x16000;
	s0 =	ssub.s32 s31, s1  }
0x5da: {  	[hbm4b:s24+s2] =	stream.linear.scatter [tilespmem:s25], [sflag:$0x4], $0x400, $0x38;
	[tilespmem:$0x16400] =	vst v63  }
0x5db: {  	s0 =	sshll.u32 s0, $0x9  }
0x5dc: {  	[tilespmem:s11], [sflag:$0x2] =	stream.indirect.gather [hbm4b:s3+s9], $0x20, s0, s9, $0xb8;
	[tilespmem:$0x16400] =	vst v63  }
0x5dd: {  	s28 =	simm.s32 $0xB400;
	s26 =	sor.u32 $0x80, s0  }
0x5de: {  	[tilespmem:s28], [sflag:$0x2] =	stream.indirect.gather [hbm4b:s3+s9], $0x20, s26, s9, $0xb8;
	[tilespmem:$0x16400] =	vst v63  }
0x5df: {  	s29 =	sor.u32 $0x100, s0;
	s30 =	simm.s32 $0xC400  }
0x5e0: {  	[tilespmem:s30], [sflag:$0x2] =	stream.indirect.gather [hbm4b:s3+s9], $0x20, s29, s9, $0xb8;
	[tilespmem:$0x16400] =	vst v63  }
0x5e1: {  	s31 =	simm.s32 $0xD400;
	s0 =	sor.u32 $0x180, s0  }
0x5e2: {  	[tilespmem:s31], [sflag:$0x2] =	stream.indirect.gather [hbm4b:s3+s9], $0x20, s0, s9, $0xb8;
	[tilespmem:$0x16400] =	vst v63  }
0x5e3: {  	_ =	swait.ge [sflag:s16], $0x4000  }
0x5e4: {  	[sflag:s16] =	ssyncset.done $0x0  }
0x5e5: {  	[sflag:s16] =	ssyncadd.s32 $0xFFFFC000  }
0x5e6: {  	_ =	swait.ge [sflag:s17], $0x4000  }
0x5e7: {  	v31 =	vld [tilespmem:$0x1FF20]  }
0x5e8: {  	v32 =	vmov v42;
	v42 =	vld [tilespmem:$0x1FFF0]  }
0x5e9: {  	v58 =	vld [tilespmem:$0x1FFD0]  }
0x5ea: {  	v59 =	vld [tilespmem:$0x1FFE0]  }
0x5eb: {  	v60 =	vld [tilespmem:$0x1FFC0]  }
0x5ec: {  	v61 =	vld [tilespmem:$0x1FFB0]  }
0x5ed: {  	v62 =	vld [tilespmem:$0x1FFA0]  }
0x5ee: {  	v63 =	vld [tilespmem:$0x1FF90]  }
0x5ef: {  	v21 =	vld [tilespmem:$0x1FEF0]  }
0x5f0: {  	v46 =	vld [tilespmem:$0x1FF00]  }
0x5f1: {  	v29 =	vld [tilespmem:$0x1FED0]  }
0x5f2: {  	v36 =	vmov v40;
	v40 =	vld [tilespmem:$0x1FEC0]  }
0x5f3: {  	v28 =	vld [tilespmem:$0x1FEA0]  }
0x5f4: {  	v1 =	vld [tilespmem:$0x1FEB0]  }
0x5f5: {  	v5 =	vld [tilespmem:$0x1FE10]  }
0x5f6: {  	v3 =	vld [tilespmem:$0x1FE20]  }
0x5f7: {  	v2 =	vld [tilespmem:$0x1FE30]  }
0x5f8: {  	s18 =	sadd.s32 $0x1, s18;
	v15 =	vld [tilespmem:$0x1FD90]  }
0x5f9: {  	p0 =	sne.s32 s18, $0x19;
	v16 =	vld [tilespmem:$0x1FDA0]  }
.Ltmp2:
0x5fa: {  	v17 =	vld [tilespmem:$0x1FDB0];
	(pc) =	sbr.rel @p0 .LBB2_2-.Ltmp2, $4  }
0x5fb: {  	v18 =	vld [tilespmem:$0x1FDC0]  }
0x5fc: {  	v13 =	vld [tilespmem:$0x1FD80]  }
0x5fd: {  	v35 =	vmovc v39;
	v39 =	vlaneseq.u32;
	v20 =	vmovc v52;
	v11 =	vmov v50;
	v7 =	vmov v49;
	[sflag:s17] =	ssyncset.done $0x0;
	v9 =	vld [tilespmem:$0x1FD50]  }
0x5fe: {  	v19 =	vmovc v51;
	v49 =	vmovc v55;
	v10 =	vmov v38;
	v8 =	vmov v34;
	v45 =	vmov v7;
	v7 =	vld [tilespmem:$0x1FD30];
	[sflag:s17] =	ssyncadd.s32 $0xFFFFC000  }
0x5ff: {  	_ =	swait.ge [sflag:s12], $0x4000  }
0x600: {  	[sflag:s12] =	ssyncset.done $0x0  }
0x601: {  	[sflag:s12] =	ssyncadd.s32 $0xFFFFC000  }
0x602: {  	_ =	swait.ge [sflag:s14], $0x4000  }
0x603: {  	s1 =	sld [smem:$0x7FC]  }
0x604: {  	s0 =	sld [smem:$0x7FD];
	_ =	sdelay $0x1  }
0x605: {  	s1 =	sadd.s32 $0x1, s1  }
0x606: {  	p0 =	sne.s32 s1, s0  }
.Ltmp3:
0x607: {  	_ = 	snop;
	(pc) =	sbr.rel @p0 .LBB2_1-.Ltmp3, $3  }
0x608: {  	_ =	sdelay $0x1  }
0x609: {  	[sflag:s14] =	ssyncset.done $0x0  }
0x60a: {  	[sflag:s14] =	ssyncadd.s32 $0xFFFFC000  }
0x60b: {  	_ =	sfence.sel $0x180000  }
0x60c: {  	[bflag:$0x0] =	sbarrier.arrive $0xFFFF  }
0x60d: {  	_ =	strace $0x90000047  }
0x60e: {  	s0 =	stileid.u32;
	[bflag:$0x2] =	sbarrier.arrive $0xFFFF  }
0x60f: {  	p0 =	sne.s32 s0, $0x0;
	s0 =	rddreg [dreg:$0x2]  }
0x610: {  	s0 =	sadd.s32 @!p0 $0x100000, s0  }
0x611: {  	[sflag:s0] =	ssyncadd.tile.s32 @!p0 $0x1;
	_ =	shalt  }
.Lfunc_end2:
_tile_overlayer_lowered:
.L_overlay_start_2:
0x612: {  	(tag) =	ssettag $0x2  }
0x613: {  	s0 =	rddreg [dreg:$0x0];
	s2 =	stileid.u32  }
0x614: {  	s1 =	rddreg [dreg:$0x1];
	p0 =	sne.s32 s2, $0x0  }
0x615: {  	s3 =	rddreg [dreg:$0x2];
	[bflag:$0x3] =	sbarrier.arrive $0xFFFF;
	s2 =	simm.s32 @!p0 $0x1C05  }
0x616: {  	[timem:s3], [sflag:s2] =	dma.local @!p0 [hbm:s0], s1  }
0x617: {  	s0 =	simm.s32 @!p0 $0x5  }
0x618: {  	_ =	swait.ge @!p0 [sflag:s0], s1  }
0x619: {  	s1 =	ssub.s32 @!p0 $0x0, s1;
	[sflag:s0] =	ssyncset.done @!p0 $0x0  }
0x61a: {  	[sflag:s0] =	ssyncadd.s32 @!p0 s1  }
0x61b: {  	[bflag:$0x3] =	sbarrier.arrive $0xFFFF  }
0x61c: {  	_ =	shalt  }

</sc_bundles>
